<compile_context>
chip_gen: v7x
topology: tpu7x:2x2x1
jax: 0.10.2.dev20260603
libtpu: 0.0.44.dev20260713+nightly
codegen_flags: <defaults>
</compile_context>

<pallas_src>
import functools

import jax
import jax.numpy as jnp
from jax import lax
from jax.experimental import pallas as pl
from jax.experimental.pallas import tpu as pltpu
from jax.experimental.pallas import tpu_sc as plsc

C = 64
K = 16
DEPTH = 4
N_TOKENS = 4096
IN_FEATURES = 1024
OUT_FEATURES = 1024

BN = 2048
NW = 32
NPT = N_TOKENS // NW
TG = 16

_LVL = [0, 1, 1, 2, 2, 2, 2, 3, 3, 3, 3, 3, 3, 3, 3]


def _descend(b):
    d0 = b[0]
    d1 = d0 * b[2] + (1.0 - d0) * b[1]
    d2l = d1 * b[4] + (1.0 - d1) * b[3]
    d2r = d1 * b[6] + (1.0 - d1) * b[5]
    d2 = d0 * d2r + (1.0 - d0) * d2l
    d3ll = d2 * b[8] + (1.0 - d2) * b[7]
    d3lr = d2 * b[10] + (1.0 - d2) * b[9]
    d3rl = d2 * b[12] + (1.0 - d2) * b[11]
    d3rr = d2 * b[14] + (1.0 - d2) * b[13]
    d3l = d1 * d3lr + (1.0 - d1) * d3ll
    d3r = d1 * d3rr + (1.0 - d1) * d3rl
    d3 = d0 * d3r + (1.0 - d0) * d3l
    return d0 * 8.0 + d1 * 4.0 + d2 * 2.0 + d3


def _sc_encode_body(x_hbm, dims_hbm, thr_hbm, idx_hbm, dims_v, thr_v,
                    xbuf0, xbuf1, obuf, sem0, sem1):
    wid = lax.axis_index("s") * 2 + lax.axis_index("c")
    base = wid * NPT
    pltpu.sync_copy(dims_hbm, dims_v)
    pltpu.sync_copy(thr_hbm, thr_v)

    def src(g):
        return x_hbm.at[pl.ds(base + g * TG, TG), :]

    def process(buf, g):
        for q in range(4):
            cols = [dims_v[pl.ds((l * 4 + q) * 16, 16)] for l in range(4)]
            thr = [thr_v[pl.ds(j * C + q * 16, 16)] for j in range(15)]

            def token(t, carry2, _cols=cols, _thr=thr):
                rows = jnp.full((16,), t, dtype=jnp.int32)
                vals = [plsc.load_gather(buf, [rows, _cols[l]])
                        for l in range(4)]
                b = [jnp.where(vals[_LVL[j]] > _thr[j], 1.0, 0.0)
                     for j in range(15)]
                obuf[g * TG + t, pl.ds(q * 16, 16)] = _descend(b)
                return carry2

            lax.fori_loop(0, TG, token, 0, unroll=False)

    ng = NPT // TG
    pltpu.async_copy(src(0), xbuf0, sem0)

    def gpair(p, carry):
        g0 = 2 * p
        pltpu.async_copy(src(g0 + 1), xbuf1, sem1)
        pltpu.make_async_copy(src(g0), xbuf0, sem0).wait()
        process(xbuf0, g0)

        @pl.when(g0 + 2 < ng)
        def _():
            pltpu.async_copy(src(g0 + 2), xbuf0, sem0)

        pltpu.make_async_copy(src(g0 + 1), xbuf1, sem1).wait()
        process(xbuf1, g0 + 1)
        return carry

    lax.fori_loop(0, ng // 2, gpair, 0, unroll=False)
    pltpu.sync_copy(obuf, idx_hbm.at[pl.ds(base, NPT), :])


def _sc_encode(x, dims_lm, thr_jm):
    kern = functools.partial(
        pl.kernel,
        mesh=plsc.VectorSubcoreMesh(core_axis_name="c", subcore_axis_name="s"),
        out_type=jax.ShapeDtypeStruct((N_TOKENS, C), jnp.float32),
        scratch_types=[
            pltpu.VMEM((C * DEPTH,), jnp.int32),
            pltpu.VMEM((15 * C,), jnp.float32),
            pltpu.VMEM((TG, IN_FEATURES), jnp.float32),
            pltpu.VMEM((TG, IN_FEATURES), jnp.float32),
            pltpu.VMEM((NPT, C), jnp.float32),
            pltpu.SemaphoreType.DMA,
            pltpu.SemaphoreType.DMA,
        ],
        compiler_params=pltpu.CompilerParams(needs_layout_passes=False),
    )(_sc_encode_body)
    return kern(x, dims_lm, thr_jm)


def _tc_kernel(idx_ref, lut_ref, out_ref):
    idxT = idx_ref[...].T
    encT = jnp.concatenate(
        [jnp.where(idxT == float(k), 1.0, 0.0) for k in range(K)], axis=0)
    out_ref[...] = lax.dot_general(
        encT.astype(jnp.bfloat16), lut_ref[...],
        dimension_numbers=(((0,), (0,)), ((), ())),
        preferred_element_type=jnp.float32)


@jax.jit
def _run(x, dims, thresholds, lut):
    dims_lm = dims.astype(jnp.int32).reshape(C, DEPTH).T.reshape(C * DEPTH)
    thr_jm = thresholds.reshape(C, K - 1).T.reshape((K - 1) * C)
    bits = lax.bitcast_convert_type(thr_jm, jnp.int32)
    low = bits & jnp.int32(0xFFFF)
    hi = bits & jnp.int32(-65536)
    neg = bits < 0
    off_grid = low != 0
    b_lo = jnp.where(off_grid & neg, hi + 0x10000, hi)
    b_next = jnp.where(neg, jnp.where(off_grid, hi, hi - 0x10000),
                       hi + 0x10000)
    thr_m = 0.5 * (lax.bitcast_convert_type(b_lo, jnp.float32)
                   + lax.bitcast_convert_type(b_next, jnp.float32))
    lutK = jnp.transpose(lut, (2, 1, 0)).reshape(K * C, OUT_FEATURES)
    lutK = lutK.astype(jnp.bfloat16)

    idx = _sc_encode(x, dims_lm, thr_m)

    return pl.pallas_call(
        _tc_kernel,
        grid=(N_TOKENS // BN,),
        in_specs=[
            pl.BlockSpec((BN, C), lambda i: (i, 0)),
            pl.BlockSpec((K * C, OUT_FEATURES), lambda i: (0, 0)),
        ],
        out_specs=pl.BlockSpec((BN, OUT_FEATURES), lambda i: (i, 0)),
        out_shape=jax.ShapeDtypeStruct((N_TOKENS, OUT_FEATURES), jnp.float32),
    )(idx, lutK)


def kernel(x, dims, thresholds, lut, S, T):
    return _run(x, dims, thresholds, lut)

# --- scband reference (transcript-rebuilt; emitter-appended) ---
"""Pipeline reference for scband-nimbus-linear-65094524338688 (READ-ONLY COPY).

The authoritative reference and input builder live on the scoring server;
editing this copy changes nothing except your own understanding.
"""

import jax, jax.numpy as jnp
import numpy as np

C = 64
K = 16
DEPTH = 4
N_TOKENS = 4096
IN_FEATURES = 1024
OUT_FEATURES = 1024

_BASE_TREE = np.array([
    [-1, -1, 0, -1, 0, 0, 0, -1, 0, 0, 0, 0, 0, 0, 0],
    [-1, -1, 0, -1, 0, 0, 0, 1, 0, 0, 0, 0, 0, 0, 0],
    [-1, -1, 0, 1, 0, 0, 0, 0, -1, 0, 0, 0, 0, 0, 0],
    [-1, -1, 0, 1, 0, 0, 0, 0, 1, 0, 0, 0, 0, 0, 0],
    [-1, 1, 0, 0, -1, 0, 0, 0, 0, -1, 0, 0, 0, 0, 0],
    [-1, 1, 0, 0, -1, 0, 0, 0, 0, 1, 0, 0, 0, 0, 0],
    [-1, 1, 0, 0, 1, 0, 0, 0, 0, 0, -1, 0, 0, 0, 0],
    [-1, 1, 0, 0, 1, 0, 0, 0, 0, 0, 1, 0, 0, 0, 0],
    [1, 0, -1, 0, 0, -1, 0, 0, 0, 0, 0, -1, 0, 0, 0],
    [1, 0, -1, 0, 0, -1, 0, 0, 0, 0, 0, 1, 0, 0, 0],
    [1, 0, -1, 0, 0, 1, 0, 0, 0, 0, 0, 0, -1, 0, 0],
    [1, 0, -1, 0, 0, 1, 0, 0, 0, 0, 0, 0, 1, 0, 0],
    [1, 0, 1, 0, 0, 0, -1, 0, 0, 0, 0, 0, 0, -1, 0],
    [1, 0, 1, 0, 0, 0, -1, 0, 0, 0, 0, 0, 0, 1, 0],
    [1, 0, 1, 0, 0, 0, 1, 0, 0, 0, 0, 0, 0, 0, -1],
    [1, 0, 1, 0, 0, 0, 1, 0, 0, 0, 0, 0, 0, 0, 1]], dtype=np.float32)


def _tree_des_matrix(c):
    # torch version fills off-block entries with ones (faithful reproduction)
    m = np.ones((c * K, c * (K - 1)), dtype=np.float32)
    for i in range(c):
        m[i * K:(i + 1) * K, i * (K - 1):(i + 1) * (K - 1)] = _BASE_TREE
    return jnp.asarray(m)


def _selection_matrix(c):
    base = np.zeros((K - 1, DEPTH), dtype=np.float32)
    base[0, 0] = 1.0
    for i in range(1, K - 1):
        base[i, int(np.log2(i + 1))] = 1.0
    s = np.zeros((c * (K - 1), c * DEPTH), dtype=np.float32)
    for i in range(c):
        s[i * (K - 1):(i + 1) * (K - 1), i * DEPTH:(i + 1) * DEPTH] = base
    return jnp.asarray(s)


def setup_inputs(seed: int = 0) -> dict:
    key = jax.random.key(seed)
    k1, k2, k3, k4 = jax.random.split(key, 4)
    x = jax.random.normal(k1, (N_TOKENS, IN_FEATURES), dtype=jnp.float32)
    dims = jax.random.randint(k2, (C * DEPTH,), 0, IN_FEATURES)  # learned split dims
    thresholds = jax.random.normal(k3, (C * (K - 1), 1), dtype=jnp.float32) * 0.1
    lut = jax.random.normal(k4, (OUT_FEATURES, C, K), dtype=jnp.float32) * 0.02
    S = _selection_matrix(C)
    T = _tree_des_matrix(C)
    return {"x": x, "dims": dims, "thresholds": thresholds, "lut": lut, "S": S, "T": T}


def reference(x, dims, thresholds, lut, S, T):
    # NIMBUS_STATE_MADDNESS_BACKPROP path (differentiable VQ / MADDNESS encoding)
    chosen = x[:, dims]                      # [N, C*DEPTH] gather
    subtracted = S @ chosen.T - thresholds   # [C*15, N]
    tanh_h = jnp.tanh(subtracted)
    sign_ste = jnp.sign(subtracted) - jax.lax.stop_gradient(tanh_h) + tanh_h
    tree_result = T @ sign_ste               # [C*16, N]
    tree_result = tree_result.T.reshape(-1, C, K)  # [N, C, K]
    encoding_soft = jax.nn.softmax(tree_result, axis=2)
    index = jnp.argmax(encoding_soft, axis=2)
    encoding_hard = jax.nn.one_hot(index, K, dtype=encoding_soft.dtype)
    encoded = encoding_hard - jax.lax.stop_gradient(encoding_soft) + encoding_soft
    # torch: einsum('nij,kij->nki', Encoded, lut).sum(dim=2); contracted directly (same math)
    out = jnp.einsum('nij,kij->nk', encoded, lut)
    return out

if __name__ == "__main__":
    import jax
    _d = setup_inputs()
    print(jax.jit(kernel)(*tuple(_d.values())))

</pallas_src>

<mosaic_0001>
#map = affine_map<(d0, d1) -> (0, 0)>
#map1 = affine_map<(d0, d1) -> (0)>
module attributes {stable_mosaic.version = 14 : i64} {
  func.func @_sc_encode_body(%arg0: i32, %arg1: i32, %arg2: memref<4096x1024xf32, #tpu.memory_space<hbm>>, %arg3: memref<256xi32, #tpu.memory_space<hbm>>, %arg4: memref<960xf32, #tpu.memory_space<hbm>>, %arg5: memref<4096x64xf32, #tpu.memory_space<hbm>>, %arg6: memref<256xi32, #tpu.memory_space<vmem>>, %arg7: memref<960xf32, #tpu.memory_space<vmem>>, %arg8: memref<16x1024xf32, #tpu.memory_space<vmem>>, %arg9: memref<16x1024xf32, #tpu.memory_space<vmem>>, %arg10: memref<128x64xf32, #tpu.memory_space<vmem>>, %arg11: memref<!tpu.dma_semaphore, #tpu.memory_space<semaphore_mem>>, %arg12: memref<!tpu.dma_semaphore, #tpu.memory_space<semaphore_mem>>) attributes {dimension_semantics = [#tpu.dimension_semantics<core_parallel>, #tpu.dimension_semantics<subcore_parallel>], iteration_bounds = array<i64: 2, 16>, scalar_prefetch = 0 : i64, scratch_operands = 7 : i64, tpu.core_type = #tpu.core_type<sc_vector_subcore>, window_params = [{transform_indices = #map}, {transform_indices = #map1}, {transform_indices = #map1}, {transform_indices = #map}]} {
    %mul3A = arith.constant 2 : i32
    %mul3A_0 = arith.muli %arg1, %mul3A : i32
    %add3A = arith.addi %mul3A_0, %arg0 : i32
    %mul3A_1 = arith.constant 128 : i32
    %mul3A_2 = arith.muli %add3A, %mul3A_1 : i32
    "tpu.region"() ({
      %run_scoped3A = tpu.sem_alloc : memref<!tpu.dma_semaphore, #tpu.memory_space<semaphore_mem>>
      tpu.enqueue_dma source(%arg3 : memref<256xi32, #tpu.memory_space<hbm>>) target(%arg6 : memref<256xi32, #tpu.memory_space<vmem>>) target_semaphore(%run_scoped3A : memref<!tpu.dma_semaphore, #tpu.memory_space<semaphore_mem>>)
      tpu.wait_dma2 semaphore(%run_scoped3A : memref<!tpu.dma_semaphore, #tpu.memory_space<semaphore_mem>>) src(%arg3 : memref<256xi32, #tpu.memory_space<hbm>>) dst(%arg6 : memref<256xi32, #tpu.memory_space<vmem>>)
      tpu.yield
    }) : () -> ()
    "tpu.region"() ({
      %run_scoped3A = tpu.sem_alloc : memref<!tpu.dma_semaphore, #tpu.memory_space<semaphore_mem>>
      tpu.enqueue_dma source(%arg4 : memref<960xf32, #tpu.memory_space<hbm>>) target(%arg7 : memref<960xf32, #tpu.memory_space<vmem>>) target_semaphore(%run_scoped3A : memref<!tpu.dma_semaphore, #tpu.memory_space<semaphore_mem>>)
      tpu.wait_dma2 semaphore(%run_scoped3A : memref<!tpu.dma_semaphore, #tpu.memory_space<semaphore_mem>>) src(%arg4 : memref<960xf32, #tpu.memory_space<hbm>>) dst(%arg7 : memref<960xf32, #tpu.memory_space<vmem>>)
      tpu.yield
    }) : () -> ()
    %add3A_3 = arith.constant 0 : i32
    %add3A_4 = arith.addi %mul3A_2, %add3A_3 : i32
    %dma_start3A = arith.constant 0 : i32
    %dma_start3A_5 = tpu.memref_slice %arg2[%add3A_4, %dma_start3A] : memref<4096x1024xf32, #tpu.memory_space<hbm>> -> memref<16x1024xf32, #tpu.memory_space<hbm>>
    %dma_start3A_6 = arith.constant 0 : i32
    %dma_start3A_7 = tpu.memref_slice %arg2[%add3A_4, %dma_start3A_6] : memref<4096x1024xf32, #tpu.memory_space<hbm>> -> memref<16x1024xf32, #tpu.memory_space<hbm>>
    tpu.enqueue_dma source(%dma_start3A_7 : memref<16x1024xf32, #tpu.memory_space<hbm>>) target(%arg8 : memref<16x1024xf32, #tpu.memory_space<vmem>>) target_semaphore(%arg11 : memref<!tpu.dma_semaphore, #tpu.memory_space<semaphore_mem>>)
    %scan3A = arith.constant 0 : i32
    %scan3A_8 = arith.constant 0 : i32
    %scan3A_9 = arith.constant 4 : i32
    %scan3A_10 = arith.addi %scan3A_8, %scan3A_9 : i32
    %scan3A_11 = arith.constant 1 : i32
    scf.for %scan3A_13 = %scan3A_8 to %scan3A_10 step %scan3A_11  : i32 {
      %mul3A_14 = arith.constant 2 : i32
      %mul3A_15 = arith.muli %mul3A_14, %scan3A_13 : i32
      %add3A_16 = arith.constant 1 : i32
      %add3A_17 = arith.addi %mul3A_15, %add3A_16 : i32
      %mul3A_18 = arith.constant 16 : i32
      %mul3A_19 = arith.muli %add3A_17, %mul3A_18 : i32
      %add3A_20 = arith.addi %mul3A_2, %mul3A_19 : i32
      %dma_start3A_21 = arith.constant 0 : i32
      %dma_start3A_22 = tpu.memref_slice %arg2[%add3A_20, %dma_start3A_21] : memref<4096x1024xf32, #tpu.memory_space<hbm>> -> memref<16x1024xf32, #tpu.memory_space<hbm>>
      %dma_start3A_23 = arith.constant 0 : i32
      %dma_start3A_24 = tpu.memref_slice %arg2[%add3A_20, %dma_start3A_23] : memref<4096x1024xf32, #tpu.memory_space<hbm>> -> memref<16x1024xf32, #tpu.memory_space<hbm>>
      tpu.enqueue_dma source(%dma_start3A_24 : memref<16x1024xf32, #tpu.memory_space<hbm>>) target(%arg9 : memref<16x1024xf32, #tpu.memory_space<vmem>>) target_semaphore(%arg12 : memref<!tpu.dma_semaphore, #tpu.memory_space<semaphore_mem>>)
      %mul3A_25 = arith.constant 16 : i32
      %mul3A_26 = arith.muli %mul3A_15, %mul3A_25 : i32
      %add3A_27 = arith.addi %mul3A_2, %mul3A_26 : i32
      %dma_wait3A = arith.constant 0 : i32
      %dma_wait3A_28 = tpu.memref_slice %arg2[%add3A_27, %dma_wait3A] : memref<4096x1024xf32, #tpu.memory_space<hbm>> -> memref<16x1024xf32, #tpu.memory_space<hbm>>
      %dma_wait3A_29 = arith.constant 0 : i32
      %dma_wait3A_30 = tpu.memref_slice %arg2[%add3A_27, %dma_wait3A_29] : memref<4096x1024xf32, #tpu.memory_space<hbm>> -> memref<16x1024xf32, #tpu.memory_space<hbm>>
      tpu.wait_dma2 semaphore(%arg11 : memref<!tpu.dma_semaphore, #tpu.memory_space<semaphore_mem>>) src(%dma_wait3A_30 : memref<16x1024xf32, #tpu.memory_space<hbm>>) dst(%arg8 : memref<16x1024xf32, #tpu.memory_space<vmem>>)
      %get3A = arith.constant 0 : index
      %get3A_31 = tpu.vector_load %arg6[%get3A] {strides = array<i32>} : memref<256xi32, #tpu.memory_space<vmem>>, vector<16xi32>,
      %get3A_32 = arith.constant 64 : index
      %get3A_33 = tpu.vector_load %arg6[%get3A_32] {strides = array<i32>} : memref<256xi32, #tpu.memory_space<vmem>>, vector<16xi32>,
      %get3A_34 = arith.constant 128 : index
      %get3A_35 = tpu.vector_load %arg6[%get3A_34] {strides = array<i32>} : memref<256xi32, #tpu.memory_space<vmem>>, vector<16xi32>,
      %get3A_36 = arith.constant 192 : index
      %get3A_37 = tpu.vector_load %arg6[%get3A_36] {strides = array<i32>} : memref<256xi32, #tpu.memory_space<vmem>>, vector<16xi32>,
      %get3A_38 = arith.constant 0 : index
      %get3A_39 = tpu.vector_load %arg7[%get3A_38] {strides = array<i32>} : memref<960xf32, #tpu.memory_space<vmem>>, vector<16xf32>,
      %get3A_40 = arith.constant 64 : index
      %get3A_41 = tpu.vector_load %arg7[%get3A_40] {strides = array<i32>} : memref<960xf32, #tpu.memory_space<vmem>>, vector<16xf32>,
      %get3A_42 = arith.constant 128 : index
      %get3A_43 = tpu.vector_load %arg7[%get3A_42] {strides = array<i32>} : memref<960xf32, #tpu.memory_space<vmem>>, vector<16xf32>,
      %get3A_44 = arith.constant 192 : index
      %get3A_45 = tpu.vector_load %arg7[%get3A_44] {strides = array<i32>} : memref<960xf32, #tpu.memory_space<vmem>>, vector<16xf32>,
      %get3A_46 = arith.constant 256 : index
      %get3A_47 = tpu.vector_load %arg7[%get3A_46] {strides = array<i32>} : memref<960xf32, #tpu.memory_space<vmem>>, vector<16xf32>,
      %get3A_48 = arith.constant 320 : index
      %get3A_49 = tpu.vector_load %arg7[%get3A_48] {strides = array<i32>} : memref<960xf32, #tpu.memory_space<vmem>>, vector<16xf32>,
      %get3A_50 = arith.constant 384 : index
      %get3A_51 = tpu.vector_load %arg7[%get3A_50] {strides = array<i32>} : memref<960xf32, #tpu.memory_space<vmem>>, vector<16xf32>,
      %get3A_52 = arith.constant 448 : index
      %get3A_53 = tpu.vector_load %arg7[%get3A_52] {strides = array<i32>} : memref<960xf32, #tpu.memory_space<vmem>>, vector<16xf32>,
      %get3A_54 = arith.constant 512 : index
      %get3A_55 = tpu.vector_load %arg7[%get3A_54] {strides = array<i32>} : memref<960xf32, #tpu.memory_space<vmem>>, vector<16xf32>,
      %get3A_56 = arith.constant 576 : index
      %get3A_57 = tpu.vector_load %arg7[%get3A_56] {strides = array<i32>} : memref<960xf32, #tpu.memory_space<vmem>>, vector<16xf32>,
      %get3A_58 = arith.constant 640 : index
      %get3A_59 = tpu.vector_load %arg7[%get3A_58] {strides = array<i32>} : memref<960xf32, #tpu.memory_space<vmem>>, vector<16xf32>,
      %get3A_60 = arith.constant 704 : index
      %get3A_61 = tpu.vector_load %arg7[%get3A_60] {strides = array<i32>} : memref<960xf32, #tpu.memory_space<vmem>>, vector<16xf32>,
      %get3A_62 = arith.constant 768 : index
      %get3A_63 = tpu.vector_load %arg7[%get3A_62] {strides = array<i32>} : memref<960xf32, #tpu.memory_space<vmem>>, vector<16xf32>,
      %get3A_64 = arith.constant 832 : index
      %get3A_65 = tpu.vector_load %arg7[%get3A_64] {strides = array<i32>} : memref<960xf32, #tpu.memory_space<vmem>>, vector<16xf32>,
      %get3A_66 = arith.constant 896 : index
      %get3A_67 = tpu.vector_load %arg7[%get3A_66] {strides = array<i32>} : memref<960xf32, #tpu.memory_space<vmem>>, vector<16xf32>,
      %scan3A_68 = arith.constant 0 : i32
      %scan3A_69 = arith.constant 0 : i32
      %scan3A_70 = arith.constant 16 : i32
      %scan3A_71 = arith.addi %scan3A_69, %scan3A_70 : i32
      %scan3A_72 = arith.constant 1 : i32
      scf.for %scan3A_397 = %scan3A_69 to %scan3A_71 step %scan3A_72  : i32 {
        %broadcast_in_dim3A = vector.broadcast %scan3A_397 : i32 to vector<16xi32>
        %gather3A = tpu.vector_load_idx %arg8[%broadcast_in_dim3A, %get3A_31] : memref<16x1024xf32, #tpu.memory_space<vmem>>[vector<16xi32>, vector<16xi32>], vector<16xf32>,
        %gather3A_398 = tpu.vector_load_idx %arg8[%broadcast_in_dim3A, %get3A_33] : memref<16x1024xf32, #tpu.memory_space<vmem>>[vector<16xi32>, vector<16xi32>], vector<16xf32>,
        %gather3A_399 = tpu.vector_load_idx %arg8[%broadcast_in_dim3A, %get3A_35] : memref<16x1024xf32, #tpu.memory_space<vmem>>[vector<16xi32>, vector<16xi32>], vector<16xf32>,
        %gather3A_400 = tpu.vector_load_idx %arg8[%broadcast_in_dim3A, %get3A_37] : memref<16x1024xf32, #tpu.memory_space<vmem>>[vector<16xi32>, vector<16xi32>], vector<16xf32>,
        %gt3A = arith.cmpf ogt, %gather3A, %get3A_39 : vector<16xf32>
        %jit3A = arith.constant 1.000000e+00 : f32
        %jit3A_401 = arith.constant 0.000000e+00 : f32
        %broadcast_in_dim3A_402 = vector.broadcast %jit3A : f32 to vector<16xf32>
        %broadcast_in_dim3A_403 = vector.broadcast %jit3A_401 : f32 to vector<16xf32>
        %select_n3A = arith.select %gt3A, %broadcast_in_dim3A_402, %broadcast_in_dim3A_403 : vector<16xi1>, vector<16xf32>
        %gt3A_404 = arith.cmpf ogt, %gather3A_398, %get3A_41 : vector<16xf32>
        %jit3A_405 = arith.constant 1.000000e+00 : f32
        %jit3A_406 = arith.constant 0.000000e+00 : f32
        %broadcast_in_dim3A_407 = vector.broadcast %jit3A_405 : f32 to vector<16xf32>
        %broadcast_in_dim3A_408 = vector.broadcast %jit3A_406 : f32 to vector<16xf32>
        %select_n3A_409 = arith.select %gt3A_404, %broadcast_in_dim3A_407, %broadcast_in_dim3A_408 : vector<16xi1>, vector<16xf32>
        %gt3A_410 = arith.cmpf ogt, %gather3A_398, %get3A_43 : vector<16xf32>
        %jit3A_411 = arith.constant 1.000000e+00 : f32
        %jit3A_412 = arith.constant 0.000000e+00 : f32
        %broadcast_in_dim3A_413 = vector.broadcast %jit3A_411 : f32 to vector<16xf32>
        %broadcast_in_dim3A_414 = vector.broadcast %jit3A_412 : f32 to vector<16xf32>
        %select_n3A_415 = arith.select %gt3A_410, %broadcast_in_dim3A_413, %broadcast_in_dim3A_414 : vector<16xi1>, vector<16xf32>
        %gt3A_416 = arith.cmpf ogt, %gather3A_399, %get3A_45 : vector<16xf32>
        %jit3A_417 = arith.constant 1.000000e+00 : f32
        %jit3A_418 = arith.constant 0.000000e+00 : f32
        %broadcast_in_dim3A_419 = vector.broadcast %jit3A_417 : f32 to vector<16xf32>
        %broadcast_in_dim3A_420 = vector.broadcast %jit3A_418 : f32 to vector<16xf32>
        %select_n3A_421 = arith.select %gt3A_416, %broadcast_in_dim3A_419, %broadcast_in_dim3A_420 : vector<16xi1>, vector<16xf32>
        %gt3A_422 = arith.cmpf ogt, %gather3A_399, %get3A_47 : vector<16xf32>
        %jit3A_423 = arith.constant 1.000000e+00 : f32
        %jit3A_424 = arith.constant 0.000000e+00 : f32
        %broadcast_in_dim3A_425 = vector.broadcast %jit3A_423 : f32 to vector<16xf32>
        %broadcast_in_dim3A_426 = vector.broadcast %jit3A_424 : f32 to vector<16xf32>
        %select_n3A_427 = arith.select %gt3A_422, %broadcast_in_dim3A_425, %broadcast_in_dim3A_426 : vector<16xi1>, vector<16xf32>
        %gt3A_428 = arith.cmpf ogt, %gather3A_399, %get3A_49 : vector<16xf32>
        %jit3A_429 = arith.constant 1.000000e+00 : f32
        %jit3A_430 = arith.constant 0.000000e+00 : f32
        %broadcast_in_dim3A_431 = vector.broadcast %jit3A_429 : f32 to vector<16xf32>
        %broadcast_in_dim3A_432 = vector.broadcast %jit3A_430 : f32 to vector<16xf32>
        %select_n3A_433 = arith.select %gt3A_428, %broadcast_in_dim3A_431, %broadcast_in_dim3A_432 : vector<16xi1>, vector<16xf32>
        %gt3A_434 = arith.cmpf ogt, %gather3A_399, %get3A_51 : vector<16xf32>
        %jit3A_435 = arith.constant 1.000000e+00 : f32
        %jit3A_436 = arith.constant 0.000000e+00 : f32
        %broadcast_in_dim3A_437 = vector.broadcast %jit3A_435 : f32 to vector<16xf32>
        %broadcast_in_dim3A_438 = vector.broadcast %jit3A_436 : f32 to vector<16xf32>
        %select_n3A_439 = arith.select %gt3A_434, %broadcast_in_dim3A_437, %broadcast_in_dim3A_438 : vector<16xi1>, vector<16xf32>
        %gt3A_440 = arith.cmpf ogt, %gather3A_400, %get3A_53 : vector<16xf32>
        %jit3A_441 = arith.constant 1.000000e+00 : f32
        %jit3A_442 = arith.constant 0.000000e+00 : f32
        %broadcast_in_dim3A_443 = vector.broadcast %jit3A_441 : f32 to vector<16xf32>
        %broadcast_in_dim3A_444 = vector.broadcast %jit3A_442 : f32 to vector<16xf32>
        %select_n3A_445 = arith.select %gt3A_440, %broadcast_in_dim3A_443, %broadcast_in_dim3A_444 : vector<16xi1>, vector<16xf32>
        %gt3A_446 = arith.cmpf ogt, %gather3A_400, %get3A_55 : vector<16xf32>
        %jit3A_447 = arith.constant 1.000000e+00 : f32
        %jit3A_448 = arith.constant 0.000000e+00 : f32
        %broadcast_in_dim3A_449 = vector.broadcast %jit3A_447 : f32 to vector<16xf32>
        %broadcast_in_dim3A_450 = vector.broadcast %jit3A_448 : f32 to vector<16xf32>
        %select_n3A_451 = arith.select %gt3A_446, %broadcast_in_dim3A_449, %broadcast_in_dim3A_450 : vector<16xi1>, vector<16xf32>
        %gt3A_452 = arith.cmpf ogt, %gather3A_400, %get3A_57 : vector<16xf32>
        %jit3A_453 = arith.constant 1.000000e+00 : f32
        %jit3A_454 = arith.constant 0.000000e+00 : f32
        %broadcast_in_dim3A_455 = vector.broadcast %jit3A_453 : f32 to vector<16xf32>
        %broadcast_in_dim3A_456 = vector.broadcast %jit3A_454 : f32 to vector<16xf32>
        %select_n3A_457 = arith.select %gt3A_452, %broadcast_in_dim3A_455, %broadcast_in_dim3A_456 : vector<16xi1>, vector<16xf32>
        %gt3A_458 = arith.cmpf ogt, %gather3A_400, %get3A_59 : vector<16xf32>
        %jit3A_459 = arith.constant 1.000000e+00 : f32
        %jit3A_460 = arith.constant 0.000000e+00 : f32
        %broadcast_in_dim3A_461 = vector.broadcast %jit3A_459 : f32 to vector<16xf32>
        %broadcast_in_dim3A_462 = vector.broadcast %jit3A_460 : f32 to vector<16xf32>
        %select_n3A_463 = arith.select %gt3A_458, %broadcast_in_dim3A_461, %broadcast_in_dim3A_462 : vector<16xi1>, vector<16xf32>
        %gt3A_464 = arith.cmpf ogt, %gather3A_400, %get3A_61 : vector<16xf32>
        %jit3A_465 = arith.constant 1.000000e+00 : f32
        %jit3A_466 = arith.constant 0.000000e+00 : f32
        %broadcast_in_dim3A_467 = vector.broadcast %jit3A_465 : f32 to vector<16xf32>
        %broadcast_in_dim3A_468 = vector.broadcast %jit3A_466 : f32 to vector<16xf32>
        %select_n3A_469 = arith.select %gt3A_464, %broadcast_in_dim3A_467, %broadcast_in_dim3A_468 : vector<16xi1>, vector<16xf32>
        %gt3A_470 = arith.cmpf ogt, %gather3A_400, %get3A_63 : vector<16xf32>
        %jit3A_471 = arith.constant 1.000000e+00 : f32
        %jit3A_472 = arith.constant 0.000000e+00 : f32
        %broadcast_in_dim3A_473 = vector.broadcast %jit3A_471 : f32 to vector<16xf32>
        %broadcast_in_dim3A_474 = vector.broadcast %jit3A_472 : f32 to vector<16xf32>
        %select_n3A_475 = arith.select %gt3A_470, %broadcast_in_dim3A_473, %broadcast_in_dim3A_474 : vector<16xi1>, vector<16xf32>
        %gt3A_476 = arith.cmpf ogt, %gather3A_400, %get3A_65 : vector<16xf32>
        %jit3A_477 = arith.constant 1.000000e+00 : f32
        %jit3A_478 = arith.constant 0.000000e+00 : f32
        %broadcast_in_dim3A_479 = vector.broadcast %jit3A_477 : f32 to vector<16xf32>
        %broadcast_in_dim3A_480 = vector.broadcast %jit3A_478 : f32 to vector<16xf32>
        %select_n3A_481 = arith.select %gt3A_476, %broadcast_in_dim3A_479, %broadcast_in_dim3A_480 : vector<16xi1>, vector<16xf32>
        %gt3A_482 = arith.cmpf ogt, %gather3A_400, %get3A_67 : vector<16xf32>
        %jit3A_483 = arith.constant 1.000000e+00 : f32
        %jit3A_484 = arith.constant 0.000000e+00 : f32
        %broadcast_in_dim3A_485 = vector.broadcast %jit3A_483 : f32 to vector<16xf32>
        %broadcast_in_dim3A_486 = vector.broadcast %jit3A_484 : f32 to vector<16xf32>
        %select_n3A_487 = arith.select %gt3A_482, %broadcast_in_dim3A_485, %broadcast_in_dim3A_486 : vector<16xi1>, vector<16xf32>
        %mul3A_488 = arith.mulf %select_n3A, %select_n3A_415 : vector<16xf32>
        %sub3A = arith.constant 1.000000e+00 : f32
        %sub3A_489 = vector.broadcast %sub3A : f32 to vector<16xf32>
        %sub3A_490 = arith.subf %sub3A_489, %select_n3A : vector<16xf32>
        %mul3A_491 = arith.mulf %sub3A_490, %select_n3A_409 : vector<16xf32>
        %add3A_492 = arith.addf %mul3A_488, %mul3A_491 : vector<16xf32>
        %mul3A_493 = arith.mulf %add3A_492, %select_n3A_427 : vector<16xf32>
        %sub3A_494 = arith.constant 1.000000e+00 : f32
        %sub3A_495 = vector.broadcast %sub3A_494 : f32 to vector<16xf32>
        %sub3A_496 = arith.subf %sub3A_495, %add3A_492 : vector<16xf32>
        %mul3A_497 = arith.mulf %sub3A_496, %select_n3A_421 : vector<16xf32>
        %add3A_498 = arith.addf %mul3A_493, %mul3A_497 : vector<16xf32>
        %mul3A_499 = arith.mulf %add3A_492, %select_n3A_439 : vector<16xf32>
        %sub3A_500 = arith.constant 1.000000e+00 : f32
        %sub3A_501 = vector.broadcast %sub3A_500 : f32 to vector<16xf32>
        %sub3A_502 = arith.subf %sub3A_501, %add3A_492 : vector<16xf32>
        %mul3A_503 = arith.mulf %sub3A_502, %select_n3A_433 : vector<16xf32>
        %add3A_504 = arith.addf %mul3A_499, %mul3A_503 : vector<16xf32>
        %mul3A_505 = arith.mulf %select_n3A, %add3A_504 : vector<16xf32>
        %sub3A_506 = arith.constant 1.000000e+00 : f32
        %sub3A_507 = vector.broadcast %sub3A_506 : f32 to vector<16xf32>
        %sub3A_508 = arith.subf %sub3A_507, %select_n3A : vector<16xf32>
        %mul3A_509 = arith.mulf %sub3A_508, %add3A_498 : vector<16xf32>
        %add3A_510 = arith.addf %mul3A_505, %mul3A_509 : vector<16xf32>
        %mul3A_511 = arith.mulf %add3A_510, %select_n3A_451 : vector<16xf32>
        %sub3A_512 = arith.constant 1.000000e+00 : f32
        %sub3A_513 = vector.broadcast %sub3A_512 : f32 to vector<16xf32>
        %sub3A_514 = arith.subf %sub3A_513, %add3A_510 : vector<16xf32>
        %mul3A_515 = arith.mulf %sub3A_514, %select_n3A_445 : vector<16xf32>
        %add3A_516 = arith.addf %mul3A_511, %mul3A_515 : vector<16xf32>
        %mul3A_517 = arith.mulf %add3A_510, %select_n3A_463 : vector<16xf32>
        %sub3A_518 = arith.constant 1.000000e+00 : f32
        %sub3A_519 = vector.broadcast %sub3A_518 : f32 to vector<16xf32>
        %sub3A_520 = arith.subf %sub3A_519, %add3A_510 : vector<16xf32>
        %mul3A_521 = arith.mulf %sub3A_520, %select_n3A_457 : vector<16xf32>
        %add3A_522 = arith.addf %mul3A_517, %mul3A_521 : vector<16xf32>
        %mul3A_523 = arith.mulf %add3A_510, %select_n3A_475 : vector<16xf32>
        %sub3A_524 = arith.constant 1.000000e+00 : f32
        %sub3A_525 = vector.broadcast %sub3A_524 : f32 to vector<16xf32>
        %sub3A_526 = arith.subf %sub3A_525, %add3A_510 : vector<16xf32>
        %mul3A_527 = arith.mulf %sub3A_526, %select_n3A_469 : vector<16xf32>
        %add3A_528 = arith.addf %mul3A_523, %mul3A_527 : vector<16xf32>
        %mul3A_529 = arith.mulf %add3A_510, %select_n3A_487 : vector<16xf32>
        %sub3A_530 = arith.constant 1.000000e+00 : f32
        %sub3A_531 = vector.broadcast %sub3A_530 : f32 to vector<16xf32>
        %sub3A_532 = arith.subf %sub3A_531, %add3A_510 : vector<16xf32>
        %mul3A_533 = arith.mulf %sub3A_532, %select_n3A_481 : vector<16xf32>
        %add3A_534 = arith.addf %mul3A_529, %mul3A_533 : vector<16xf32>
        %mul3A_535 = arith.mulf %add3A_492, %add3A_522 : vector<16xf32>
        %sub3A_536 = arith.constant 1.000000e+00 : f32
        %sub3A_537 = vector.broadcast %sub3A_536 : f32 to vector<16xf32>
        %sub3A_538 = arith.subf %sub3A_537, %add3A_492 : vector<16xf32>
        %mul3A_539 = arith.mulf %sub3A_538, %add3A_516 : vector<16xf32>
        %add3A_540 = arith.addf %mul3A_535, %mul3A_539 : vector<16xf32>
        %mul3A_541 = arith.mulf %add3A_492, %add3A_534 : vector<16xf32>
        %sub3A_542 = arith.constant 1.000000e+00 : f32
        %sub3A_543 = vector.broadcast %sub3A_542 : f32 to vector<16xf32>
        %sub3A_544 = arith.subf %sub3A_543, %add3A_492 : vector<16xf32>
        %mul3A_545 = arith.mulf %sub3A_544, %add3A_528 : vector<16xf32>
        %add3A_546 = arith.addf %mul3A_541, %mul3A_545 : vector<16xf32>
        %mul3A_547 = arith.mulf %select_n3A, %add3A_546 : vector<16xf32>
        %sub3A_548 = arith.constant 1.000000e+00 : f32
        %sub3A_549 = vector.broadcast %sub3A_548 : f32 to vector<16xf32>
        %sub3A_550 = arith.subf %sub3A_549, %select_n3A : vector<16xf32>
        %mul3A_551 = arith.mulf %sub3A_550, %add3A_540 : vector<16xf32>
        %add3A_552 = arith.addf %mul3A_547, %mul3A_551 : vector<16xf32>
        %mul3A_553 = arith.constant 8.000000e+00 : f32
        %mul3A_554 = vector.broadcast %mul3A_553 : f32 to vector<16xf32>
        %mul3A_555 = arith.mulf %select_n3A, %mul3A_554 : vector<16xf32>
        %mul3A_556 = arith.constant 4.000000e+00 : f32
        %mul3A_557 = vector.broadcast %mul3A_556 : f32 to vector<16xf32>
        %mul3A_558 = arith.mulf %add3A_492, %mul3A_557 : vector<16xf32>
        %add3A_559 = arith.addf %mul3A_555, %mul3A_558 : vector<16xf32>
        %mul3A_560 = arith.constant 2.000000e+00 : f32
        %mul3A_561 = vector.broadcast %mul3A_560 : f32 to vector<16xf32>
        %mul3A_562 = arith.mulf %add3A_510, %mul3A_561 : vector<16xf32>
        %add3A_563 = arith.addf %add3A_559, %mul3A_562 : vector<16xf32>
        %add3A_564 = arith.addf %add3A_563, %add3A_552 : vector<16xf32>
        %mul3A_565 = arith.constant 16 : i32
        %mul3A_566 = arith.muli %mul3A_15, %mul3A_565 : i32
        %add3A_567 = arith.addi %mul3A_566, %scan3A_397 : i32
        %swap3A = arith.index_cast %add3A_567 : i32 to index
        %swap3A_568 = arith.constant 0 : index
        %swap3A_569 = tpu.vector_load %arg10[%swap3A, %swap3A_568] {strides = array<i32>} : memref<128x64xf32, #tpu.memory_space<vmem>>, vector<16xf32>,
        tpu.vector_store %arg10[%swap3A, %swap3A_568], %add3A_564 {strides = array<i32>} : memref<128x64xf32, #tpu.memory_space<vmem>>, vector<16xf32>,
      }
      %scan3A_73 = arith.constant 16 : i32
      %get3A_74 = arith.constant 16 : index
      %get3A_75 = tpu.vector_load %arg6[%get3A_74] {strides = array<i32>} : memref<256xi32, #tpu.memory_space<vmem>>, vector<16xi32>,
      %get3A_76 = arith.constant 80 : index
      %get3A_77 = tpu.vector_load %arg6[%get3A_76] {strides = array<i32>} : memref<256xi32, #tpu.memory_space<vmem>>, vector<16xi32>,
      %get3A_78 = arith.constant 144 : index
      %get3A_79 = tpu.vector_load %arg6[%get3A_78] {strides = array<i32>} : memref<256xi32, #tpu.memory_space<vmem>>, vector<16xi32>,
      %get3A_80 = arith.constant 208 : index
      %get3A_81 = tpu.vector_load %arg6[%get3A_80] {strides = array<i32>} : memref<256xi32, #tpu.memory_space<vmem>>, vector<16xi32>,
      %get3A_82 = arith.constant 16 : index
      %get3A_83 = tpu.vector_load %arg7[%get3A_82] {strides = array<i32>} : memref<960xf32, #tpu.memory_space<vmem>>, vector<16xf32>,
      %get3A_84 = arith.constant 80 : index
      %get3A_85 = tpu.vector_load %arg7[%get3A_84] {strides = array<i32>} : memref<960xf32, #tpu.memory_space<vmem>>, vector<16xf32>,
      %get3A_86 = arith.constant 144 : index
      %get3A_87 = tpu.vector_load %arg7[%get3A_86] {strides = array<i32>} : memref<960xf32, #tpu.memory_space<vmem>>, vector<16xf32>,
      %get3A_88 = arith.constant 208 : index
      %get3A_89 = tpu.vector_load %arg7[%get3A_88] {strides = array<i32>} : memref<960xf32, #tpu.memory_space<vmem>>, vector<16xf32>,
      %get3A_90 = arith.constant 272 : index
      %get3A_91 = tpu.vector_load %arg7[%get3A_90] {strides = array<i32>} : memref<960xf32, #tpu.memory_space<vmem>>, vector<16xf32>,
      %get3A_92 = arith.constant 336 : index
      %get3A_93 = tpu.vector_load %arg7[%get3A_92] {strides = array<i32>} : memref<960xf32, #tpu.memory_space<vmem>>, vector<16xf32>,
      %get3A_94 = arith.constant 400 : index
      %get3A_95 = tpu.vector_load %arg7[%get3A_94] {strides = array<i32>} : memref<960xf32, #tpu.memory_space<vmem>>, vector<16xf32>,
      %get3A_96 = arith.constant 464 : index
      %get3A_97 = tpu.vector_load %arg7[%get3A_96] {strides = array<i32>} : memref<960xf32, #tpu.memory_space<vmem>>, vector<16xf32>,
      %get3A_98 = arith.constant 528 : index
      %get3A_99 = tpu.vector_load %arg7[%get3A_98] {strides = array<i32>} : memref<960xf32, #tpu.memory_space<vmem>>, vector<16xf32>,
      %get3A_100 = arith.constant 592 : index
      %get3A_101 = tpu.vector_load %arg7[%get3A_100] {strides = array<i32>} : memref<960xf32, #tpu.memory_space<vmem>>, vector<16xf32>,
      %get3A_102 = arith.constant 656 : index
      %get3A_103 = tpu.vector_load %arg7[%get3A_102] {strides = array<i32>} : memref<960xf32, #tpu.memory_space<vmem>>, vector<16xf32>,
      %get3A_104 = arith.constant 720 : index
      %get3A_105 = tpu.vector_load %arg7[%get3A_104] {strides = array<i32>} : memref<960xf32, #tpu.memory_space<vmem>>, vector<16xf32>,
      %get3A_106 = arith.constant 784 : index
      %get3A_107 = tpu.vector_load %arg7[%get3A_106] {strides = array<i32>} : memref<960xf32, #tpu.memory_space<vmem>>, vector<16xf32>,
      %get3A_108 = arith.constant 848 : index
      %get3A_109 = tpu.vector_load %arg7[%get3A_108] {strides = array<i32>} : memref<960xf32, #tpu.memory_space<vmem>>, vector<16xf32>,
      %get3A_110 = arith.constant 912 : index
      %get3A_111 = tpu.vector_load %arg7[%get3A_110] {strides = array<i32>} : memref<960xf32, #tpu.memory_space<vmem>>, vector<16xf32>,
      %scan3A_112 = arith.constant 0 : i32
      %scan3A_113 = arith.constant 0 : i32
      %scan3A_114 = arith.constant 16 : i32
      %scan3A_115 = arith.addi %scan3A_113, %scan3A_114 : i32
      %scan3A_116 = arith.constant 1 : i32
      scf.for %scan3A_397 = %scan3A_113 to %scan3A_115 step %scan3A_116  : i32 {
        %broadcast_in_dim3A = vector.broadcast %scan3A_397 : i32 to vector<16xi32>
        %gather3A = tpu.vector_load_idx %arg8[%broadcast_in_dim3A, %get3A_75] : memref<16x1024xf32, #tpu.memory_space<vmem>>[vector<16xi32>, vector<16xi32>], vector<16xf32>,
        %gather3A_398 = tpu.vector_load_idx %arg8[%broadcast_in_dim3A, %get3A_77] : memref<16x1024xf32, #tpu.memory_space<vmem>>[vector<16xi32>, vector<16xi32>], vector<16xf32>,
        %gather3A_399 = tpu.vector_load_idx %arg8[%broadcast_in_dim3A, %get3A_79] : memref<16x1024xf32, #tpu.memory_space<vmem>>[vector<16xi32>, vector<16xi32>], vector<16xf32>,
        %gather3A_400 = tpu.vector_load_idx %arg8[%broadcast_in_dim3A, %get3A_81] : memref<16x1024xf32, #tpu.memory_space<vmem>>[vector<16xi32>, vector<16xi32>], vector<16xf32>,
        %gt3A = arith.cmpf ogt, %gather3A, %get3A_83 : vector<16xf32>
        %jit3A = arith.constant 1.000000e+00 : f32
        %jit3A_401 = arith.constant 0.000000e+00 : f32
        %broadcast_in_dim3A_402 = vector.broadcast %jit3A : f32 to vector<16xf32>
        %broadcast_in_dim3A_403 = vector.broadcast %jit3A_401 : f32 to vector<16xf32>
        %select_n3A = arith.select %gt3A, %broadcast_in_dim3A_402, %broadcast_in_dim3A_403 : vector<16xi1>, vector<16xf32>
        %gt3A_404 = arith.cmpf ogt, %gather3A_398, %get3A_85 : vector<16xf32>
        %jit3A_405 = arith.constant 1.000000e+00 : f32
        %jit3A_406 = arith.constant 0.000000e+00 : f32
        %broadcast_in_dim3A_407 = vector.broadcast %jit3A_405 : f32 to vector<16xf32>
        %broadcast_in_dim3A_408 = vector.broadcast %jit3A_406 : f32 to vector<16xf32>
        %select_n3A_409 = arith.select %gt3A_404, %broadcast_in_dim3A_407, %broadcast_in_dim3A_408 : vector<16xi1>, vector<16xf32>
        %gt3A_410 = arith.cmpf ogt, %gather3A_398, %get3A_87 : vector<16xf32>
        %jit3A_411 = arith.constant 1.000000e+00 : f32
        %jit3A_412 = arith.constant 0.000000e+00 : f32
        %broadcast_in_dim3A_413 = vector.broadcast %jit3A_411 : f32 to vector<16xf32>
        %broadcast_in_dim3A_414 = vector.broadcast %jit3A_412 : f32 to vector<16xf32>
        %select_n3A_415 = arith.select %gt3A_410, %broadcast_in_dim3A_413, %broadcast_in_dim3A_414 : vector<16xi1>, vector<16xf32>
        %gt3A_416 = arith.cmpf ogt, %gather3A_399, %get3A_89 : vector<16xf32>
        %jit3A_417 = arith.constant 1.000000e+00 : f32
        %jit3A_418 = arith.constant 0.000000e+00 : f32
        %broadcast_in_dim3A_419 = vector.broadcast %jit3A_417 : f32 to vector<16xf32>
        %broadcast_in_dim3A_420 = vector.broadcast %jit3A_418 : f32 to vector<16xf32>
        %select_n3A_421 = arith.select %gt3A_416, %broadcast_in_dim3A_419, %broadcast_in_dim3A_420 : vector<16xi1>, vector<16xf32>
        %gt3A_422 = arith.cmpf ogt, %gather3A_399, %get3A_91 : vector<16xf32>
        %jit3A_423 = arith.constant 1.000000e+00 : f32
        %jit3A_424 = arith.constant 0.000000e+00 : f32
        %broadcast_in_dim3A_425 = vector.broadcast %jit3A_423 : f32 to vector<16xf32>
        %broadcast_in_dim3A_426 = vector.broadcast %jit3A_424 : f32 to vector<16xf32>
        %select_n3A_427 = arith.select %gt3A_422, %broadcast_in_dim3A_425, %broadcast_in_dim3A_426 : vector<16xi1>, vector<16xf32>
        %gt3A_428 = arith.cmpf ogt, %gather3A_399, %get3A_93 : vector<16xf32>
        %jit3A_429 = arith.constant 1.000000e+00 : f32
        %jit3A_430 = arith.constant 0.000000e+00 : f32
        %broadcast_in_dim3A_431 = vector.broadcast %jit3A_429 : f32 to vector<16xf32>
        %broadcast_in_dim3A_432 = vector.broadcast %jit3A_430 : f32 to vector<16xf32>
        %select_n3A_433 = arith.select %gt3A_428, %broadcast_in_dim3A_431, %broadcast_in_dim3A_432 : vector<16xi1>, vector<16xf32>
        %gt3A_434 = arith.cmpf ogt, %gather3A_399, %get3A_95 : vector<16xf32>
        %jit3A_435 = arith.constant 1.000000e+00 : f32
        %jit3A_436 = arith.constant 0.000000e+00 : f32
        %broadcast_in_dim3A_437 = vector.broadcast %jit3A_435 : f32 to vector<16xf32>
        %broadcast_in_dim3A_438 = vector.broadcast %jit3A_436 : f32 to vector<16xf32>
        %select_n3A_439 = arith.select %gt3A_434, %broadcast_in_dim3A_437, %broadcast_in_dim3A_438 : vector<16xi1>, vector<16xf32>
        %gt3A_440 = arith.cmpf ogt, %gather3A_400, %get3A_97 : vector<16xf32>
        %jit3A_441 = arith.constant 1.000000e+00 : f32
        %jit3A_442 = arith.constant 0.000000e+00 : f32
        %broadcast_in_dim3A_443 = vector.broadcast %jit3A_441 : f32 to vector<16xf32>
        %broadcast_in_dim3A_444 = vector.broadcast %jit3A_442 : f32 to vector<16xf32>
        %select_n3A_445 = arith.select %gt3A_440, %broadcast_in_dim3A_443, %broadcast_in_dim3A_444 : vector<16xi1>, vector<16xf32>
        %gt3A_446 = arith.cmpf ogt, %gather3A_400, %get3A_99 : vector<16xf32>
        %jit3A_447 = arith.constant 1.000000e+00 : f32
        %jit3A_448 = arith.constant 0.000000e+00 : f32
        %broadcast_in_dim3A_449 = vector.broadcast %jit3A_447 : f32 to vector<16xf32>
        %broadcast_in_dim3A_450 = vector.broadcast %jit3A_448 : f32 to vector<16xf32>
        %select_n3A_451 = arith.select %gt3A_446, %broadcast_in_dim3A_449, %broadcast_in_dim3A_450 : vector<16xi1>, vector<16xf32>
        %gt3A_452 = arith.cmpf ogt, %gather3A_400, %get3A_101 : vector<16xf32>
        %jit3A_453 = arith.constant 1.000000e+00 : f32
        %jit3A_454 = arith.constant 0.000000e+00 : f32
        %broadcast_in_dim3A_455 = vector.broadcast %jit3A_453 : f32 to vector<16xf32>
        %broadcast_in_dim3A_456 = vector.broadcast %jit3A_454 : f32 to vector<16xf32>
        %select_n3A_457 = arith.select %gt3A_452, %broadcast_in_dim3A_455, %broadcast_in_dim3A_456 : vector<16xi1>, vector<16xf32>
        %gt3A_458 = arith.cmpf ogt, %gather3A_400, %get3A_103 : vector<16xf32>
        %jit3A_459 = arith.constant 1.000000e+00 : f32
        %jit3A_460 = arith.constant 0.000000e+00 : f32
        %broadcast_in_dim3A_461 = vector.broadcast %jit3A_459 : f32 to vector<16xf32>
        %broadcast_in_dim3A_462 = vector.broadcast %jit3A_460 : f32 to vector<16xf32>
        %select_n3A_463 = arith.select %gt3A_458, %broadcast_in_dim3A_461, %broadcast_in_dim3A_462 : vector<16xi1>, vector<16xf32>
        %gt3A_464 = arith.cmpf ogt, %gather3A_400, %get3A_105 : vector<16xf32>
        %jit3A_465 = arith.constant 1.000000e+00 : f32
        %jit3A_466 = arith.constant 0.000000e+00 : f32
        %broadcast_in_dim3A_467 = vector.broadcast %jit3A_465 : f32 to vector<16xf32>
        %broadcast_in_dim3A_468 = vector.broadcast %jit3A_466 : f32 to vector<16xf32>
        %select_n3A_469 = arith.select %gt3A_464, %broadcast_in_dim3A_467, %broadcast_in_dim3A_468 : vector<16xi1>, vector<16xf32>
        %gt3A_470 = arith.cmpf ogt, %gather3A_400, %get3A_107 : vector<16xf32>
        %jit3A_471 = arith.constant 1.000000e+00 : f32
        %jit3A_472 = arith.constant 0.000000e+00 : f32
        %broadcast_in_dim3A_473 = vector.broadcast %jit3A_471 : f32 to vector<16xf32>
        %broadcast_in_dim3A_474 = vector.broadcast %jit3A_472 : f32 to vector<16xf32>
        %select_n3A_475 = arith.select %gt3A_470, %broadcast_in_dim3A_473, %broadcast_in_dim3A_474 : vector<16xi1>, vector<16xf32>
        %gt3A_476 = arith.cmpf ogt, %gather3A_400, %get3A_109 : vector<16xf32>
        %jit3A_477 = arith.constant 1.000000e+00 : f32
        %jit3A_478 = arith.constant 0.000000e+00 : f32
        %broadcast_in_dim3A_479 = vector.broadcast %jit3A_477 : f32 to vector<16xf32>
        %broadcast_in_dim3A_480 = vector.broadcast %jit3A_478 : f32 to vector<16xf32>
        %select_n3A_481 = arith.select %gt3A_476, %broadcast_in_dim3A_479, %broadcast_in_dim3A_480 : vector<16xi1>, vector<16xf32>
        %gt3A_482 = arith.cmpf ogt, %gather3A_400, %get3A_111 : vector<16xf32>
        %jit3A_483 = arith.constant 1.000000e+00 : f32
        %jit3A_484 = arith.constant 0.000000e+00 : f32
        %broadcast_in_dim3A_485 = vector.broadcast %jit3A_483 : f32 to vector<16xf32>
        %broadcast_in_dim3A_486 = vector.broadcast %jit3A_484 : f32 to vector<16xf32>
        %select_n3A_487 = arith.select %gt3A_482, %broadcast_in_dim3A_485, %broadcast_in_dim3A_486 : vector<16xi1>, vector<16xf32>
        %mul3A_488 = arith.mulf %select_n3A, %select_n3A_415 : vector<16xf32>
        %sub3A = arith.constant 1.000000e+00 : f32
        %sub3A_489 = vector.broadcast %sub3A : f32 to vector<16xf32>
        %sub3A_490 = arith.subf %sub3A_489, %select_n3A : vector<16xf32>
        %mul3A_491 = arith.mulf %sub3A_490, %select_n3A_409 : vector<16xf32>
        %add3A_492 = arith.addf %mul3A_488, %mul3A_491 : vector<16xf32>
        %mul3A_493 = arith.mulf %add3A_492, %select_n3A_427 : vector<16xf32>
        %sub3A_494 = arith.constant 1.000000e+00 : f32
        %sub3A_495 = vector.broadcast %sub3A_494 : f32 to vector<16xf32>
        %sub3A_496 = arith.subf %sub3A_495, %add3A_492 : vector<16xf32>
        %mul3A_497 = arith.mulf %sub3A_496, %select_n3A_421 : vector<16xf32>
        %add3A_498 = arith.addf %mul3A_493, %mul3A_497 : vector<16xf32>
        %mul3A_499 = arith.mulf %add3A_492, %select_n3A_439 : vector<16xf32>
        %sub3A_500 = arith.constant 1.000000e+00 : f32
        %sub3A_501 = vector.broadcast %sub3A_500 : f32 to vector<16xf32>
        %sub3A_502 = arith.subf %sub3A_501, %add3A_492 : vector<16xf32>
        %mul3A_503 = arith.mulf %sub3A_502, %select_n3A_433 : vector<16xf32>
        %add3A_504 = arith.addf %mul3A_499, %mul3A_503 : vector<16xf32>
        %mul3A_505 = arith.mulf %select_n3A, %add3A_504 : vector<16xf32>
        %sub3A_506 = arith.constant 1.000000e+00 : f32
        %sub3A_507 = vector.broadcast %sub3A_506 : f32 to vector<16xf32>
        %sub3A_508 = arith.subf %sub3A_507, %select_n3A : vector<16xf32>
        %mul3A_509 = arith.mulf %sub3A_508, %add3A_498 : vector<16xf32>
        %add3A_510 = arith.addf %mul3A_505, %mul3A_509 : vector<16xf32>
        %mul3A_511 = arith.mulf %add3A_510, %select_n3A_451 : vector<16xf32>
        %sub3A_512 = arith.constant 1.000000e+00 : f32
        %sub3A_513 = vector.broadcast %sub3A_512 : f32 to vector<16xf32>
        %sub3A_514 = arith.subf %sub3A_513, %add3A_510 : vector<16xf32>
        %mul3A_515 = arith.mulf %sub3A_514, %select_n3A_445 : vector<16xf32>
        %add3A_516 = arith.addf %mul3A_511, %mul3A_515 : vector<16xf32>
        %mul3A_517 = arith.mulf %add3A_510, %select_n3A_463 : vector<16xf32>
        %sub3A_518 = arith.constant 1.000000e+00 : f32
        %sub3A_519 = vector.broadcast %sub3A_518 : f32 to vector<16xf32>
        %sub3A_520 = arith.subf %sub3A_519, %add3A_510 : vector<16xf32>
        %mul3A_521 = arith.mulf %sub3A_520, %select_n3A_457 : vector<16xf32>
        %add3A_522 = arith.addf %mul3A_517, %mul3A_521 : vector<16xf32>
        %mul3A_523 = arith.mulf %add3A_510, %select_n3A_475 : vector<16xf32>
        %sub3A_524 = arith.constant 1.000000e+00 : f32
        %sub3A_525 = vector.broadcast %sub3A_524 : f32 to vector<16xf32>
        %sub3A_526 = arith.subf %sub3A_525, %add3A_510 : vector<16xf32>
        %mul3A_527 = arith.mulf %sub3A_526, %select_n3A_469 : vector<16xf32>
        %add3A_528 = arith.addf %mul3A_523, %mul3A_527 : vector<16xf32>
        %mul3A_529 = arith.mulf %add3A_510, %select_n3A_487 : vector<16xf32>
        %sub3A_530 = arith.constant 1.000000e+00 : f32
        %sub3A_531 = vector.broadcast %sub3A_530 : f32 to vector<16xf32>
        %sub3A_532 = arith.subf %sub3A_531, %add3A_510 : vector<16xf32>
        %mul3A_533 = arith.mulf %sub3A_532, %select_n3A_481 : vector<16xf32>
        %add3A_534 = arith.addf %mul3A_529, %mul3A_533 : vector<16xf32>
        %mul3A_535 = arith.mulf %add3A_492, %add3A_522 : vector<16xf32>
        %sub3A_536 = arith.constant 1.000000e+00 : f32
        %sub3A_537 = vector.broadcast %sub3A_536 : f32 to vector<16xf32>
        %sub3A_538 = arith.subf %sub3A_537, %add3A_492 : vector<16xf32>
        %mul3A_539 = arith.mulf %sub3A_538, %add3A_516 : vector<16xf32>
        %add3A_540 = arith.addf %mul3A_535, %mul3A_539 : vector<16xf32>
        %mul3A_541 = arith.mulf %add3A_492, %add3A_534 : vector<16xf32>
        %sub3A_542 = arith.constant 1.000000e+00 : f32
        %sub3A_543 = vector.broadcast %sub3A_542 : f32 to vector<16xf32>
        %sub3A_544 = arith.subf %sub3A_543, %add3A_492 : vector<16xf32>
        %mul3A_545 = arith.mulf %sub3A_544, %add3A_528 : vector<16xf32>
        %add3A_546 = arith.addf %mul3A_541, %mul3A_545 : vector<16xf32>
        %mul3A_547 = arith.mulf %select_n3A, %add3A_546 : vector<16xf32>
        %sub3A_548 = arith.constant 1.000000e+00 : f32
        %sub3A_549 = vector.broadcast %sub3A_548 : f32 to vector<16xf32>
        %sub3A_550 = arith.subf %sub3A_549, %select_n3A : vector<16xf32>
        %mul3A_551 = arith.mulf %sub3A_550, %add3A_540 : vector<16xf32>
        %add3A_552 = arith.addf %mul3A_547, %mul3A_551 : vector<16xf32>
        %mul3A_553 = arith.constant 8.000000e+00 : f32
        %mul3A_554 = vector.broadcast %mul3A_553 : f32 to vector<16xf32>
        %mul3A_555 = arith.mulf %select_n3A, %mul3A_554 : vector<16xf32>
        %mul3A_556 = arith.constant 4.000000e+00 : f32
        %mul3A_557 = vector.broadcast %mul3A_556 : f32 to vector<16xf32>
        %mul3A_558 = arith.mulf %add3A_492, %mul3A_557 : vector<16xf32>
        %add3A_559 = arith.addf %mul3A_555, %mul3A_558 : vector<16xf32>
        %mul3A_560 = arith.constant 2.000000e+00 : f32
        %mul3A_561 = vector.broadcast %mul3A_560 : f32 to vector<16xf32>
        %mul3A_562 = arith.mulf %add3A_510, %mul3A_561 : vector<16xf32>
        %add3A_563 = arith.addf %add3A_559, %mul3A_562 : vector<16xf32>
        %add3A_564 = arith.addf %add3A_563, %add3A_552 : vector<16xf32>
        %mul3A_565 = arith.constant 16 : i32
        %mul3A_566 = arith.muli %mul3A_15, %mul3A_565 : i32
        %add3A_567 = arith.addi %mul3A_566, %scan3A_397 : i32
        %swap3A = arith.index_cast %add3A_567 : i32 to index
        %swap3A_568 = arith.constant 16 : index
        %swap3A_569 = tpu.vector_load %arg10[%swap3A, %swap3A_568] {strides = array<i32>} : memref<128x64xf32, #tpu.memory_space<vmem>>, vector<16xf32>,
        tpu.vector_store %arg10[%swap3A, %swap3A_568], %add3A_564 {strides = array<i32>} : memref<128x64xf32, #tpu.memory_space<vmem>>, vector<16xf32>,
      }
      %scan3A_117 = arith.constant 16 : i32
      %get3A_118 = arith.constant 32 : index
      %get3A_119 = tpu.vector_load %arg6[%get3A_118] {strides = array<i32>} : memref<256xi32, #tpu.memory_space<vmem>>, vector<16xi32>,
      %get3A_120 = arith.constant 96 : index
      %get3A_121 = tpu.vector_load %arg6[%get3A_120] {strides = array<i32>} : memref<256xi32, #tpu.memory_space<vmem>>, vector<16xi32>,
      %get3A_122 = arith.constant 160 : index
      %get3A_123 = tpu.vector_load %arg6[%get3A_122] {strides = array<i32>} : memref<256xi32, #tpu.memory_space<vmem>>, vector<16xi32>,
      %get3A_124 = arith.constant 224 : index
      %get3A_125 = tpu.vector_load %arg6[%get3A_124] {strides = array<i32>} : memref<256xi32, #tpu.memory_space<vmem>>, vector<16xi32>,
      %get3A_126 = arith.constant 32 : index
      %get3A_127 = tpu.vector_load %arg7[%get3A_126] {strides = array<i32>} : memref<960xf32, #tpu.memory_space<vmem>>, vector<16xf32>,
      %get3A_128 = arith.constant 96 : index
      %get3A_129 = tpu.vector_load %arg7[%get3A_128] {strides = array<i32>} : memref<960xf32, #tpu.memory_space<vmem>>, vector<16xf32>,
      %get3A_130 = arith.constant 160 : index
      %get3A_131 = tpu.vector_load %arg7[%get3A_130] {strides = array<i32>} : memref<960xf32, #tpu.memory_space<vmem>>, vector<16xf32>,
      %get3A_132 = arith.constant 224 : index
      %get3A_133 = tpu.vector_load %arg7[%get3A_132] {strides = array<i32>} : memref<960xf32, #tpu.memory_space<vmem>>, vector<16xf32>,
      %get3A_134 = arith.constant 288 : index
      %get3A_135 = tpu.vector_load %arg7[%get3A_134] {strides = array<i32>} : memref<960xf32, #tpu.memory_space<vmem>>, vector<16xf32>,
      %get3A_136 = arith.constant 352 : index
      %get3A_137 = tpu.vector_load %arg7[%get3A_136] {strides = array<i32>} : memref<960xf32, #tpu.memory_space<vmem>>, vector<16xf32>,
      %get3A_138 = arith.constant 416 : index
      %get3A_139 = tpu.vector_load %arg7[%get3A_138] {strides = array<i32>} : memref<960xf32, #tpu.memory_space<vmem>>, vector<16xf32>,
      %get3A_140 = arith.constant 480 : index
      %get3A_141 = tpu.vector_load %arg7[%get3A_140] {strides = array<i32>} : memref<960xf32, #tpu.memory_space<vmem>>, vector<16xf32>,
      %get3A_142 = arith.constant 544 : index
      %get3A_143 = tpu.vector_load %arg7[%get3A_142] {strides = array<i32>} : memref<960xf32, #tpu.memory_space<vmem>>, vector<16xf32>,
      %get3A_144 = arith.constant 608 : index
      %get3A_145 = tpu.vector_load %arg7[%get3A_144] {strides = array<i32>} : memref<960xf32, #tpu.memory_space<vmem>>, vector<16xf32>,
      %get3A_146 = arith.constant 672 : index
      %get3A_147 = tpu.vector_load %arg7[%get3A_146] {strides = array<i32>} : memref<960xf32, #tpu.memory_space<vmem>>, vector<16xf32>,
      %get3A_148 = arith.constant 736 : index
      %get3A_149 = tpu.vector_load %arg7[%get3A_148] {strides = array<i32>} : memref<960xf32, #tpu.memory_space<vmem>>, vector<16xf32>,
      %get3A_150 = arith.constant 800 : index
      %get3A_151 = tpu.vector_load %arg7[%get3A_150] {strides = array<i32>} : memref<960xf32, #tpu.memory_space<vmem>>, vector<16xf32>,
      %get3A_152 = arith.constant 864 : index
      %get3A_153 = tpu.vector_load %arg7[%get3A_152] {strides = array<i32>} : memref<960xf32, #tpu.memory_space<vmem>>, vector<16xf32>,
      %get3A_154 = arith.constant 928 : index
      %get3A_155 = tpu.vector_load %arg7[%get3A_154] {strides = array<i32>} : memref<960xf32, #tpu.memory_space<vmem>>, vector<16xf32>,
      %scan3A_156 = arith.constant 0 : i32
      %scan3A_157 = arith.constant 0 : i32
      %scan3A_158 = arith.constant 16 : i32
      %scan3A_159 = arith.addi %scan3A_157, %scan3A_158 : i32
      %scan3A_160 = arith.constant 1 : i32
      scf.for %scan3A_397 = %scan3A_157 to %scan3A_159 step %scan3A_160  : i32 {
        %broadcast_in_dim3A = vector.broadcast %scan3A_397 : i32 to vector<16xi32>
        %gather3A = tpu.vector_load_idx %arg8[%broadcast_in_dim3A, %get3A_119] : memref<16x1024xf32, #tpu.memory_space<vmem>>[vector<16xi32>, vector<16xi32>], vector<16xf32>,
        %gather3A_398 = tpu.vector_load_idx %arg8[%broadcast_in_dim3A, %get3A_121] : memref<16x1024xf32, #tpu.memory_space<vmem>>[vector<16xi32>, vector<16xi32>], vector<16xf32>,
        %gather3A_399 = tpu.vector_load_idx %arg8[%broadcast_in_dim3A, %get3A_123] : memref<16x1024xf32, #tpu.memory_space<vmem>>[vector<16xi32>, vector<16xi32>], vector<16xf32>,
        %gather3A_400 = tpu.vector_load_idx %arg8[%broadcast_in_dim3A, %get3A_125] : memref<16x1024xf32, #tpu.memory_space<vmem>>[vector<16xi32>, vector<16xi32>], vector<16xf32>,
        %gt3A = arith.cmpf ogt, %gather3A, %get3A_127 : vector<16xf32>
        %jit3A = arith.constant 1.000000e+00 : f32
        %jit3A_401 = arith.constant 0.000000e+00 : f32
        %broadcast_in_dim3A_402 = vector.broadcast %jit3A : f32 to vector<16xf32>
        %broadcast_in_dim3A_403 = vector.broadcast %jit3A_401 : f32 to vector<16xf32>
        %select_n3A = arith.select %gt3A, %broadcast_in_dim3A_402, %broadcast_in_dim3A_403 : vector<16xi1>, vector<16xf32>
        %gt3A_404 = arith.cmpf ogt, %gather3A_398, %get3A_129 : vector<16xf32>
        %jit3A_405 = arith.constant 1.000000e+00 : f32
        %jit3A_406 = arith.constant 0.000000e+00 : f32
        %broadcast_in_dim3A_407 = vector.broadcast %jit3A_405 : f32 to vector<16xf32>
        %broadcast_in_dim3A_408 = vector.broadcast %jit3A_406 : f32 to vector<16xf32>
        %select_n3A_409 = arith.select %gt3A_404, %broadcast_in_dim3A_407, %broadcast_in_dim3A_408 : vector<16xi1>, vector<16xf32>
        %gt3A_410 = arith.cmpf ogt, %gather3A_398, %get3A_131 : vector<16xf32>
        %jit3A_411 = arith.constant 1.000000e+00 : f32
        %jit3A_412 = arith.constant 0.000000e+00 : f32
        %broadcast_in_dim3A_413 = vector.broadcast %jit3A_411 : f32 to vector<16xf32>
        %broadcast_in_dim3A_414 = vector.broadcast %jit3A_412 : f32 to vector<16xf32>
        %select_n3A_415 = arith.select %gt3A_410, %broadcast_in_dim3A_413, %broadcast_in_dim3A_414 : vector<16xi1>, vector<16xf32>
        %gt3A_416 = arith.cmpf ogt, %gather3A_399, %get3A_133 : vector<16xf32>
        %jit3A_417 = arith.constant 1.000000e+00 : f32
        %jit3A_418 = arith.constant 0.000000e+00 : f32
        %broadcast_in_dim3A_419 = vector.broadcast %jit3A_417 : f32 to vector<16xf32>
        %broadcast_in_dim3A_420 = vector.broadcast %jit3A_418 : f32 to vector<16xf32>
        %select_n3A_421 = arith.select %gt3A_416, %broadcast_in_dim3A_419, %broadcast_in_dim3A_420 : vector<16xi1>, vector<16xf32>
        %gt3A_422 = arith.cmpf ogt, %gather3A_399, %get3A_135 : vector<16xf32>
        %jit3A_423 = arith.constant 1.000000e+00 : f32
        %jit3A_424 = arith.constant 0.000000e+00 : f32
        %broadcast_in_dim3A_425 = vector.broadcast %jit3A_423 : f32 to vector<16xf32>
        %broadcast_in_dim3A_426 = vector.broadcast %jit3A_424 : f32 to vector<16xf32>
        %select_n3A_427 = arith.select %gt3A_422, %broadcast_in_dim3A_425, %broadcast_in_dim3A_426 : vector<16xi1>, vector<16xf32>
        %gt3A_428 = arith.cmpf ogt, %gather3A_399, %get3A_137 : vector<16xf32>
        %jit3A_429 = arith.constant 1.000000e+00 : f32
        %jit3A_430 = arith.constant 0.000000e+00 : f32
        %broadcast_in_dim3A_431 = vector.broadcast %jit3A_429 : f32 to vector<16xf32>
        %broadcast_in_dim3A_432 = vector.broadcast %jit3A_430 : f32 to vector<16xf32>
        %select_n3A_433 = arith.select %gt3A_428, %broadcast_in_dim3A_431, %broadcast_in_dim3A_432 : vector<16xi1>, vector<16xf32>
        %gt3A_434 = arith.cmpf ogt, %gather3A_399, %get3A_139 : vector<16xf32>
        %jit3A_435 = arith.constant 1.000000e+00 : f32
        %jit3A_436 = arith.constant 0.000000e+00 : f32
        %broadcast_in_dim3A_437 = vector.broadcast %jit3A_435 : f32 to vector<16xf32>
        %broadcast_in_dim3A_438 = vector.broadcast %jit3A_436 : f32 to vector<16xf32>
        %select_n3A_439 = arith.select %gt3A_434, %broadcast_in_dim3A_437, %broadcast_in_dim3A_438 : vector<16xi1>, vector<16xf32>
        %gt3A_440 = arith.cmpf ogt, %gather3A_400, %get3A_141 : vector<16xf32>
        %jit3A_441 = arith.constant 1.000000e+00 : f32
        %jit3A_442 = arith.constant 0.000000e+00 : f32
        %broadcast_in_dim3A_443 = vector.broadcast %jit3A_441 : f32 to vector<16xf32>
        %broadcast_in_dim3A_444 = vector.broadcast %jit3A_442 : f32 to vector<16xf32>
        %select_n3A_445 = arith.select %gt3A_440, %broadcast_in_dim3A_443, %broadcast_in_dim3A_444 : vector<16xi1>, vector<16xf32>
        %gt3A_446 = arith.cmpf ogt, %gather3A_400, %get3A_143 : vector<16xf32>
        %jit3A_447 = arith.constant 1.000000e+00 : f32
        %jit3A_448 = arith.constant 0.000000e+00 : f32
        %broadcast_in_dim3A_449 = vector.broadcast %jit3A_447 : f32 to vector<16xf32>
        %broadcast_in_dim3A_450 = vector.broadcast %jit3A_448 : f32 to vector<16xf32>
        %select_n3A_451 = arith.select %gt3A_446, %broadcast_in_dim3A_449, %broadcast_in_dim3A_450 : vector<16xi1>, vector<16xf32>
        %gt3A_452 = arith.cmpf ogt, %gather3A_400, %get3A_145 : vector<16xf32>
        %jit3A_453 = arith.constant 1.000000e+00 : f32
        %jit3A_454 = arith.constant 0.000000e+00 : f32
        %broadcast_in_dim3A_455 = vector.broadcast %jit3A_453 : f32 to vector<16xf32>
        %broadcast_in_dim3A_456 = vector.broadcast %jit3A_454 : f32 to vector<16xf32>
        %select_n3A_457 = arith.select %gt3A_452, %broadcast_in_dim3A_455, %broadcast_in_dim3A_456 : vector<16xi1>, vector<16xf32>
        %gt3A_458 = arith.cmpf ogt, %gather3A_400, %get3A_147 : vector<16xf32>
        %jit3A_459 = arith.constant 1.000000e+00 : f32
        %jit3A_460 = arith.constant 0.000000e+00 : f32
        %broadcast_in_dim3A_461 = vector.broadcast %jit3A_459 : f32 to vector<16xf32>
        %broadcast_in_dim3A_462 = vector.broadcast %jit3A_460 : f32 to vector<16xf32>
        %select_n3A_463 = arith.select %gt3A_458, %broadcast_in_dim3A_461, %broadcast_in_dim3A_462 : vector<16xi1>, vector<16xf32>
        %gt3A_464 = arith.cmpf ogt, %gather3A_400, %get3A_149 : vector<16xf32>
        %jit3A_465 = arith.constant 1.000000e+00 : f32
        %jit3A_466 = arith.constant 0.000000e+00 : f32
        %broadcast_in_dim3A_467 = vector.broadcast %jit3A_465 : f32 to vector<16xf32>
        %broadcast_in_dim3A_468 = vector.broadcast %jit3A_466 : f32 to vector<16xf32>
        %select_n3A_469 = arith.select %gt3A_464, %broadcast_in_dim3A_467, %broadcast_in_dim3A_468 : vector<16xi1>, vector<16xf32>
        %gt3A_470 = arith.cmpf ogt, %gather3A_400, %get3A_151 : vector<16xf32>
        %jit3A_471 = arith.constant 1.000000e+00 : f32
        %jit3A_472 = arith.constant 0.000000e+00 : f32
        %broadcast_in_dim3A_473 = vector.broadcast %jit3A_471 : f32 to vector<16xf32>
        %broadcast_in_dim3A_474 = vector.broadcast %jit3A_472 : f32 to vector<16xf32>
        %select_n3A_475 = arith.select %gt3A_470, %broadcast_in_dim3A_473, %broadcast_in_dim3A_474 : vector<16xi1>, vector<16xf32>
        %gt3A_476 = arith.cmpf ogt, %gather3A_400, %get3A_153 : vector<16xf32>
        %jit3A_477 = arith.constant 1.000000e+00 : f32
        %jit3A_478 = arith.constant 0.000000e+00 : f32
        %broadcast_in_dim3A_479 = vector.broadcast %jit3A_477 : f32 to vector<16xf32>
        %broadcast_in_dim3A_480 = vector.broadcast %jit3A_478 : f32 to vector<16xf32>
        %select_n3A_481 = arith.select %gt3A_476, %broadcast_in_dim3A_479, %broadcast_in_dim3A_480 : vector<16xi1>, vector<16xf32>
        %gt3A_482 = arith.cmpf ogt, %gather3A_400, %get3A_155 : vector<16xf32>
        %jit3A_483 = arith.constant 1.000000e+00 : f32
        %jit3A_484 = arith.constant 0.000000e+00 : f32
        %broadcast_in_dim3A_485 = vector.broadcast %jit3A_483 : f32 to vector<16xf32>
        %broadcast_in_dim3A_486 = vector.broadcast %jit3A_484 : f32 to vector<16xf32>
        %select_n3A_487 = arith.select %gt3A_482, %broadcast_in_dim3A_485, %broadcast_in_dim3A_486 : vector<16xi1>, vector<16xf32>
        %mul3A_488 = arith.mulf %select_n3A, %select_n3A_415 : vector<16xf32>
        %sub3A = arith.constant 1.000000e+00 : f32
        %sub3A_489 = vector.broadcast %sub3A : f32 to vector<16xf32>
        %sub3A_490 = arith.subf %sub3A_489, %select_n3A : vector<16xf32>
        %mul3A_491 = arith.mulf %sub3A_490, %select_n3A_409 : vector<16xf32>
        %add3A_492 = arith.addf %mul3A_488, %mul3A_491 : vector<16xf32>
        %mul3A_493 = arith.mulf %add3A_492, %select_n3A_427 : vector<16xf32>
        %sub3A_494 = arith.constant 1.000000e+00 : f32
        %sub3A_495 = vector.broadcast %sub3A_494 : f32 to vector<16xf32>
        %sub3A_496 = arith.subf %sub3A_495, %add3A_492 : vector<16xf32>
        %mul3A_497 = arith.mulf %sub3A_496, %select_n3A_421 : vector<16xf32>
        %add3A_498 = arith.addf %mul3A_493, %mul3A_497 : vector<16xf32>
        %mul3A_499 = arith.mulf %add3A_492, %select_n3A_439 : vector<16xf32>
        %sub3A_500 = arith.constant 1.000000e+00 : f32
        %sub3A_501 = vector.broadcast %sub3A_500 : f32 to vector<16xf32>
        %sub3A_502 = arith.subf %sub3A_501, %add3A_492 : vector<16xf32>
        %mul3A_503 = arith.mulf %sub3A_502, %select_n3A_433 : vector<16xf32>
        %add3A_504 = arith.addf %mul3A_499, %mul3A_503 : vector<16xf32>
        %mul3A_505 = arith.mulf %select_n3A, %add3A_504 : vector<16xf32>
        %sub3A_506 = arith.constant 1.000000e+00 : f32
        %sub3A_507 = vector.broadcast %sub3A_506 : f32 to vector<16xf32>
        %sub3A_508 = arith.subf %sub3A_507, %select_n3A : vector<16xf32>
        %mul3A_509 = arith.mulf %sub3A_508, %add3A_498 : vector<16xf32>
        %add3A_510 = arith.addf %mul3A_505, %mul3A_509 : vector<16xf32>
        %mul3A_511 = arith.mulf %add3A_510, %select_n3A_451 : vector<16xf32>
        %sub3A_512 = arith.constant 1.000000e+00 : f32
        %sub3A_513 = vector.broadcast %sub3A_512 : f32 to vector<16xf32>
        %sub3A_514 = arith.subf %sub3A_513, %add3A_510 : vector<16xf32>
        %mul3A_515 = arith.mulf %sub3A_514, %select_n3A_445 : vector<16xf32>
        %add3A_516 = arith.addf %mul3A_511, %mul3A_515 : vector<16xf32>
        %mul3A_517 = arith.mulf %add3A_510, %select_n3A_463 : vector<16xf32>
        %sub3A_518 = arith.constant 1.000000e+00 : f32
        %sub3A_519 = vector.broadcast %sub3A_518 : f32 to vector<16xf32>
        %sub3A_520 = arith.subf %sub3A_519, %add3A_510 : vector<16xf32>
        %mul3A_521 = arith.mulf %sub3A_520, %select_n3A_457 : vector<16xf32>
        %add3A_522 = arith.addf %mul3A_517, %mul3A_521 : vector<16xf32>
        %mul3A_523 = arith.mulf %add3A_510, %select_n3A_475 : vector<16xf32>
        %sub3A_524 = arith.constant 1.000000e+00 : f32
        %sub3A_525 = vector.broadcast %sub3A_524 : f32 to vector<16xf32>
        %sub3A_526 = arith.subf %sub3A_525, %add3A_510 : vector<16xf32>
        %mul3A_527 = arith.mulf %sub3A_526, %select_n3A_469 : vector<16xf32>
        %add3A_528 = arith.addf %mul3A_523, %mul3A_527 : vector<16xf32>
        %mul3A_529 = arith.mulf %add3A_510, %select_n3A_487 : vector<16xf32>
        %sub3A_530 = arith.constant 1.000000e+00 : f32
        %sub3A_531 = vector.broadcast %sub3A_530 : f32 to vector<16xf32>
        %sub3A_532 = arith.subf %sub3A_531, %add3A_510 : vector<16xf32>
        %mul3A_533 = arith.mulf %sub3A_532, %select_n3A_481 : vector<16xf32>
        %add3A_534 = arith.addf %mul3A_529, %mul3A_533 : vector<16xf32>
        %mul3A_535 = arith.mulf %add3A_492, %add3A_522 : vector<16xf32>
        %sub3A_536 = arith.constant 1.000000e+00 : f32
        %sub3A_537 = vector.broadcast %sub3A_536 : f32 to vector<16xf32>
        %sub3A_538 = arith.subf %sub3A_537, %add3A_492 : vector<16xf32>
        %mul3A_539 = arith.mulf %sub3A_538, %add3A_516 : vector<16xf32>
        %add3A_540 = arith.addf %mul3A_535, %mul3A_539 : vector<16xf32>
        %mul3A_541 = arith.mulf %add3A_492, %add3A_534 : vector<16xf32>
        %sub3A_542 = arith.constant 1.000000e+00 : f32
        %sub3A_543 = vector.broadcast %sub3A_542 : f32 to vector<16xf32>
        %sub3A_544 = arith.subf %sub3A_543, %add3A_492 : vector<16xf32>
        %mul3A_545 = arith.mulf %sub3A_544, %add3A_528 : vector<16xf32>
        %add3A_546 = arith.addf %mul3A_541, %mul3A_545 : vector<16xf32>
        %mul3A_547 = arith.mulf %select_n3A, %add3A_546 : vector<16xf32>
        %sub3A_548 = arith.constant 1.000000e+00 : f32
        %sub3A_549 = vector.broadcast %sub3A_548 : f32 to vector<16xf32>
        %sub3A_550 = arith.subf %sub3A_549, %select_n3A : vector<16xf32>
        %mul3A_551 = arith.mulf %sub3A_550, %add3A_540 : vector<16xf32>
        %add3A_552 = arith.addf %mul3A_547, %mul3A_551 : vector<16xf32>
        %mul3A_553 = arith.constant 8.000000e+00 : f32
        %mul3A_554 = vector.broadcast %mul3A_553 : f32 to vector<16xf32>
        %mul3A_555 = arith.mulf %select_n3A, %mul3A_554 : vector<16xf32>
        %mul3A_556 = arith.constant 4.000000e+00 : f32
        %mul3A_557 = vector.broadcast %mul3A_556 : f32 to vector<16xf32>
        %mul3A_558 = arith.mulf %add3A_492, %mul3A_557 : vector<16xf32>
        %add3A_559 = arith.addf %mul3A_555, %mul3A_558 : vector<16xf32>
        %mul3A_560 = arith.constant 2.000000e+00 : f32
        %mul3A_561 = vector.broadcast %mul3A_560 : f32 to vector<16xf32>
        %mul3A_562 = arith.mulf %add3A_510, %mul3A_561 : vector<16xf32>
        %add3A_563 = arith.addf %add3A_559, %mul3A_562 : vector<16xf32>
        %add3A_564 = arith.addf %add3A_563, %add3A_552 : vector<16xf32>
        %mul3A_565 = arith.constant 16 : i32
        %mul3A_566 = arith.muli %mul3A_15, %mul3A_565 : i32
        %add3A_567 = arith.addi %mul3A_566, %scan3A_397 : i32
        %swap3A = arith.index_cast %add3A_567 : i32 to index
        %swap3A_568 = arith.constant 32 : index
        %swap3A_569 = tpu.vector_load %arg10[%swap3A, %swap3A_568] {strides = array<i32>} : memref<128x64xf32, #tpu.memory_space<vmem>>, vector<16xf32>,
        tpu.vector_store %arg10[%swap3A, %swap3A_568], %add3A_564 {strides = array<i32>} : memref<128x64xf32, #tpu.memory_space<vmem>>, vector<16xf32>,
      }
      %scan3A_161 = arith.constant 16 : i32
      %get3A_162 = arith.constant 48 : index
      %get3A_163 = tpu.vector_load %arg6[%get3A_162] {strides = array<i32>} : memref<256xi32, #tpu.memory_space<vmem>>, vector<16xi32>,
      %get3A_164 = arith.constant 112 : index
      %get3A_165 = tpu.vector_load %arg6[%get3A_164] {strides = array<i32>} : memref<256xi32, #tpu.memory_space<vmem>>, vector<16xi32>,
      %get3A_166 = arith.constant 176 : index
      %get3A_167 = tpu.vector_load %arg6[%get3A_166] {strides = array<i32>} : memref<256xi32, #tpu.memory_space<vmem>>, vector<16xi32>,
      %get3A_168 = arith.constant 240 : index
      %get3A_169 = tpu.vector_load %arg6[%get3A_168] {strides = array<i32>} : memref<256xi32, #tpu.memory_space<vmem>>, vector<16xi32>,
      %get3A_170 = arith.constant 48 : index
      %get3A_171 = tpu.vector_load %arg7[%get3A_170] {strides = array<i32>} : memref<960xf32, #tpu.memory_space<vmem>>, vector<16xf32>,
      %get3A_172 = arith.constant 112 : index
      %get3A_173 = tpu.vector_load %arg7[%get3A_172] {strides = array<i32>} : memref<960xf32, #tpu.memory_space<vmem>>, vector<16xf32>,
      %get3A_174 = arith.constant 176 : index
      %get3A_175 = tpu.vector_load %arg7[%get3A_174] {strides = array<i32>} : memref<960xf32, #tpu.memory_space<vmem>>, vector<16xf32>,
      %get3A_176 = arith.constant 240 : index
      %get3A_177 = tpu.vector_load %arg7[%get3A_176] {strides = array<i32>} : memref<960xf32, #tpu.memory_space<vmem>>, vector<16xf32>,
      %get3A_178 = arith.constant 304 : index
      %get3A_179 = tpu.vector_load %arg7[%get3A_178] {strides = array<i32>} : memref<960xf32, #tpu.memory_space<vmem>>, vector<16xf32>,
      %get3A_180 = arith.constant 368 : index
      %get3A_181 = tpu.vector_load %arg7[%get3A_180] {strides = array<i32>} : memref<960xf32, #tpu.memory_space<vmem>>, vector<16xf32>,
      %get3A_182 = arith.constant 432 : index
      %get3A_183 = tpu.vector_load %arg7[%get3A_182] {strides = array<i32>} : memref<960xf32, #tpu.memory_space<vmem>>, vector<16xf32>,
      %get3A_184 = arith.constant 496 : index
      %get3A_185 = tpu.vector_load %arg7[%get3A_184] {strides = array<i32>} : memref<960xf32, #tpu.memory_space<vmem>>, vector<16xf32>,
      %get3A_186 = arith.constant 560 : index
      %get3A_187 = tpu.vector_load %arg7[%get3A_186] {strides = array<i32>} : memref<960xf32, #tpu.memory_space<vmem>>, vector<16xf32>,
      %get3A_188 = arith.constant 624 : index
      %get3A_189 = tpu.vector_load %arg7[%get3A_188] {strides = array<i32>} : memref<960xf32, #tpu.memory_space<vmem>>, vector<16xf32>,
      %get3A_190 = arith.constant 688 : index
      %get3A_191 = tpu.vector_load %arg7[%get3A_190] {strides = array<i32>} : memref<960xf32, #tpu.memory_space<vmem>>, vector<16xf32>,
      %get3A_192 = arith.constant 752 : index
      %get3A_193 = tpu.vector_load %arg7[%get3A_192] {strides = array<i32>} : memref<960xf32, #tpu.memory_space<vmem>>, vector<16xf32>,
      %get3A_194 = arith.constant 816 : index
      %get3A_195 = tpu.vector_load %arg7[%get3A_194] {strides = array<i32>} : memref<960xf32, #tpu.memory_space<vmem>>, vector<16xf32>,
      %get3A_196 = arith.constant 880 : index
      %get3A_197 = tpu.vector_load %arg7[%get3A_196] {strides = array<i32>} : memref<960xf32, #tpu.memory_space<vmem>>, vector<16xf32>,
      %get3A_198 = arith.constant 944 : index
      %get3A_199 = tpu.vector_load %arg7[%get3A_198] {strides = array<i32>} : memref<960xf32, #tpu.memory_space<vmem>>, vector<16xf32>,
      %scan3A_200 = arith.constant 0 : i32
      %scan3A_201 = arith.constant 0 : i32
      %scan3A_202 = arith.constant 16 : i32
      %scan3A_203 = arith.addi %scan3A_201, %scan3A_202 : i32
      %scan3A_204 = arith.constant 1 : i32
      scf.for %scan3A_397 = %scan3A_201 to %scan3A_203 step %scan3A_204  : i32 {
        %broadcast_in_dim3A = vector.broadcast %scan3A_397 : i32 to vector<16xi32>
        %gather3A = tpu.vector_load_idx %arg8[%broadcast_in_dim3A, %get3A_163] : memref<16x1024xf32, #tpu.memory_space<vmem>>[vector<16xi32>, vector<16xi32>], vector<16xf32>,
        %gather3A_398 = tpu.vector_load_idx %arg8[%broadcast_in_dim3A, %get3A_165] : memref<16x1024xf32, #tpu.memory_space<vmem>>[vector<16xi32>, vector<16xi32>], vector<16xf32>,
        %gather3A_399 = tpu.vector_load_idx %arg8[%broadcast_in_dim3A, %get3A_167] : memref<16x1024xf32, #tpu.memory_space<vmem>>[vector<16xi32>, vector<16xi32>], vector<16xf32>,
        %gather3A_400 = tpu.vector_load_idx %arg8[%broadcast_in_dim3A, %get3A_169] : memref<16x1024xf32, #tpu.memory_space<vmem>>[vector<16xi32>, vector<16xi32>], vector<16xf32>,
        %gt3A = arith.cmpf ogt, %gather3A, %get3A_171 : vector<16xf32>
        %jit3A = arith.constant 1.000000e+00 : f32
        %jit3A_401 = arith.constant 0.000000e+00 : f32
        %broadcast_in_dim3A_402 = vector.broadcast %jit3A : f32 to vector<16xf32>
        %broadcast_in_dim3A_403 = vector.broadcast %jit3A_401 : f32 to vector<16xf32>
        %select_n3A = arith.select %gt3A, %broadcast_in_dim3A_402, %broadcast_in_dim3A_403 : vector<16xi1>, vector<16xf32>
        %gt3A_404 = arith.cmpf ogt, %gather3A_398, %get3A_173 : vector<16xf32>
        %jit3A_405 = arith.constant 1.000000e+00 : f32
        %jit3A_406 = arith.constant 0.000000e+00 : f32
        %broadcast_in_dim3A_407 = vector.broadcast %jit3A_405 : f32 to vector<16xf32>
        %broadcast_in_dim3A_408 = vector.broadcast %jit3A_406 : f32 to vector<16xf32>
        %select_n3A_409 = arith.select %gt3A_404, %broadcast_in_dim3A_407, %broadcast_in_dim3A_408 : vector<16xi1>, vector<16xf32>
        %gt3A_410 = arith.cmpf ogt, %gather3A_398, %get3A_175 : vector<16xf32>
        %jit3A_411 = arith.constant 1.000000e+00 : f32
        %jit3A_412 = arith.constant 0.000000e+00 : f32
        %broadcast_in_dim3A_413 = vector.broadcast %jit3A_411 : f32 to vector<16xf32>
        %broadcast_in_dim3A_414 = vector.broadcast %jit3A_412 : f32 to vector<16xf32>
        %select_n3A_415 = arith.select %gt3A_410, %broadcast_in_dim3A_413, %broadcast_in_dim3A_414 : vector<16xi1>, vector<16xf32>
        %gt3A_416 = arith.cmpf ogt, %gather3A_399, %get3A_177 : vector<16xf32>
        %jit3A_417 = arith.constant 1.000000e+00 : f32
        %jit3A_418 = arith.constant 0.000000e+00 : f32
        %broadcast_in_dim3A_419 = vector.broadcast %jit3A_417 : f32 to vector<16xf32>
        %broadcast_in_dim3A_420 = vector.broadcast %jit3A_418 : f32 to vector<16xf32>
        %select_n3A_421 = arith.select %gt3A_416, %broadcast_in_dim3A_419, %broadcast_in_dim3A_420 : vector<16xi1>, vector<16xf32>
        %gt3A_422 = arith.cmpf ogt, %gather3A_399, %get3A_179 : vector<16xf32>
        %jit3A_423 = arith.constant 1.000000e+00 : f32
        %jit3A_424 = arith.constant 0.000000e+00 : f32
        %broadcast_in_dim3A_425 = vector.broadcast %jit3A_423 : f32 to vector<16xf32>
        %broadcast_in_dim3A_426 = vector.broadcast %jit3A_424 : f32 to vector<16xf32>
        %select_n3A_427 = arith.select %gt3A_422, %broadcast_in_dim3A_425, %broadcast_in_dim3A_426 : vector<16xi1>, vector<16xf32>
        %gt3A_428 = arith.cmpf ogt, %gather3A_399, %get3A_181 : vector<16xf32>
        %jit3A_429 = arith.constant 1.000000e+00 : f32
        %jit3A_430 = arith.constant 0.000000e+00 : f32
        %broadcast_in_dim3A_431 = vector.broadcast %jit3A_429 : f32 to vector<16xf32>
        %broadcast_in_dim3A_432 = vector.broadcast %jit3A_430 : f32 to vector<16xf32>
        %select_n3A_433 = arith.select %gt3A_428, %broadcast_in_dim3A_431, %broadcast_in_dim3A_432 : vector<16xi1>, vector<16xf32>
        %gt3A_434 = arith.cmpf ogt, %gather3A_399, %get3A_183 : vector<16xf32>
        %jit3A_435 = arith.constant 1.000000e+00 : f32
        %jit3A_436 = arith.constant 0.000000e+00 : f32
        %broadcast_in_dim3A_437 = vector.broadcast %jit3A_435 : f32 to vector<16xf32>
        %broadcast_in_dim3A_438 = vector.broadcast %jit3A_436 : f32 to vector<16xf32>
        %select_n3A_439 = arith.select %gt3A_434, %broadcast_in_dim3A_437, %broadcast_in_dim3A_438 : vector<16xi1>, vector<16xf32>
        %gt3A_440 = arith.cmpf ogt, %gather3A_400, %get3A_185 : vector<16xf32>
        %jit3A_441 = arith.constant 1.000000e+00 : f32
        %jit3A_442 = arith.constant 0.000000e+00 : f32
        %broadcast_in_dim3A_443 = vector.broadcast %jit3A_441 : f32 to vector<16xf32>
        %broadcast_in_dim3A_444 = vector.broadcast %jit3A_442 : f32 to vector<16xf32>
        %select_n3A_445 = arith.select %gt3A_440, %broadcast_in_dim3A_443, %broadcast_in_dim3A_444 : vector<16xi1>, vector<16xf32>
        %gt3A_446 = arith.cmpf ogt, %gather3A_400, %get3A_187 : vector<16xf32>
        %jit3A_447 = arith.constant 1.000000e+00 : f32
        %jit3A_448 = arith.constant 0.000000e+00 : f32
        %broadcast_in_dim3A_449 = vector.broadcast %jit3A_447 : f32 to vector<16xf32>
        %broadcast_in_dim3A_450 = vector.broadcast %jit3A_448 : f32 to vector<16xf32>
        %select_n3A_451 = arith.select %gt3A_446, %broadcast_in_dim3A_449, %broadcast_in_dim3A_450 : vector<16xi1>, vector<16xf32>
        %gt3A_452 = arith.cmpf ogt, %gather3A_400, %get3A_189 : vector<16xf32>
        %jit3A_453 = arith.constant 1.000000e+00 : f32
        %jit3A_454 = arith.constant 0.000000e+00 : f32
        %broadcast_in_dim3A_455 = vector.broadcast %jit3A_453 : f32 to vector<16xf32>
        %broadcast_in_dim3A_456 = vector.broadcast %jit3A_454 : f32 to vector<16xf32>
        %select_n3A_457 = arith.select %gt3A_452, %broadcast_in_dim3A_455, %broadcast_in_dim3A_456 : vector<16xi1>, vector<16xf32>
        %gt3A_458 = arith.cmpf ogt, %gather3A_400, %get3A_191 : vector<16xf32>
        %jit3A_459 = arith.constant 1.000000e+00 : f32
        %jit3A_460 = arith.constant 0.000000e+00 : f32
        %broadcast_in_dim3A_461 = vector.broadcast %jit3A_459 : f32 to vector<16xf32>
        %broadcast_in_dim3A_462 = vector.broadcast %jit3A_460 : f32 to vector<16xf32>
        %select_n3A_463 = arith.select %gt3A_458, %broadcast_in_dim3A_461, %broadcast_in_dim3A_462 : vector<16xi1>, vector<16xf32>
        %gt3A_464 = arith.cmpf ogt, %gather3A_400, %get3A_193 : vector<16xf32>
        %jit3A_465 = arith.constant 1.000000e+00 : f32
        %jit3A_466 = arith.constant 0.000000e+00 : f32
        %broadcast_in_dim3A_467 = vector.broadcast %jit3A_465 : f32 to vector<16xf32>
        %broadcast_in_dim3A_468 = vector.broadcast %jit3A_466 : f32 to vector<16xf32>
        %select_n3A_469 = arith.select %gt3A_464, %broadcast_in_dim3A_467, %broadcast_in_dim3A_468 : vector<16xi1>, vector<16xf32>
        %gt3A_470 = arith.cmpf ogt, %gather3A_400, %get3A_195 : vector<16xf32>
        %jit3A_471 = arith.constant 1.000000e+00 : f32
        %jit3A_472 = arith.constant 0.000000e+00 : f32
        %broadcast_in_dim3A_473 = vector.broadcast %jit3A_471 : f32 to vector<16xf32>
        %broadcast_in_dim3A_474 = vector.broadcast %jit3A_472 : f32 to vector<16xf32>
        %select_n3A_475 = arith.select %gt3A_470, %broadcast_in_dim3A_473, %broadcast_in_dim3A_474 : vector<16xi1>, vector<16xf32>
        %gt3A_476 = arith.cmpf ogt, %gather3A_400, %get3A_197 : vector<16xf32>
        %jit3A_477 = arith.constant 1.000000e+00 : f32
        %jit3A_478 = arith.constant 0.000000e+00 : f32
        %broadcast_in_dim3A_479 = vector.broadcast %jit3A_477 : f32 to vector<16xf32>
        %broadcast_in_dim3A_480 = vector.broadcast %jit3A_478 : f32 to vector<16xf32>
        %select_n3A_481 = arith.select %gt3A_476, %broadcast_in_dim3A_479, %broadcast_in_dim3A_480 : vector<16xi1>, vector<16xf32>
        %gt3A_482 = arith.cmpf ogt, %gather3A_400, %get3A_199 : vector<16xf32>
        %jit3A_483 = arith.constant 1.000000e+00 : f32
        %jit3A_484 = arith.constant 0.000000e+00 : f32
        %broadcast_in_dim3A_485 = vector.broadcast %jit3A_483 : f32 to vector<16xf32>
        %broadcast_in_dim3A_486 = vector.broadcast %jit3A_484 : f32 to vector<16xf32>
        %select_n3A_487 = arith.select %gt3A_482, %broadcast_in_dim3A_485, %broadcast_in_dim3A_486 : vector<16xi1>, vector<16xf32>
        %mul3A_488 = arith.mulf %select_n3A, %select_n3A_415 : vector<16xf32>
        %sub3A = arith.constant 1.000000e+00 : f32
        %sub3A_489 = vector.broadcast %sub3A : f32 to vector<16xf32>
        %sub3A_490 = arith.subf %sub3A_489, %select_n3A : vector<16xf32>
        %mul3A_491 = arith.mulf %sub3A_490, %select_n3A_409 : vector<16xf32>
        %add3A_492 = arith.addf %mul3A_488, %mul3A_491 : vector<16xf32>
        %mul3A_493 = arith.mulf %add3A_492, %select_n3A_427 : vector<16xf32>
        %sub3A_494 = arith.constant 1.000000e+00 : f32
        %sub3A_495 = vector.broadcast %sub3A_494 : f32 to vector<16xf32>
        %sub3A_496 = arith.subf %sub3A_495, %add3A_492 : vector<16xf32>
        %mul3A_497 = arith.mulf %sub3A_496, %select_n3A_421 : vector<16xf32>
        %add3A_498 = arith.addf %mul3A_493, %mul3A_497 : vector<16xf32>
        %mul3A_499 = arith.mulf %add3A_492, %select_n3A_439 : vector<16xf32>
        %sub3A_500 = arith.constant 1.000000e+00 : f32
        %sub3A_501 = vector.broadcast %sub3A_500 : f32 to vector<16xf32>
        %sub3A_502 = arith.subf %sub3A_501, %add3A_492 : vector<16xf32>
        %mul3A_503 = arith.mulf %sub3A_502, %select_n3A_433 : vector<16xf32>
        %add3A_504 = arith.addf %mul3A_499, %mul3A_503 : vector<16xf32>
        %mul3A_505 = arith.mulf %select_n3A, %add3A_504 : vector<16xf32>
        %sub3A_506 = arith.constant 1.000000e+00 : f32
        %sub3A_507 = vector.broadcast %sub3A_506 : f32 to vector<16xf32>
        %sub3A_508 = arith.subf %sub3A_507, %select_n3A : vector<16xf32>
        %mul3A_509 = arith.mulf %sub3A_508, %add3A_498 : vector<16xf32>
        %add3A_510 = arith.addf %mul3A_505, %mul3A_509 : vector<16xf32>
        %mul3A_511 = arith.mulf %add3A_510, %select_n3A_451 : vector<16xf32>
        %sub3A_512 = arith.constant 1.000000e+00 : f32
        %sub3A_513 = vector.broadcast %sub3A_512 : f32 to vector<16xf32>
        %sub3A_514 = arith.subf %sub3A_513, %add3A_510 : vector<16xf32>
        %mul3A_515 = arith.mulf %sub3A_514, %select_n3A_445 : vector<16xf32>
        %add3A_516 = arith.addf %mul3A_511, %mul3A_515 : vector<16xf32>
        %mul3A_517 = arith.mulf %add3A_510, %select_n3A_463 : vector<16xf32>
        %sub3A_518 = arith.constant 1.000000e+00 : f32
        %sub3A_519 = vector.broadcast %sub3A_518 : f32 to vector<16xf32>
        %sub3A_520 = arith.subf %sub3A_519, %add3A_510 : vector<16xf32>
        %mul3A_521 = arith.mulf %sub3A_520, %select_n3A_457 : vector<16xf32>
        %add3A_522 = arith.addf %mul3A_517, %mul3A_521 : vector<16xf32>
        %mul3A_523 = arith.mulf %add3A_510, %select_n3A_475 : vector<16xf32>
        %sub3A_524 = arith.constant 1.000000e+00 : f32
        %sub3A_525 = vector.broadcast %sub3A_524 : f32 to vector<16xf32>
        %sub3A_526 = arith.subf %sub3A_525, %add3A_510 : vector<16xf32>
        %mul3A_527 = arith.mulf %sub3A_526, %select_n3A_469 : vector<16xf32>
        %add3A_528 = arith.addf %mul3A_523, %mul3A_527 : vector<16xf32>
        %mul3A_529 = arith.mulf %add3A_510, %select_n3A_487 : vector<16xf32>
        %sub3A_530 = arith.constant 1.000000e+00 : f32
        %sub3A_531 = vector.broadcast %sub3A_530 : f32 to vector<16xf32>
        %sub3A_532 = arith.subf %sub3A_531, %add3A_510 : vector<16xf32>
        %mul3A_533 = arith.mulf %sub3A_532, %select_n3A_481 : vector<16xf32>
        %add3A_534 = arith.addf %mul3A_529, %mul3A_533 : vector<16xf32>
        %mul3A_535 = arith.mulf %add3A_492, %add3A_522 : vector<16xf32>
        %sub3A_536 = arith.constant 1.000000e+00 : f32
        %sub3A_537 = vector.broadcast %sub3A_536 : f32 to vector<16xf32>
        %sub3A_538 = arith.subf %sub3A_537, %add3A_492 : vector<16xf32>
        %mul3A_539 = arith.mulf %sub3A_538, %add3A_516 : vector<16xf32>
        %add3A_540 = arith.addf %mul3A_535, %mul3A_539 : vector<16xf32>
        %mul3A_541 = arith.mulf %add3A_492, %add3A_534 : vector<16xf32>
        %sub3A_542 = arith.constant 1.000000e+00 : f32
        %sub3A_543 = vector.broadcast %sub3A_542 : f32 to vector<16xf32>
        %sub3A_544 = arith.subf %sub3A_543, %add3A_492 : vector<16xf32>
        %mul3A_545 = arith.mulf %sub3A_544, %add3A_528 : vector<16xf32>
        %add3A_546 = arith.addf %mul3A_541, %mul3A_545 : vector<16xf32>
        %mul3A_547 = arith.mulf %select_n3A, %add3A_546 : vector<16xf32>
        %sub3A_548 = arith.constant 1.000000e+00 : f32
        %sub3A_549 = vector.broadcast %sub3A_548 : f32 to vector<16xf32>
        %sub3A_550 = arith.subf %sub3A_549, %select_n3A : vector<16xf32>
        %mul3A_551 = arith.mulf %sub3A_550, %add3A_540 : vector<16xf32>
        %add3A_552 = arith.addf %mul3A_547, %mul3A_551 : vector<16xf32>
        %mul3A_553 = arith.constant 8.000000e+00 : f32
        %mul3A_554 = vector.broadcast %mul3A_553 : f32 to vector<16xf32>
        %mul3A_555 = arith.mulf %select_n3A, %mul3A_554 : vector<16xf32>
        %mul3A_556 = arith.constant 4.000000e+00 : f32
        %mul3A_557 = vector.broadcast %mul3A_556 : f32 to vector<16xf32>
        %mul3A_558 = arith.mulf %add3A_492, %mul3A_557 : vector<16xf32>
        %add3A_559 = arith.addf %mul3A_555, %mul3A_558 : vector<16xf32>
        %mul3A_560 = arith.constant 2.000000e+00 : f32
        %mul3A_561 = vector.broadcast %mul3A_560 : f32 to vector<16xf32>
        %mul3A_562 = arith.mulf %add3A_510, %mul3A_561 : vector<16xf32>
        %add3A_563 = arith.addf %add3A_559, %mul3A_562 : vector<16xf32>
        %add3A_564 = arith.addf %add3A_563, %add3A_552 : vector<16xf32>
        %mul3A_565 = arith.constant 16 : i32
        %mul3A_566 = arith.muli %mul3A_15, %mul3A_565 : i32
        %add3A_567 = arith.addi %mul3A_566, %scan3A_397 : i32
        %swap3A = arith.index_cast %add3A_567 : i32 to index
        %swap3A_568 = arith.constant 48 : index
        %swap3A_569 = tpu.vector_load %arg10[%swap3A, %swap3A_568] {strides = array<i32>} : memref<128x64xf32, #tpu.memory_space<vmem>>, vector<16xf32>,
        tpu.vector_store %arg10[%swap3A, %swap3A_568], %add3A_564 {strides = array<i32>} : memref<128x64xf32, #tpu.memory_space<vmem>>, vector<16xf32>,
      }
      %scan3A_205 = arith.constant 16 : i32
      %add3A_206 = arith.constant 2 : i32
      %add3A_207 = arith.addi %mul3A_15, %add3A_206 : i32
      %lt3A = arith.constant 8 : i32
      %lt3A_208 = arith.cmpi slt, %add3A_207, %lt3A : i32
      %convert_element_type3A = arith.extui %lt3A_208 : i1 to i32
      %cond3A = arith.constant 0 : i32
      %cond3A_209 = arith.cmpi ne, %convert_element_type3A, %cond3A : i32
      scf.if %cond3A_209 {
        %add3A_397 = arith.constant 2 : i32
        %add3A_398 = arith.addi %mul3A_15, %add3A_397 : i32
        %mul3A_399 = arith.constant 16 : i32
        %mul3A_400 = arith.muli %add3A_398, %mul3A_399 : i32
        %add3A_401 = arith.addi %mul3A_2, %mul3A_400 : i32
        %dma_start3A_402 = arith.constant 0 : i32
        %dma_start3A_403 = tpu.memref_slice %arg2[%add3A_401, %dma_start3A_402] : memref<4096x1024xf32, #tpu.memory_space<hbm>> -> memref<16x1024xf32, #tpu.memory_space<hbm>>
        %dma_start3A_404 = arith.constant 0 : i32
        %dma_start3A_405 = tpu.memref_slice %arg2[%add3A_401, %dma_start3A_404] : memref<4096x1024xf32, #tpu.memory_space<hbm>> -> memref<16x1024xf32, #tpu.memory_space<hbm>>
        tpu.enqueue_dma source(%dma_start3A_405 : memref<16x1024xf32, #tpu.memory_space<hbm>>) target(%arg8 : memref<16x1024xf32, #tpu.memory_space<vmem>>) target_semaphore(%arg11 : memref<!tpu.dma_semaphore, #tpu.memory_space<semaphore_mem>>)
      } else {
      }
      %add3A_210 = arith.constant 1 : i32
      %add3A_211 = arith.addi %mul3A_15, %add3A_210 : i32
      %mul3A_212 = arith.constant 16 : i32
      %mul3A_213 = arith.muli %add3A_211, %mul3A_212 : i32
      %add3A_214 = arith.addi %mul3A_2, %mul3A_213 : i32
      %dma_wait3A_215 = arith.constant 0 : i32
      %dma_wait3A_216 = tpu.memref_slice %arg2[%add3A_214, %dma_wait3A_215] : memref<4096x1024xf32, #tpu.memory_space<hbm>> -> memref<16x1024xf32, #tpu.memory_space<hbm>>
      %dma_wait3A_217 = arith.constant 0 : i32
      %dma_wait3A_218 = tpu.memref_slice %arg2[%add3A_214, %dma_wait3A_217] : memref<4096x1024xf32, #tpu.memory_space<hbm>> -> memref<16x1024xf32, #tpu.memory_space<hbm>>
      tpu.wait_dma2 semaphore(%arg12 : memref<!tpu.dma_semaphore, #tpu.memory_space<semaphore_mem>>) src(%dma_wait3A_218 : memref<16x1024xf32, #tpu.memory_space<hbm>>) dst(%arg9 : memref<16x1024xf32, #tpu.memory_space<vmem>>)
      %add3A_219 = arith.constant 1 : i32
      %add3A_220 = arith.addi %mul3A_15, %add3A_219 : i32
      %get3A_221 = arith.constant 0 : index
      %get3A_222 = tpu.vector_load %arg6[%get3A_221] {strides = array<i32>} : memref<256xi32, #tpu.memory_space<vmem>>, vector<16xi32>,
      %get3A_223 = arith.constant 64 : index
      %get3A_224 = tpu.vector_load %arg6[%get3A_223] {strides = array<i32>} : memref<256xi32, #tpu.memory_space<vmem>>, vector<16xi32>,
      %get3A_225 = arith.constant 128 : index
      %get3A_226 = tpu.vector_load %arg6[%get3A_225] {strides = array<i32>} : memref<256xi32, #tpu.memory_space<vmem>>, vector<16xi32>,
      %get3A_227 = arith.constant 192 : index
      %get3A_228 = tpu.vector_load %arg6[%get3A_227] {strides = array<i32>} : memref<256xi32, #tpu.memory_space<vmem>>, vector<16xi32>,
      %get3A_229 = arith.constant 0 : index
      %get3A_230 = tpu.vector_load %arg7[%get3A_229] {strides = array<i32>} : memref<960xf32, #tpu.memory_space<vmem>>, vector<16xf32>,
      %get3A_231 = arith.constant 64 : index
      %get3A_232 = tpu.vector_load %arg7[%get3A_231] {strides = array<i32>} : memref<960xf32, #tpu.memory_space<vmem>>, vector<16xf32>,
      %get3A_233 = arith.constant 128 : index
      %get3A_234 = tpu.vector_load %arg7[%get3A_233] {strides = array<i32>} : memref<960xf32, #tpu.memory_space<vmem>>, vector<16xf32>,
      %get3A_235 = arith.constant 192 : index
      %get3A_236 = tpu.vector_load %arg7[%get3A_235] {strides = array<i32>} : memref<960xf32, #tpu.memory_space<vmem>>, vector<16xf32>,
      %get3A_237 = arith.constant 256 : index
      %get3A_238 = tpu.vector_load %arg7[%get3A_237] {strides = array<i32>} : memref<960xf32, #tpu.memory_space<vmem>>, vector<16xf32>,
      %get3A_239 = arith.constant 320 : index
      %get3A_240 = tpu.vector_load %arg7[%get3A_239] {strides = array<i32>} : memref<960xf32, #tpu.memory_space<vmem>>, vector<16xf32>,
      %get3A_241 = arith.constant 384 : index
      %get3A_242 = tpu.vector_load %arg7[%get3A_241] {strides = array<i32>} : memref<960xf32, #tpu.memory_space<vmem>>, vector<16xf32>,
      %get3A_243 = arith.constant 448 : index
      %get3A_244 = tpu.vector_load %arg7[%get3A_243] {strides = array<i32>} : memref<960xf32, #tpu.memory_space<vmem>>, vector<16xf32>,
      %get3A_245 = arith.constant 512 : index
      %get3A_246 = tpu.vector_load %arg7[%get3A_245] {strides = array<i32>} : memref<960xf32, #tpu.memory_space<vmem>>, vector<16xf32>,
      %get3A_247 = arith.constant 576 : index
      %get3A_248 = tpu.vector_load %arg7[%get3A_247] {strides = array<i32>} : memref<960xf32, #tpu.memory_space<vmem>>, vector<16xf32>,
      %get3A_249 = arith.constant 640 : index
      %get3A_250 = tpu.vector_load %arg7[%get3A_249] {strides = array<i32>} : memref<960xf32, #tpu.memory_space<vmem>>, vector<16xf32>,
      %get3A_251 = arith.constant 704 : index
      %get3A_252 = tpu.vector_load %arg7[%get3A_251] {strides = array<i32>} : memref<960xf32, #tpu.memory_space<vmem>>, vector<16xf32>,
      %get3A_253 = arith.constant 768 : index
      %get3A_254 = tpu.vector_load %arg7[%get3A_253] {strides = array<i32>} : memref<960xf32, #tpu.memory_space<vmem>>, vector<16xf32>,
      %get3A_255 = arith.constant 832 : index
      %get3A_256 = tpu.vector_load %arg7[%get3A_255] {strides = array<i32>} : memref<960xf32, #tpu.memory_space<vmem>>, vector<16xf32>,
      %get3A_257 = arith.constant 896 : index
      %get3A_258 = tpu.vector_load %arg7[%get3A_257] {strides = array<i32>} : memref<960xf32, #tpu.memory_space<vmem>>, vector<16xf32>,
      %scan3A_259 = arith.constant 0 : i32
      %scan3A_260 = arith.constant 0 : i32
      %scan3A_261 = arith.constant 16 : i32
      %scan3A_262 = arith.addi %scan3A_260, %scan3A_261 : i32
      %scan3A_263 = arith.constant 1 : i32
      scf.for %scan3A_397 = %scan3A_260 to %scan3A_262 step %scan3A_263  : i32 {
        %broadcast_in_dim3A = vector.broadcast %scan3A_397 : i32 to vector<16xi32>
        %gather3A = tpu.vector_load_idx %arg9[%broadcast_in_dim3A, %get3A_222] : memref<16x1024xf32, #tpu.memory_space<vmem>>[vector<16xi32>, vector<16xi32>], vector<16xf32>,
        %gather3A_398 = tpu.vector_load_idx %arg9[%broadcast_in_dim3A, %get3A_224] : memref<16x1024xf32, #tpu.memory_space<vmem>>[vector<16xi32>, vector<16xi32>], vector<16xf32>,
        %gather3A_399 = tpu.vector_load_idx %arg9[%broadcast_in_dim3A, %get3A_226] : memref<16x1024xf32, #tpu.memory_space<vmem>>[vector<16xi32>, vector<16xi32>], vector<16xf32>,
        %gather3A_400 = tpu.vector_load_idx %arg9[%broadcast_in_dim3A, %get3A_228] : memref<16x1024xf32, #tpu.memory_space<vmem>>[vector<16xi32>, vector<16xi32>], vector<16xf32>,
        %gt3A = arith.cmpf ogt, %gather3A, %get3A_230 : vector<16xf32>
        %jit3A = arith.constant 1.000000e+00 : f32
        %jit3A_401 = arith.constant 0.000000e+00 : f32
        %broadcast_in_dim3A_402 = vector.broadcast %jit3A : f32 to vector<16xf32>
        %broadcast_in_dim3A_403 = vector.broadcast %jit3A_401 : f32 to vector<16xf32>
        %select_n3A = arith.select %gt3A, %broadcast_in_dim3A_402, %broadcast_in_dim3A_403 : vector<16xi1>, vector<16xf32>
        %gt3A_404 = arith.cmpf ogt, %gather3A_398, %get3A_232 : vector<16xf32>
        %jit3A_405 = arith.constant 1.000000e+00 : f32
        %jit3A_406 = arith.constant 0.000000e+00 : f32
        %broadcast_in_dim3A_407 = vector.broadcast %jit3A_405 : f32 to vector<16xf32>
        %broadcast_in_dim3A_408 = vector.broadcast %jit3A_406 : f32 to vector<16xf32>
        %select_n3A_409 = arith.select %gt3A_404, %broadcast_in_dim3A_407, %broadcast_in_dim3A_408 : vector<16xi1>, vector<16xf32>
        %gt3A_410 = arith.cmpf ogt, %gather3A_398, %get3A_234 : vector<16xf32>
        %jit3A_411 = arith.constant 1.000000e+00 : f32
        %jit3A_412 = arith.constant 0.000000e+00 : f32
        %broadcast_in_dim3A_413 = vector.broadcast %jit3A_411 : f32 to vector<16xf32>
        %broadcast_in_dim3A_414 = vector.broadcast %jit3A_412 : f32 to vector<16xf32>
        %select_n3A_415 = arith.select %gt3A_410, %broadcast_in_dim3A_413, %broadcast_in_dim3A_414 : vector<16xi1>, vector<16xf32>
        %gt3A_416 = arith.cmpf ogt, %gather3A_399, %get3A_236 : vector<16xf32>
        %jit3A_417 = arith.constant 1.000000e+00 : f32
        %jit3A_418 = arith.constant 0.000000e+00 : f32
        %broadcast_in_dim3A_419 = vector.broadcast %jit3A_417 : f32 to vector<16xf32>
        %broadcast_in_dim3A_420 = vector.broadcast %jit3A_418 : f32 to vector<16xf32>
        %select_n3A_421 = arith.select %gt3A_416, %broadcast_in_dim3A_419, %broadcast_in_dim3A_420 : vector<16xi1>, vector<16xf32>
        %gt3A_422 = arith.cmpf ogt, %gather3A_399, %get3A_238 : vector<16xf32>
        %jit3A_423 = arith.constant 1.000000e+00 : f32
        %jit3A_424 = arith.constant 0.000000e+00 : f32
        %broadcast_in_dim3A_425 = vector.broadcast %jit3A_423 : f32 to vector<16xf32>
        %broadcast_in_dim3A_426 = vector.broadcast %jit3A_424 : f32 to vector<16xf32>
        %select_n3A_427 = arith.select %gt3A_422, %broadcast_in_dim3A_425, %broadcast_in_dim3A_426 : vector<16xi1>, vector<16xf32>
        %gt3A_428 = arith.cmpf ogt, %gather3A_399, %get3A_240 : vector<16xf32>
        %jit3A_429 = arith.constant 1.000000e+00 : f32
        %jit3A_430 = arith.constant 0.000000e+00 : f32
        %broadcast_in_dim3A_431 = vector.broadcast %jit3A_429 : f32 to vector<16xf32>
        %broadcast_in_dim3A_432 = vector.broadcast %jit3A_430 : f32 to vector<16xf32>
        %select_n3A_433 = arith.select %gt3A_428, %broadcast_in_dim3A_431, %broadcast_in_dim3A_432 : vector<16xi1>, vector<16xf32>
        %gt3A_434 = arith.cmpf ogt, %gather3A_399, %get3A_242 : vector<16xf32>
        %jit3A_435 = arith.constant 1.000000e+00 : f32
        %jit3A_436 = arith.constant 0.000000e+00 : f32
        %broadcast_in_dim3A_437 = vector.broadcast %jit3A_435 : f32 to vector<16xf32>
        %broadcast_in_dim3A_438 = vector.broadcast %jit3A_436 : f32 to vector<16xf32>
        %select_n3A_439 = arith.select %gt3A_434, %broadcast_in_dim3A_437, %broadcast_in_dim3A_438 : vector<16xi1>, vector<16xf32>
        %gt3A_440 = arith.cmpf ogt, %gather3A_400, %get3A_244 : vector<16xf32>
        %jit3A_441 = arith.constant 1.000000e+00 : f32
        %jit3A_442 = arith.constant 0.000000e+00 : f32
        %broadcast_in_dim3A_443 = vector.broadcast %jit3A_441 : f32 to vector<16xf32>
        %broadcast_in_dim3A_444 = vector.broadcast %jit3A_442 : f32 to vector<16xf32>
        %select_n3A_445 = arith.select %gt3A_440, %broadcast_in_dim3A_443, %broadcast_in_dim3A_444 : vector<16xi1>, vector<16xf32>
        %gt3A_446 = arith.cmpf ogt, %gather3A_400, %get3A_246 : vector<16xf32>
        %jit3A_447 = arith.constant 1.000000e+00 : f32
        %jit3A_448 = arith.constant 0.000000e+00 : f32
        %broadcast_in_dim3A_449 = vector.broadcast %jit3A_447 : f32 to vector<16xf32>
        %broadcast_in_dim3A_450 = vector.broadcast %jit3A_448 : f32 to vector<16xf32>
        %select_n3A_451 = arith.select %gt3A_446, %broadcast_in_dim3A_449, %broadcast_in_dim3A_450 : vector<16xi1>, vector<16xf32>
        %gt3A_452 = arith.cmpf ogt, %gather3A_400, %get3A_248 : vector<16xf32>
        %jit3A_453 = arith.constant 1.000000e+00 : f32
        %jit3A_454 = arith.constant 0.000000e+00 : f32
        %broadcast_in_dim3A_455 = vector.broadcast %jit3A_453 : f32 to vector<16xf32>
        %broadcast_in_dim3A_456 = vector.broadcast %jit3A_454 : f32 to vector<16xf32>
        %select_n3A_457 = arith.select %gt3A_452, %broadcast_in_dim3A_455, %broadcast_in_dim3A_456 : vector<16xi1>, vector<16xf32>
        %gt3A_458 = arith.cmpf ogt, %gather3A_400, %get3A_250 : vector<16xf32>
        %jit3A_459 = arith.constant 1.000000e+00 : f32
        %jit3A_460 = arith.constant 0.000000e+00 : f32
        %broadcast_in_dim3A_461 = vector.broadcast %jit3A_459 : f32 to vector<16xf32>
        %broadcast_in_dim3A_462 = vector.broadcast %jit3A_460 : f32 to vector<16xf32>
        %select_n3A_463 = arith.select %gt3A_458, %broadcast_in_dim3A_461, %broadcast_in_dim3A_462 : vector<16xi1>, vector<16xf32>
        %gt3A_464 = arith.cmpf ogt, %gather3A_400, %get3A_252 : vector<16xf32>
        %jit3A_465 = arith.constant 1.000000e+00 : f32
        %jit3A_466 = arith.constant 0.000000e+00 : f32
        %broadcast_in_dim3A_467 = vector.broadcast %jit3A_465 : f32 to vector<16xf32>
        %broadcast_in_dim3A_468 = vector.broadcast %jit3A_466 : f32 to vector<16xf32>
        %select_n3A_469 = arith.select %gt3A_464, %broadcast_in_dim3A_467, %broadcast_in_dim3A_468 : vector<16xi1>, vector<16xf32>
        %gt3A_470 = arith.cmpf ogt, %gather3A_400, %get3A_254 : vector<16xf32>
        %jit3A_471 = arith.constant 1.000000e+00 : f32
        %jit3A_472 = arith.constant 0.000000e+00 : f32
        %broadcast_in_dim3A_473 = vector.broadcast %jit3A_471 : f32 to vector<16xf32>
        %broadcast_in_dim3A_474 = vector.broadcast %jit3A_472 : f32 to vector<16xf32>
        %select_n3A_475 = arith.select %gt3A_470, %broadcast_in_dim3A_473, %broadcast_in_dim3A_474 : vector<16xi1>, vector<16xf32>
        %gt3A_476 = arith.cmpf ogt, %gather3A_400, %get3A_256 : vector<16xf32>
        %jit3A_477 = arith.constant 1.000000e+00 : f32
        %jit3A_478 = arith.constant 0.000000e+00 : f32
        %broadcast_in_dim3A_479 = vector.broadcast %jit3A_477 : f32 to vector<16xf32>
        %broadcast_in_dim3A_480 = vector.broadcast %jit3A_478 : f32 to vector<16xf32>
        %select_n3A_481 = arith.select %gt3A_476, %broadcast_in_dim3A_479, %broadcast_in_dim3A_480 : vector<16xi1>, vector<16xf32>
        %gt3A_482 = arith.cmpf ogt, %gather3A_400, %get3A_258 : vector<16xf32>
        %jit3A_483 = arith.constant 1.000000e+00 : f32
        %jit3A_484 = arith.constant 0.000000e+00 : f32
        %broadcast_in_dim3A_485 = vector.broadcast %jit3A_483 : f32 to vector<16xf32>
        %broadcast_in_dim3A_486 = vector.broadcast %jit3A_484 : f32 to vector<16xf32>
        %select_n3A_487 = arith.select %gt3A_482, %broadcast_in_dim3A_485, %broadcast_in_dim3A_486 : vector<16xi1>, vector<16xf32>
        %mul3A_488 = arith.mulf %select_n3A, %select_n3A_415 : vector<16xf32>
        %sub3A = arith.constant 1.000000e+00 : f32
        %sub3A_489 = vector.broadcast %sub3A : f32 to vector<16xf32>
        %sub3A_490 = arith.subf %sub3A_489, %select_n3A : vector<16xf32>
        %mul3A_491 = arith.mulf %sub3A_490, %select_n3A_409 : vector<16xf32>
        %add3A_492 = arith.addf %mul3A_488, %mul3A_491 : vector<16xf32>
        %mul3A_493 = arith.mulf %add3A_492, %select_n3A_427 : vector<16xf32>
        %sub3A_494 = arith.constant 1.000000e+00 : f32
        %sub3A_495 = vector.broadcast %sub3A_494 : f32 to vector<16xf32>
        %sub3A_496 = arith.subf %sub3A_495, %add3A_492 : vector<16xf32>
        %mul3A_497 = arith.mulf %sub3A_496, %select_n3A_421 : vector<16xf32>
        %add3A_498 = arith.addf %mul3A_493, %mul3A_497 : vector<16xf32>
        %mul3A_499 = arith.mulf %add3A_492, %select_n3A_439 : vector<16xf32>
        %sub3A_500 = arith.constant 1.000000e+00 : f32
        %sub3A_501 = vector.broadcast %sub3A_500 : f32 to vector<16xf32>
        %sub3A_502 = arith.subf %sub3A_501, %add3A_492 : vector<16xf32>
        %mul3A_503 = arith.mulf %sub3A_502, %select_n3A_433 : vector<16xf32>
        %add3A_504 = arith.addf %mul3A_499, %mul3A_503 : vector<16xf32>
        %mul3A_505 = arith.mulf %select_n3A, %add3A_504 : vector<16xf32>
        %sub3A_506 = arith.constant 1.000000e+00 : f32
        %sub3A_507 = vector.broadcast %sub3A_506 : f32 to vector<16xf32>
        %sub3A_508 = arith.subf %sub3A_507, %select_n3A : vector<16xf32>
        %mul3A_509 = arith.mulf %sub3A_508, %add3A_498 : vector<16xf32>
        %add3A_510 = arith.addf %mul3A_505, %mul3A_509 : vector<16xf32>
        %mul3A_511 = arith.mulf %add3A_510, %select_n3A_451 : vector<16xf32>
        %sub3A_512 = arith.constant 1.000000e+00 : f32
        %sub3A_513 = vector.broadcast %sub3A_512 : f32 to vector<16xf32>
        %sub3A_514 = arith.subf %sub3A_513, %add3A_510 : vector<16xf32>
        %mul3A_515 = arith.mulf %sub3A_514, %select_n3A_445 : vector<16xf32>
        %add3A_516 = arith.addf %mul3A_511, %mul3A_515 : vector<16xf32>
        %mul3A_517 = arith.mulf %add3A_510, %select_n3A_463 : vector<16xf32>
        %sub3A_518 = arith.constant 1.000000e+00 : f32
        %sub3A_519 = vector.broadcast %sub3A_518 : f32 to vector<16xf32>
        %sub3A_520 = arith.subf %sub3A_519, %add3A_510 : vector<16xf32>
        %mul3A_521 = arith.mulf %sub3A_520, %select_n3A_457 : vector<16xf32>
        %add3A_522 = arith.addf %mul3A_517, %mul3A_521 : vector<16xf32>
        %mul3A_523 = arith.mulf %add3A_510, %select_n3A_475 : vector<16xf32>
        %sub3A_524 = arith.constant 1.000000e+00 : f32
        %sub3A_525 = vector.broadcast %sub3A_524 : f32 to vector<16xf32>
        %sub3A_526 = arith.subf %sub3A_525, %add3A_510 : vector<16xf32>
        %mul3A_527 = arith.mulf %sub3A_526, %select_n3A_469 : vector<16xf32>
        %add3A_528 = arith.addf %mul3A_523, %mul3A_527 : vector<16xf32>
        %mul3A_529 = arith.mulf %add3A_510, %select_n3A_487 : vector<16xf32>
        %sub3A_530 = arith.constant 1.000000e+00 : f32
        %sub3A_531 = vector.broadcast %sub3A_530 : f32 to vector<16xf32>
        %sub3A_532 = arith.subf %sub3A_531, %add3A_510 : vector<16xf32>
        %mul3A_533 = arith.mulf %sub3A_532, %select_n3A_481 : vector<16xf32>
        %add3A_534 = arith.addf %mul3A_529, %mul3A_533 : vector<16xf32>
        %mul3A_535 = arith.mulf %add3A_492, %add3A_522 : vector<16xf32>
        %sub3A_536 = arith.constant 1.000000e+00 : f32
        %sub3A_537 = vector.broadcast %sub3A_536 : f32 to vector<16xf32>
        %sub3A_538 = arith.subf %sub3A_537, %add3A_492 : vector<16xf32>
        %mul3A_539 = arith.mulf %sub3A_538, %add3A_516 : vector<16xf32>
        %add3A_540 = arith.addf %mul3A_535, %mul3A_539 : vector<16xf32>
        %mul3A_541 = arith.mulf %add3A_492, %add3A_534 : vector<16xf32>
        %sub3A_542 = arith.constant 1.000000e+00 : f32
        %sub3A_543 = vector.broadcast %sub3A_542 : f32 to vector<16xf32>
        %sub3A_544 = arith.subf %sub3A_543, %add3A_492 : vector<16xf32>
        %mul3A_545 = arith.mulf %sub3A_544, %add3A_528 : vector<16xf32>
        %add3A_546 = arith.addf %mul3A_541, %mul3A_545 : vector<16xf32>
        %mul3A_547 = arith.mulf %select_n3A, %add3A_546 : vector<16xf32>
        %sub3A_548 = arith.constant 1.000000e+00 : f32
        %sub3A_549 = vector.broadcast %sub3A_548 : f32 to vector<16xf32>
        %sub3A_550 = arith.subf %sub3A_549, %select_n3A : vector<16xf32>
        %mul3A_551 = arith.mulf %sub3A_550, %add3A_540 : vector<16xf32>
        %add3A_552 = arith.addf %mul3A_547, %mul3A_551 : vector<16xf32>
        %mul3A_553 = arith.constant 8.000000e+00 : f32
        %mul3A_554 = vector.broadcast %mul3A_553 : f32 to vector<16xf32>
        %mul3A_555 = arith.mulf %select_n3A, %mul3A_554 : vector<16xf32>
        %mul3A_556 = arith.constant 4.000000e+00 : f32
        %mul3A_557 = vector.broadcast %mul3A_556 : f32 to vector<16xf32>
        %mul3A_558 = arith.mulf %add3A_492, %mul3A_557 : vector<16xf32>
        %add3A_559 = arith.addf %mul3A_555, %mul3A_558 : vector<16xf32>
        %mul3A_560 = arith.constant 2.000000e+00 : f32
        %mul3A_561 = vector.broadcast %mul3A_560 : f32 to vector<16xf32>
        %mul3A_562 = arith.mulf %add3A_510, %mul3A_561 : vector<16xf32>
        %add3A_563 = arith.addf %add3A_559, %mul3A_562 : vector<16xf32>
        %add3A_564 = arith.addf %add3A_563, %add3A_552 : vector<16xf32>
        %mul3A_565 = arith.constant 16 : i32
        %mul3A_566 = arith.muli %add3A_220, %mul3A_565 : i32
        %add3A_567 = arith.addi %mul3A_566, %scan3A_397 : i32
        %swap3A = arith.index_cast %add3A_567 : i32 to index
        %swap3A_568 = arith.constant 0 : index
        %swap3A_569 = tpu.vector_load %arg10[%swap3A, %swap3A_568] {strides = array<i32>} : memref<128x64xf32, #tpu.memory_space<vmem>>, vector<16xf32>,
        tpu.vector_store %arg10[%swap3A, %swap3A_568], %add3A_564 {strides = array<i32>} : memref<128x64xf32, #tpu.memory_space<vmem>>, vector<16xf32>,
      }
      %scan3A_264 = arith.constant 16 : i32
      %get3A_265 = arith.constant 16 : index
      %get3A_266 = tpu.vector_load %arg6[%get3A_265] {strides = array<i32>} : memref<256xi32, #tpu.memory_space<vmem>>, vector<16xi32>,
      %get3A_267 = arith.constant 80 : index
      %get3A_268 = tpu.vector_load %arg6[%get3A_267] {strides = array<i32>} : memref<256xi32, #tpu.memory_space<vmem>>, vector<16xi32>,
      %get3A_269 = arith.constant 144 : index
      %get3A_270 = tpu.vector_load %arg6[%get3A_269] {strides = array<i32>} : memref<256xi32, #tpu.memory_space<vmem>>, vector<16xi32>,
      %get3A_271 = arith.constant 208 : index
      %get3A_272 = tpu.vector_load %arg6[%get3A_271] {strides = array<i32>} : memref<256xi32, #tpu.memory_space<vmem>>, vector<16xi32>,
      %get3A_273 = arith.constant 16 : index
      %get3A_274 = tpu.vector_load %arg7[%get3A_273] {strides = array<i32>} : memref<960xf32, #tpu.memory_space<vmem>>, vector<16xf32>,
      %get3A_275 = arith.constant 80 : index
      %get3A_276 = tpu.vector_load %arg7[%get3A_275] {strides = array<i32>} : memref<960xf32, #tpu.memory_space<vmem>>, vector<16xf32>,
      %get3A_277 = arith.constant 144 : index
      %get3A_278 = tpu.vector_load %arg7[%get3A_277] {strides = array<i32>} : memref<960xf32, #tpu.memory_space<vmem>>, vector<16xf32>,
      %get3A_279 = arith.constant 208 : index
      %get3A_280 = tpu.vector_load %arg7[%get3A_279] {strides = array<i32>} : memref<960xf32, #tpu.memory_space<vmem>>, vector<16xf32>,
      %get3A_281 = arith.constant 272 : index
      %get3A_282 = tpu.vector_load %arg7[%get3A_281] {strides = array<i32>} : memref<960xf32, #tpu.memory_space<vmem>>, vector<16xf32>,
      %get3A_283 = arith.constant 336 : index
      %get3A_284 = tpu.vector_load %arg7[%get3A_283] {strides = array<i32>} : memref<960xf32, #tpu.memory_space<vmem>>, vector<16xf32>,
      %get3A_285 = arith.constant 400 : index
      %get3A_286 = tpu.vector_load %arg7[%get3A_285] {strides = array<i32>} : memref<960xf32, #tpu.memory_space<vmem>>, vector<16xf32>,
      %get3A_287 = arith.constant 464 : index
      %get3A_288 = tpu.vector_load %arg7[%get3A_287] {strides = array<i32>} : memref<960xf32, #tpu.memory_space<vmem>>, vector<16xf32>,
      %get3A_289 = arith.constant 528 : index
      %get3A_290 = tpu.vector_load %arg7[%get3A_289] {strides = array<i32>} : memref<960xf32, #tpu.memory_space<vmem>>, vector<16xf32>,
      %get3A_291 = arith.constant 592 : index
      %get3A_292 = tpu.vector_load %arg7[%get3A_291] {strides = array<i32>} : memref<960xf32, #tpu.memory_space<vmem>>, vector<16xf32>,
      %get3A_293 = arith.constant 656 : index
      %get3A_294 = tpu.vector_load %arg7[%get3A_293] {strides = array<i32>} : memref<960xf32, #tpu.memory_space<vmem>>, vector<16xf32>,
      %get3A_295 = arith.constant 720 : index
      %get3A_296 = tpu.vector_load %arg7[%get3A_295] {strides = array<i32>} : memref<960xf32, #tpu.memory_space<vmem>>, vector<16xf32>,
      %get3A_297 = arith.constant 784 : index
      %get3A_298 = tpu.vector_load %arg7[%get3A_297] {strides = array<i32>} : memref<960xf32, #tpu.memory_space<vmem>>, vector<16xf32>,
      %get3A_299 = arith.constant 848 : index
      %get3A_300 = tpu.vector_load %arg7[%get3A_299] {strides = array<i32>} : memref<960xf32, #tpu.memory_space<vmem>>, vector<16xf32>,
      %get3A_301 = arith.constant 912 : index
      %get3A_302 = tpu.vector_load %arg7[%get3A_301] {strides = array<i32>} : memref<960xf32, #tpu.memory_space<vmem>>, vector<16xf32>,
      %scan3A_303 = arith.constant 0 : i32
      %scan3A_304 = arith.constant 0 : i32
      %scan3A_305 = arith.constant 16 : i32
      %scan3A_306 = arith.addi %scan3A_304, %scan3A_305 : i32
      %scan3A_307 = arith.constant 1 : i32
      scf.for %scan3A_397 = %scan3A_304 to %scan3A_306 step %scan3A_307  : i32 {
        %broadcast_in_dim3A = vector.broadcast %scan3A_397 : i32 to vector<16xi32>
        %gather3A = tpu.vector_load_idx %arg9[%broadcast_in_dim3A, %get3A_266] : memref<16x1024xf32, #tpu.memory_space<vmem>>[vector<16xi32>, vector<16xi32>], vector<16xf32>,
        %gather3A_398 = tpu.vector_load_idx %arg9[%broadcast_in_dim3A, %get3A_268] : memref<16x1024xf32, #tpu.memory_space<vmem>>[vector<16xi32>, vector<16xi32>], vector<16xf32>,
        %gather3A_399 = tpu.vector_load_idx %arg9[%broadcast_in_dim3A, %get3A_270] : memref<16x1024xf32, #tpu.memory_space<vmem>>[vector<16xi32>, vector<16xi32>], vector<16xf32>,
        %gather3A_400 = tpu.vector_load_idx %arg9[%broadcast_in_dim3A, %get3A_272] : memref<16x1024xf32, #tpu.memory_space<vmem>>[vector<16xi32>, vector<16xi32>], vector<16xf32>,
        %gt3A = arith.cmpf ogt, %gather3A, %get3A_274 : vector<16xf32>
        %jit3A = arith.constant 1.000000e+00 : f32
        %jit3A_401 = arith.constant 0.000000e+00 : f32
        %broadcast_in_dim3A_402 = vector.broadcast %jit3A : f32 to vector<16xf32>
        %broadcast_in_dim3A_403 = vector.broadcast %jit3A_401 : f32 to vector<16xf32>
        %select_n3A = arith.select %gt3A, %broadcast_in_dim3A_402, %broadcast_in_dim3A_403 : vector<16xi1>, vector<16xf32>
        %gt3A_404 = arith.cmpf ogt, %gather3A_398, %get3A_276 : vector<16xf32>
        %jit3A_405 = arith.constant 1.000000e+00 : f32
        %jit3A_406 = arith.constant 0.000000e+00 : f32
        %broadcast_in_dim3A_407 = vector.broadcast %jit3A_405 : f32 to vector<16xf32>
        %broadcast_in_dim3A_408 = vector.broadcast %jit3A_406 : f32 to vector<16xf32>
        %select_n3A_409 = arith.select %gt3A_404, %broadcast_in_dim3A_407, %broadcast_in_dim3A_408 : vector<16xi1>, vector<16xf32>
        %gt3A_410 = arith.cmpf ogt, %gather3A_398, %get3A_278 : vector<16xf32>
        %jit3A_411 = arith.constant 1.000000e+00 : f32
        %jit3A_412 = arith.constant 0.000000e+00 : f32
        %broadcast_in_dim3A_413 = vector.broadcast %jit3A_411 : f32 to vector<16xf32>
        %broadcast_in_dim3A_414 = vector.broadcast %jit3A_412 : f32 to vector<16xf32>
        %select_n3A_415 = arith.select %gt3A_410, %broadcast_in_dim3A_413, %broadcast_in_dim3A_414 : vector<16xi1>, vector<16xf32>
        %gt3A_416 = arith.cmpf ogt, %gather3A_399, %get3A_280 : vector<16xf32>
        %jit3A_417 = arith.constant 1.000000e+00 : f32
        %jit3A_418 = arith.constant 0.000000e+00 : f32
        %broadcast_in_dim3A_419 = vector.broadcast %jit3A_417 : f32 to vector<16xf32>
        %broadcast_in_dim3A_420 = vector.broadcast %jit3A_418 : f32 to vector<16xf32>
        %select_n3A_421 = arith.select %gt3A_416, %broadcast_in_dim3A_419, %broadcast_in_dim3A_420 : vector<16xi1>, vector<16xf32>
        %gt3A_422 = arith.cmpf ogt, %gather3A_399, %get3A_282 : vector<16xf32>
        %jit3A_423 = arith.constant 1.000000e+00 : f32
        %jit3A_424 = arith.constant 0.000000e+00 : f32
        %broadcast_in_dim3A_425 = vector.broadcast %jit3A_423 : f32 to vector<16xf32>
        %broadcast_in_dim3A_426 = vector.broadcast %jit3A_424 : f32 to vector<16xf32>
        %select_n3A_427 = arith.select %gt3A_422, %broadcast_in_dim3A_425, %broadcast_in_dim3A_426 : vector<16xi1>, vector<16xf32>
        %gt3A_428 = arith.cmpf ogt, %gather3A_399, %get3A_284 : vector<16xf32>
        %jit3A_429 = arith.constant 1.000000e+00 : f32
        %jit3A_430 = arith.constant 0.000000e+00 : f32
        %broadcast_in_dim3A_431 = vector.broadcast %jit3A_429 : f32 to vector<16xf32>
        %broadcast_in_dim3A_432 = vector.broadcast %jit3A_430 : f32 to vector<16xf32>
        %select_n3A_433 = arith.select %gt3A_428, %broadcast_in_dim3A_431, %broadcast_in_dim3A_432 : vector<16xi1>, vector<16xf32>
        %gt3A_434 = arith.cmpf ogt, %gather3A_399, %get3A_286 : vector<16xf32>
        %jit3A_435 = arith.constant 1.000000e+00 : f32
        %jit3A_436 = arith.constant 0.000000e+00 : f32
        %broadcast_in_dim3A_437 = vector.broadcast %jit3A_435 : f32 to vector<16xf32>
        %broadcast_in_dim3A_438 = vector.broadcast %jit3A_436 : f32 to vector<16xf32>
        %select_n3A_439 = arith.select %gt3A_434, %broadcast_in_dim3A_437, %broadcast_in_dim3A_438 : vector<16xi1>, vector<16xf32>
        %gt3A_440 = arith.cmpf ogt, %gather3A_400, %get3A_288 : vector<16xf32>
        %jit3A_441 = arith.constant 1.000000e+00 : f32
        %jit3A_442 = arith.constant 0.000000e+00 : f32
        %broadcast_in_dim3A_443 = vector.broadcast %jit3A_441 : f32 to vector<16xf32>
        %broadcast_in_dim3A_444 = vector.broadcast %jit3A_442 : f32 to vector<16xf32>
        %select_n3A_445 = arith.select %gt3A_440, %broadcast_in_dim3A_443, %broadcast_in_dim3A_444 : vector<16xi1>, vector<16xf32>
        %gt3A_446 = arith.cmpf ogt, %gather3A_400, %get3A_290 : vector<16xf32>
        %jit3A_447 = arith.constant 1.000000e+00 : f32
        %jit3A_448 = arith.constant 0.000000e+00 : f32
        %broadcast_in_dim3A_449 = vector.broadcast %jit3A_447 : f32 to vector<16xf32>
        %broadcast_in_dim3A_450 = vector.broadcast %jit3A_448 : f32 to vector<16xf32>
        %select_n3A_451 = arith.select %gt3A_446, %broadcast_in_dim3A_449, %broadcast_in_dim3A_450 : vector<16xi1>, vector<16xf32>
        %gt3A_452 = arith.cmpf ogt, %gather3A_400, %get3A_292 : vector<16xf32>
        %jit3A_453 = arith.constant 1.000000e+00 : f32
        %jit3A_454 = arith.constant 0.000000e+00 : f32
        %broadcast_in_dim3A_455 = vector.broadcast %jit3A_453 : f32 to vector<16xf32>
        %broadcast_in_dim3A_456 = vector.broadcast %jit3A_454 : f32 to vector<16xf32>
        %select_n3A_457 = arith.select %gt3A_452, %broadcast_in_dim3A_455, %broadcast_in_dim3A_456 : vector<16xi1>, vector<16xf32>
        %gt3A_458 = arith.cmpf ogt, %gather3A_400, %get3A_294 : vector<16xf32>
        %jit3A_459 = arith.constant 1.000000e+00 : f32
        %jit3A_460 = arith.constant 0.000000e+00 : f32
        %broadcast_in_dim3A_461 = vector.broadcast %jit3A_459 : f32 to vector<16xf32>
        %broadcast_in_dim3A_462 = vector.broadcast %jit3A_460 : f32 to vector<16xf32>
        %select_n3A_463 = arith.select %gt3A_458, %broadcast_in_dim3A_461, %broadcast_in_dim3A_462 : vector<16xi1>, vector<16xf32>
        %gt3A_464 = arith.cmpf ogt, %gather3A_400, %get3A_296 : vector<16xf32>
        %jit3A_465 = arith.constant 1.000000e+00 : f32
        %jit3A_466 = arith.constant 0.000000e+00 : f32
        %broadcast_in_dim3A_467 = vector.broadcast %jit3A_465 : f32 to vector<16xf32>
        %broadcast_in_dim3A_468 = vector.broadcast %jit3A_466 : f32 to vector<16xf32>
        %select_n3A_469 = arith.select %gt3A_464, %broadcast_in_dim3A_467, %broadcast_in_dim3A_468 : vector<16xi1>, vector<16xf32>
        %gt3A_470 = arith.cmpf ogt, %gather3A_400, %get3A_298 : vector<16xf32>
        %jit3A_471 = arith.constant 1.000000e+00 : f32
        %jit3A_472 = arith.constant 0.000000e+00 : f32
        %broadcast_in_dim3A_473 = vector.broadcast %jit3A_471 : f32 to vector<16xf32>
        %broadcast_in_dim3A_474 = vector.broadcast %jit3A_472 : f32 to vector<16xf32>
        %select_n3A_475 = arith.select %gt3A_470, %broadcast_in_dim3A_473, %broadcast_in_dim3A_474 : vector<16xi1>, vector<16xf32>
        %gt3A_476 = arith.cmpf ogt, %gather3A_400, %get3A_300 : vector<16xf32>
        %jit3A_477 = arith.constant 1.000000e+00 : f32
        %jit3A_478 = arith.constant 0.000000e+00 : f32
        %broadcast_in_dim3A_479 = vector.broadcast %jit3A_477 : f32 to vector<16xf32>
        %broadcast_in_dim3A_480 = vector.broadcast %jit3A_478 : f32 to vector<16xf32>
        %select_n3A_481 = arith.select %gt3A_476, %broadcast_in_dim3A_479, %broadcast_in_dim3A_480 : vector<16xi1>, vector<16xf32>
        %gt3A_482 = arith.cmpf ogt, %gather3A_400, %get3A_302 : vector<16xf32>
        %jit3A_483 = arith.constant 1.000000e+00 : f32
        %jit3A_484 = arith.constant 0.000000e+00 : f32
        %broadcast_in_dim3A_485 = vector.broadcast %jit3A_483 : f32 to vector<16xf32>
        %broadcast_in_dim3A_486 = vector.broadcast %jit3A_484 : f32 to vector<16xf32>
        %select_n3A_487 = arith.select %gt3A_482, %broadcast_in_dim3A_485, %broadcast_in_dim3A_486 : vector<16xi1>, vector<16xf32>
        %mul3A_488 = arith.mulf %select_n3A, %select_n3A_415 : vector<16xf32>
        %sub3A = arith.constant 1.000000e+00 : f32
        %sub3A_489 = vector.broadcast %sub3A : f32 to vector<16xf32>
        %sub3A_490 = arith.subf %sub3A_489, %select_n3A : vector<16xf32>
        %mul3A_491 = arith.mulf %sub3A_490, %select_n3A_409 : vector<16xf32>
        %add3A_492 = arith.addf %mul3A_488, %mul3A_491 : vector<16xf32>
        %mul3A_493 = arith.mulf %add3A_492, %select_n3A_427 : vector<16xf32>
        %sub3A_494 = arith.constant 1.000000e+00 : f32
        %sub3A_495 = vector.broadcast %sub3A_494 : f32 to vector<16xf32>
        %sub3A_496 = arith.subf %sub3A_495, %add3A_492 : vector<16xf32>
        %mul3A_497 = arith.mulf %sub3A_496, %select_n3A_421 : vector<16xf32>
        %add3A_498 = arith.addf %mul3A_493, %mul3A_497 : vector<16xf32>
        %mul3A_499 = arith.mulf %add3A_492, %select_n3A_439 : vector<16xf32>
        %sub3A_500 = arith.constant 1.000000e+00 : f32
        %sub3A_501 = vector.broadcast %sub3A_500 : f32 to vector<16xf32>
        %sub3A_502 = arith.subf %sub3A_501, %add3A_492 : vector<16xf32>
        %mul3A_503 = arith.mulf %sub3A_502, %select_n3A_433 : vector<16xf32>
        %add3A_504 = arith.addf %mul3A_499, %mul3A_503 : vector<16xf32>
        %mul3A_505 = arith.mulf %select_n3A, %add3A_504 : vector<16xf32>
        %sub3A_506 = arith.constant 1.000000e+00 : f32
        %sub3A_507 = vector.broadcast %sub3A_506 : f32 to vector<16xf32>
        %sub3A_508 = arith.subf %sub3A_507, %select_n3A : vector<16xf32>
        %mul3A_509 = arith.mulf %sub3A_508, %add3A_498 : vector<16xf32>
        %add3A_510 = arith.addf %mul3A_505, %mul3A_509 : vector<16xf32>
        %mul3A_511 = arith.mulf %add3A_510, %select_n3A_451 : vector<16xf32>
        %sub3A_512 = arith.constant 1.000000e+00 : f32
        %sub3A_513 = vector.broadcast %sub3A_512 : f32 to vector<16xf32>
        %sub3A_514 = arith.subf %sub3A_513, %add3A_510 : vector<16xf32>
        %mul3A_515 = arith.mulf %sub3A_514, %select_n3A_445 : vector<16xf32>
        %add3A_516 = arith.addf %mul3A_511, %mul3A_515 : vector<16xf32>
        %mul3A_517 = arith.mulf %add3A_510, %select_n3A_463 : vector<16xf32>
        %sub3A_518 = arith.constant 1.000000e+00 : f32
        %sub3A_519 = vector.broadcast %sub3A_518 : f32 to vector<16xf32>
        %sub3A_520 = arith.subf %sub3A_519, %add3A_510 : vector<16xf32>
        %mul3A_521 = arith.mulf %sub3A_520, %select_n3A_457 : vector<16xf32>
        %add3A_522 = arith.addf %mul3A_517, %mul3A_521 : vector<16xf32>
        %mul3A_523 = arith.mulf %add3A_510, %select_n3A_475 : vector<16xf32>
        %sub3A_524 = arith.constant 1.000000e+00 : f32
        %sub3A_525 = vector.broadcast %sub3A_524 : f32 to vector<16xf32>
        %sub3A_526 = arith.subf %sub3A_525, %add3A_510 : vector<16xf32>
        %mul3A_527 = arith.mulf %sub3A_526, %select_n3A_469 : vector<16xf32>
        %add3A_528 = arith.addf %mul3A_523, %mul3A_527 : vector<16xf32>
        %mul3A_529 = arith.mulf %add3A_510, %select_n3A_487 : vector<16xf32>
        %sub3A_530 = arith.constant 1.000000e+00 : f32
        %sub3A_531 = vector.broadcast %sub3A_530 : f32 to vector<16xf32>
        %sub3A_532 = arith.subf %sub3A_531, %add3A_510 : vector<16xf32>
        %mul3A_533 = arith.mulf %sub3A_532, %select_n3A_481 : vector<16xf32>
        %add3A_534 = arith.addf %mul3A_529, %mul3A_533 : vector<16xf32>
        %mul3A_535 = arith.mulf %add3A_492, %add3A_522 : vector<16xf32>
        %sub3A_536 = arith.constant 1.000000e+00 : f32
        %sub3A_537 = vector.broadcast %sub3A_536 : f32 to vector<16xf32>
        %sub3A_538 = arith.subf %sub3A_537, %add3A_492 : vector<16xf32>
        %mul3A_539 = arith.mulf %sub3A_538, %add3A_516 : vector<16xf32>
        %add3A_540 = arith.addf %mul3A_535, %mul3A_539 : vector<16xf32>
        %mul3A_541 = arith.mulf %add3A_492, %add3A_534 : vector<16xf32>
        %sub3A_542 = arith.constant 1.000000e+00 : f32
        %sub3A_543 = vector.broadcast %sub3A_542 : f32 to vector<16xf32>
        %sub3A_544 = arith.subf %sub3A_543, %add3A_492 : vector<16xf32>
        %mul3A_545 = arith.mulf %sub3A_544, %add3A_528 : vector<16xf32>
        %add3A_546 = arith.addf %mul3A_541, %mul3A_545 : vector<16xf32>
        %mul3A_547 = arith.mulf %select_n3A, %add3A_546 : vector<16xf32>
        %sub3A_548 = arith.constant 1.000000e+00 : f32
        %sub3A_549 = vector.broadcast %sub3A_548 : f32 to vector<16xf32>
        %sub3A_550 = arith.subf %sub3A_549, %select_n3A : vector<16xf32>
        %mul3A_551 = arith.mulf %sub3A_550, %add3A_540 : vector<16xf32>
        %add3A_552 = arith.addf %mul3A_547, %mul3A_551 : vector<16xf32>
        %mul3A_553 = arith.constant 8.000000e+00 : f32
        %mul3A_554 = vector.broadcast %mul3A_553 : f32 to vector<16xf32>
        %mul3A_555 = arith.mulf %select_n3A, %mul3A_554 : vector<16xf32>
        %mul3A_556 = arith.constant 4.000000e+00 : f32
        %mul3A_557 = vector.broadcast %mul3A_556 : f32 to vector<16xf32>
        %mul3A_558 = arith.mulf %add3A_492, %mul3A_557 : vector<16xf32>
        %add3A_559 = arith.addf %mul3A_555, %mul3A_558 : vector<16xf32>
        %mul3A_560 = arith.constant 2.000000e+00 : f32
        %mul3A_561 = vector.broadcast %mul3A_560 : f32 to vector<16xf32>
        %mul3A_562 = arith.mulf %add3A_510, %mul3A_561 : vector<16xf32>
        %add3A_563 = arith.addf %add3A_559, %mul3A_562 : vector<16xf32>
        %add3A_564 = arith.addf %add3A_563, %add3A_552 : vector<16xf32>
        %mul3A_565 = arith.constant 16 : i32
        %mul3A_566 = arith.muli %add3A_220, %mul3A_565 : i32
        %add3A_567 = arith.addi %mul3A_566, %scan3A_397 : i32
        %swap3A = arith.index_cast %add3A_567 : i32 to index
        %swap3A_568 = arith.constant 16 : index
        %swap3A_569 = tpu.vector_load %arg10[%swap3A, %swap3A_568] {strides = array<i32>} : memref<128x64xf32, #tpu.memory_space<vmem>>, vector<16xf32>,
        tpu.vector_store %arg10[%swap3A, %swap3A_568], %add3A_564 {strides = array<i32>} : memref<128x64xf32, #tpu.memory_space<vmem>>, vector<16xf32>,
      }
      %scan3A_308 = arith.constant 16 : i32
      %get3A_309 = arith.constant 32 : index
      %get3A_310 = tpu.vector_load %arg6[%get3A_309] {strides = array<i32>} : memref<256xi32, #tpu.memory_space<vmem>>, vector<16xi32>,
      %get3A_311 = arith.constant 96 : index
      %get3A_312 = tpu.vector_load %arg6[%get3A_311] {strides = array<i32>} : memref<256xi32, #tpu.memory_space<vmem>>, vector<16xi32>,
      %get3A_313 = arith.constant 160 : index
      %get3A_314 = tpu.vector_load %arg6[%get3A_313] {strides = array<i32>} : memref<256xi32, #tpu.memory_space<vmem>>, vector<16xi32>,
      %get3A_315 = arith.constant 224 : index
      %get3A_316 = tpu.vector_load %arg6[%get3A_315] {strides = array<i32>} : memref<256xi32, #tpu.memory_space<vmem>>, vector<16xi32>,
      %get3A_317 = arith.constant 32 : index
      %get3A_318 = tpu.vector_load %arg7[%get3A_317] {strides = array<i32>} : memref<960xf32, #tpu.memory_space<vmem>>, vector<16xf32>,
      %get3A_319 = arith.constant 96 : index
      %get3A_320 = tpu.vector_load %arg7[%get3A_319] {strides = array<i32>} : memref<960xf32, #tpu.memory_space<vmem>>, vector<16xf32>,
      %get3A_321 = arith.constant 160 : index
      %get3A_322 = tpu.vector_load %arg7[%get3A_321] {strides = array<i32>} : memref<960xf32, #tpu.memory_space<vmem>>, vector<16xf32>,
      %get3A_323 = arith.constant 224 : index
      %get3A_324 = tpu.vector_load %arg7[%get3A_323] {strides = array<i32>} : memref<960xf32, #tpu.memory_space<vmem>>, vector<16xf32>,
      %get3A_325 = arith.constant 288 : index
      %get3A_326 = tpu.vector_load %arg7[%get3A_325] {strides = array<i32>} : memref<960xf32, #tpu.memory_space<vmem>>, vector<16xf32>,
      %get3A_327 = arith.constant 352 : index
      %get3A_328 = tpu.vector_load %arg7[%get3A_327] {strides = array<i32>} : memref<960xf32, #tpu.memory_space<vmem>>, vector<16xf32>,
      %get3A_329 = arith.constant 416 : index
      %get3A_330 = tpu.vector_load %arg7[%get3A_329] {strides = array<i32>} : memref<960xf32, #tpu.memory_space<vmem>>, vector<16xf32>,
      %get3A_331 = arith.constant 480 : index
      %get3A_332 = tpu.vector_load %arg7[%get3A_331] {strides = array<i32>} : memref<960xf32, #tpu.memory_space<vmem>>, vector<16xf32>,
      %get3A_333 = arith.constant 544 : index
      %get3A_334 = tpu.vector_load %arg7[%get3A_333] {strides = array<i32>} : memref<960xf32, #tpu.memory_space<vmem>>, vector<16xf32>,
      %get3A_335 = arith.constant 608 : index
      %get3A_336 = tpu.vector_load %arg7[%get3A_335] {strides = array<i32>} : memref<960xf32, #tpu.memory_space<vmem>>, vector<16xf32>,
      %get3A_337 = arith.constant 672 : index
      %get3A_338 = tpu.vector_load %arg7[%get3A_337] {strides = array<i32>} : memref<960xf32, #tpu.memory_space<vmem>>, vector<16xf32>,
      %get3A_339 = arith.constant 736 : index
      %get3A_340 = tpu.vector_load %arg7[%get3A_339] {strides = array<i32>} : memref<960xf32, #tpu.memory_space<vmem>>, vector<16xf32>,
      %get3A_341 = arith.constant 800 : index
      %get3A_342 = tpu.vector_load %arg7[%get3A_341] {strides = array<i32>} : memref<960xf32, #tpu.memory_space<vmem>>, vector<16xf32>,
      %get3A_343 = arith.constant 864 : index
      %get3A_344 = tpu.vector_load %arg7[%get3A_343] {strides = array<i32>} : memref<960xf32, #tpu.memory_space<vmem>>, vector<16xf32>,
      %get3A_345 = arith.constant 928 : index
      %get3A_346 = tpu.vector_load %arg7[%get3A_345] {strides = array<i32>} : memref<960xf32, #tpu.memory_space<vmem>>, vector<16xf32>,
      %scan3A_347 = arith.constant 0 : i32
      %scan3A_348 = arith.constant 0 : i32
      %scan3A_349 = arith.constant 16 : i32
      %scan3A_350 = arith.addi %scan3A_348, %scan3A_349 : i32
      %scan3A_351 = arith.constant 1 : i32
      scf.for %scan3A_397 = %scan3A_348 to %scan3A_350 step %scan3A_351  : i32 {
        %broadcast_in_dim3A = vector.broadcast %scan3A_397 : i32 to vector<16xi32>
        %gather3A = tpu.vector_load_idx %arg9[%broadcast_in_dim3A, %get3A_310] : memref<16x1024xf32, #tpu.memory_space<vmem>>[vector<16xi32>, vector<16xi32>], vector<16xf32>,
        %gather3A_398 = tpu.vector_load_idx %arg9[%broadcast_in_dim3A, %get3A_312] : memref<16x1024xf32, #tpu.memory_space<vmem>>[vector<16xi32>, vector<16xi32>], vector<16xf32>,
        %gather3A_399 = tpu.vector_load_idx %arg9[%broadcast_in_dim3A, %get3A_314] : memref<16x1024xf32, #tpu.memory_space<vmem>>[vector<16xi32>, vector<16xi32>], vector<16xf32>,
        %gather3A_400 = tpu.vector_load_idx %arg9[%broadcast_in_dim3A, %get3A_316] : memref<16x1024xf32, #tpu.memory_space<vmem>>[vector<16xi32>, vector<16xi32>], vector<16xf32>,
        %gt3A = arith.cmpf ogt, %gather3A, %get3A_318 : vector<16xf32>
        %jit3A = arith.constant 1.000000e+00 : f32
        %jit3A_401 = arith.constant 0.000000e+00 : f32
        %broadcast_in_dim3A_402 = vector.broadcast %jit3A : f32 to vector<16xf32>
        %broadcast_in_dim3A_403 = vector.broadcast %jit3A_401 : f32 to vector<16xf32>
        %select_n3A = arith.select %gt3A, %broadcast_in_dim3A_402, %broadcast_in_dim3A_403 : vector<16xi1>, vector<16xf32>
        %gt3A_404 = arith.cmpf ogt, %gather3A_398, %get3A_320 : vector<16xf32>
        %jit3A_405 = arith.constant 1.000000e+00 : f32
        %jit3A_406 = arith.constant 0.000000e+00 : f32
        %broadcast_in_dim3A_407 = vector.broadcast %jit3A_405 : f32 to vector<16xf32>
        %broadcast_in_dim3A_408 = vector.broadcast %jit3A_406 : f32 to vector<16xf32>
        %select_n3A_409 = arith.select %gt3A_404, %broadcast_in_dim3A_407, %broadcast_in_dim3A_408 : vector<16xi1>, vector<16xf32>
        %gt3A_410 = arith.cmpf ogt, %gather3A_398, %get3A_322 : vector<16xf32>
        %jit3A_411 = arith.constant 1.000000e+00 : f32
        %jit3A_412 = arith.constant 0.000000e+00 : f32
        %broadcast_in_dim3A_413 = vector.broadcast %jit3A_411 : f32 to vector<16xf32>
        %broadcast_in_dim3A_414 = vector.broadcast %jit3A_412 : f32 to vector<16xf32>
        %select_n3A_415 = arith.select %gt3A_410, %broadcast_in_dim3A_413, %broadcast_in_dim3A_414 : vector<16xi1>, vector<16xf32>
        %gt3A_416 = arith.cmpf ogt, %gather3A_399, %get3A_324 : vector<16xf32>
        %jit3A_417 = arith.constant 1.000000e+00 : f32
        %jit3A_418 = arith.constant 0.000000e+00 : f32
        %broadcast_in_dim3A_419 = vector.broadcast %jit3A_417 : f32 to vector<16xf32>
        %broadcast_in_dim3A_420 = vector.broadcast %jit3A_418 : f32 to vector<16xf32>
        %select_n3A_421 = arith.select %gt3A_416, %broadcast_in_dim3A_419, %broadcast_in_dim3A_420 : vector<16xi1>, vector<16xf32>
        %gt3A_422 = arith.cmpf ogt, %gather3A_399, %get3A_326 : vector<16xf32>
        %jit3A_423 = arith.constant 1.000000e+00 : f32
        %jit3A_424 = arith.constant 0.000000e+00 : f32
        %broadcast_in_dim3A_425 = vector.broadcast %jit3A_423 : f32 to vector<16xf32>
        %broadcast_in_dim3A_426 = vector.broadcast %jit3A_424 : f32 to vector<16xf32>
        %select_n3A_427 = arith.select %gt3A_422, %broadcast_in_dim3A_425, %broadcast_in_dim3A_426 : vector<16xi1>, vector<16xf32>
        %gt3A_428 = arith.cmpf ogt, %gather3A_399, %get3A_328 : vector<16xf32>
        %jit3A_429 = arith.constant 1.000000e+00 : f32
        %jit3A_430 = arith.constant 0.000000e+00 : f32
        %broadcast_in_dim3A_431 = vector.broadcast %jit3A_429 : f32 to vector<16xf32>
        %broadcast_in_dim3A_432 = vector.broadcast %jit3A_430 : f32 to vector<16xf32>
        %select_n3A_433 = arith.select %gt3A_428, %broadcast_in_dim3A_431, %broadcast_in_dim3A_432 : vector<16xi1>, vector<16xf32>
        %gt3A_434 = arith.cmpf ogt, %gather3A_399, %get3A_330 : vector<16xf32>
        %jit3A_435 = arith.constant 1.000000e+00 : f32
        %jit3A_436 = arith.constant 0.000000e+00 : f32
        %broadcast_in_dim3A_437 = vector.broadcast %jit3A_435 : f32 to vector<16xf32>
        %broadcast_in_dim3A_438 = vector.broadcast %jit3A_436 : f32 to vector<16xf32>
        %select_n3A_439 = arith.select %gt3A_434, %broadcast_in_dim3A_437, %broadcast_in_dim3A_438 : vector<16xi1>, vector<16xf32>
        %gt3A_440 = arith.cmpf ogt, %gather3A_400, %get3A_332 : vector<16xf32>
        %jit3A_441 = arith.constant 1.000000e+00 : f32
        %jit3A_442 = arith.constant 0.000000e+00 : f32
        %broadcast_in_dim3A_443 = vector.broadcast %jit3A_441 : f32 to vector<16xf32>
        %broadcast_in_dim3A_444 = vector.broadcast %jit3A_442 : f32 to vector<16xf32>
        %select_n3A_445 = arith.select %gt3A_440, %broadcast_in_dim3A_443, %broadcast_in_dim3A_444 : vector<16xi1>, vector<16xf32>
        %gt3A_446 = arith.cmpf ogt, %gather3A_400, %get3A_334 : vector<16xf32>
        %jit3A_447 = arith.constant 1.000000e+00 : f32
        %jit3A_448 = arith.constant 0.000000e+00 : f32
        %broadcast_in_dim3A_449 = vector.broadcast %jit3A_447 : f32 to vector<16xf32>
        %broadcast_in_dim3A_450 = vector.broadcast %jit3A_448 : f32 to vector<16xf32>
        %select_n3A_451 = arith.select %gt3A_446, %broadcast_in_dim3A_449, %broadcast_in_dim3A_450 : vector<16xi1>, vector<16xf32>
        %gt3A_452 = arith.cmpf ogt, %gather3A_400, %get3A_336 : vector<16xf32>
        %jit3A_453 = arith.constant 1.000000e+00 : f32
        %jit3A_454 = arith.constant 0.000000e+00 : f32
        %broadcast_in_dim3A_455 = vector.broadcast %jit3A_453 : f32 to vector<16xf32>
        %broadcast_in_dim3A_456 = vector.broadcast %jit3A_454 : f32 to vector<16xf32>
        %select_n3A_457 = arith.select %gt3A_452, %broadcast_in_dim3A_455, %broadcast_in_dim3A_456 : vector<16xi1>, vector<16xf32>
        %gt3A_458 = arith.cmpf ogt, %gather3A_400, %get3A_338 : vector<16xf32>
        %jit3A_459 = arith.constant 1.000000e+00 : f32
        %jit3A_460 = arith.constant 0.000000e+00 : f32
        %broadcast_in_dim3A_461 = vector.broadcast %jit3A_459 : f32 to vector<16xf32>
        %broadcast_in_dim3A_462 = vector.broadcast %jit3A_460 : f32 to vector<16xf32>
        %select_n3A_463 = arith.select %gt3A_458, %broadcast_in_dim3A_461, %broadcast_in_dim3A_462 : vector<16xi1>, vector<16xf32>
        %gt3A_464 = arith.cmpf ogt, %gather3A_400, %get3A_340 : vector<16xf32>
        %jit3A_465 = arith.constant 1.000000e+00 : f32
        %jit3A_466 = arith.constant 0.000000e+00 : f32
        %broadcast_in_dim3A_467 = vector.broadcast %jit3A_465 : f32 to vector<16xf32>
        %broadcast_in_dim3A_468 = vector.broadcast %jit3A_466 : f32 to vector<16xf32>
        %select_n3A_469 = arith.select %gt3A_464, %broadcast_in_dim3A_467, %broadcast_in_dim3A_468 : vector<16xi1>, vector<16xf32>
        %gt3A_470 = arith.cmpf ogt, %gather3A_400, %get3A_342 : vector<16xf32>
        %jit3A_471 = arith.constant 1.000000e+00 : f32
        %jit3A_472 = arith.constant 0.000000e+00 : f32
        %broadcast_in_dim3A_473 = vector.broadcast %jit3A_471 : f32 to vector<16xf32>
        %broadcast_in_dim3A_474 = vector.broadcast %jit3A_472 : f32 to vector<16xf32>
        %select_n3A_475 = arith.select %gt3A_470, %broadcast_in_dim3A_473, %broadcast_in_dim3A_474 : vector<16xi1>, vector<16xf32>
        %gt3A_476 = arith.cmpf ogt, %gather3A_400, %get3A_344 : vector<16xf32>
        %jit3A_477 = arith.constant 1.000000e+00 : f32
        %jit3A_478 = arith.constant 0.000000e+00 : f32
        %broadcast_in_dim3A_479 = vector.broadcast %jit3A_477 : f32 to vector<16xf32>
        %broadcast_in_dim3A_480 = vector.broadcast %jit3A_478 : f32 to vector<16xf32>
        %select_n3A_481 = arith.select %gt3A_476, %broadcast_in_dim3A_479, %broadcast_in_dim3A_480 : vector<16xi1>, vector<16xf32>
        %gt3A_482 = arith.cmpf ogt, %gather3A_400, %get3A_346 : vector<16xf32>
        %jit3A_483 = arith.constant 1.000000e+00 : f32
        %jit3A_484 = arith.constant 0.000000e+00 : f32
        %broadcast_in_dim3A_485 = vector.broadcast %jit3A_483 : f32 to vector<16xf32>
        %broadcast_in_dim3A_486 = vector.broadcast %jit3A_484 : f32 to vector<16xf32>
        %select_n3A_487 = arith.select %gt3A_482, %broadcast_in_dim3A_485, %broadcast_in_dim3A_486 : vector<16xi1>, vector<16xf32>
        %mul3A_488 = arith.mulf %select_n3A, %select_n3A_415 : vector<16xf32>
        %sub3A = arith.constant 1.000000e+00 : f32
        %sub3A_489 = vector.broadcast %sub3A : f32 to vector<16xf32>
        %sub3A_490 = arith.subf %sub3A_489, %select_n3A : vector<16xf32>
        %mul3A_491 = arith.mulf %sub3A_490, %select_n3A_409 : vector<16xf32>
        %add3A_492 = arith.addf %mul3A_488, %mul3A_491 : vector<16xf32>
        %mul3A_493 = arith.mulf %add3A_492, %select_n3A_427 : vector<16xf32>
        %sub3A_494 = arith.constant 1.000000e+00 : f32
        %sub3A_495 = vector.broadcast %sub3A_494 : f32 to vector<16xf32>
        %sub3A_496 = arith.subf %sub3A_495, %add3A_492 : vector<16xf32>
        %mul3A_497 = arith.mulf %sub3A_496, %select_n3A_421 : vector<16xf32>
        %add3A_498 = arith.addf %mul3A_493, %mul3A_497 : vector<16xf32>
        %mul3A_499 = arith.mulf %add3A_492, %select_n3A_439 : vector<16xf32>
        %sub3A_500 = arith.constant 1.000000e+00 : f32
        %sub3A_501 = vector.broadcast %sub3A_500 : f32 to vector<16xf32>
        %sub3A_502 = arith.subf %sub3A_501, %add3A_492 : vector<16xf32>
        %mul3A_503 = arith.mulf %sub3A_502, %select_n3A_433 : vector<16xf32>
        %add3A_504 = arith.addf %mul3A_499, %mul3A_503 : vector<16xf32>
        %mul3A_505 = arith.mulf %select_n3A, %add3A_504 : vector<16xf32>
        %sub3A_506 = arith.constant 1.000000e+00 : f32
        %sub3A_507 = vector.broadcast %sub3A_506 : f32 to vector<16xf32>
        %sub3A_508 = arith.subf %sub3A_507, %select_n3A : vector<16xf32>
        %mul3A_509 = arith.mulf %sub3A_508, %add3A_498 : vector<16xf32>
        %add3A_510 = arith.addf %mul3A_505, %mul3A_509 : vector<16xf32>
        %mul3A_511 = arith.mulf %add3A_510, %select_n3A_451 : vector<16xf32>
        %sub3A_512 = arith.constant 1.000000e+00 : f32
        %sub3A_513 = vector.broadcast %sub3A_512 : f32 to vector<16xf32>
        %sub3A_514 = arith.subf %sub3A_513, %add3A_510 : vector<16xf32>
        %mul3A_515 = arith.mulf %sub3A_514, %select_n3A_445 : vector<16xf32>
        %add3A_516 = arith.addf %mul3A_511, %mul3A_515 : vector<16xf32>
        %mul3A_517 = arith.mulf %add3A_510, %select_n3A_463 : vector<16xf32>
        %sub3A_518 = arith.constant 1.000000e+00 : f32
        %sub3A_519 = vector.broadcast %sub3A_518 : f32 to vector<16xf32>
        %sub3A_520 = arith.subf %sub3A_519, %add3A_510 : vector<16xf32>
        %mul3A_521 = arith.mulf %sub3A_520, %select_n3A_457 : vector<16xf32>
        %add3A_522 = arith.addf %mul3A_517, %mul3A_521 : vector<16xf32>
        %mul3A_523 = arith.mulf %add3A_510, %select_n3A_475 : vector<16xf32>
        %sub3A_524 = arith.constant 1.000000e+00 : f32
        %sub3A_525 = vector.broadcast %sub3A_524 : f32 to vector<16xf32>
        %sub3A_526 = arith.subf %sub3A_525, %add3A_510 : vector<16xf32>
        %mul3A_527 = arith.mulf %sub3A_526, %select_n3A_469 : vector<16xf32>
        %add3A_528 = arith.addf %mul3A_523, %mul3A_527 : vector<16xf32>
        %mul3A_529 = arith.mulf %add3A_510, %select_n3A_487 : vector<16xf32>
        %sub3A_530 = arith.constant 1.000000e+00 : f32
        %sub3A_531 = vector.broadcast %sub3A_530 : f32 to vector<16xf32>
        %sub3A_532 = arith.subf %sub3A_531, %add3A_510 : vector<16xf32>
        %mul3A_533 = arith.mulf %sub3A_532, %select_n3A_481 : vector<16xf32>
        %add3A_534 = arith.addf %mul3A_529, %mul3A_533 : vector<16xf32>
        %mul3A_535 = arith.mulf %add3A_492, %add3A_522 : vector<16xf32>
        %sub3A_536 = arith.constant 1.000000e+00 : f32
        %sub3A_537 = vector.broadcast %sub3A_536 : f32 to vector<16xf32>
        %sub3A_538 = arith.subf %sub3A_537, %add3A_492 : vector<16xf32>
        %mul3A_539 = arith.mulf %sub3A_538, %add3A_516 : vector<16xf32>
        %add3A_540 = arith.addf %mul3A_535, %mul3A_539 : vector<16xf32>
        %mul3A_541 = arith.mulf %add3A_492, %add3A_534 : vector<16xf32>
        %sub3A_542 = arith.constant 1.000000e+00 : f32
        %sub3A_543 = vector.broadcast %sub3A_542 : f32 to vector<16xf32>
        %sub3A_544 = arith.subf %sub3A_543, %add3A_492 : vector<16xf32>
        %mul3A_545 = arith.mulf %sub3A_544, %add3A_528 : vector<16xf32>
        %add3A_546 = arith.addf %mul3A_541, %mul3A_545 : vector<16xf32>
        %mul3A_547 = arith.mulf %select_n3A, %add3A_546 : vector<16xf32>
        %sub3A_548 = arith.constant 1.000000e+00 : f32
        %sub3A_549 = vector.broadcast %sub3A_548 : f32 to vector<16xf32>
        %sub3A_550 = arith.subf %sub3A_549, %select_n3A : vector<16xf32>
        %mul3A_551 = arith.mulf %sub3A_550, %add3A_540 : vector<16xf32>
        %add3A_552 = arith.addf %mul3A_547, %mul3A_551 : vector<16xf32>
        %mul3A_553 = arith.constant 8.000000e+00 : f32
        %mul3A_554 = vector.broadcast %mul3A_553 : f32 to vector<16xf32>
        %mul3A_555 = arith.mulf %select_n3A, %mul3A_554 : vector<16xf32>
        %mul3A_556 = arith.constant 4.000000e+00 : f32
        %mul3A_557 = vector.broadcast %mul3A_556 : f32 to vector<16xf32>
        %mul3A_558 = arith.mulf %add3A_492, %mul3A_557 : vector<16xf32>
        %add3A_559 = arith.addf %mul3A_555, %mul3A_558 : vector<16xf32>
        %mul3A_560 = arith.constant 2.000000e+00 : f32
        %mul3A_561 = vector.broadcast %mul3A_560 : f32 to vector<16xf32>
        %mul3A_562 = arith.mulf %add3A_510, %mul3A_561 : vector<16xf32>
        %add3A_563 = arith.addf %add3A_559, %mul3A_562 : vector<16xf32>
        %add3A_564 = arith.addf %add3A_563, %add3A_552 : vector<16xf32>
        %mul3A_565 = arith.constant 16 : i32
        %mul3A_566 = arith.muli %add3A_220, %mul3A_565 : i32
        %add3A_567 = arith.addi %mul3A_566, %scan3A_397 : i32
        %swap3A = arith.index_cast %add3A_567 : i32 to index
        %swap3A_568 = arith.constant 32 : index
        %swap3A_569 = tpu.vector_load %arg10[%swap3A, %swap3A_568] {strides = array<i32>} : memref<128x64xf32, #tpu.memory_space<vmem>>, vector<16xf32>,
        tpu.vector_store %arg10[%swap3A, %swap3A_568], %add3A_564 {strides = array<i32>} : memref<128x64xf32, #tpu.memory_space<vmem>>, vector<16xf32>,
      }
      %scan3A_352 = arith.constant 16 : i32
      %get3A_353 = arith.constant 48 : index
      %get3A_354 = tpu.vector_load %arg6[%get3A_353] {strides = array<i32>} : memref<256xi32, #tpu.memory_space<vmem>>, vector<16xi32>,
      %get3A_355 = arith.constant 112 : index
      %get3A_356 = tpu.vector_load %arg6[%get3A_355] {strides = array<i32>} : memref<256xi32, #tpu.memory_space<vmem>>, vector<16xi32>,
      %get3A_357 = arith.constant 176 : index
      %get3A_358 = tpu.vector_load %arg6[%get3A_357] {strides = array<i32>} : memref<256xi32, #tpu.memory_space<vmem>>, vector<16xi32>,
      %get3A_359 = arith.constant 240 : index
      %get3A_360 = tpu.vector_load %arg6[%get3A_359] {strides = array<i32>} : memref<256xi32, #tpu.memory_space<vmem>>, vector<16xi32>,
      %get3A_361 = arith.constant 48 : index
      %get3A_362 = tpu.vector_load %arg7[%get3A_361] {strides = array<i32>} : memref<960xf32, #tpu.memory_space<vmem>>, vector<16xf32>,
      %get3A_363 = arith.constant 112 : index
      %get3A_364 = tpu.vector_load %arg7[%get3A_363] {strides = array<i32>} : memref<960xf32, #tpu.memory_space<vmem>>, vector<16xf32>,
      %get3A_365 = arith.constant 176 : index
      %get3A_366 = tpu.vector_load %arg7[%get3A_365] {strides = array<i32>} : memref<960xf32, #tpu.memory_space<vmem>>, vector<16xf32>,
      %get3A_367 = arith.constant 240 : index
      %get3A_368 = tpu.vector_load %arg7[%get3A_367] {strides = array<i32>} : memref<960xf32, #tpu.memory_space<vmem>>, vector<16xf32>,
      %get3A_369 = arith.constant 304 : index
      %get3A_370 = tpu.vector_load %arg7[%get3A_369] {strides = array<i32>} : memref<960xf32, #tpu.memory_space<vmem>>, vector<16xf32>,
      %get3A_371 = arith.constant 368 : index
      %get3A_372 = tpu.vector_load %arg7[%get3A_371] {strides = array<i32>} : memref<960xf32, #tpu.memory_space<vmem>>, vector<16xf32>,
      %get3A_373 = arith.constant 432 : index
      %get3A_374 = tpu.vector_load %arg7[%get3A_373] {strides = array<i32>} : memref<960xf32, #tpu.memory_space<vmem>>, vector<16xf32>,
      %get3A_375 = arith.constant 496 : index
      %get3A_376 = tpu.vector_load %arg7[%get3A_375] {strides = array<i32>} : memref<960xf32, #tpu.memory_space<vmem>>, vector<16xf32>,
      %get3A_377 = arith.constant 560 : index
      %get3A_378 = tpu.vector_load %arg7[%get3A_377] {strides = array<i32>} : memref<960xf32, #tpu.memory_space<vmem>>, vector<16xf32>,
      %get3A_379 = arith.constant 624 : index
      %get3A_380 = tpu.vector_load %arg7[%get3A_379] {strides = array<i32>} : memref<960xf32, #tpu.memory_space<vmem>>, vector<16xf32>,
      %get3A_381 = arith.constant 688 : index
      %get3A_382 = tpu.vector_load %arg7[%get3A_381] {strides = array<i32>} : memref<960xf32, #tpu.memory_space<vmem>>, vector<16xf32>,
      %get3A_383 = arith.constant 752 : index
      %get3A_384 = tpu.vector_load %arg7[%get3A_383] {strides = array<i32>} : memref<960xf32, #tpu.memory_space<vmem>>, vector<16xf32>,
      %get3A_385 = arith.constant 816 : index
      %get3A_386 = tpu.vector_load %arg7[%get3A_385] {strides = array<i32>} : memref<960xf32, #tpu.memory_space<vmem>>, vector<16xf32>,
      %get3A_387 = arith.constant 880 : index
      %get3A_388 = tpu.vector_load %arg7[%get3A_387] {strides = array<i32>} : memref<960xf32, #tpu.memory_space<vmem>>, vector<16xf32>,
      %get3A_389 = arith.constant 944 : index
      %get3A_390 = tpu.vector_load %arg7[%get3A_389] {strides = array<i32>} : memref<960xf32, #tpu.memory_space<vmem>>, vector<16xf32>,
      %scan3A_391 = arith.constant 0 : i32
      %scan3A_392 = arith.constant 0 : i32
      %scan3A_393 = arith.constant 16 : i32
      %scan3A_394 = arith.addi %scan3A_392, %scan3A_393 : i32
      %scan3A_395 = arith.constant 1 : i32
      scf.for %scan3A_397 = %scan3A_392 to %scan3A_394 step %scan3A_395  : i32 {
        %broadcast_in_dim3A = vector.broadcast %scan3A_397 : i32 to vector<16xi32>
        %gather3A = tpu.vector_load_idx %arg9[%broadcast_in_dim3A, %get3A_354] : memref<16x1024xf32, #tpu.memory_space<vmem>>[vector<16xi32>, vector<16xi32>], vector<16xf32>,
        %gather3A_398 = tpu.vector_load_idx %arg9[%broadcast_in_dim3A, %get3A_356] : memref<16x1024xf32, #tpu.memory_space<vmem>>[vector<16xi32>, vector<16xi32>], vector<16xf32>,
        %gather3A_399 = tpu.vector_load_idx %arg9[%broadcast_in_dim3A, %get3A_358] : memref<16x1024xf32, #tpu.memory_space<vmem>>[vector<16xi32>, vector<16xi32>], vector<16xf32>,
        %gather3A_400 = tpu.vector_load_idx %arg9[%broadcast_in_dim3A, %get3A_360] : memref<16x1024xf32, #tpu.memory_space<vmem>>[vector<16xi32>, vector<16xi32>], vector<16xf32>,
        %gt3A = arith.cmpf ogt, %gather3A, %get3A_362 : vector<16xf32>
        %jit3A = arith.constant 1.000000e+00 : f32
        %jit3A_401 = arith.constant 0.000000e+00 : f32
        %broadcast_in_dim3A_402 = vector.broadcast %jit3A : f32 to vector<16xf32>
        %broadcast_in_dim3A_403 = vector.broadcast %jit3A_401 : f32 to vector<16xf32>
        %select_n3A = arith.select %gt3A, %broadcast_in_dim3A_402, %broadcast_in_dim3A_403 : vector<16xi1>, vector<16xf32>
        %gt3A_404 = arith.cmpf ogt, %gather3A_398, %get3A_364 : vector<16xf32>
        %jit3A_405 = arith.constant 1.000000e+00 : f32
        %jit3A_406 = arith.constant 0.000000e+00 : f32
        %broadcast_in_dim3A_407 = vector.broadcast %jit3A_405 : f32 to vector<16xf32>
        %broadcast_in_dim3A_408 = vector.broadcast %jit3A_406 : f32 to vector<16xf32>
        %select_n3A_409 = arith.select %gt3A_404, %broadcast_in_dim3A_407, %broadcast_in_dim3A_408 : vector<16xi1>, vector<16xf32>
        %gt3A_410 = arith.cmpf ogt, %gather3A_398, %get3A_366 : vector<16xf32>
        %jit3A_411 = arith.constant 1.000000e+00 : f32
        %jit3A_412 = arith.constant 0.000000e+00 : f32
        %broadcast_in_dim3A_413 = vector.broadcast %jit3A_411 : f32 to vector<16xf32>
        %broadcast_in_dim3A_414 = vector.broadcast %jit3A_412 : f32 to vector<16xf32>
        %select_n3A_415 = arith.select %gt3A_410, %broadcast_in_dim3A_413, %broadcast_in_dim3A_414 : vector<16xi1>, vector<16xf32>
        %gt3A_416 = arith.cmpf ogt, %gather3A_399, %get3A_368 : vector<16xf32>
        %jit3A_417 = arith.constant 1.000000e+00 : f32
        %jit3A_418 = arith.constant 0.000000e+00 : f32
        %broadcast_in_dim3A_419 = vector.broadcast %jit3A_417 : f32 to vector<16xf32>
        %broadcast_in_dim3A_420 = vector.broadcast %jit3A_418 : f32 to vector<16xf32>
        %select_n3A_421 = arith.select %gt3A_416, %broadcast_in_dim3A_419, %broadcast_in_dim3A_420 : vector<16xi1>, vector<16xf32>
        %gt3A_422 = arith.cmpf ogt, %gather3A_399, %get3A_370 : vector<16xf32>
        %jit3A_423 = arith.constant 1.000000e+00 : f32
        %jit3A_424 = arith.constant 0.000000e+00 : f32
        %broadcast_in_dim3A_425 = vector.broadcast %jit3A_423 : f32 to vector<16xf32>
        %broadcast_in_dim3A_426 = vector.broadcast %jit3A_424 : f32 to vector<16xf32>
        %select_n3A_427 = arith.select %gt3A_422, %broadcast_in_dim3A_425, %broadcast_in_dim3A_426 : vector<16xi1>, vector<16xf32>
        %gt3A_428 = arith.cmpf ogt, %gather3A_399, %get3A_372 : vector<16xf32>
        %jit3A_429 = arith.constant 1.000000e+00 : f32
        %jit3A_430 = arith.constant 0.000000e+00 : f32
        %broadcast_in_dim3A_431 = vector.broadcast %jit3A_429 : f32 to vector<16xf32>
        %broadcast_in_dim3A_432 = vector.broadcast %jit3A_430 : f32 to vector<16xf32>
        %select_n3A_433 = arith.select %gt3A_428, %broadcast_in_dim3A_431, %broadcast_in_dim3A_432 : vector<16xi1>, vector<16xf32>
        %gt3A_434 = arith.cmpf ogt, %gather3A_399, %get3A_374 : vector<16xf32>
        %jit3A_435 = arith.constant 1.000000e+00 : f32
        %jit3A_436 = arith.constant 0.000000e+00 : f32
        %broadcast_in_dim3A_437 = vector.broadcast %jit3A_435 : f32 to vector<16xf32>
        %broadcast_in_dim3A_438 = vector.broadcast %jit3A_436 : f32 to vector<16xf32>
        %select_n3A_439 = arith.select %gt3A_434, %broadcast_in_dim3A_437, %broadcast_in_dim3A_438 : vector<16xi1>, vector<16xf32>
        %gt3A_440 = arith.cmpf ogt, %gather3A_400, %get3A_376 : vector<16xf32>
        %jit3A_441 = arith.constant 1.000000e+00 : f32
        %jit3A_442 = arith.constant 0.000000e+00 : f32
        %broadcast_in_dim3A_443 = vector.broadcast %jit3A_441 : f32 to vector<16xf32>
        %broadcast_in_dim3A_444 = vector.broadcast %jit3A_442 : f32 to vector<16xf32>
        %select_n3A_445 = arith.select %gt3A_440, %broadcast_in_dim3A_443, %broadcast_in_dim3A_444 : vector<16xi1>, vector<16xf32>
        %gt3A_446 = arith.cmpf ogt, %gather3A_400, %get3A_378 : vector<16xf32>
        %jit3A_447 = arith.constant 1.000000e+00 : f32
        %jit3A_448 = arith.constant 0.000000e+00 : f32
        %broadcast_in_dim3A_449 = vector.broadcast %jit3A_447 : f32 to vector<16xf32>
        %broadcast_in_dim3A_450 = vector.broadcast %jit3A_448 : f32 to vector<16xf32>
        %select_n3A_451 = arith.select %gt3A_446, %broadcast_in_dim3A_449, %broadcast_in_dim3A_450 : vector<16xi1>, vector<16xf32>
        %gt3A_452 = arith.cmpf ogt, %gather3A_400, %get3A_380 : vector<16xf32>
        %jit3A_453 = arith.constant 1.000000e+00 : f32
        %jit3A_454 = arith.constant 0.000000e+00 : f32
        %broadcast_in_dim3A_455 = vector.broadcast %jit3A_453 : f32 to vector<16xf32>
        %broadcast_in_dim3A_456 = vector.broadcast %jit3A_454 : f32 to vector<16xf32>
        %select_n3A_457 = arith.select %gt3A_452, %broadcast_in_dim3A_455, %broadcast_in_dim3A_456 : vector<16xi1>, vector<16xf32>
        %gt3A_458 = arith.cmpf ogt, %gather3A_400, %get3A_382 : vector<16xf32>
        %jit3A_459 = arith.constant 1.000000e+00 : f32
        %jit3A_460 = arith.constant 0.000000e+00 : f32
        %broadcast_in_dim3A_461 = vector.broadcast %jit3A_459 : f32 to vector<16xf32>
        %broadcast_in_dim3A_462 = vector.broadcast %jit3A_460 : f32 to vector<16xf32>
        %select_n3A_463 = arith.select %gt3A_458, %broadcast_in_dim3A_461, %broadcast_in_dim3A_462 : vector<16xi1>, vector<16xf32>
        %gt3A_464 = arith.cmpf ogt, %gather3A_400, %get3A_384 : vector<16xf32>
        %jit3A_465 = arith.constant 1.000000e+00 : f32
        %jit3A_466 = arith.constant 0.000000e+00 : f32
        %broadcast_in_dim3A_467 = vector.broadcast %jit3A_465 : f32 to vector<16xf32>
        %broadcast_in_dim3A_468 = vector.broadcast %jit3A_466 : f32 to vector<16xf32>
        %select_n3A_469 = arith.select %gt3A_464, %broadcast_in_dim3A_467, %broadcast_in_dim3A_468 : vector<16xi1>, vector<16xf32>
        %gt3A_470 = arith.cmpf ogt, %gather3A_400, %get3A_386 : vector<16xf32>
        %jit3A_471 = arith.constant 1.000000e+00 : f32
        %jit3A_472 = arith.constant 0.000000e+00 : f32
        %broadcast_in_dim3A_473 = vector.broadcast %jit3A_471 : f32 to vector<16xf32>
        %broadcast_in_dim3A_474 = vector.broadcast %jit3A_472 : f32 to vector<16xf32>
        %select_n3A_475 = arith.select %gt3A_470, %broadcast_in_dim3A_473, %broadcast_in_dim3A_474 : vector<16xi1>, vector<16xf32>
        %gt3A_476 = arith.cmpf ogt, %gather3A_400, %get3A_388 : vector<16xf32>
        %jit3A_477 = arith.constant 1.000000e+00 : f32
        %jit3A_478 = arith.constant 0.000000e+00 : f32
        %broadcast_in_dim3A_479 = vector.broadcast %jit3A_477 : f32 to vector<16xf32>
        %broadcast_in_dim3A_480 = vector.broadcast %jit3A_478 : f32 to vector<16xf32>
        %select_n3A_481 = arith.select %gt3A_476, %broadcast_in_dim3A_479, %broadcast_in_dim3A_480 : vector<16xi1>, vector<16xf32>
        %gt3A_482 = arith.cmpf ogt, %gather3A_400, %get3A_390 : vector<16xf32>
        %jit3A_483 = arith.constant 1.000000e+00 : f32
        %jit3A_484 = arith.constant 0.000000e+00 : f32
        %broadcast_in_dim3A_485 = vector.broadcast %jit3A_483 : f32 to vector<16xf32>
        %broadcast_in_dim3A_486 = vector.broadcast %jit3A_484 : f32 to vector<16xf32>
        %select_n3A_487 = arith.select %gt3A_482, %broadcast_in_dim3A_485, %broadcast_in_dim3A_486 : vector<16xi1>, vector<16xf32>
        %mul3A_488 = arith.mulf %select_n3A, %select_n3A_415 : vector<16xf32>
        %sub3A = arith.constant 1.000000e+00 : f32
        %sub3A_489 = vector.broadcast %sub3A : f32 to vector<16xf32>
        %sub3A_490 = arith.subf %sub3A_489, %select_n3A : vector<16xf32>
        %mul3A_491 = arith.mulf %sub3A_490, %select_n3A_409 : vector<16xf32>
        %add3A_492 = arith.addf %mul3A_488, %mul3A_491 : vector<16xf32>
        %mul3A_493 = arith.mulf %add3A_492, %select_n3A_427 : vector<16xf32>
        %sub3A_494 = arith.constant 1.000000e+00 : f32
        %sub3A_495 = vector.broadcast %sub3A_494 : f32 to vector<16xf32>
        %sub3A_496 = arith.subf %sub3A_495, %add3A_492 : vector<16xf32>
        %mul3A_497 = arith.mulf %sub3A_496, %select_n3A_421 : vector<16xf32>
        %add3A_498 = arith.addf %mul3A_493, %mul3A_497 : vector<16xf32>
        %mul3A_499 = arith.mulf %add3A_492, %select_n3A_439 : vector<16xf32>
        %sub3A_500 = arith.constant 1.000000e+00 : f32
        %sub3A_501 = vector.broadcast %sub3A_500 : f32 to vector<16xf32>
        %sub3A_502 = arith.subf %sub3A_501, %add3A_492 : vector<16xf32>
        %mul3A_503 = arith.mulf %sub3A_502, %select_n3A_433 : vector<16xf32>
        %add3A_504 = arith.addf %mul3A_499, %mul3A_503 : vector<16xf32>
        %mul3A_505 = arith.mulf %select_n3A, %add3A_504 : vector<16xf32>
        %sub3A_506 = arith.constant 1.000000e+00 : f32
        %sub3A_507 = vector.broadcast %sub3A_506 : f32 to vector<16xf32>
        %sub3A_508 = arith.subf %sub3A_507, %select_n3A : vector<16xf32>
        %mul3A_509 = arith.mulf %sub3A_508, %add3A_498 : vector<16xf32>
        %add3A_510 = arith.addf %mul3A_505, %mul3A_509 : vector<16xf32>
        %mul3A_511 = arith.mulf %add3A_510, %select_n3A_451 : vector<16xf32>
        %sub3A_512 = arith.constant 1.000000e+00 : f32
        %sub3A_513 = vector.broadcast %sub3A_512 : f32 to vector<16xf32>
        %sub3A_514 = arith.subf %sub3A_513, %add3A_510 : vector<16xf32>
        %mul3A_515 = arith.mulf %sub3A_514, %select_n3A_445 : vector<16xf32>
        %add3A_516 = arith.addf %mul3A_511, %mul3A_515 : vector<16xf32>
        %mul3A_517 = arith.mulf %add3A_510, %select_n3A_463 : vector<16xf32>
        %sub3A_518 = arith.constant 1.000000e+00 : f32
        %sub3A_519 = vector.broadcast %sub3A_518 : f32 to vector<16xf32>
        %sub3A_520 = arith.subf %sub3A_519, %add3A_510 : vector<16xf32>
        %mul3A_521 = arith.mulf %sub3A_520, %select_n3A_457 : vector<16xf32>
        %add3A_522 = arith.addf %mul3A_517, %mul3A_521 : vector<16xf32>
        %mul3A_523 = arith.mulf %add3A_510, %select_n3A_475 : vector<16xf32>
        %sub3A_524 = arith.constant 1.000000e+00 : f32
        %sub3A_525 = vector.broadcast %sub3A_524 : f32 to vector<16xf32>
        %sub3A_526 = arith.subf %sub3A_525, %add3A_510 : vector<16xf32>
        %mul3A_527 = arith.mulf %sub3A_526, %select_n3A_469 : vector<16xf32>
        %add3A_528 = arith.addf %mul3A_523, %mul3A_527 : vector<16xf32>
        %mul3A_529 = arith.mulf %add3A_510, %select_n3A_487 : vector<16xf32>
        %sub3A_530 = arith.constant 1.000000e+00 : f32
        %sub3A_531 = vector.broadcast %sub3A_530 : f32 to vector<16xf32>
        %sub3A_532 = arith.subf %sub3A_531, %add3A_510 : vector<16xf32>
        %mul3A_533 = arith.mulf %sub3A_532, %select_n3A_481 : vector<16xf32>
        %add3A_534 = arith.addf %mul3A_529, %mul3A_533 : vector<16xf32>
        %mul3A_535 = arith.mulf %add3A_492, %add3A_522 : vector<16xf32>
        %sub3A_536 = arith.constant 1.000000e+00 : f32
        %sub3A_537 = vector.broadcast %sub3A_536 : f32 to vector<16xf32>
        %sub3A_538 = arith.subf %sub3A_537, %add3A_492 : vector<16xf32>
        %mul3A_539 = arith.mulf %sub3A_538, %add3A_516 : vector<16xf32>
        %add3A_540 = arith.addf %mul3A_535, %mul3A_539 : vector<16xf32>
        %mul3A_541 = arith.mulf %add3A_492, %add3A_534 : vector<16xf32>
        %sub3A_542 = arith.constant 1.000000e+00 : f32
        %sub3A_543 = vector.broadcast %sub3A_542 : f32 to vector<16xf32>
        %sub3A_544 = arith.subf %sub3A_543, %add3A_492 : vector<16xf32>
        %mul3A_545 = arith.mulf %sub3A_544, %add3A_528 : vector<16xf32>
        %add3A_546 = arith.addf %mul3A_541, %mul3A_545 : vector<16xf32>
        %mul3A_547 = arith.mulf %select_n3A, %add3A_546 : vector<16xf32>
        %sub3A_548 = arith.constant 1.000000e+00 : f32
        %sub3A_549 = vector.broadcast %sub3A_548 : f32 to vector<16xf32>
        %sub3A_550 = arith.subf %sub3A_549, %select_n3A : vector<16xf32>
        %mul3A_551 = arith.mulf %sub3A_550, %add3A_540 : vector<16xf32>
        %add3A_552 = arith.addf %mul3A_547, %mul3A_551 : vector<16xf32>
        %mul3A_553 = arith.constant 8.000000e+00 : f32
        %mul3A_554 = vector.broadcast %mul3A_553 : f32 to vector<16xf32>
        %mul3A_555 = arith.mulf %select_n3A, %mul3A_554 : vector<16xf32>
        %mul3A_556 = arith.constant 4.000000e+00 : f32
        %mul3A_557 = vector.broadcast %mul3A_556 : f32 to vector<16xf32>
        %mul3A_558 = arith.mulf %add3A_492, %mul3A_557 : vector<16xf32>
        %add3A_559 = arith.addf %mul3A_555, %mul3A_558 : vector<16xf32>
        %mul3A_560 = arith.constant 2.000000e+00 : f32
        %mul3A_561 = vector.broadcast %mul3A_560 : f32 to vector<16xf32>
        %mul3A_562 = arith.mulf %add3A_510, %mul3A_561 : vector<16xf32>
        %add3A_563 = arith.addf %add3A_559, %mul3A_562 : vector<16xf32>
        %add3A_564 = arith.addf %add3A_563, %add3A_552 : vector<16xf32>
        %mul3A_565 = arith.constant 16 : i32
        %mul3A_566 = arith.muli %add3A_220, %mul3A_565 : i32
        %add3A_567 = arith.addi %mul3A_566, %scan3A_397 : i32
        %swap3A = arith.index_cast %add3A_567 : i32 to index
        %swap3A_568 = arith.constant 48 : index
        %swap3A_569 = tpu.vector_load %arg10[%swap3A, %swap3A_568] {strides = array<i32>} : memref<128x64xf32, #tpu.memory_space<vmem>>, vector<16xf32>,
        tpu.vector_store %arg10[%swap3A, %swap3A_568], %add3A_564 {strides = array<i32>} : memref<128x64xf32, #tpu.memory_space<vmem>>, vector<16xf32>,
      }
      %scan3A_396 = arith.constant 16 : i32
    }
    %scan3A_12 = arith.constant 4 : i32
    "tpu.region"() ({
      %run_scoped3A = tpu.sem_alloc : memref<!tpu.dma_semaphore, #tpu.memory_space<semaphore_mem>>
      %dma_start3A_13 = arith.constant 0 : i32
      %dma_start3A_14 = tpu.memref_slice %arg5[%mul3A_2, %dma_start3A_13] : memref<4096x64xf32, #tpu.memory_space<hbm>> -> memref<128x64xf32, #tpu.memory_space<hbm>>
      %dma_start3A_15 = arith.constant 0 : i32
      %dma_start3A_16 = tpu.memref_slice %arg5[%mul3A_2, %dma_start3A_15] : memref<4096x64xf32, #tpu.memory_space<hbm>> -> memref<128x64xf32, #tpu.memory_space<hbm>>
      tpu.enqueue_dma source(%arg10 : memref<128x64xf32, #tpu.memory_space<vmem>>) target(%dma_start3A_16 : memref<128x64xf32, #tpu.memory_space<hbm>>) target_semaphore(%run_scoped3A : memref<!tpu.dma_semaphore, #tpu.memory_space<semaphore_mem>>)
      %dma_wait3A = arith.constant 0 : i32
      %dma_wait3A_17 = tpu.memref_slice %arg5[%mul3A_2, %dma_wait3A] : memref<4096x64xf32, #tpu.memory_space<hbm>> -> memref<128x64xf32, #tpu.memory_space<hbm>>
      %dma_wait3A_18 = arith.constant 0 : i32
      %dma_wait3A_19 = tpu.memref_slice %arg5[%mul3A_2, %dma_wait3A_18] : memref<4096x64xf32, #tpu.memory_space<hbm>> -> memref<128x64xf32, #tpu.memory_space<hbm>>
      tpu.wait_dma2 semaphore(%run_scoped3A : memref<!tpu.dma_semaphore, #tpu.memory_space<semaphore_mem>>) src(%arg10 : memref<128x64xf32, #tpu.memory_space<vmem>>) dst(%dma_wait3A_19 : memref<128x64xf32, #tpu.memory_space<hbm>>)
      tpu.yield
    }) : () -> ()
    return
  }
}

module attributes {stable_mosaic.version = 14 : i64} {
  func.func @_tc_kernel(%arg0: i32, %arg1: memref<2048x64xf32, #tpu.memory_space<vmem>>, %arg2: memref<1024x1024xbf16, #tpu.memory_space<vmem>>, %arg3: memref<2048x1024xf32, #tpu.memory_space<vmem>>) attributes {dimension_semantics = [#tpu.dimension_semantics<arbitrary>], iteration_bounds = array<i64: 2>, scalar_prefetch = 0 : i64, scratch_operands = 0 : i64, tpu.core_type = #tpu.core_type<tc>, window_params = [{transform_indices = @transform_0, window_bounds = array<i64: 2048, 64>}, {pipeline_mode = #tpu.pipeline_mode<synchronous>, transform_indices = @transform_1, window_bounds = array<i64: 1024, 1024>}, {transform_indices = @transform_2, window_bounds = array<i64: 2048, 1024>}]} {
    %get3A = arith.constant 0 : index
    %get3A_0 = arith.constant 0 : index
    %get3A_1 = vector.load %arg1[%get3A, %get3A_0] : memref<2048x64xf32, #tpu.memory_space<vmem>>, vector<2048x64xf32>
    %transpose3A = tpu.transpose %get3A_1, [1, 0] : vector<2048x64xf32> -> vector<64x2048xf32>
    %eq3A = arith.constant 0.000000e+00 : f32
    %eq3A_2 = vector.broadcast %eq3A : f32 to vector<64x2048xf32>
    %eq3A_3 = arith.cmpf oeq, %transpose3A, %eq3A_2 : vector<64x2048xf32>
    %jit3A = arith.constant 1.000000e+00 : f32
    %jit3A_4 = arith.constant 0.000000e+00 : f32
    %broadcast_in_dim3A = vector.broadcast %jit3A : f32 to vector<64x2048xf32>
    %broadcast_in_dim3A_5 = vector.broadcast %jit3A_4 : f32 to vector<64x2048xf32>
    %select_n3A = arith.select %eq3A_3, %broadcast_in_dim3A, %broadcast_in_dim3A_5 : vector<64x2048xi1>, vector<64x2048xf32>
    %eq3A_6 = arith.constant 1.000000e+00 : f32
    %eq3A_7 = vector.broadcast %eq3A_6 : f32 to vector<64x2048xf32>
    %eq3A_8 = arith.cmpf oeq, %transpose3A, %eq3A_7 : vector<64x2048xf32>
    %jit3A_9 = arith.constant 1.000000e+00 : f32
    %jit3A_10 = arith.constant 0.000000e+00 : f32
    %broadcast_in_dim3A_11 = vector.broadcast %jit3A_9 : f32 to vector<64x2048xf32>
    %broadcast_in_dim3A_12 = vector.broadcast %jit3A_10 : f32 to vector<64x2048xf32>
    %select_n3A_13 = arith.select %eq3A_8, %broadcast_in_dim3A_11, %broadcast_in_dim3A_12 : vector<64x2048xi1>, vector<64x2048xf32>
    %eq3A_14 = arith.constant 2.000000e+00 : f32
    %eq3A_15 = vector.broadcast %eq3A_14 : f32 to vector<64x2048xf32>
    %eq3A_16 = arith.cmpf oeq, %transpose3A, %eq3A_15 : vector<64x2048xf32>
    %jit3A_17 = arith.constant 1.000000e+00 : f32
    %jit3A_18 = arith.constant 0.000000e+00 : f32
    %broadcast_in_dim3A_19 = vector.broadcast %jit3A_17 : f32 to vector<64x2048xf32>
    %broadcast_in_dim3A_20 = vector.broadcast %jit3A_18 : f32 to vector<64x2048xf32>
    %select_n3A_21 = arith.select %eq3A_16, %broadcast_in_dim3A_19, %broadcast_in_dim3A_20 : vector<64x2048xi1>, vector<64x2048xf32>
    %eq3A_22 = arith.constant 3.000000e+00 : f32
    %eq3A_23 = vector.broadcast %eq3A_22 : f32 to vector<64x2048xf32>
    %eq3A_24 = arith.cmpf oeq, %transpose3A, %eq3A_23 : vector<64x2048xf32>
    %jit3A_25 = arith.constant 1.000000e+00 : f32
    %jit3A_26 = arith.constant 0.000000e+00 : f32
    %broadcast_in_dim3A_27 = vector.broadcast %jit3A_25 : f32 to vector<64x2048xf32>
    %broadcast_in_dim3A_28 = vector.broadcast %jit3A_26 : f32 to vector<64x2048xf32>
    %select_n3A_29 = arith.select %eq3A_24, %broadcast_in_dim3A_27, %broadcast_in_dim3A_28 : vector<64x2048xi1>, vector<64x2048xf32>
    %eq3A_30 = arith.constant 4.000000e+00 : f32
    %eq3A_31 = vector.broadcast %eq3A_30 : f32 to vector<64x2048xf32>
    %eq3A_32 = arith.cmpf oeq, %transpose3A, %eq3A_31 : vector<64x2048xf32>
    %jit3A_33 = arith.constant 1.000000e+00 : f32
    %jit3A_34 = arith.constant 0.000000e+00 : f32
    %broadcast_in_dim3A_35 = vector.broadcast %jit3A_33 : f32 to vector<64x2048xf32>
    %broadcast_in_dim3A_36 = vector.broadcast %jit3A_34 : f32 to vector<64x2048xf32>
    %select_n3A_37 = arith.select %eq3A_32, %broadcast_in_dim3A_35, %broadcast_in_dim3A_36 : vector<64x2048xi1>, vector<64x2048xf32>
    %eq3A_38 = arith.constant 5.000000e+00 : f32
    %eq3A_39 = vector.broadcast %eq3A_38 : f32 to vector<64x2048xf32>
    %eq3A_40 = arith.cmpf oeq, %transpose3A, %eq3A_39 : vector<64x2048xf32>
    %jit3A_41 = arith.constant 1.000000e+00 : f32
    %jit3A_42 = arith.constant 0.000000e+00 : f32
    %broadcast_in_dim3A_43 = vector.broadcast %jit3A_41 : f32 to vector<64x2048xf32>
    %broadcast_in_dim3A_44 = vector.broadcast %jit3A_42 : f32 to vector<64x2048xf32>
    %select_n3A_45 = arith.select %eq3A_40, %broadcast_in_dim3A_43, %broadcast_in_dim3A_44 : vector<64x2048xi1>, vector<64x2048xf32>
    %eq3A_46 = arith.constant 6.000000e+00 : f32
    %eq3A_47 = vector.broadcast %eq3A_46 : f32 to vector<64x2048xf32>
    %eq3A_48 = arith.cmpf oeq, %transpose3A, %eq3A_47 : vector<64x2048xf32>
    %jit3A_49 = arith.constant 1.000000e+00 : f32
    %jit3A_50 = arith.constant 0.000000e+00 : f32
    %broadcast_in_dim3A_51 = vector.broadcast %jit3A_49 : f32 to vector<64x2048xf32>
    %broadcast_in_dim3A_52 = vector.broadcast %jit3A_50 : f32 to vector<64x2048xf32>
    %select_n3A_53 = arith.select %eq3A_48, %broadcast_in_dim3A_51, %broadcast_in_dim3A_52 : vector<64x2048xi1>, vector<64x2048xf32>
    %eq3A_54 = arith.constant 7.000000e+00 : f32
    %eq3A_55 = vector.broadcast %eq3A_54 : f32 to vector<64x2048xf32>
    %eq3A_56 = arith.cmpf oeq, %transpose3A, %eq3A_55 : vector<64x2048xf32>
    %jit3A_57 = arith.constant 1.000000e+00 : f32
    %jit3A_58 = arith.constant 0.000000e+00 : f32
    %broadcast_in_dim3A_59 = vector.broadcast %jit3A_57 : f32 to vector<64x2048xf32>
    %broadcast_in_dim3A_60 = vector.broadcast %jit3A_58 : f32 to vector<64x2048xf32>
    %select_n3A_61 = arith.select %eq3A_56, %broadcast_in_dim3A_59, %broadcast_in_dim3A_60 : vector<64x2048xi1>, vector<64x2048xf32>
    %eq3A_62 = arith.constant 8.000000e+00 : f32
    %eq3A_63 = vector.broadcast %eq3A_62 : f32 to vector<64x2048xf32>
    %eq3A_64 = arith.cmpf oeq, %transpose3A, %eq3A_63 : vector<64x2048xf32>
    %jit3A_65 = arith.constant 1.000000e+00 : f32
    %jit3A_66 = arith.constant 0.000000e+00 : f32
    %broadcast_in_dim3A_67 = vector.broadcast %jit3A_65 : f32 to vector<64x2048xf32>
    %broadcast_in_dim3A_68 = vector.broadcast %jit3A_66 : f32 to vector<64x2048xf32>
    %select_n3A_69 = arith.select %eq3A_64, %broadcast_in_dim3A_67, %broadcast_in_dim3A_68 : vector<64x2048xi1>, vector<64x2048xf32>
    %eq3A_70 = arith.constant 9.000000e+00 : f32
    %eq3A_71 = vector.broadcast %eq3A_70 : f32 to vector<64x2048xf32>
    %eq3A_72 = arith.cmpf oeq, %transpose3A, %eq3A_71 : vector<64x2048xf32>
    %jit3A_73 = arith.constant 1.000000e+00 : f32
    %jit3A_74 = arith.constant 0.000000e+00 : f32
    %broadcast_in_dim3A_75 = vector.broadcast %jit3A_73 : f32 to vector<64x2048xf32>
    %broadcast_in_dim3A_76 = vector.broadcast %jit3A_74 : f32 to vector<64x2048xf32>
    %select_n3A_77 = arith.select %eq3A_72, %broadcast_in_dim3A_75, %broadcast_in_dim3A_76 : vector<64x2048xi1>, vector<64x2048xf32>
    %eq3A_78 = arith.constant 1.000000e+01 : f32
    %eq3A_79 = vector.broadcast %eq3A_78 : f32 to vector<64x2048xf32>
    %eq3A_80 = arith.cmpf oeq, %transpose3A, %eq3A_79 : vector<64x2048xf32>
    %jit3A_81 = arith.constant 1.000000e+00 : f32
    %jit3A_82 = arith.constant 0.000000e+00 : f32
    %broadcast_in_dim3A_83 = vector.broadcast %jit3A_81 : f32 to vector<64x2048xf32>
    %broadcast_in_dim3A_84 = vector.broadcast %jit3A_82 : f32 to vector<64x2048xf32>
    %select_n3A_85 = arith.select %eq3A_80, %broadcast_in_dim3A_83, %broadcast_in_dim3A_84 : vector<64x2048xi1>, vector<64x2048xf32>
    %eq3A_86 = arith.constant 1.100000e+01 : f32
    %eq3A_87 = vector.broadcast %eq3A_86 : f32 to vector<64x2048xf32>
    %eq3A_88 = arith.cmpf oeq, %transpose3A, %eq3A_87 : vector<64x2048xf32>
    %jit3A_89 = arith.constant 1.000000e+00 : f32
    %jit3A_90 = arith.constant 0.000000e+00 : f32
    %broadcast_in_dim3A_91 = vector.broadcast %jit3A_89 : f32 to vector<64x2048xf32>
    %broadcast_in_dim3A_92 = vector.broadcast %jit3A_90 : f32 to vector<64x2048xf32>
    %select_n3A_93 = arith.select %eq3A_88, %broadcast_in_dim3A_91, %broadcast_in_dim3A_92 : vector<64x2048xi1>, vector<64x2048xf32>
    %eq3A_94 = arith.constant 1.200000e+01 : f32
    %eq3A_95 = vector.broadcast %eq3A_94 : f32 to vector<64x2048xf32>
    %eq3A_96 = arith.cmpf oeq, %transpose3A, %eq3A_95 : vector<64x2048xf32>
    %jit3A_97 = arith.constant 1.000000e+00 : f32
    %jit3A_98 = arith.constant 0.000000e+00 : f32
    %broadcast_in_dim3A_99 = vector.broadcast %jit3A_97 : f32 to vector<64x2048xf32>
    %broadcast_in_dim3A_100 = vector.broadcast %jit3A_98 : f32 to vector<64x2048xf32>
    %select_n3A_101 = arith.select %eq3A_96, %broadcast_in_dim3A_99, %broadcast_in_dim3A_100 : vector<64x2048xi1>, vector<64x2048xf32>
    %eq3A_102 = arith.constant 1.300000e+01 : f32
    %eq3A_103 = vector.broadcast %eq3A_102 : f32 to vector<64x2048xf32>
    %eq3A_104 = arith.cmpf oeq, %transpose3A, %eq3A_103 : vector<64x2048xf32>
    %jit3A_105 = arith.constant 1.000000e+00 : f32
    %jit3A_106 = arith.constant 0.000000e+00 : f32
    %broadcast_in_dim3A_107 = vector.broadcast %jit3A_105 : f32 to vector<64x2048xf32>
    %broadcast_in_dim3A_108 = vector.broadcast %jit3A_106 : f32 to vector<64x2048xf32>
    %select_n3A_109 = arith.select %eq3A_104, %broadcast_in_dim3A_107, %broadcast_in_dim3A_108 : vector<64x2048xi1>, vector<64x2048xf32>
    %eq3A_110 = arith.constant 1.400000e+01 : f32
    %eq3A_111 = vector.broadcast %eq3A_110 : f32 to vector<64x2048xf32>
    %eq3A_112 = arith.cmpf oeq, %transpose3A, %eq3A_111 : vector<64x2048xf32>
    %jit3A_113 = arith.constant 1.000000e+00 : f32
    %jit3A_114 = arith.constant 0.000000e+00 : f32
    %broadcast_in_dim3A_115 = vector.broadcast %jit3A_113 : f32 to vector<64x2048xf32>
    %broadcast_in_dim3A_116 = vector.broadcast %jit3A_114 : f32 to vector<64x2048xf32>
    %select_n3A_117 = arith.select %eq3A_112, %broadcast_in_dim3A_115, %broadcast_in_dim3A_116 : vector<64x2048xi1>, vector<64x2048xf32>
    %eq3A_118 = arith.constant 1.500000e+01 : f32
    %eq3A_119 = vector.broadcast %eq3A_118 : f32 to vector<64x2048xf32>
    %eq3A_120 = arith.cmpf oeq, %transpose3A, %eq3A_119 : vector<64x2048xf32>
    %jit3A_121 = arith.constant 1.000000e+00 : f32
    %jit3A_122 = arith.constant 0.000000e+00 : f32
    %broadcast_in_dim3A_123 = vector.broadcast %jit3A_121 : f32 to vector<64x2048xf32>
    %broadcast_in_dim3A_124 = vector.broadcast %jit3A_122 : f32 to vector<64x2048xf32>
    %select_n3A_125 = arith.select %eq3A_120, %broadcast_in_dim3A_123, %broadcast_in_dim3A_124 : vector<64x2048xi1>, vector<64x2048xf32>
    %concatenate3A = tpu.concatenate %select_n3A, %select_n3A_13, %select_n3A_21, %select_n3A_29, %select_n3A_37, %select_n3A_45, %select_n3A_53, %select_n3A_61, %select_n3A_69, %select_n3A_77, %select_n3A_85, %select_n3A_93, %select_n3A_101, %select_n3A_109, %select_n3A_117, %select_n3A_125 in 0 : vector<64x2048xf32>, vector<64x2048xf32>, vector<64x2048xf32>, vector<64x2048xf32>, vector<64x2048xf32>, vector<64x2048xf32>, vector<64x2048xf32>, vector<64x2048xf32>, vector<64x2048xf32>, vector<64x2048xf32>, vector<64x2048xf32>, vector<64x2048xf32>, vector<64x2048xf32>, vector<64x2048xf32>, vector<64x2048xf32>, vector<64x2048xf32> -> vector<1024x2048xf32>
    %convert_element_type3A = arith.truncf %concatenate3A : vector<1024x2048xf32> to vector<1024x2048xbf16>
    %get3A_126 = arith.constant 0 : index
    %get3A_127 = arith.constant 0 : index
    %get3A_128 = vector.load %arg2[%get3A_126, %get3A_127] : memref<1024x1024xbf16, #tpu.memory_space<vmem>>, vector<1024x1024xbf16>
    %dot_general3A = arith.constant dense<0.000000e+00> : vector<2048x1024xf32>
    %dot_general3A_129 = tpu.matmul %convert_element_type3A, %get3A_128, %dot_general3A {dimension_numbers = #tpu.dot_dimension_numbers<[0], [0], [1], [1], [0, 1, 1, 1], [], []>, transpose_lhs_hint = false} : vector<1024x2048xbf16>, vector<1024x1024xbf16>, vector<2048x1024xf32> -> vector<2048x1024xf32>
    %swap3A = arith.constant 0 : index
    %swap3A_130 = arith.constant 0 : index
    %swap3A_131 = vector.load %arg3[%swap3A, %swap3A_130] : memref<2048x1024xf32, #tpu.memory_space<vmem>>, vector<2048x1024xf32>
    tpu.vector_store %arg3[%swap3A, %swap3A_130], %dot_general3A_129 {strides = array<i32>} : memref<2048x1024xf32, #tpu.memory_space<vmem>>, vector<2048x1024xf32>,
    return
  }
  func.func @transform_0(%arg0: i32) -> (i32, i32) {
    %c0_i32 = arith.constant 0 : i32
    %c0_i32_0 = arith.constant 0 : i32
    return %arg0, %c0_i32 : i32, i32
  }
  func.func @transform_1(%arg0: i32) -> (i32, i32) {
    %c0_i32 = arith.constant 0 : i32
    %c0_i32_0 = arith.constant 0 : i32
    %c0_i32_1 = arith.constant 0 : i32
    return %c0_i32, %c0_i32_0 : i32, i32
  }
  func.func @transform_2(%arg0: i32) -> (i32, i32) {
    %c0_i32 = arith.constant 0 : i32
    %c0_i32_0 = arith.constant 0 : i32
    return %arg0, %c0_i32 : i32, i32
  }
}

</mosaic_0001>

<sc_bundles>
// kernel: _run.4.cloned.1.call-start
scs
__scs_entry_jumppad:
0x0: {  	(pc) =	sbr.rel $0x88, $3  }
0x1: {  	(tag) =	ssettag $0x0;
	lr =	simm.s32 $0x1  }
0x2: {  	[smem:$0x3F9D] =	sst lr;
	_ =	strace $0xD0000000  }
0x3: {  	_ = 	snop  }
0x4: {  	_ = 	snop  }
0x5: {  	_ = 	snop  }
0x6: {  	_ = 	snop  }
0x7: {  	_ = 	snop  }
__scs_overlays_trampoline_lowered:
0x8: {  	[smem:$0x3FAC] =	sst s0  }
0x9: {  	[smem:$0x3FAD] =	sst s1  }
0xa: {  	[smem:$0x3FAE] =	sst s2  }
0xb: {  	[smem:$0x3FAF] =	sst s3  }
0xc: {  	[smem:$0x3FB0] =	sst s4  }
0xd: {  	[smem:$0x3FB1] =	sst s5  }
0xe: {  	[smem:$0x3FB2] =	sst s6  }
0xf: {  	[smem:$0x3FB3] =	sst s7  }
0x10: {  	[smem:$0x3FB4] =	sst s8  }
0x11: {  	[smem:$0x3FB5] =	sst s9;
	s0 =	simm.s32 @!p0 $0x0  }
0x12: {  	s1 =	sld [smem:$0x3F9B];
	s0 =	simm.s32 @p0 $0x1  }
0x13: {  	[smem:$0x3FB6] =	sst s0;
	s0 =	simm.s32 @!p1 $0x0  }
0x14: {  	s2 =	sld [smem:$0x3F9A];
	s0 =	simm.s32 @p1 $0x1  }
0x15: {  	[smem:$0x3FB7] =	sst s0;
	s0 =	simm.s32 @!p2 $0x0  }
0x16: {  	s3 =	sld [smem:$0x3FDB];
	s0 =	simm.s32 @p2 $0x1  }
0x17: {  	s4 =	simm.s32 $0x1BF5;
	[smem:$0x3FB9] =	sst s0  }
0x18: {  	s0 =	sld [smem:$0x3F9C];
	_ =	swait.ge [sflag:s4], $0x0  }
0x19: {  	s7 =	sld [smem:$0x3F9D]  }
0x1a: {  	s8 =	sadd.s32 $0xFFFFE003, lr  }
0x1b: {  	s9 =	sadd.s32 $0xFFFFFEF7, lr;
	s5 =	simm.s32 $0xFFFFFFFF;
	p2 =	slt.u32 s8, $0xFFFFF086  }
0x1c: {  	p1 =	slt.u32 s9, $0xF7A;
	s5 =	simm.s32 @!p2 $0x0  }
0x1d: {  	s5 =	simm.s32 @p1 $0x1;
	p0 =	seq.s32 s7, s2  }
0x1e: {  	s7 =	smul.u32 @!p0 $0xF7A, s2;
	p2 =	seq.s32 @!p0 s5, $0x0  }
0x1f: {  	s9 =	smul.u32 $0xF7A, s1;
	s8 =	simm.s32 @!p0 $0x1BF5;
	p2 =	por !p2, p0  }
0x20: {  	[sflag:s8] =	ssyncset.s32 @!p0 $0xFFFFF086;
	s6 =	sadd.s32 @!p0 s3, s7;
	s7 =	simm.s32 @!p0 $0x108  }
0x21: {  	s3 =	sadd.s32 s3, s9;
	s6 =	sadd.s32 @!p0 $0x88, s6;
	s7 =	simm.s32 @p2 $0x1082  }
0x22: {  	[simem:s7], [sflag:s8] =	dma.local @!p0 [hbm:s6], $0xF7A  }
0x23: {  	s9 =	sor.u32 $0xD0000000, s2;
	s6 =	simm.s32 $0x108;
	_ =	swait.ge @!p0 [sflag:s8], $0x0  }
0x24: {  	s3 =	sadd.s32 $0x88, s3;
	s6 =	simm.s32 @!p1 $0x1082;
	[sflag:s4] =	ssyncset.s32 $0xFFFFF086  }
0x25: {  	[simem:s6], [sflag:s4] =	dma.local [hbm:s3], $0xF7A  }
0x26: {  	[smem:$0x3F9D] =	sst s1;
	(tag) =	ssettag s2;
	_ =	strace s9  }
0x27: {  	s1 =	sld [smem:$0x3FAD]  }
0x28: {  	s2 =	sld [smem:$0x3FAE]  }
0x29: {  	s4 =	sld [smem:$0x3FB0]  }
0x2a: {  	p0 =	seq.s32 s5, $0x0;
	s5 =	sld [smem:$0x3FB1]  }
0x2b: {  	s6 =	sld [smem:$0x3FB2]  }
0x2c: {  	s7 =	sld [smem:$0x3FB3]  }
0x2d: {  	s3 =	simm.s32 $0x108;
	s8 =	sld [smem:$0x3FB4]  }
0x2e: {  	s3 =	simm.s32 @!p0 $0x1082;
	s9 =	sld [smem:$0x3FB5]  }
0x2f: {  	lr =	sadd.s32 s0, s3;
	s0 =	sld [smem:$0x3FAC]  }
0x30: {  	s3 =	sld [smem:$0x3FAF]  }
0x31: {  	[smem:$0x3FB8] =	sst s10  }
0x32: {  	s10 =	sld [smem:$0x3FB6];
	_ =	sdelay $0x3  }
0x33: {  	p0 =	seq.s32 s10, $0x1;
	s10 =	sld [smem:$0x3FB8];
	_ =	sdelay $0x3  }
0x34: {  	[smem:$0x3FB8] =	sst s10  }
0x35: {  	s10 =	sld [smem:$0x3FB7];
	_ =	sdelay $0x3  }
0x36: {  	p1 =	seq.s32 s10, $0x1;
	s10 =	sld [smem:$0x3FB8];
	_ =	sdelay $0x3  }
0x37: {  	[smem:$0x3FB8] =	sst s10  }
0x38: {  	s10 =	sld [smem:$0x3FB9]  }
0x39: {  	_ = 	snop;
	(pc) =	sbr.ind lr, $3  }
0x3a: {  	_ = 	snop  }
0x3b: {  	_ = 	snop  }
0x3c: {  	p2 =	seq.s32 s10, $0x1;
	s10 =	sld [smem:$0x3FB8]  }
0x3d: {  	_ =	shalt  }
0x3e: {  	_ =	shalt  }
0x3f: {  	_ =	shalt  }
0x40: {  	_ =	shalt  }
0x41: {  	_ =	shalt  }
0x42: {  	_ =	shalt  }
0x43: {  	_ =	shalt  }
0x44: {  	_ =	shalt  }
0x45: {  	_ =	shalt  }
0x46: {  	_ =	shalt  }
0x47: {  	_ =	shalt  }
0x48: {  	_ =	shalt  }
0x49: {  	_ =	shalt  }
0x4a: {  	_ =	shalt  }
0x4b: {  	_ =	shalt  }
0x4c: {  	_ =	shalt  }
0x4d: {  	_ =	shalt  }
0x4e: {  	_ =	shalt  }
0x4f: {  	_ =	shalt  }
0x50: {  	_ =	shalt  }
0x51: {  	_ =	shalt  }
0x52: {  	_ =	shalt  }
0x53: {  	_ =	shalt  }
0x54: {  	_ =	shalt  }
0x55: {  	_ =	shalt  }
0x56: {  	_ =	shalt  }
0x57: {  	_ =	shalt  }
0x58: {  	_ =	shalt  }
0x59: {  	_ =	shalt  }
0x5a: {  	_ =	shalt  }
0x5b: {  	_ =	shalt  }
0x5c: {  	_ =	shalt  }
0x5d: {  	_ =	shalt  }
0x5e: {  	_ =	shalt  }
0x5f: {  	_ =	shalt  }
0x60: {  	_ =	shalt  }
0x61: {  	_ =	shalt  }
0x62: {  	_ =	shalt  }
0x63: {  	_ =	shalt  }
0x64: {  	_ =	shalt  }
0x65: {  	_ =	shalt  }
0x66: {  	_ =	shalt  }
0x67: {  	_ =	shalt  }
0x68: {  	_ =	shalt  }
0x69: {  	_ =	shalt  }
0x6a: {  	_ =	shalt  }
0x6b: {  	_ =	shalt  }
0x6c: {  	_ =	shalt  }
0x6d: {  	_ =	shalt  }
0x6e: {  	_ =	shalt  }
0x6f: {  	_ =	shalt  }
0x70: {  	_ =	shalt  }
0x71: {  	_ =	shalt  }
0x72: {  	_ =	shalt  }
0x73: {  	_ =	shalt  }
0x74: {  	_ =	shalt  }
0x75: {  	_ =	shalt  }
0x76: {  	_ =	shalt  }
0x77: {  	_ =	shalt  }
0x78: {  	_ =	shalt  }
0x79: {  	_ =	shalt  }
0x7a: {  	_ =	shalt  }
0x7b: {  	_ =	shalt  }
0x7c: {  	_ =	shalt  }
0x7d: {  	_ =	shalt  }
0x7e: {  	_ =	shalt  }
0x7f: {  	_ =	shalt  }
0x80: {  	_ =	shalt  }
0x81: {  	_ =	shalt  }
0x82: {  	_ =	shalt  }
0x83: {  	_ =	shalt  }
0x84: {  	_ =	shalt  }
0x85: {  	_ =	shalt  }
0x86: {  	_ =	shalt  }
0x87: {  	_ =	shalt  }
.Lfunc_end0:
.L_simem_size_0:
called_computation_lowered:
.L_overlay_start_0:
0x88: {  	s2 =	sld [smem:$0x3FD9]  }
0x89: {  	s3 =	sld [smem:$0x3FFE];
	_ =	sdelay $0x1  }
0x8a: {  	s1 =	srdreg.scid  }
0x8b: {  	s0 =	sand.u32 $0x1, s1  }
0x8c: {  	s17 =	sshll.u32 s0, $0xA;
	s2 =	sadd.s32 s3, s2  }
0x8d: {  	s2 =	sadd.s32 s2, s17  }
0x8e: {  	[smem:$0x3FC4] =	sst s2  }
0x8f: {  	_ = 	snop  }
0x90: {  	s2 =	sld [smem:$0x3FC9]  }
0x91: {  	s18 =	sld [smem:$0x3FD0];
	(tm) =	ssettm $0x1  }
0x92: {  	s4 =	sld [smem:$0x3FFB];
	_ =	sdelay $0x3  }
0x93: {  	_ =	strace s4  }
0x94: {  	s4 =	sld [smem:$0x3FFC];
	_ =	sdelay $0x3  }
0x95: {  	_ =	strace s4  }
0x96: {  	s4 =	sld [smem:$0x3FFD];
	_ =	sdelay $0x3  }
0x97: {  	_ =	strace s4  }
0x98: {  	_ =	strace $0x8FFFFFFF  }
0x99: {  	s19 =	sld [smem:$0x3FDB];
	_ =	sdelay $0x1  }
0x9a: {  	s5 =	simm.s32 $_scs_section_size  }
0x9b: {  	s6 =	simm.s32 $_size__tile_overlayer_lowered;
	s7 =	simm.s32 $_tile_overlayer_lowered  }
0x9c: {  	s22 =	simm.s32 $0x1BFF;
	s21 =	sshll.u32 s7, $0x1;
	s4 =	sadd.s32 s5, s19  }
0x9d: {  	s8 =	simm.s32 $0x0;
	s20 =	sshll.u32 s6, $0x1;
	s6 =	sadd.s32 s21, s4  }
0x9e: {  	[timem:s8], [sflag:s22] =	dma.local [hbm:s6], s20  }
0x9f: {  	_ =	swait.ge [sflag:s22], s20  }
0xa0: {  	s5 =	ssub.s32 $0x0, s20;
	[sflag:s22] =	ssyncset.done $0x0  }
0xa1: {  	[sflag:s22] =	ssyncadd.s32 s5;
	_ =	sdelay $0x1  }
0xa2: {  	s23 =	simm.s32 $0x1B8B  }
0xa3: {  	_ =	swait.ge [sflag:s23], $0x1  }
0xa4: {  	[sflag:s23] =	ssyncset.done $0x0  }
0xa5: {  	s25 =	simm.s32 $0x1B8E;
	s24 =	sld [smem:$0x3FFE];
	[sflag:s23] =	ssyncadd.s32 $0xFFFFFFFF  }
0xa6: {  	s26 =	simm.s32 $execute0_lowered;
	[smem:$0x3FD2] =	sst s25  }
0xa7: {  	s6 =	sshll.u32 s26, $0x1;
	_ =	strace $0x80000046;
	[dreg:$0x1] =	wrdreg $0xFFFFFFFF  }
0xa8: {  	s28 =	simm.s32 $_size_execute0_lowered;
	s4 =	sadd.s32 s4, s6;
	[dreg:$0x0] =	wrdreg $0x0  }
0xa9: {  	s6 =	sshll.u32 s28, $0x1;
	[dreg:$0x2] =	wrdreg s4  }
0xaa: {  	[dreg:$0x3] =	wrdreg s6  }
0xab: {  	[dreg:$0x4] =	wrdreg $0xC0  }
0xac: {  	_ =	task [dreg:s8], $0x5FFFF  }
0xad: {  	[dreg:$0x1] =	wrdreg $0xFFFFFFFF  }
0xae: {  	[dreg:$0x0] =	wrdreg $0x60  }
0xaf: {  	[dreg:$0x2] =	wrdreg s2  }
0xb0: {  	[dreg:$0x3] =	wrdreg s24  }
0xb1: {  	[dreg:$0x4] =	wrdreg s18  }
0xb2: {  	[dreg:$0x5] =	wrdreg $0x9  }
0xb3: {  	_ =	task.clear_ibuf [dreg:s8], $0x6FFFF;
	_ =	strace $0x90000046  }
0xb4: {  	s29 =	simm.s32 $0x9;
	_ =	strace $0x80000048  }
0xb5: {  	_ =	swait.ge [sflag:s29], $0x1  }
0xb6: {  	[sflag:s29] =	ssyncadd.s32 $0xFFFFFFFF  }
0xb7: {  	_ =	strace $0x90000048  }
0xb8: {  	_ =	sfence  }
0xb9: {  	s30 =	sld [smem:$0x0];
	_ =	sdelay $0x2  }
0xba: {  	s31 =	sshll.u32 s1, $0xD;
	s1 =	sshrl.u32 s1, $0x2  }
0xbb: {  	s3 =	sand.u32 $0x4000, s31;
	s1 =	sadd.s32 s1, s30  }
0xbc: {  	s0 =	sor.u32 s3, s0;
	s1 =	sshll.u32 s1, $0x11  }
0xbd: {  	s0 =	sor.u32 s1, s0  }
0xbe: {  	s0 =	sadd.s32 $0x8F2B, s0  }
0xbf: {  	[sflag:s0] =	ssyncadd.remote.s32 $0x1  }
0xc0: {  	_ =	sfence.sel $0xFFFF  }
0xc1: {  	[dreg:$0x0] =	wrdreg $0xFFFFFFFF;
	(pc) =	sbr.abs _section_cstart, $3  }
0xc2: {  	[dreg:$0x1] =	wrdreg $0xFFFFFFFF  }
0xc3: {  	_ =	task.clear_ibuf [dreg:s8], $0x2FFFF;
	_ =	strace $0x9FFFFFFF  }
0xc4: {  	(tm) =	ssettm $0x7FFFFFFF  }
0xc5: {  	_ =	shalt  }
tec
execute0_lowered:
.L_overlay_start_1:
0x0: {  	(tag) =	ssettag $0x1  }
0x1: {  	s1 =	rddreg [dreg:$0x0]  }
0x2: {  	s2 =	rddreg [dreg:$0x1]  }
0x3: {  	s9 =	rddreg [dreg:$0x2]  }
0x4: {  	s0 =	rddreg [dreg:$0x3]  }
0x5: {  	s5 =	srdreg.scid;
	s4 =	simm.s32 $0x0;
	s3 =	stileid.u32  }
0x6: {  	s12 =	simm.s32 $0x100;
	s13 =	simm.s32 $0x500;
	s14 =	simm.s32 $0x4500  }
0x7: {  	s15 =	simm.s32 $0x1;
	s16 =	simm.s32 $0x2;
	s17 =	simm.s32 $0x8500  }
0x8: {  	s18 =	simm.s32 $0x0;
	s7 =	sand.u32 $0x1, s5;
	[smem:$0x7FF] =	sst s4  }
0x9: {  	s30 =	sshll.u32 s3, $0x8;
	s6 =	sshll.u32 s7, $0x7;
	_ =	strace $0x80000047  }
0xa: {  	s8 =	ssub.s32 $0x2, s7;
	s5 =	sor.u32 s6, s30;
	s6 =	sadd.s32 $0x200, s2  }
0xb: {  	s10 =	sshrl.u32 s8, $0x1;
	s31 =	sshll.u32 s5, $0x7;
	s11 =	sshll.u32 s5, $0x4  }
0xc: {  	s10 =	ssub.s32 s8, s10;
	s7 =	sadd.s32 s1, s31;
	s9 =	sadd.s32 s9, s11  }
0xd: {  	v0 =	vimm.f32 $0.0e+00;
	s10 =	smax.u32 s10, $0x1;
	s11 =	simm.s32 $0x3;
	s8 =	sadd.s32 $0x1000, s7  }
.LBB2_1:
0xe: {  	[tilespmem:s4], [sflag:$0x3] =	stream.linear.gather [hbm4b:s2+s4], $0x100, $0x38;
	[tilespmem:$0xC500] =	vst v63  }
0xf: {  	_ =	swait.ge [sflag:s11], $0x100  }
0x10: {  	s19 =	simm.s32 $0x8510;
	[sflag:s11] =	ssyncset.done $0x0  }
0x11: {  	s20 =	simm.s32 $0x8520;
	s21 =	simm.s32 $0x8530;
	[sflag:s11] =	ssyncadd.s32 $0xFFFFFF00  }
0x12: {  	[tilespmem:s12], [sflag:$0x3] =	stream.linear.gather [hbm4b:s6+s4], $0x400, $0x38;
	[tilespmem:$0xC500] =	vst v63  }
0x13: {  	s22 =	simm.s32 $0x8D00;
	s23 =	simm.s32 $0x8D10;
	_ =	swait.ge [sflag:s11], $0x400  }
0x14: {  	s24 =	simm.s32 $0x8D20;
	s25 =	simm.s32 $0x8D30;
	[sflag:s11] =	ssyncset.done $0x0  }
0x15: {  	s26 =	simm.s32 $0x8500;
	s28 =	simm.s32 $0x0;
	[sflag:s11] =	ssyncadd.s32 $0xFFFFFC00  }
0x16: {  	[tilespmem:s13], [sflag:$0x1] =	stream.linear.gather [hbm4b:s7+s4], $0x4000, $0x38;
	[tilespmem:$0xC500] =	vst v63  }
.LBB2_2:
0x17: {  	s29 =	sshll.u32 s28, $0x5  }
0x18: {  	s29 =	sadd.s32 s29, s5  }
0x19: {  	s29 =	sshll.u32 s29, $0x7  }
0x1a: {  	s29 =	sadd.s32 s1, s29  }
0x1b: {  	s30 =	simm.s32 $0x0;
	s29 =	sadd.s32 $0x800, s29  }
0x1c: {  	[tilespmem:s14], [sflag:$0x2] =	stream.linear.gather [hbm4b:s29+s30], $0x4000, $0x38;
	[tilespmem:$0xC500] =	vst v63  }
0x1d: {  	_ =	swait.ge [sflag:s15], $0x4000  }
0x1e: {  	[sflag:s15] =	ssyncset.done $0x0  }
0x1f: {  	[sflag:s15] =	ssyncadd.s32 $0xFFFFC000  }
0x20: {  	v1 =	vld [tilespmem:$0x0];
	_ =	sdelay $0x1  }
0x21: {  	v2 =	vld [tilespmem:$0x40];
	_ =	sdelay $0x2  }
0x22: {  	v3 =	vshll.u32 v1, $0x3  }
0x23: {  	v4 =	vmov s30;
	v1 =	vand.u32 $0x7F, v1;
	v3 =	vand.u32 $0xFFFFFC00, v3  }
0x24: {  	v5 =	vld [tilespmem:$0x80];
	v7 =	vor.u32 v1, v3;
	v1 =	vand.u32 $0x7F, v2;
	v3 =	vshll.u32 v4, $0xA  }
0x25: {  	v2 =	vshll.u32 v2, $0x3;
	v6 =	vand.u32 $0x2000, v3;
	v3 =	vshll.u32 v4, $0x7  }
0x26: {  	v2 =	vand.u32 $0xFFFFFC00, v2;
	v10 =	vand.u32 $0x380, v3;
	v3 =	vadd.s32 v7, v6  }
0x27: {  	v13 =	vor.u32 v1, v2;
	v3 =	vor.u32 v10, v3  }
0x28: {  	v1 =	vadd.s32 v13, v6  }
0x29: {  	v9 =	vld [tilespmem:$0xC0];
	v2 =	vshll.u32 v5, $0x3;
	v8 =	vor.u32 v10, v1  }
0x2a: {  	v4 =	vld [tilespmem:$0x100];
	v5 =	vand.u32 $0x7F, v5;
	v11 =	vand.u32 $0xFFFFFC00, v2  }
0x2b: {  	v2 =	vld [tilespmem:$0x180];
	v17 =	vor.u32 v5, v11  }
0x2c: {  	v11 =	vadd.s32 v17, v6;
	v5 =	vld.idx.msk [tilespmem:v3+s13+$0x0], $0xffff  }
0x2d: {  	v1 =	vld [tilespmem:$0x140];
	v12 =	vor.u32 v10, v11  }
0x2e: {  	v11 =	vshll.u32 v9, $0x3;
	v14 =	vld.idx.msk [tilespmem:v8+s13+$0x0], $0xffff  }
0x2f: {  	v15 =	vand.u32 $0x7F, v9;
	v9 =	vld [tilespmem:$0x240];
	v11 =	vand.u32 $0xFFFFFC00, v11  }
0x30: {  	v3 =	vld [tilespmem:$0x1C0];
	v19 =	vor.u32 v15, v11  }
0x31: {  	v8 =	vld [tilespmem:$0x200];
	v6 =	vadd.s32 v19, v6;
	vm0 =	vgt.f32 v5, v4  }
0x32: {  	v16 =	vor.u32 v10, v6;
	v15 =	vld.idx.msk [tilespmem:v12+s13+$0x0], $0xffff;
	v20 =	vsel vm0, $0x3F800000, v0  }
0x33: {  	v11 =	vld [tilespmem:$0x280];
	vm5 =	vgt.f32 v14, v1;
	v21 =	vsub.f32 $1.000000000e+00, v20  }
0x34: {  	v10 =	vld [tilespmem:$0x300];
	v12 =	vsel vm5, $0x3F800000, v0  }
0x35: {  	v6 =	vld [tilespmem:$0x340];
	vm6 =	vgt.f32 v14, v2;
	v14 =	vmul.f32 v12, v21  }
0x36: {  	v5 =	vld [tilespmem:$0x2C0];
	v18 =	vnsel vm6, $0x0, v20  }
0x37: {  	v22 =	vld.idx.msk [tilespmem:v16+s13+$0x0], $0xffff;
	vm7 =	vgt.f32 v15, v3;
	vm1 =	vgt.f32 v15, v8;
	v23 =	vadd.f32 v14, v18  }
0x38: {  	v16 =	vld [tilespmem:$0x440];
	vm8 =	vgt.f32 v15, v9;
	vm2 =	vgt.f32 v15, v11;
	v24 =	vsel vm7, $0x3F800000, v0  }
0x39: {  	v15 =	vld [tilespmem:$0x400];
	v25 =	vsel vm2, $0x3F800000, v0;
	v18 =	vsel vm1, $0x3F800000, v0;
	v26 =	vsub.f32 $1.000000000e+00, v23  }
0x3a: {  	v12 =	vld [tilespmem:$0x380];
	v27 =	vsel vm8, $0x3F800000, v0;
	v28 =	vmul.f32 v23, v18;
	v25 =	vmul.f32 v23, v25  }
0x3b: {  	v14 =	vld [tilespmem:$0x3C0];
	v24 =	vmul.f32 v26, v24;
	v27 =	vmul.f32 v26, v27  }
0x3c: {  	vm9 =	vgt.f32 v22, v5;
	v18 =	vld [tilespmem:$0x480]  }
0x3d: {  	vm10 =	vgt.f32 v22, v10;
	v24 =	vadd.f32 v24, v28;
	v25 =	vadd.f32 v27, v25  }
0x3e: {  	vm11 =	vgt.f32 v22, v6;
	vm12 =	vgt.f32 v22, v16;
	vm5 =	vgt.f32 v22, v15  }
0x3f: {  	v33 =	vsel vm12, $0x3F800000, v0;
	v25 =	vmul.f32 v25, v20;
	v24 =	vmul.f32 v24, v21  }
0x40: {  	vm3 =	vgt.f32 v22, v12;
	v29 =	vsel vm5, $0x3F800000, v0;
	vm4 =	vgt.f32 v22, v14  }
0x41: {  	v27 =	vsel vm9, $0x3F800000, v0;
	vm6 =	vgt.f32 v22, v18;
	v24 =	vadd.f32 v24, v25  }
0x42: {  	v22 =	vsel vm10, $0x3F800000, v0;
	v30 =	vsel vm6, $0x3F800000, v0;
	v25 =	vsel vm3, $0x3F800000, v0  }
0x43: {  	v22 =	vmul.f32 v24, v22;
	v31 =	vsub.f32 $1.000000000e+00, v24;
	v25 =	vmul.f32 v24, v25  }
0x44: {  	v28 =	vsel vm11, $0x3F800000, v0;
	v29 =	vmul.f32 v24, v29;
	v30 =	vmul.f32 v24, v30  }
0x45: {  	v32 =	vsel vm4, $0x3F800000, v0;
	v27 =	vmul.f32 v31, v27;
	v28 =	vmul.f32 v31, v28  }
0x46: {  	v32 =	vmul.f32 v31, v32;
	v31 =	vmul.f32 v31, v33  }
0x47: {  	v22 =	vadd.f32 v27, v22;
	v25 =	vadd.f32 v28, v25  }
0x48: {  	v27 =	vadd.f32 v32, v29;
	v28 =	vadd.f32 v31, v30  }
0x49: {  	v25 =	vmul.f32 v25, v23;
	v22 =	vmul.f32 v22, v26  }
0x4a: {  	s29 =	simm.s32 $0x1;
	v28 =	vmul.f32 v28, v23;
	v26 =	vmul.f32 v27, v26  }
0x4b: {  	v29 =	vmul.f32 $8.000000000e+00, v20;
	v27 =	vmov s29;
	v23 =	vmul.f32 $4.000000000e+00, v23  }
0x4c: {  	v57 =	vshll.u32 v27, $0xA;
	v22 =	vadd.f32 v22, v25;
	v25 =	vadd.f32 v26, v28  }
0x4d: {  	v27 =	vshll.u32 v27, $0x7;
	v26 =	vand.u32 $0x2000, v57;
	v23 =	vadd.f32 v23, v29  }
0x4e: {  	v20 =	vmul.f32 v25, v20;
	v21 =	vmul.f32 v22, v21;
	v22 =	vadd.f32 v24, v24  }
0x4f: {  	v24 =	vand.u32 $0x380, v27;
	v25 =	vadd.s32 v7, v26  }
0x50: {  	v25 =	vor.u32 v24, v25;
	v20 =	vadd.f32 v21, v20;
	v21 =	vadd.f32 v22, v23  }
0x51: {  	v22 =	vadd.s32 v13, v26  }
0x52: {  	v22 =	vor.u32 v24, v22;
	v20 =	vadd.f32 v20, v21;
	_ =	sdelay $0x1  }
0x53: {  	[tilespmem:s26+$0x0] =	vst v20  }
0x54: {  	v21 =	vadd.s32 v17, v26;
	v20 =	vld.idx.msk [tilespmem:v25+s13+$0x0], $0xffff  }
0x55: {  	v21 =	vor.u32 v24, v21  }
0x56: {  	v22 =	vld.idx.msk [tilespmem:v22+s13+$0x0], $0xffff;
	_ =	sdelay $0x2  }
0x57: {  	v23 =	vadd.s32 v19, v26;
	vm13 =	vgt.f32 v20, v4  }
0x58: {  	v23 =	vor.u32 v24, v23;
	v25 =	vld.idx.msk [tilespmem:v21+s13+$0x0], $0xffff;
	v20 =	vsel vm13, $0x3F800000, v0  }
0x59: {  	vm14 =	vgt.f32 v22, v1;
	v21 =	vsub.f32 $1.000000000e+00, v20  }
0x5a: {  	v24 =	vsel vm14, $0x3F800000, v0  }
0x5b: {  	vm15 =	vgt.f32 v22, v2;
	v22 =	vmul.f32 v24, v21  }
0x5c: {  	v24 =	vnsel vm15, $0x0, v20  }
0x5d: {  	v23 =	vld.idx.msk [tilespmem:v23+s13+$0x0], $0xffff;
	vm4 =	vgt.f32 v25, v3;
	vm5 =	vgt.f32 v25, v8;
	v24 =	vadd.f32 v22, v24  }
0x5e: {  	vm6 =	vgt.f32 v25, v9;
	vm7 =	vgt.f32 v25, v11;
	v25 =	vsel vm5, $0x3F800000, v0  }
0x5f: {  	v26 =	vsel vm7, $0x3F800000, v0;
	v28 =	vsel vm6, $0x3F800000, v0;
	v27 =	vsub.f32 $1.000000000e+00, v24  }
0x60: {  	v22 =	vsel vm4, $0x3F800000, v0;
	v25 =	vmul.f32 v24, v25;
	v26 =	vmul.f32 v24, v26  }
0x61: {  	v22 =	vmul.f32 v27, v22;
	v28 =	vmul.f32 v27, v28  }
0x62: {  	vm8 =	vgt.f32 v23, v5  }
0x63: {  	vm9 =	vgt.f32 v23, v10;
	v22 =	vadd.f32 v22, v25;
	v25 =	vadd.f32 v28, v26  }
0x64: {  	vm10 =	vgt.f32 v23, v6;
	vm11 =	vgt.f32 v23, v12;
	vm12 =	vgt.f32 v23, v14  }
0x65: {  	vm13 =	vgt.f32 v23, v15;
	v25 =	vmul.f32 v25, v20;
	v22 =	vmul.f32 v22, v21  }
0x66: {  	vm14 =	vgt.f32 v23, v16;
	v29 =	vsel vm13, $0x3F800000, v0;
	v60 =	vsel vm12, $0x3F800000, v0  }
0x67: {  	vm15 =	vgt.f32 v23, v18;
	v23 =	vsel vm9, $0x3F800000, v0;
	v22 =	vadd.f32 v22, v25  }
0x68: {  	v58 =	vsel vm15, $0x3F800000, v0;
	v26 =	vsel vm8, $0x3F800000, v0;
	v25 =	vsel vm11, $0x3F800000, v0  }
0x69: {  	v23 =	vmul.f32 v22, v23;
	v59 =	vsub.f32 $1.000000000e+00, v22;
	v25 =	vmul.f32 v22, v25  }
0x6a: {  	v28 =	vsel vm10, $0x3F800000, v0;
	v29 =	vmul.f32 v22, v29;
	v30 =	vmul.f32 v22, v58  }
0x6b: {  	v61 =	vsel vm14, $0x3F800000, v0;
	v26 =	vmul.f32 v59, v26;
	v28 =	vmul.f32 v59, v28  }
0x6c: {  	v32 =	vmul.f32 v59, v60;
	v31 =	vmul.f32 v59, v61  }
0x6d: {  	v23 =	vadd.f32 v26, v23;
	v25 =	vadd.f32 v28, v25  }
0x6e: {  	v26 =	vadd.f32 v32, v29;
	v28 =	vadd.f32 v31, v30  }
0x6f: {  	v25 =	vmul.f32 v25, v24;
	v23 =	vmul.f32 v23, v27  }
0x70: {  	s29 =	simm.s32 $0x2;
	v28 =	vmul.f32 v28, v24;
	v26 =	vmul.f32 v26, v27  }
0x71: {  	v62 =	vmul.f32 $8.000000000e+00, v20;
	v29 =	vmov s29;
	v24 =	vmul.f32 $4.000000000e+00, v24  }
0x72: {  	v63 =	vshll.u32 v29, $0xA;
	v25 =	vadd.f32 v23, v25;
	v27 =	vadd.f32 v26, v28  }
0x73: {  	s30 =	simm.s32 $0x3;
	s29 =	smov.u32 s26;
	v23 =	vand.u32 $0x2000, v63;
	v26 =	vshll.u32 v29, $0x7;
	v24 =	vadd.f32 v24, v62  }
.LBB2_3:
0x74: {  	p0 =	sne.s32 s30, $0xF;
	v20 =	vmul.f32 v27, v20;
	v21 =	vmul.f32 v25, v21;
	v22 =	vadd.f32 v22, v22  }
0x75: {  	v25 =	vand.u32 $0x380, v26;
	v26 =	vadd.s32 v7, v23  }
0x76: {  	v26 =	vor.u32 v25, v26;
	v20 =	vadd.f32 v21, v20;
	v21 =	vadd.f32 v22, v24  }
0x77: {  	v22 =	vadd.s32 v13, v23  }
0x78: {  	v22 =	vor.u32 v25, v22;
	v20 =	vadd.f32 v20, v21  }
0x79: {  	s29 =	sadd.s32 $0x80, s29  }
0x7a: {  	[tilespmem:s29+$0x0] =	vst v20  }
0x7b: {  	v21 =	vadd.s32 v17, v23;
	v20 =	vld.idx.msk [tilespmem:v26+s13+$0x0], $0xffff  }
0x7c: {  	v21 =	vor.u32 v25, v21  }
0x7d: {  	v22 =	vld.idx.msk [tilespmem:v22+s13+$0x0], $0xffff;
	_ =	sdelay $0x2  }
0x7e: {  	v23 =	vadd.s32 v19, v23  }
0x7f: {  	v23 =	vor.u32 v25, v23;
	vm0 =	vgt.f32 v20, v4;
	v24 =	vld.idx.msk [tilespmem:v21+s13+$0x0], $0xffff  }
0x80: {  	v20 =	vsel vm0, $0x3F800000, v0  }
0x81: {  	vm0 =	vgt.f32 v22, v1;
	v21 =	vsub.f32 $1.000000000e+00, v20  }
0x82: {  	v25 =	vsel vm0, $0x3F800000, v0  }
0x83: {  	vm0 =	vgt.f32 v22, v2;
	v22 =	vmul.f32 v25, v21  }
0x84: {  	v25 =	vnsel vm0, $0x0, v20;
	v23 =	vld.idx.msk [tilespmem:v23+s13+$0x0], $0xffff  }
0x85: {  	vm0 =	vgt.f32 v24, v3;
	vm1 =	vgt.f32 v24, v8;
	v25 =	vadd.f32 v22, v25  }
0x86: {  	vm2 =	vgt.f32 v24, v11;
	v22 =	vsel vm0, $0x3F800000, v0;
	vm0 =	vgt.f32 v24, v9  }
0x87: {  	v24 =	vsel vm1, $0x3F800000, v0;
	v26 =	vsel vm2, $0x3F800000, v0;
	v27 =	vsub.f32 $1.000000000e+00, v25  }
0x88: {  	v28 =	vsel vm0, $0x3F800000, v0;
	v24 =	vmul.f32 v25, v24;
	v26 =	vmul.f32 v25, v26  }
0x89: {  	v22 =	vmul.f32 v27, v22;
	v28 =	vmul.f32 v27, v28  }
0x8a: {  	vm0 =	vgt.f32 v23, v5  }
0x8b: {  	vm1 =	vgt.f32 v23, v10;
	v22 =	vadd.f32 v22, v24;
	v24 =	vadd.f32 v28, v26  }
0x8c: {  	vm2 =	vgt.f32 v23, v6;
	vm3 =	vgt.f32 v23, v12;
	vm4 =	vgt.f32 v23, v14  }
0x8d: {  	vm5 =	vgt.f32 v23, v15;
	v24 =	vmul.f32 v24, v20;
	v22 =	vmul.f32 v22, v21  }
0x8e: {  	vm6 =	vgt.f32 v23, v18;
	v26 =	vsel vm0, $0x3F800000, v0;
	vm0 =	vgt.f32 v23, v16  }
0x8f: {  	v23 =	vsel vm1, $0x3F800000, v0;
	v28 =	vsel vm2, $0x3F800000, v0;
	v22 =	vadd.f32 v22, v24  }
0x90: {  	v29 =	vsel vm5, $0x3F800000, v0;
	v30 =	vsel vm6, $0x3F800000, v0;
	v24 =	vsel vm3, $0x3F800000, v0  }
0x91: {  	v23 =	vmul.f32 v22, v23;
	v31 =	vsub.f32 $1.000000000e+00, v22;
	v24 =	vmul.f32 v22, v24  }
0x92: {  	v32 =	vsel vm4, $0x3F800000, v0;
	v29 =	vmul.f32 v22, v29;
	v30 =	vmul.f32 v22, v30  }
0x93: {  	v33 =	vsel vm0, $0x3F800000, v0;
	v26 =	vmul.f32 v31, v26;
	v28 =	vmul.f32 v31, v28  }
0x94: {  	v32 =	vmul.f32 v31, v32;
	v31 =	vmul.f32 v31, v33  }
0x95: {  	v23 =	vadd.f32 v26, v23;
	v24 =	vadd.f32 v28, v24  }
0x96: {  	v26 =	vadd.f32 v32, v29;
	v28 =	vadd.f32 v31, v30  }
.Ltmp0:
0x97: {  	v24 =	vmul.f32 v24, v25;
	v23 =	vmul.f32 v23, v27;
	(pc) =	sbr.rel @p0 .LBB2_3-.Ltmp0, $4  }
0x98: {  	v28 =	vmul.f32 v28, v25;
	v26 =	vmul.f32 v26, v27  }
0x99: {  	v29 =	vmov s30;
	v30 =	vmul.f32 $8.000000000e+00, v20;
	v31 =	vmul.f32 $4.000000000e+00, v25  }
0x9a: {  	v32 =	vshll.u32 v29, $0xA;
	v25 =	vadd.f32 v23, v24;
	v27 =	vadd.f32 v26, v28  }
0x9b: {  	s30 =	sadd.s32 $0x1, s30;
	v23 =	vand.u32 $0x2000, v32;
	v26 =	vshll.u32 v29, $0x7;
	v24 =	vadd.f32 v31, v30  }
0x9c: {  	v20 =	vmul.f32 v27, v20;
	v21 =	vmul.f32 v25, v21;
	v22 =	vadd.f32 v22, v22  }
0x9d: {  	v25 =	vand.u32 $0x380, v26;
	v7 =	vadd.s32 v7, v23  }
0x9e: {  	v7 =	vor.u32 v25, v7;
	v20 =	vadd.f32 v21, v20;
	v21 =	vadd.f32 v22, v24  }
0x9f: {  	v13 =	vadd.s32 v13, v23  }
0xa0: {  	v13 =	vor.u32 v25, v13;
	v20 =	vadd.f32 v20, v21  }
0xa1: {  	s29 =	sadd.s32 $0x80, s29  }
0xa2: {  	[tilespmem:s29+$0x0] =	vst v20  }
0xa3: {  	v17 =	vadd.s32 v17, v23;
	v7 =	vld.idx.msk [tilespmem:v7+s13+$0x0], $0xffff  }
0xa4: {  	v17 =	vor.u32 v25, v17  }
0xa5: {  	v13 =	vld.idx.msk [tilespmem:v13+s13+$0x0], $0xffff;
	_ =	sdelay $0x2  }
0xa6: {  	v19 =	vadd.s32 v19, v23;
	vm0 =	vgt.f32 v7, v4  }
0xa7: {  	v4 =	vld.idx.msk [tilespmem:v17+s13+$0x0], $0xffff;
	v7 =	vor.u32 v25, v19;
	v17 =	vsel vm0, $0x3F800000, v0  }
0xa8: {  	vm8 =	vgt.f32 v13, v1;
	v1 =	vsub.f32 $1.000000000e+00, v17  }
0xa9: {  	v19 =	vsel vm8, $0x3F800000, v0  }
0xaa: {  	vm9 =	vgt.f32 v13, v2;
	v2 =	vmul.f32 v19, v1  }
0xab: {  	v13 =	vnsel vm9, $0x0, v17  }
0xac: {  	v7 =	vld.idx.msk [tilespmem:v7+s13+$0x0], $0xffff;
	vm10 =	vgt.f32 v4, v3;
	vm1 =	vgt.f32 v4, v8;
	v2 =	vadd.f32 v2, v13  }
0xad: {  	vm11 =	vgt.f32 v4, v9;
	vm2 =	vgt.f32 v4, v11;
	v3 =	vsel vm10, $0x3F800000, v0  }
0xae: {  	v4 =	vsel vm1, $0x3F800000, v0;
	v8 =	vsel vm2, $0x3F800000, v0;
	v9 =	vsub.f32 $1.000000000e+00, v2  }
0xaf: {  	v11 =	vsel vm11, $0x3F800000, v0;
	v4 =	vmul.f32 v2, v4;
	v8 =	vmul.f32 v2, v8  }
0xb0: {  	v3 =	vmul.f32 v9, v3;
	v11 =	vmul.f32 v9, v11  }
0xb1: {  	vm12 =	vgt.f32 v7, v5  }
0xb2: {  	vm13 =	vgt.f32 v7, v10;
	v3 =	vadd.f32 v3, v4;
	v4 =	vadd.f32 v11, v8  }
0xb3: {  	vm14 =	vgt.f32 v7, v6;
	vm3 =	vgt.f32 v7, v12;
	vm4 =	vgt.f32 v7, v14  }
0xb4: {  	vm5 =	vgt.f32 v7, v15;
	v4 =	vmul.f32 v4, v17;
	v3 =	vmul.f32 v3, v1  }
0xb5: {  	vm15 =	vgt.f32 v7, v16;
	vm6 =	vgt.f32 v7, v18;
	v5 =	vsel vm12, $0x3F800000, v0  }
0xb6: {  	v6 =	vsel vm13, $0x3F800000, v0;
	v7 =	vsel vm14, $0x3F800000, v0;
	v3 =	vadd.f32 v3, v4  }
0xb7: {  	v10 =	vsel vm6, $0x3F800000, v0;
	v8 =	vsel vm5, $0x3F800000, v0;
	v4 =	vsel vm3, $0x3F800000, v0  }
0xb8: {  	v6 =	vmul.f32 v3, v6;
	v11 =	vsub.f32 $1.000000000e+00, v3;
	v4 =	vmul.f32 v3, v4  }
0xb9: {  	v12 =	vsel vm4, $0x3F800000, v0;
	v8 =	vmul.f32 v3, v8;
	v10 =	vmul.f32 v3, v10  }
0xba: {  	v13 =	vsel vm15, $0x3F800000, v0;
	v5 =	vmul.f32 v11, v5;
	v7 =	vmul.f32 v11, v7  }
0xbb: {  	v12 =	vmul.f32 v11, v12;
	v11 =	vmul.f32 v11, v13  }
0xbc: {  	v5 =	vadd.f32 v5, v6;
	v4 =	vadd.f32 v7, v4  }
0xbd: {  	v6 =	vadd.f32 v12, v8;
	v7 =	vadd.f32 v11, v10  }
0xbe: {  	v4 =	vmul.f32 v4, v2;
	v5 =	vmul.f32 v5, v9  }
0xbf: {  	v7 =	vmul.f32 v7, v2;
	v6 =	vmul.f32 v6, v9  }
0xc0: {  	v8 =	vmul.f32 $8.000000000e+00, v17  }
0xc1: {  	v2 =	vmul.f32 $4.000000000e+00, v2;
	v4 =	vadd.f32 v5, v4;
	v5 =	vadd.f32 v6, v7  }
0xc2: {  	v3 =	vadd.f32 v3, v3  }
0xc3: {  	v2 =	vadd.f32 v2, v8;
	v5 =	vmul.f32 v5, v17;
	v1 =	vmul.f32 v4, v1;
	_ =	sdelay $0x1  }
0xc4: {  	v2 =	vadd.f32 v3, v2;
	v1 =	vadd.f32 v1, v5;
	_ =	sdelay $0x1  }
0xc5: {  	v1 =	vadd.f32 v1, v2  }
0xc6: {  	s29 =	sadd.s32 $0x80, s29  }
0xc7: {  	[tilespmem:s29+$0x0] =	vst v1  }
0xc8: {  	v1 =	vld [tilespmem:$0x10];
	_ =	sdelay $0x1  }
0xc9: {  	v2 =	vld [tilespmem:$0x50];
	_ =	sdelay $0x2  }
0xca: {  	s29 =	simm.s32 $0x0;
	v3 =	vshll.u32 v1, $0x3  }
0xcb: {  	v4 =	vmov s29;
	v1 =	vand.u32 $0x7F, v1;
	v3 =	vand.u32 $0xFFFFFC00, v3  }
0xcc: {  	v5 =	vld [tilespmem:$0x90];
	v7 =	vor.u32 v1, v3;
	v1 =	vand.u32 $0x7F, v2;
	v3 =	vshll.u32 v4, $0xA  }
0xcd: {  	v2 =	vshll.u32 v2, $0x3;
	v6 =	vand.u32 $0x2000, v3;
	v3 =	vshll.u32 v4, $0x7  }
0xce: {  	v2 =	vand.u32 $0xFFFFFC00, v2;
	v10 =	vand.u32 $0x380, v3;
	v3 =	vadd.s32 v7, v6  }
0xcf: {  	v13 =	vor.u32 v1, v2;
	v3 =	vor.u32 v10, v3  }
0xd0: {  	v1 =	vadd.s32 v13, v6  }
0xd1: {  	v9 =	vld [tilespmem:$0xD0];
	v2 =	vshll.u32 v5, $0x3;
	v8 =	vor.u32 v10, v1  }
0xd2: {  	v4 =	vld [tilespmem:$0x110];
	v5 =	vand.u32 $0x7F, v5;
	v11 =	vand.u32 $0xFFFFFC00, v2  }
0xd3: {  	v2 =	vld [tilespmem:$0x190];
	v17 =	vor.u32 v5, v11  }
0xd4: {  	v11 =	vadd.s32 v17, v6;
	v5 =	vld.idx.msk [tilespmem:v3+s13+$0x0], $0xffff  }
0xd5: {  	v1 =	vld [tilespmem:$0x150];
	v12 =	vor.u32 v10, v11  }
0xd6: {  	v11 =	vshll.u32 v9, $0x3;
	v14 =	vld.idx.msk [tilespmem:v8+s13+$0x0], $0xffff  }
0xd7: {  	v15 =	vand.u32 $0x7F, v9;
	v9 =	vld [tilespmem:$0x250];
	v11 =	vand.u32 $0xFFFFFC00, v11  }
0xd8: {  	v3 =	vld [tilespmem:$0x1D0];
	v19 =	vor.u32 v15, v11  }
0xd9: {  	v8 =	vld [tilespmem:$0x210];
	v6 =	vadd.s32 v19, v6;
	vm5 =	vgt.f32 v5, v4  }
0xda: {  	v16 =	vor.u32 v10, v6;
	v15 =	vld.idx.msk [tilespmem:v12+s13+$0x0], $0xffff;
	v20 =	vsel vm5, $0x3F800000, v0  }
0xdb: {  	v11 =	vld [tilespmem:$0x290];
	vm6 =	vgt.f32 v14, v1;
	v21 =	vsub.f32 $1.000000000e+00, v20  }
0xdc: {  	v10 =	vld [tilespmem:$0x310];
	v12 =	vsel vm6, $0x3F800000, v0  }
0xdd: {  	v6 =	vld [tilespmem:$0x350];
	vm7 =	vgt.f32 v14, v2;
	v14 =	vmul.f32 v12, v21  }
0xde: {  	v5 =	vld [tilespmem:$0x2D0];
	v18 =	vnsel vm7, $0x0, v20  }
0xdf: {  	v22 =	vld.idx.msk [tilespmem:v16+s13+$0x0], $0xffff;
	vm8 =	vgt.f32 v15, v3;
	vm9 =	vgt.f32 v15, v8;
	v23 =	vadd.f32 v14, v18  }
0xe0: {  	v16 =	vld [tilespmem:$0x450];
	vm10 =	vgt.f32 v15, v9;
	vm11 =	vgt.f32 v15, v11;
	v24 =	vsel vm8, $0x3F800000, v0  }
0xe1: {  	v15 =	vld [tilespmem:$0x410];
	v25 =	vsel vm11, $0x3F800000, v0;
	v18 =	vsel vm9, $0x3F800000, v0;
	v26 =	vsub.f32 $1.000000000e+00, v23  }
0xe2: {  	v12 =	vld [tilespmem:$0x390];
	v27 =	vsel vm10, $0x3F800000, v0;
	v28 =	vmul.f32 v23, v18;
	v25 =	vmul.f32 v23, v25  }
0xe3: {  	v14 =	vld [tilespmem:$0x3D0];
	v24 =	vmul.f32 v26, v24;
	v27 =	vmul.f32 v26, v27  }
0xe4: {  	vm12 =	vgt.f32 v22, v5;
	v18 =	vld [tilespmem:$0x490]  }
0xe5: {  	vm13 =	vgt.f32 v22, v10;
	v24 =	vadd.f32 v24, v28;
	v25 =	vadd.f32 v27, v25  }
0xe6: {  	vm14 =	vgt.f32 v22, v6;
	vm11 =	vgt.f32 v22, v16;
	vm10 =	vgt.f32 v22, v15  }
0xe7: {  	v33 =	vsel vm11, $0x3F800000, v0;
	v25 =	vmul.f32 v25, v20;
	v24 =	vmul.f32 v24, v21  }
0xe8: {  	vm15 =	vgt.f32 v22, v12;
	v29 =	vsel vm10, $0x3F800000, v0;
	vm9 =	vgt.f32 v22, v14  }
0xe9: {  	v27 =	vsel vm12, $0x3F800000, v0;
	vm12 =	vgt.f32 v22, v18;
	v24 =	vadd.f32 v24, v25  }
0xea: {  	v22 =	vsel vm13, $0x3F800000, v0;
	v30 =	vsel vm12, $0x3F800000, v0;
	v25 =	vsel vm15, $0x3F800000, v0  }
0xeb: {  	v22 =	vmul.f32 v24, v22;
	v31 =	vsub.f32 $1.000000000e+00, v24;
	v25 =	vmul.f32 v24, v25  }
0xec: {  	v28 =	vsel vm14, $0x3F800000, v0;
	v29 =	vmul.f32 v24, v29;
	v30 =	vmul.f32 v24, v30  }
0xed: {  	v32 =	vsel vm9, $0x3F800000, v0;
	v27 =	vmul.f32 v31, v27;
	v28 =	vmul.f32 v31, v28  }
0xee: {  	v32 =	vmul.f32 v31, v32;
	v31 =	vmul.f32 v31, v33  }
0xef: {  	v22 =	vadd.f32 v27, v22;
	v25 =	vadd.f32 v28, v25  }
0xf0: {  	v27 =	vadd.f32 v32, v29;
	v28 =	vadd.f32 v31, v30  }
0xf1: {  	v25 =	vmul.f32 v25, v23;
	v22 =	vmul.f32 v22, v26  }
0xf2: {  	s29 =	simm.s32 $0x1;
	v28 =	vmul.f32 v28, v23;
	v26 =	vmul.f32 v27, v26  }
0xf3: {  	v29 =	vmul.f32 $8.000000000e+00, v20;
	v27 =	vmov s29;
	v23 =	vmul.f32 $4.000000000e+00, v23  }
0xf4: {  	v57 =	vshll.u32 v27, $0xA;
	v22 =	vadd.f32 v22, v25;
	v25 =	vadd.f32 v26, v28  }
0xf5: {  	v27 =	vshll.u32 v27, $0x7;
	v26 =	vand.u32 $0x2000, v57;
	v23 =	vadd.f32 v23, v29  }
0xf6: {  	v20 =	vmul.f32 v25, v20;
	v21 =	vmul.f32 v22, v21;
	v22 =	vadd.f32 v24, v24  }
0xf7: {  	v24 =	vand.u32 $0x380, v27;
	v25 =	vadd.s32 v7, v26  }
0xf8: {  	v25 =	vor.u32 v24, v25;
	v20 =	vadd.f32 v21, v20;
	v21 =	vadd.f32 v22, v23  }
0xf9: {  	v22 =	vadd.s32 v13, v26  }
0xfa: {  	v22 =	vor.u32 v24, v22;
	v20 =	vadd.f32 v20, v21;
	_ =	sdelay $0x1  }
0xfb: {  	[tilespmem:s19+$0x0] =	vst v20  }
0xfc: {  	v21 =	vadd.s32 v17, v26;
	v20 =	vld.idx.msk [tilespmem:v25+s13+$0x0], $0xffff  }
0xfd: {  	v21 =	vor.u32 v24, v21  }
0xfe: {  	v22 =	vld.idx.msk [tilespmem:v22+s13+$0x0], $0xffff;
	_ =	sdelay $0x2  }
0xff: {  	v23 =	vadd.s32 v19, v26;
	vm13 =	vgt.f32 v20, v4  }
0x100: {  	v23 =	vor.u32 v24, v23;
	v25 =	vld.idx.msk [tilespmem:v21+s13+$0x0], $0xffff;
	v20 =	vsel vm13, $0x3F800000, v0  }
0x101: {  	vm14 =	vgt.f32 v22, v1;
	v21 =	vsub.f32 $1.000000000e+00, v20  }
0x102: {  	v24 =	vsel vm14, $0x3F800000, v0  }
0x103: {  	vm15 =	vgt.f32 v22, v2;
	v22 =	vmul.f32 v24, v21  }
0x104: {  	v24 =	vnsel vm15, $0x0, v20  }
0x105: {  	v23 =	vld.idx.msk [tilespmem:v23+s13+$0x0], $0xffff;
	vm4 =	vgt.f32 v25, v3;
	vm5 =	vgt.f32 v25, v8;
	v24 =	vadd.f32 v22, v24  }
0x106: {  	vm6 =	vgt.f32 v25, v9;
	vm7 =	vgt.f32 v25, v11;
	v25 =	vsel vm5, $0x3F800000, v0  }
0x107: {  	v26 =	vsel vm7, $0x3F800000, v0;
	v28 =	vsel vm6, $0x3F800000, v0;
	v27 =	vsub.f32 $1.000000000e+00, v24  }
0x108: {  	v22 =	vsel vm4, $0x3F800000, v0;
	v25 =	vmul.f32 v24, v25;
	v26 =	vmul.f32 v24, v26  }
0x109: {  	v22 =	vmul.f32 v27, v22;
	v28 =	vmul.f32 v27, v28  }
0x10a: {  	vm8 =	vgt.f32 v23, v5  }
0x10b: {  	vm9 =	vgt.f32 v23, v10;
	v22 =	vadd.f32 v22, v25;
	v25 =	vadd.f32 v28, v26  }
0x10c: {  	vm10 =	vgt.f32 v23, v6;
	vm11 =	vgt.f32 v23, v12;
	vm12 =	vgt.f32 v23, v14  }
0x10d: {  	vm13 =	vgt.f32 v23, v15;
	v25 =	vmul.f32 v25, v20;
	v22 =	vmul.f32 v22, v21  }
0x10e: {  	vm14 =	vgt.f32 v23, v16;
	v29 =	vsel vm13, $0x3F800000, v0;
	v60 =	vsel vm12, $0x3F800000, v0  }
0x10f: {  	vm15 =	vgt.f32 v23, v18;
	v23 =	vsel vm9, $0x3F800000, v0;
	v22 =	vadd.f32 v22, v25  }
0x110: {  	v58 =	vsel vm15, $0x3F800000, v0;
	v26 =	vsel vm8, $0x3F800000, v0;
	v25 =	vsel vm11, $0x3F800000, v0  }
0x111: {  	v23 =	vmul.f32 v22, v23;
	v59 =	vsub.f32 $1.000000000e+00, v22;
	v25 =	vmul.f32 v22, v25  }
0x112: {  	v28 =	vsel vm10, $0x3F800000, v0;
	v29 =	vmul.f32 v22, v29;
	v30 =	vmul.f32 v22, v58  }
0x113: {  	v61 =	vsel vm14, $0x3F800000, v0;
	v26 =	vmul.f32 v59, v26;
	v28 =	vmul.f32 v59, v28  }
0x114: {  	v32 =	vmul.f32 v59, v60;
	v31 =	vmul.f32 v59, v61  }
0x115: {  	v23 =	vadd.f32 v26, v23;
	v25 =	vadd.f32 v28, v25  }
0x116: {  	v26 =	vadd.f32 v32, v29;
	v28 =	vadd.f32 v31, v30  }
0x117: {  	v25 =	vmul.f32 v25, v24;
	v23 =	vmul.f32 v23, v27  }
0x118: {  	s29 =	simm.s32 $0x2;
	v28 =	vmul.f32 v28, v24;
	v26 =	vmul.f32 v26, v27  }
0x119: {  	v62 =	vmul.f32 $8.000000000e+00, v20;
	v29 =	vmov s29;
	v24 =	vmul.f32 $4.000000000e+00, v24  }
0x11a: {  	v63 =	vshll.u32 v29, $0xA;
	v25 =	vadd.f32 v23, v25;
	v27 =	vadd.f32 v26, v28  }
0x11b: {  	s30 =	simm.s32 $0x3;
	s29 =	smov.u32 s19;
	v23 =	vand.u32 $0x2000, v63;
	v26 =	vshll.u32 v29, $0x7;
	v24 =	vadd.f32 v24, v62  }
.LBB2_5:
0x11c: {  	p0 =	sne.s32 s30, $0xF;
	v20 =	vmul.f32 v27, v20;
	v21 =	vmul.f32 v25, v21;
	v22 =	vadd.f32 v22, v22  }
0x11d: {  	v25 =	vand.u32 $0x380, v26;
	v26 =	vadd.s32 v7, v23  }
0x11e: {  	v26 =	vor.u32 v25, v26;
	v20 =	vadd.f32 v21, v20;
	v21 =	vadd.f32 v22, v24  }
0x11f: {  	v22 =	vadd.s32 v13, v23  }
0x120: {  	v22 =	vor.u32 v25, v22;
	v20 =	vadd.f32 v20, v21  }
0x121: {  	s29 =	sadd.s32 $0x80, s29  }
0x122: {  	[tilespmem:s29+$0x0] =	vst v20  }
0x123: {  	v21 =	vadd.s32 v17, v23;
	v20 =	vld.idx.msk [tilespmem:v26+s13+$0x0], $0xffff  }
0x124: {  	v21 =	vor.u32 v25, v21  }
0x125: {  	v22 =	vld.idx.msk [tilespmem:v22+s13+$0x0], $0xffff;
	_ =	sdelay $0x2  }
0x126: {  	v23 =	vadd.s32 v19, v23  }
0x127: {  	v23 =	vor.u32 v25, v23;
	vm0 =	vgt.f32 v20, v4;
	v24 =	vld.idx.msk [tilespmem:v21+s13+$0x0], $0xffff  }
0x128: {  	v20 =	vsel vm0, $0x3F800000, v0  }
0x129: {  	vm0 =	vgt.f32 v22, v1;
	v21 =	vsub.f32 $1.000000000e+00, v20  }
0x12a: {  	v25 =	vsel vm0, $0x3F800000, v0  }
0x12b: {  	vm0 =	vgt.f32 v22, v2;
	v22 =	vmul.f32 v25, v21  }
0x12c: {  	v25 =	vnsel vm0, $0x0, v20;
	v23 =	vld.idx.msk [tilespmem:v23+s13+$0x0], $0xffff  }
0x12d: {  	vm0 =	vgt.f32 v24, v3;
	vm1 =	vgt.f32 v24, v8;
	v25 =	vadd.f32 v22, v25  }
0x12e: {  	vm2 =	vgt.f32 v24, v11;
	v22 =	vsel vm0, $0x3F800000, v0;
	vm0 =	vgt.f32 v24, v9  }
0x12f: {  	v24 =	vsel vm1, $0x3F800000, v0;
	v26 =	vsel vm2, $0x3F800000, v0;
	v27 =	vsub.f32 $1.000000000e+00, v25  }
0x130: {  	v28 =	vsel vm0, $0x3F800000, v0;
	v24 =	vmul.f32 v25, v24;
	v26 =	vmul.f32 v25, v26  }
0x131: {  	v22 =	vmul.f32 v27, v22;
	v28 =	vmul.f32 v27, v28  }
0x132: {  	vm0 =	vgt.f32 v23, v5  }
0x133: {  	vm1 =	vgt.f32 v23, v10;
	v22 =	vadd.f32 v22, v24;
	v24 =	vadd.f32 v28, v26  }
0x134: {  	vm2 =	vgt.f32 v23, v6;
	vm3 =	vgt.f32 v23, v12;
	vm4 =	vgt.f32 v23, v14  }
0x135: {  	vm5 =	vgt.f32 v23, v15;
	v24 =	vmul.f32 v24, v20;
	v22 =	vmul.f32 v22, v21  }
0x136: {  	vm6 =	vgt.f32 v23, v18;
	v26 =	vsel vm0, $0x3F800000, v0;
	vm0 =	vgt.f32 v23, v16  }
0x137: {  	v23 =	vsel vm1, $0x3F800000, v0;
	v28 =	vsel vm2, $0x3F800000, v0;
	v22 =	vadd.f32 v22, v24  }
0x138: {  	v29 =	vsel vm5, $0x3F800000, v0;
	v30 =	vsel vm6, $0x3F800000, v0;
	v24 =	vsel vm3, $0x3F800000, v0  }
0x139: {  	v23 =	vmul.f32 v22, v23;
	v31 =	vsub.f32 $1.000000000e+00, v22;
	v24 =	vmul.f32 v22, v24  }
0x13a: {  	v32 =	vsel vm4, $0x3F800000, v0;
	v29 =	vmul.f32 v22, v29;
	v30 =	vmul.f32 v22, v30  }
0x13b: {  	v33 =	vsel vm0, $0x3F800000, v0;
	v26 =	vmul.f32 v31, v26;
	v28 =	vmul.f32 v31, v28  }
0x13c: {  	v32 =	vmul.f32 v31, v32;
	v31 =	vmul.f32 v31, v33  }
0x13d: {  	v23 =	vadd.f32 v26, v23;
	v24 =	vadd.f32 v28, v24  }
0x13e: {  	v26 =	vadd.f32 v32, v29;
	v28 =	vadd.f32 v31, v30  }
.Ltmp1:
0x13f: {  	v24 =	vmul.f32 v24, v25;
	v23 =	vmul.f32 v23, v27;
	(pc) =	sbr.rel @p0 .LBB2_5-.Ltmp1, $4  }
0x140: {  	v28 =	vmul.f32 v28, v25;
	v26 =	vmul.f32 v26, v27  }
0x141: {  	v29 =	vmov s30;
	v30 =	vmul.f32 $8.000000000e+00, v20;
	v31 =	vmul.f32 $4.000000000e+00, v25  }
0x142: {  	v32 =	vshll.u32 v29, $0xA;
	v25 =	vadd.f32 v23, v24;
	v27 =	vadd.f32 v26, v28  }
0x143: {  	s30 =	sadd.s32 $0x1, s30;
	v23 =	vand.u32 $0x2000, v32;
	v26 =	vshll.u32 v29, $0x7;
	v24 =	vadd.f32 v31, v30  }
0x144: {  	v20 =	vmul.f32 v27, v20;
	v21 =	vmul.f32 v25, v21;
	v22 =	vadd.f32 v22, v22  }
0x145: {  	v25 =	vand.u32 $0x380, v26;
	v7 =	vadd.s32 v7, v23  }
0x146: {  	v7 =	vor.u32 v25, v7;
	v20 =	vadd.f32 v21, v20;
	v21 =	vadd.f32 v22, v24  }
0x147: {  	v13 =	vadd.s32 v13, v23  }
0x148: {  	v13 =	vor.u32 v25, v13;
	v20 =	vadd.f32 v20, v21  }
0x149: {  	s29 =	sadd.s32 $0x80, s29  }
0x14a: {  	[tilespmem:s29+$0x0] =	vst v20  }
0x14b: {  	v17 =	vadd.s32 v17, v23;
	v7 =	vld.idx.msk [tilespmem:v7+s13+$0x0], $0xffff  }
0x14c: {  	v17 =	vor.u32 v25, v17  }
0x14d: {  	v13 =	vld.idx.msk [tilespmem:v13+s13+$0x0], $0xffff;
	_ =	sdelay $0x2  }
0x14e: {  	v19 =	vadd.s32 v19, v23;
	vm0 =	vgt.f32 v7, v4  }
0x14f: {  	v4 =	vld.idx.msk [tilespmem:v17+s13+$0x0], $0xffff;
	v7 =	vor.u32 v25, v19;
	v17 =	vsel vm0, $0x3F800000, v0  }
0x150: {  	vm8 =	vgt.f32 v13, v1;
	v1 =	vsub.f32 $1.000000000e+00, v17  }
0x151: {  	v19 =	vsel vm8, $0x3F800000, v0  }
0x152: {  	vm9 =	vgt.f32 v13, v2;
	v2 =	vmul.f32 v19, v1  }
0x153: {  	v13 =	vnsel vm9, $0x0, v17  }
0x154: {  	v7 =	vld.idx.msk [tilespmem:v7+s13+$0x0], $0xffff;
	vm10 =	vgt.f32 v4, v3;
	vm1 =	vgt.f32 v4, v8;
	v2 =	vadd.f32 v2, v13  }
0x155: {  	vm11 =	vgt.f32 v4, v9;
	vm2 =	vgt.f32 v4, v11;
	v3 =	vsel vm10, $0x3F800000, v0  }
0x156: {  	v4 =	vsel vm1, $0x3F800000, v0;
	v8 =	vsel vm2, $0x3F800000, v0;
	v9 =	vsub.f32 $1.000000000e+00, v2  }
0x157: {  	v11 =	vsel vm11, $0x3F800000, v0;
	v4 =	vmul.f32 v2, v4;
	v8 =	vmul.f32 v2, v8  }
0x158: {  	v3 =	vmul.f32 v9, v3;
	v11 =	vmul.f32 v9, v11  }
0x159: {  	vm12 =	vgt.f32 v7, v5  }
0x15a: {  	vm13 =	vgt.f32 v7, v10;
	v3 =	vadd.f32 v3, v4;
	v4 =	vadd.f32 v11, v8  }
0x15b: {  	vm14 =	vgt.f32 v7, v6;
	vm3 =	vgt.f32 v7, v12;
	vm4 =	vgt.f32 v7, v14  }
0x15c: {  	vm5 =	vgt.f32 v7, v15;
	v4 =	vmul.f32 v4, v17;
	v3 =	vmul.f32 v3, v1  }
0x15d: {  	vm15 =	vgt.f32 v7, v16;
	vm6 =	vgt.f32 v7, v18;
	v5 =	vsel vm12, $0x3F800000, v0  }
0x15e: {  	v6 =	vsel vm13, $0x3F800000, v0;
	v7 =	vsel vm14, $0x3F800000, v0;
	v3 =	vadd.f32 v3, v4  }
0x15f: {  	v10 =	vsel vm6, $0x3F800000, v0;
	v8 =	vsel vm5, $0x3F800000, v0;
	v4 =	vsel vm3, $0x3F800000, v0  }
0x160: {  	v6 =	vmul.f32 v3, v6;
	v11 =	vsub.f32 $1.000000000e+00, v3;
	v4 =	vmul.f32 v3, v4  }
0x161: {  	v12 =	vsel vm4, $0x3F800000, v0;
	v8 =	vmul.f32 v3, v8;
	v10 =	vmul.f32 v3, v10  }
0x162: {  	v13 =	vsel vm15, $0x3F800000, v0;
	v5 =	vmul.f32 v11, v5;
	v7 =	vmul.f32 v11, v7  }
0x163: {  	v12 =	vmul.f32 v11, v12;
	v11 =	vmul.f32 v11, v13  }
0x164: {  	v5 =	vadd.f32 v5, v6;
	v4 =	vadd.f32 v7, v4  }
0x165: {  	v6 =	vadd.f32 v12, v8;
	v7 =	vadd.f32 v11, v10  }
0x166: {  	v4 =	vmul.f32 v4, v2;
	v5 =	vmul.f32 v5, v9  }
0x167: {  	v7 =	vmul.f32 v7, v2;
	v6 =	vmul.f32 v6, v9  }
0x168: {  	v8 =	vmul.f32 $8.000000000e+00, v17  }
0x169: {  	v2 =	vmul.f32 $4.000000000e+00, v2;
	v4 =	vadd.f32 v5, v4;
	v5 =	vadd.f32 v6, v7  }
0x16a: {  	v3 =	vadd.f32 v3, v3  }
0x16b: {  	v2 =	vadd.f32 v2, v8;
	v5 =	vmul.f32 v5, v17;
	v1 =	vmul.f32 v4, v1;
	_ =	sdelay $0x1  }
0x16c: {  	v2 =	vadd.f32 v3, v2;
	v1 =	vadd.f32 v1, v5;
	_ =	sdelay $0x1  }
0x16d: {  	v1 =	vadd.f32 v1, v2  }
0x16e: {  	s29 =	sadd.s32 $0x80, s29  }
0x16f: {  	[tilespmem:s29+$0x0] =	vst v1  }
0x170: {  	v1 =	vld [tilespmem:$0x20];
	_ =	sdelay $0x1  }
0x171: {  	v2 =	vld [tilespmem:$0x60];
	_ =	sdelay $0x2  }
0x172: {  	s29 =	simm.s32 $0x0;
	v3 =	vshll.u32 v1, $0x3  }
0x173: {  	v4 =	vmov s29;
	v1 =	vand.u32 $0x7F, v1;
	v3 =	vand.u32 $0xFFFFFC00, v3  }
0x174: {  	v5 =	vld [tilespmem:$0xA0];
	v7 =	vor.u32 v1, v3;
	v1 =	vand.u32 $0x7F, v2;
	v3 =	vshll.u32 v4, $0xA  }
0x175: {  	v2 =	vshll.u32 v2, $0x3;
	v6 =	vand.u32 $0x2000, v3;
	v3 =	vshll.u32 v4, $0x7  }
0x176: {  	v2 =	vand.u32 $0xFFFFFC00, v2;
	v10 =	vand.u32 $0x380, v3;
	v3 =	vadd.s32 v7, v6  }
0x177: {  	v13 =	vor.u32 v1, v2;
	v3 =	vor.u32 v10, v3  }
0x178: {  	v1 =	vadd.s32 v13, v6  }
0x179: {  	v9 =	vld [tilespmem:$0xE0];
	v2 =	vshll.u32 v5, $0x3;
	v8 =	vor.u32 v10, v1  }
0x17a: {  	v4 =	vld [tilespmem:$0x120];
	v5 =	vand.u32 $0x7F, v5;
	v11 =	vand.u32 $0xFFFFFC00, v2  }
0x17b: {  	v2 =	vld [tilespmem:$0x1A0];
	v17 =	vor.u32 v5, v11  }
0x17c: {  	v11 =	vadd.s32 v17, v6;
	v5 =	vld.idx.msk [tilespmem:v3+s13+$0x0], $0xffff  }
0x17d: {  	v1 =	vld [tilespmem:$0x160];
	v12 =	vor.u32 v10, v11  }
0x17e: {  	v11 =	vshll.u32 v9, $0x3;
	v14 =	vld.idx.msk [tilespmem:v8+s13+$0x0], $0xffff  }
0x17f: {  	v15 =	vand.u32 $0x7F, v9;
	v9 =	vld [tilespmem:$0x260];
	v11 =	vand.u32 $0xFFFFFC00, v11  }
0x180: {  	v3 =	vld [tilespmem:$0x1E0];
	v19 =	vor.u32 v15, v11  }
0x181: {  	v8 =	vld [tilespmem:$0x220];
	v6 =	vadd.s32 v19, v6;
	vm5 =	vgt.f32 v5, v4  }
0x182: {  	v16 =	vor.u32 v10, v6;
	v15 =	vld.idx.msk [tilespmem:v12+s13+$0x0], $0xffff;
	v20 =	vsel vm5, $0x3F800000, v0  }
0x183: {  	v11 =	vld [tilespmem:$0x2A0];
	vm6 =	vgt.f32 v14, v1;
	v21 =	vsub.f32 $1.000000000e+00, v20  }
0x184: {  	v10 =	vld [tilespmem:$0x320];
	v12 =	vsel vm6, $0x3F800000, v0  }
0x185: {  	v6 =	vld [tilespmem:$0x360];
	vm7 =	vgt.f32 v14, v2;
	v14 =	vmul.f32 v12, v21  }
0x186: {  	v5 =	vld [tilespmem:$0x2E0];
	v18 =	vnsel vm7, $0x0, v20  }
0x187: {  	v22 =	vld.idx.msk [tilespmem:v16+s13+$0x0], $0xffff;
	vm8 =	vgt.f32 v15, v3;
	vm9 =	vgt.f32 v15, v8;
	v23 =	vadd.f32 v14, v18  }
0x188: {  	v16 =	vld [tilespmem:$0x460];
	vm10 =	vgt.f32 v15, v9;
	vm11 =	vgt.f32 v15, v11;
	v24 =	vsel vm8, $0x3F800000, v0  }
0x189: {  	v15 =	vld [tilespmem:$0x420];
	v25 =	vsel vm11, $0x3F800000, v0;
	v18 =	vsel vm9, $0x3F800000, v0;
	v26 =	vsub.f32 $1.000000000e+00, v23  }
0x18a: {  	v12 =	vld [tilespmem:$0x3A0];
	v27 =	vsel vm10, $0x3F800000, v0;
	v28 =	vmul.f32 v23, v18;
	v25 =	vmul.f32 v23, v25  }
0x18b: {  	v14 =	vld [tilespmem:$0x3E0];
	v24 =	vmul.f32 v26, v24;
	v27 =	vmul.f32 v26, v27  }
0x18c: {  	vm12 =	vgt.f32 v22, v5;
	v18 =	vld [tilespmem:$0x4A0]  }
0x18d: {  	vm13 =	vgt.f32 v22, v10;
	v24 =	vadd.f32 v24, v28;
	v25 =	vadd.f32 v27, v25  }
0x18e: {  	vm14 =	vgt.f32 v22, v6;
	vm11 =	vgt.f32 v22, v16;
	vm10 =	vgt.f32 v22, v15  }
0x18f: {  	v33 =	vsel vm11, $0x3F800000, v0;
	v25 =	vmul.f32 v25, v20;
	v24 =	vmul.f32 v24, v21  }
0x190: {  	vm15 =	vgt.f32 v22, v12;
	v29 =	vsel vm10, $0x3F800000, v0;
	vm9 =	vgt.f32 v22, v14  }
0x191: {  	v27 =	vsel vm12, $0x3F800000, v0;
	vm12 =	vgt.f32 v22, v18;
	v24 =	vadd.f32 v24, v25  }
0x192: {  	v22 =	vsel vm13, $0x3F800000, v0;
	v30 =	vsel vm12, $0x3F800000, v0;
	v25 =	vsel vm15, $0x3F800000, v0  }
0x193: {  	v22 =	vmul.f32 v24, v22;
	v31 =	vsub.f32 $1.000000000e+00, v24;
	v25 =	vmul.f32 v24, v25  }
0x194: {  	v28 =	vsel vm14, $0x3F800000, v0;
	v29 =	vmul.f32 v24, v29;
	v30 =	vmul.f32 v24, v30  }
0x195: {  	v32 =	vsel vm9, $0x3F800000, v0;
	v27 =	vmul.f32 v31, v27;
	v28 =	vmul.f32 v31, v28  }
0x196: {  	v32 =	vmul.f32 v31, v32;
	v31 =	vmul.f32 v31, v33  }
0x197: {  	v22 =	vadd.f32 v27, v22;
	v25 =	vadd.f32 v28, v25  }
0x198: {  	v27 =	vadd.f32 v32, v29;
	v28 =	vadd.f32 v31, v30  }
0x199: {  	v25 =	vmul.f32 v25, v23;
	v22 =	vmul.f32 v22, v26  }
0x19a: {  	s29 =	simm.s32 $0x1;
	v28 =	vmul.f32 v28, v23;
	v26 =	vmul.f32 v27, v26  }
0x19b: {  	v29 =	vmul.f32 $8.000000000e+00, v20;
	v27 =	vmov s29;
	v23 =	vmul.f32 $4.000000000e+00, v23  }
0x19c: {  	v57 =	vshll.u32 v27, $0xA;
	v22 =	vadd.f32 v22, v25;
	v25 =	vadd.f32 v26, v28  }
0x19d: {  	v27 =	vshll.u32 v27, $0x7;
	v26 =	vand.u32 $0x2000, v57;
	v23 =	vadd.f32 v23, v29  }
0x19e: {  	v20 =	vmul.f32 v25, v20;
	v21 =	vmul.f32 v22, v21;
	v22 =	vadd.f32 v24, v24  }
0x19f: {  	v24 =	vand.u32 $0x380, v27;
	v25 =	vadd.s32 v7, v26  }
0x1a0: {  	v25 =	vor.u32 v24, v25;
	v20 =	vadd.f32 v21, v20;
	v21 =	vadd.f32 v22, v23  }
0x1a1: {  	v22 =	vadd.s32 v13, v26  }
0x1a2: {  	v22 =	vor.u32 v24, v22;
	v20 =	vadd.f32 v20, v21;
	_ =	sdelay $0x1  }
0x1a3: {  	[tilespmem:s20+$0x0] =	vst v20  }
0x1a4: {  	v21 =	vadd.s32 v17, v26;
	v20 =	vld.idx.msk [tilespmem:v25+s13+$0x0], $0xffff  }
0x1a5: {  	v21 =	vor.u32 v24, v21  }
0x1a6: {  	v22 =	vld.idx.msk [tilespmem:v22+s13+$0x0], $0xffff;
	_ =	sdelay $0x2  }
0x1a7: {  	v23 =	vadd.s32 v19, v26;
	vm13 =	vgt.f32 v20, v4  }
0x1a8: {  	v23 =	vor.u32 v24, v23;
	v25 =	vld.idx.msk [tilespmem:v21+s13+$0x0], $0xffff;
	v20 =	vsel vm13, $0x3F800000, v0  }
0x1a9: {  	vm14 =	vgt.f32 v22, v1;
	v21 =	vsub.f32 $1.000000000e+00, v20  }
0x1aa: {  	v24 =	vsel vm14, $0x3F800000, v0  }
0x1ab: {  	vm15 =	vgt.f32 v22, v2;
	v22 =	vmul.f32 v24, v21  }
0x1ac: {  	v24 =	vnsel vm15, $0x0, v20  }
0x1ad: {  	v23 =	vld.idx.msk [tilespmem:v23+s13+$0x0], $0xffff;
	vm4 =	vgt.f32 v25, v3;
	vm5 =	vgt.f32 v25, v8;
	v24 =	vadd.f32 v22, v24  }
0x1ae: {  	vm6 =	vgt.f32 v25, v9;
	vm7 =	vgt.f32 v25, v11;
	v25 =	vsel vm5, $0x3F800000, v0  }
0x1af: {  	v26 =	vsel vm7, $0x3F800000, v0;
	v28 =	vsel vm6, $0x3F800000, v0;
	v27 =	vsub.f32 $1.000000000e+00, v24  }
0x1b0: {  	v22 =	vsel vm4, $0x3F800000, v0;
	v25 =	vmul.f32 v24, v25;
	v26 =	vmul.f32 v24, v26  }
0x1b1: {  	v22 =	vmul.f32 v27, v22;
	v28 =	vmul.f32 v27, v28  }
0x1b2: {  	vm8 =	vgt.f32 v23, v5  }
0x1b3: {  	vm9 =	vgt.f32 v23, v10;
	v22 =	vadd.f32 v22, v25;
	v25 =	vadd.f32 v28, v26  }
0x1b4: {  	vm10 =	vgt.f32 v23, v6;
	vm11 =	vgt.f32 v23, v12;
	vm12 =	vgt.f32 v23, v14  }
0x1b5: {  	vm13 =	vgt.f32 v23, v15;
	v25 =	vmul.f32 v25, v20;
	v22 =	vmul.f32 v22, v21  }
0x1b6: {  	vm14 =	vgt.f32 v23, v16;
	v29 =	vsel vm13, $0x3F800000, v0;
	v60 =	vsel vm12, $0x3F800000, v0  }
0x1b7: {  	vm15 =	vgt.f32 v23, v18;
	v23 =	vsel vm9, $0x3F800000, v0;
	v22 =	vadd.f32 v22, v25  }
0x1b8: {  	v58 =	vsel vm15, $0x3F800000, v0;
	v26 =	vsel vm8, $0x3F800000, v0;
	v25 =	vsel vm11, $0x3F800000, v0  }
0x1b9: {  	v23 =	vmul.f32 v22, v23;
	v59 =	vsub.f32 $1.000000000e+00, v22;
	v25 =	vmul.f32 v22, v25  }
0x1ba: {  	v28 =	vsel vm10, $0x3F800000, v0;
	v29 =	vmul.f32 v22, v29;
	v30 =	vmul.f32 v22, v58  }
0x1bb: {  	v61 =	vsel vm14, $0x3F800000, v0;
	v26 =	vmul.f32 v59, v26;
	v28 =	vmul.f32 v59, v28  }
0x1bc: {  	v32 =	vmul.f32 v59, v60;
	v31 =	vmul.f32 v59, v61  }
0x1bd: {  	v23 =	vadd.f32 v26, v23;
	v25 =	vadd.f32 v28, v25  }
0x1be: {  	v26 =	vadd.f32 v32, v29;
	v28 =	vadd.f32 v31, v30  }
0x1bf: {  	v25 =	vmul.f32 v25, v24;
	v23 =	vmul.f32 v23, v27  }
0x1c0: {  	s29 =	simm.s32 $0x2;
	v28 =	vmul.f32 v28, v24;
	v26 =	vmul.f32 v26, v27  }
0x1c1: {  	v62 =	vmul.f32 $8.000000000e+00, v20;
	v29 =	vmov s29;
	v24 =	vmul.f32 $4.000000000e+00, v24  }
0x1c2: {  	v63 =	vshll.u32 v29, $0xA;
	v25 =	vadd.f32 v23, v25;
	v27 =	vadd.f32 v26, v28  }
0x1c3: {  	s30 =	simm.s32 $0x3;
	s29 =	smov.u32 s20;
	v23 =	vand.u32 $0x2000, v63;
	v26 =	vshll.u32 v29, $0x7;
	v24 =	vadd.f32 v24, v62  }
.LBB2_7:
0x1c4: {  	p0 =	sne.s32 s30, $0xF;
	v20 =	vmul.f32 v27, v20;
	v21 =	vmul.f32 v25, v21;
	v22 =	vadd.f32 v22, v22  }
0x1c5: {  	v25 =	vand.u32 $0x380, v26;
	v26 =	vadd.s32 v7, v23  }
0x1c6: {  	v26 =	vor.u32 v25, v26;
	v20 =	vadd.f32 v21, v20;
	v21 =	vadd.f32 v22, v24  }
0x1c7: {  	v22 =	vadd.s32 v13, v23  }
0x1c8: {  	v22 =	vor.u32 v25, v22;
	v20 =	vadd.f32 v20, v21  }
0x1c9: {  	s29 =	sadd.s32 $0x80, s29  }
0x1ca: {  	[tilespmem:s29+$0x0] =	vst v20  }
0x1cb: {  	v21 =	vadd.s32 v17, v23;
	v20 =	vld.idx.msk [tilespmem:v26+s13+$0x0], $0xffff  }
0x1cc: {  	v21 =	vor.u32 v25, v21  }
0x1cd: {  	v22 =	vld.idx.msk [tilespmem:v22+s13+$0x0], $0xffff;
	_ =	sdelay $0x2  }
0x1ce: {  	v23 =	vadd.s32 v19, v23  }
0x1cf: {  	v23 =	vor.u32 v25, v23;
	vm0 =	vgt.f32 v20, v4;
	v24 =	vld.idx.msk [tilespmem:v21+s13+$0x0], $0xffff  }
0x1d0: {  	v20 =	vsel vm0, $0x3F800000, v0  }
0x1d1: {  	vm0 =	vgt.f32 v22, v1;
	v21 =	vsub.f32 $1.000000000e+00, v20  }
0x1d2: {  	v25 =	vsel vm0, $0x3F800000, v0  }
0x1d3: {  	vm0 =	vgt.f32 v22, v2;
	v22 =	vmul.f32 v25, v21  }
0x1d4: {  	v25 =	vnsel vm0, $0x0, v20;
	v23 =	vld.idx.msk [tilespmem:v23+s13+$0x0], $0xffff  }
0x1d5: {  	vm0 =	vgt.f32 v24, v3;
	vm1 =	vgt.f32 v24, v8;
	v25 =	vadd.f32 v22, v25  }
0x1d6: {  	vm2 =	vgt.f32 v24, v11;
	v22 =	vsel vm0, $0x3F800000, v0;
	vm0 =	vgt.f32 v24, v9  }
0x1d7: {  	v24 =	vsel vm1, $0x3F800000, v0;
	v26 =	vsel vm2, $0x3F800000, v0;
	v27 =	vsub.f32 $1.000000000e+00, v25  }
0x1d8: {  	v28 =	vsel vm0, $0x3F800000, v0;
	v24 =	vmul.f32 v25, v24;
	v26 =	vmul.f32 v25, v26  }
0x1d9: {  	v22 =	vmul.f32 v27, v22;
	v28 =	vmul.f32 v27, v28  }
0x1da: {  	vm0 =	vgt.f32 v23, v5  }
0x1db: {  	vm1 =	vgt.f32 v23, v10;
	v22 =	vadd.f32 v22, v24;
	v24 =	vadd.f32 v28, v26  }
0x1dc: {  	vm2 =	vgt.f32 v23, v6;
	vm3 =	vgt.f32 v23, v12;
	vm4 =	vgt.f32 v23, v14  }
0x1dd: {  	vm5 =	vgt.f32 v23, v15;
	v24 =	vmul.f32 v24, v20;
	v22 =	vmul.f32 v22, v21  }
0x1de: {  	vm6 =	vgt.f32 v23, v18;
	v26 =	vsel vm0, $0x3F800000, v0;
	vm0 =	vgt.f32 v23, v16  }
0x1df: {  	v23 =	vsel vm1, $0x3F800000, v0;
	v28 =	vsel vm2, $0x3F800000, v0;
	v22 =	vadd.f32 v22, v24  }
0x1e0: {  	v29 =	vsel vm5, $0x3F800000, v0;
	v30 =	vsel vm6, $0x3F800000, v0;
	v24 =	vsel vm3, $0x3F800000, v0  }
0x1e1: {  	v23 =	vmul.f32 v22, v23;
	v31 =	vsub.f32 $1.000000000e+00, v22;
	v24 =	vmul.f32 v22, v24  }
0x1e2: {  	v32 =	vsel vm4, $0x3F800000, v0;
	v29 =	vmul.f32 v22, v29;
	v30 =	vmul.f32 v22, v30  }
0x1e3: {  	v33 =	vsel vm0, $0x3F800000, v0;
	v26 =	vmul.f32 v31, v26;
	v28 =	vmul.f32 v31, v28  }
0x1e4: {  	v32 =	vmul.f32 v31, v32;
	v31 =	vmul.f32 v31, v33  }
0x1e5: {  	v23 =	vadd.f32 v26, v23;
	v24 =	vadd.f32 v28, v24  }
0x1e6: {  	v26 =	vadd.f32 v32, v29;
	v28 =	vadd.f32 v31, v30  }
.Ltmp2:
0x1e7: {  	v24 =	vmul.f32 v24, v25;
	v23 =	vmul.f32 v23, v27;
	(pc) =	sbr.rel @p0 .LBB2_7-.Ltmp2, $4  }
0x1e8: {  	v28 =	vmul.f32 v28, v25;
	v26 =	vmul.f32 v26, v27  }
0x1e9: {  	v29 =	vmov s30;
	v30 =	vmul.f32 $8.000000000e+00, v20;
	v31 =	vmul.f32 $4.000000000e+00, v25  }
0x1ea: {  	v32 =	vshll.u32 v29, $0xA;
	v25 =	vadd.f32 v23, v24;
	v27 =	vadd.f32 v26, v28  }
0x1eb: {  	s30 =	sadd.s32 $0x1, s30;
	v23 =	vand.u32 $0x2000, v32;
	v26 =	vshll.u32 v29, $0x7;
	v24 =	vadd.f32 v31, v30  }
0x1ec: {  	v20 =	vmul.f32 v27, v20;
	v21 =	vmul.f32 v25, v21;
	v22 =	vadd.f32 v22, v22  }
0x1ed: {  	v25 =	vand.u32 $0x380, v26;
	v7 =	vadd.s32 v7, v23  }
0x1ee: {  	v7 =	vor.u32 v25, v7;
	v20 =	vadd.f32 v21, v20;
	v21 =	vadd.f32 v22, v24  }
0x1ef: {  	v13 =	vadd.s32 v13, v23  }
0x1f0: {  	v13 =	vor.u32 v25, v13;
	v20 =	vadd.f32 v20, v21  }
0x1f1: {  	s29 =	sadd.s32 $0x80, s29  }
0x1f2: {  	[tilespmem:s29+$0x0] =	vst v20  }
0x1f3: {  	v17 =	vadd.s32 v17, v23;
	v7 =	vld.idx.msk [tilespmem:v7+s13+$0x0], $0xffff  }
0x1f4: {  	v17 =	vor.u32 v25, v17  }
0x1f5: {  	v13 =	vld.idx.msk [tilespmem:v13+s13+$0x0], $0xffff;
	_ =	sdelay $0x2  }
0x1f6: {  	v19 =	vadd.s32 v19, v23;
	vm0 =	vgt.f32 v7, v4  }
0x1f7: {  	v4 =	vld.idx.msk [tilespmem:v17+s13+$0x0], $0xffff;
	v7 =	vor.u32 v25, v19;
	v17 =	vsel vm0, $0x3F800000, v0  }
0x1f8: {  	vm8 =	vgt.f32 v13, v1;
	v1 =	vsub.f32 $1.000000000e+00, v17  }
0x1f9: {  	v19 =	vsel vm8, $0x3F800000, v0  }
0x1fa: {  	vm9 =	vgt.f32 v13, v2;
	v2 =	vmul.f32 v19, v1  }
0x1fb: {  	v13 =	vnsel vm9, $0x0, v17  }
0x1fc: {  	v7 =	vld.idx.msk [tilespmem:v7+s13+$0x0], $0xffff;
	vm10 =	vgt.f32 v4, v3;
	vm1 =	vgt.f32 v4, v8;
	v2 =	vadd.f32 v2, v13  }
0x1fd: {  	vm11 =	vgt.f32 v4, v9;
	vm2 =	vgt.f32 v4, v11;
	v3 =	vsel vm10, $0x3F800000, v0  }
0x1fe: {  	v4 =	vsel vm1, $0x3F800000, v0;
	v8 =	vsel vm2, $0x3F800000, v0;
	v9 =	vsub.f32 $1.000000000e+00, v2  }
0x1ff: {  	v11 =	vsel vm11, $0x3F800000, v0;
	v4 =	vmul.f32 v2, v4;
	v8 =	vmul.f32 v2, v8  }
0x200: {  	v3 =	vmul.f32 v9, v3;
	v11 =	vmul.f32 v9, v11  }
0x201: {  	vm12 =	vgt.f32 v7, v5  }
0x202: {  	vm13 =	vgt.f32 v7, v10;
	v3 =	vadd.f32 v3, v4;
	v4 =	vadd.f32 v11, v8  }
0x203: {  	vm14 =	vgt.f32 v7, v6;
	vm3 =	vgt.f32 v7, v12;
	vm4 =	vgt.f32 v7, v14  }
0x204: {  	vm5 =	vgt.f32 v7, v15;
	v4 =	vmul.f32 v4, v17;
	v3 =	vmul.f32 v3, v1  }
0x205: {  	vm15 =	vgt.f32 v7, v16;
	vm6 =	vgt.f32 v7, v18;
	v5 =	vsel vm12, $0x3F800000, v0  }
0x206: {  	v6 =	vsel vm13, $0x3F800000, v0;
	v7 =	vsel vm14, $0x3F800000, v0;
	v3 =	vadd.f32 v3, v4  }
0x207: {  	v10 =	vsel vm6, $0x3F800000, v0;
	v8 =	vsel vm5, $0x3F800000, v0;
	v4 =	vsel vm3, $0x3F800000, v0  }
0x208: {  	v6 =	vmul.f32 v3, v6;
	v11 =	vsub.f32 $1.000000000e+00, v3;
	v4 =	vmul.f32 v3, v4  }
0x209: {  	v12 =	vsel vm4, $0x3F800000, v0;
	v8 =	vmul.f32 v3, v8;
	v10 =	vmul.f32 v3, v10  }
0x20a: {  	v13 =	vsel vm15, $0x3F800000, v0;
	v5 =	vmul.f32 v11, v5;
	v7 =	vmul.f32 v11, v7  }
0x20b: {  	v12 =	vmul.f32 v11, v12;
	v11 =	vmul.f32 v11, v13  }
0x20c: {  	v5 =	vadd.f32 v5, v6;
	v4 =	vadd.f32 v7, v4  }
0x20d: {  	v6 =	vadd.f32 v12, v8;
	v7 =	vadd.f32 v11, v10  }
0x20e: {  	v4 =	vmul.f32 v4, v2;
	v5 =	vmul.f32 v5, v9  }
0x20f: {  	v7 =	vmul.f32 v7, v2;
	v6 =	vmul.f32 v6, v9  }
0x210: {  	v8 =	vmul.f32 $8.000000000e+00, v17  }
0x211: {  	v2 =	vmul.f32 $4.000000000e+00, v2;
	v4 =	vadd.f32 v5, v4;
	v5 =	vadd.f32 v6, v7  }
0x212: {  	v3 =	vadd.f32 v3, v3  }
0x213: {  	v2 =	vadd.f32 v2, v8;
	v5 =	vmul.f32 v5, v17;
	v1 =	vmul.f32 v4, v1;
	_ =	sdelay $0x1  }
0x214: {  	v2 =	vadd.f32 v3, v2;
	v1 =	vadd.f32 v1, v5;
	_ =	sdelay $0x1  }
0x215: {  	v1 =	vadd.f32 v1, v2  }
0x216: {  	s29 =	sadd.s32 $0x80, s29  }
0x217: {  	[tilespmem:s29+$0x0] =	vst v1  }
0x218: {  	v1 =	vld [tilespmem:$0x30];
	_ =	sdelay $0x1  }
0x219: {  	v2 =	vld [tilespmem:$0x70];
	_ =	sdelay $0x2  }
0x21a: {  	s29 =	simm.s32 $0x0;
	v3 =	vshll.u32 v1, $0x3  }
0x21b: {  	v4 =	vmov s29;
	v1 =	vand.u32 $0x7F, v1;
	v3 =	vand.u32 $0xFFFFFC00, v3  }
0x21c: {  	v5 =	vld [tilespmem:$0xB0];
	v7 =	vor.u32 v1, v3;
	v1 =	vand.u32 $0x7F, v2;
	v3 =	vshll.u32 v4, $0xA  }
0x21d: {  	v2 =	vshll.u32 v2, $0x3;
	v6 =	vand.u32 $0x2000, v3;
	v3 =	vshll.u32 v4, $0x7  }
0x21e: {  	v2 =	vand.u32 $0xFFFFFC00, v2;
	v10 =	vand.u32 $0x380, v3;
	v3 =	vadd.s32 v7, v6  }
0x21f: {  	v13 =	vor.u32 v1, v2;
	v3 =	vor.u32 v10, v3  }
0x220: {  	v1 =	vadd.s32 v13, v6  }
0x221: {  	v9 =	vld [tilespmem:$0xF0];
	v2 =	vshll.u32 v5, $0x3;
	v8 =	vor.u32 v10, v1  }
0x222: {  	v4 =	vld [tilespmem:$0x130];
	v5 =	vand.u32 $0x7F, v5;
	v11 =	vand.u32 $0xFFFFFC00, v2  }
0x223: {  	v2 =	vld [tilespmem:$0x1B0];
	v17 =	vor.u32 v5, v11  }
0x224: {  	v11 =	vadd.s32 v17, v6;
	v5 =	vld.idx.msk [tilespmem:v3+s13+$0x0], $0xffff  }
0x225: {  	v1 =	vld [tilespmem:$0x170];
	v12 =	vor.u32 v10, v11  }
0x226: {  	v11 =	vshll.u32 v9, $0x3;
	v14 =	vld.idx.msk [tilespmem:v8+s13+$0x0], $0xffff  }
0x227: {  	v15 =	vand.u32 $0x7F, v9;
	v9 =	vld [tilespmem:$0x270];
	v11 =	vand.u32 $0xFFFFFC00, v11  }
0x228: {  	v3 =	vld [tilespmem:$0x1F0];
	v19 =	vor.u32 v15, v11  }
0x229: {  	v8 =	vld [tilespmem:$0x230];
	v6 =	vadd.s32 v19, v6;
	vm5 =	vgt.f32 v5, v4  }
0x22a: {  	v16 =	vor.u32 v10, v6;
	v15 =	vld.idx.msk [tilespmem:v12+s13+$0x0], $0xffff;
	v20 =	vsel vm5, $0x3F800000, v0  }
0x22b: {  	v11 =	vld [tilespmem:$0x2B0];
	vm6 =	vgt.f32 v14, v1;
	v21 =	vsub.f32 $1.000000000e+00, v20  }
0x22c: {  	v10 =	vld [tilespmem:$0x330];
	v12 =	vsel vm6, $0x3F800000, v0  }
0x22d: {  	v6 =	vld [tilespmem:$0x370];
	vm7 =	vgt.f32 v14, v2;
	v14 =	vmul.f32 v12, v21  }
0x22e: {  	v5 =	vld [tilespmem:$0x2F0];
	v18 =	vnsel vm7, $0x0, v20  }
0x22f: {  	v22 =	vld.idx.msk [tilespmem:v16+s13+$0x0], $0xffff;
	vm8 =	vgt.f32 v15, v3;
	vm9 =	vgt.f32 v15, v8;
	v23 =	vadd.f32 v14, v18  }
0x230: {  	v16 =	vld [tilespmem:$0x470];
	vm10 =	vgt.f32 v15, v9;
	vm11 =	vgt.f32 v15, v11;
	v24 =	vsel vm8, $0x3F800000, v0  }
0x231: {  	v15 =	vld [tilespmem:$0x430];
	v25 =	vsel vm11, $0x3F800000, v0;
	v18 =	vsel vm9, $0x3F800000, v0;
	v26 =	vsub.f32 $1.000000000e+00, v23  }
0x232: {  	v12 =	vld [tilespmem:$0x3B0];
	v27 =	vsel vm10, $0x3F800000, v0;
	v28 =	vmul.f32 v23, v18;
	v25 =	vmul.f32 v23, v25  }
0x233: {  	v14 =	vld [tilespmem:$0x3F0];
	v24 =	vmul.f32 v26, v24;
	v27 =	vmul.f32 v26, v27  }
0x234: {  	vm12 =	vgt.f32 v22, v5;
	v18 =	vld [tilespmem:$0x4B0]  }
0x235: {  	vm13 =	vgt.f32 v22, v10;
	v24 =	vadd.f32 v24, v28;
	v25 =	vadd.f32 v27, v25  }
0x236: {  	vm14 =	vgt.f32 v22, v6;
	vm11 =	vgt.f32 v22, v16;
	vm10 =	vgt.f32 v22, v15  }
0x237: {  	v33 =	vsel vm11, $0x3F800000, v0;
	v25 =	vmul.f32 v25, v20;
	v24 =	vmul.f32 v24, v21  }
0x238: {  	vm15 =	vgt.f32 v22, v12;
	v29 =	vsel vm10, $0x3F800000, v0;
	vm9 =	vgt.f32 v22, v14  }
0x239: {  	v27 =	vsel vm12, $0x3F800000, v0;
	vm12 =	vgt.f32 v22, v18;
	v24 =	vadd.f32 v24, v25  }
0x23a: {  	v22 =	vsel vm13, $0x3F800000, v0;
	v30 =	vsel vm12, $0x3F800000, v0;
	v25 =	vsel vm15, $0x3F800000, v0  }
0x23b: {  	v22 =	vmul.f32 v24, v22;
	v31 =	vsub.f32 $1.000000000e+00, v24;
	v25 =	vmul.f32 v24, v25  }
0x23c: {  	v28 =	vsel vm14, $0x3F800000, v0;
	v29 =	vmul.f32 v24, v29;
	v30 =	vmul.f32 v24, v30  }
0x23d: {  	v32 =	vsel vm9, $0x3F800000, v0;
	v27 =	vmul.f32 v31, v27;
	v28 =	vmul.f32 v31, v28  }
0x23e: {  	v32 =	vmul.f32 v31, v32;
	v31 =	vmul.f32 v31, v33  }
0x23f: {  	v22 =	vadd.f32 v27, v22;
	v25 =	vadd.f32 v28, v25  }
0x240: {  	v27 =	vadd.f32 v32, v29;
	v28 =	vadd.f32 v31, v30  }
0x241: {  	v25 =	vmul.f32 v25, v23;
	v22 =	vmul.f32 v22, v26  }
0x242: {  	s29 =	simm.s32 $0x1;
	v28 =	vmul.f32 v28, v23;
	v26 =	vmul.f32 v27, v26  }
0x243: {  	v29 =	vmul.f32 $8.000000000e+00, v20;
	v27 =	vmov s29;
	v23 =	vmul.f32 $4.000000000e+00, v23  }
0x244: {  	v57 =	vshll.u32 v27, $0xA;
	v22 =	vadd.f32 v22, v25;
	v25 =	vadd.f32 v26, v28  }
0x245: {  	v27 =	vshll.u32 v27, $0x7;
	v26 =	vand.u32 $0x2000, v57;
	v23 =	vadd.f32 v23, v29  }
0x246: {  	v20 =	vmul.f32 v25, v20;
	v21 =	vmul.f32 v22, v21;
	v22 =	vadd.f32 v24, v24  }
0x247: {  	v24 =	vand.u32 $0x380, v27;
	v25 =	vadd.s32 v7, v26  }
0x248: {  	v25 =	vor.u32 v24, v25;
	v20 =	vadd.f32 v21, v20;
	v21 =	vadd.f32 v22, v23  }
0x249: {  	v22 =	vadd.s32 v13, v26  }
0x24a: {  	v22 =	vor.u32 v24, v22;
	v20 =	vadd.f32 v20, v21;
	_ =	sdelay $0x1  }
0x24b: {  	[tilespmem:s21+$0x0] =	vst v20  }
0x24c: {  	v21 =	vadd.s32 v17, v26;
	v20 =	vld.idx.msk [tilespmem:v25+s13+$0x0], $0xffff  }
0x24d: {  	v21 =	vor.u32 v24, v21  }
0x24e: {  	v22 =	vld.idx.msk [tilespmem:v22+s13+$0x0], $0xffff;
	_ =	sdelay $0x2  }
0x24f: {  	v23 =	vadd.s32 v19, v26;
	vm13 =	vgt.f32 v20, v4  }
0x250: {  	v23 =	vor.u32 v24, v23;
	v25 =	vld.idx.msk [tilespmem:v21+s13+$0x0], $0xffff;
	v20 =	vsel vm13, $0x3F800000, v0  }
0x251: {  	vm14 =	vgt.f32 v22, v1;
	v21 =	vsub.f32 $1.000000000e+00, v20  }
0x252: {  	v24 =	vsel vm14, $0x3F800000, v0  }
0x253: {  	vm15 =	vgt.f32 v22, v2;
	v22 =	vmul.f32 v24, v21  }
0x254: {  	v24 =	vnsel vm15, $0x0, v20  }
0x255: {  	v23 =	vld.idx.msk [tilespmem:v23+s13+$0x0], $0xffff;
	vm4 =	vgt.f32 v25, v3;
	vm5 =	vgt.f32 v25, v8;
	v24 =	vadd.f32 v22, v24  }
0x256: {  	vm6 =	vgt.f32 v25, v9;
	vm7 =	vgt.f32 v25, v11;
	v25 =	vsel vm5, $0x3F800000, v0  }
0x257: {  	v26 =	vsel vm7, $0x3F800000, v0;
	v28 =	vsel vm6, $0x3F800000, v0;
	v27 =	vsub.f32 $1.000000000e+00, v24  }
0x258: {  	v22 =	vsel vm4, $0x3F800000, v0;
	v25 =	vmul.f32 v24, v25;
	v26 =	vmul.f32 v24, v26  }
0x259: {  	v22 =	vmul.f32 v27, v22;
	v28 =	vmul.f32 v27, v28  }
0x25a: {  	vm8 =	vgt.f32 v23, v5  }
0x25b: {  	vm9 =	vgt.f32 v23, v10;
	v22 =	vadd.f32 v22, v25;
	v25 =	vadd.f32 v28, v26  }
0x25c: {  	vm10 =	vgt.f32 v23, v6;
	vm11 =	vgt.f32 v23, v12;
	vm12 =	vgt.f32 v23, v14  }
0x25d: {  	vm13 =	vgt.f32 v23, v15;
	v25 =	vmul.f32 v25, v20;
	v22 =	vmul.f32 v22, v21  }
0x25e: {  	vm14 =	vgt.f32 v23, v16;
	v29 =	vsel vm13, $0x3F800000, v0;
	v60 =	vsel vm12, $0x3F800000, v0  }
0x25f: {  	vm15 =	vgt.f32 v23, v18;
	v23 =	vsel vm9, $0x3F800000, v0;
	v22 =	vadd.f32 v22, v25  }
0x260: {  	v58 =	vsel vm15, $0x3F800000, v0;
	v26 =	vsel vm8, $0x3F800000, v0;
	v25 =	vsel vm11, $0x3F800000, v0  }
0x261: {  	v23 =	vmul.f32 v22, v23;
	v59 =	vsub.f32 $1.000000000e+00, v22;
	v25 =	vmul.f32 v22, v25  }
0x262: {  	v28 =	vsel vm10, $0x3F800000, v0;
	v29 =	vmul.f32 v22, v29;
	v30 =	vmul.f32 v22, v58  }
0x263: {  	v61 =	vsel vm14, $0x3F800000, v0;
	v26 =	vmul.f32 v59, v26;
	v28 =	vmul.f32 v59, v28  }
0x264: {  	v32 =	vmul.f32 v59, v60;
	v31 =	vmul.f32 v59, v61  }
0x265: {  	v23 =	vadd.f32 v26, v23;
	v25 =	vadd.f32 v28, v25  }
0x266: {  	v26 =	vadd.f32 v32, v29;
	v28 =	vadd.f32 v31, v30  }
0x267: {  	v25 =	vmul.f32 v25, v24;
	v23 =	vmul.f32 v23, v27  }
0x268: {  	s29 =	simm.s32 $0x2;
	v28 =	vmul.f32 v28, v24;
	v26 =	vmul.f32 v26, v27  }
0x269: {  	v62 =	vmul.f32 $8.000000000e+00, v20;
	v29 =	vmov s29;
	v24 =	vmul.f32 $4.000000000e+00, v24  }
0x26a: {  	v63 =	vshll.u32 v29, $0xA;
	v25 =	vadd.f32 v23, v25;
	v27 =	vadd.f32 v26, v28  }
0x26b: {  	s30 =	simm.s32 $0x3;
	s29 =	smov.u32 s21;
	v23 =	vand.u32 $0x2000, v63;
	v26 =	vshll.u32 v29, $0x7;
	v24 =	vadd.f32 v24, v62  }
.LBB2_9:
0x26c: {  	p0 =	sne.s32 s30, $0xF;
	v20 =	vmul.f32 v27, v20;
	v21 =	vmul.f32 v25, v21;
	v22 =	vadd.f32 v22, v22  }
0x26d: {  	v25 =	vand.u32 $0x380, v26;
	v26 =	vadd.s32 v7, v23  }
0x26e: {  	v26 =	vor.u32 v25, v26;
	v20 =	vadd.f32 v21, v20;
	v21 =	vadd.f32 v22, v24  }
0x26f: {  	v22 =	vadd.s32 v13, v23  }
0x270: {  	v22 =	vor.u32 v25, v22;
	v20 =	vadd.f32 v20, v21  }
0x271: {  	s29 =	sadd.s32 $0x80, s29  }
0x272: {  	[tilespmem:s29+$0x0] =	vst v20  }
0x273: {  	v21 =	vadd.s32 v17, v23;
	v20 =	vld.idx.msk [tilespmem:v26+s13+$0x0], $0xffff  }
0x274: {  	v21 =	vor.u32 v25, v21  }
0x275: {  	v22 =	vld.idx.msk [tilespmem:v22+s13+$0x0], $0xffff;
	_ =	sdelay $0x2  }
0x276: {  	v23 =	vadd.s32 v19, v23  }
0x277: {  	v23 =	vor.u32 v25, v23;
	vm0 =	vgt.f32 v20, v4;
	v24 =	vld.idx.msk [tilespmem:v21+s13+$0x0], $0xffff  }
0x278: {  	v20 =	vsel vm0, $0x3F800000, v0  }
0x279: {  	vm0 =	vgt.f32 v22, v1;
	v21 =	vsub.f32 $1.000000000e+00, v20  }
0x27a: {  	v25 =	vsel vm0, $0x3F800000, v0  }
0x27b: {  	vm0 =	vgt.f32 v22, v2;
	v22 =	vmul.f32 v25, v21  }
0x27c: {  	v25 =	vnsel vm0, $0x0, v20;
	v23 =	vld.idx.msk [tilespmem:v23+s13+$0x0], $0xffff  }
0x27d: {  	vm0 =	vgt.f32 v24, v3;
	vm1 =	vgt.f32 v24, v8;
	v25 =	vadd.f32 v22, v25  }
0x27e: {  	vm2 =	vgt.f32 v24, v11;
	v22 =	vsel vm0, $0x3F800000, v0;
	vm0 =	vgt.f32 v24, v9  }
0x27f: {  	v24 =	vsel vm1, $0x3F800000, v0;
	v26 =	vsel vm2, $0x3F800000, v0;
	v27 =	vsub.f32 $1.000000000e+00, v25  }
0x280: {  	v28 =	vsel vm0, $0x3F800000, v0;
	v24 =	vmul.f32 v25, v24;
	v26 =	vmul.f32 v25, v26  }
0x281: {  	v22 =	vmul.f32 v27, v22;
	v28 =	vmul.f32 v27, v28  }
0x282: {  	vm0 =	vgt.f32 v23, v5  }
0x283: {  	vm1 =	vgt.f32 v23, v10;
	v22 =	vadd.f32 v22, v24;
	v24 =	vadd.f32 v28, v26  }
0x284: {  	vm2 =	vgt.f32 v23, v6;
	vm3 =	vgt.f32 v23, v12;
	vm4 =	vgt.f32 v23, v14  }
0x285: {  	vm5 =	vgt.f32 v23, v15;
	v24 =	vmul.f32 v24, v20;
	v22 =	vmul.f32 v22, v21  }
0x286: {  	vm6 =	vgt.f32 v23, v18;
	v26 =	vsel vm0, $0x3F800000, v0;
	vm0 =	vgt.f32 v23, v16  }
0x287: {  	v23 =	vsel vm1, $0x3F800000, v0;
	v28 =	vsel vm2, $0x3F800000, v0;
	v22 =	vadd.f32 v22, v24  }
0x288: {  	v29 =	vsel vm5, $0x3F800000, v0;
	v30 =	vsel vm6, $0x3F800000, v0;
	v24 =	vsel vm3, $0x3F800000, v0  }
0x289: {  	v23 =	vmul.f32 v22, v23;
	v31 =	vsub.f32 $1.000000000e+00, v22;
	v24 =	vmul.f32 v22, v24  }
0x28a: {  	v32 =	vsel vm4, $0x3F800000, v0;
	v29 =	vmul.f32 v22, v29;
	v30 =	vmul.f32 v22, v30  }
0x28b: {  	v33 =	vsel vm0, $0x3F800000, v0;
	v26 =	vmul.f32 v31, v26;
	v28 =	vmul.f32 v31, v28  }
0x28c: {  	v32 =	vmul.f32 v31, v32;
	v31 =	vmul.f32 v31, v33  }
0x28d: {  	v23 =	vadd.f32 v26, v23;
	v24 =	vadd.f32 v28, v24  }
0x28e: {  	v26 =	vadd.f32 v32, v29;
	v28 =	vadd.f32 v31, v30  }
.Ltmp3:
0x28f: {  	v24 =	vmul.f32 v24, v25;
	v23 =	vmul.f32 v23, v27;
	(pc) =	sbr.rel @p0 .LBB2_9-.Ltmp3, $4  }
0x290: {  	v28 =	vmul.f32 v28, v25;
	v26 =	vmul.f32 v26, v27  }
0x291: {  	v29 =	vmov s30;
	v30 =	vmul.f32 $8.000000000e+00, v20;
	v31 =	vmul.f32 $4.000000000e+00, v25  }
0x292: {  	v32 =	vshll.u32 v29, $0xA;
	v25 =	vadd.f32 v23, v24;
	v27 =	vadd.f32 v26, v28  }
0x293: {  	s30 =	sadd.s32 $0x1, s30;
	v23 =	vand.u32 $0x2000, v32;
	v26 =	vshll.u32 v29, $0x7;
	v24 =	vadd.f32 v31, v30  }
0x294: {  	v20 =	vmul.f32 v27, v20;
	v21 =	vmul.f32 v25, v21;
	v22 =	vadd.f32 v22, v22  }
0x295: {  	v25 =	vand.u32 $0x380, v26;
	v7 =	vadd.s32 v7, v23  }
0x296: {  	v7 =	vor.u32 v25, v7;
	v20 =	vadd.f32 v21, v20;
	v21 =	vadd.f32 v22, v24  }
0x297: {  	v13 =	vadd.s32 v13, v23  }
0x298: {  	v13 =	vor.u32 v25, v13;
	v20 =	vadd.f32 v20, v21  }
0x299: {  	s29 =	sadd.s32 $0x80, s29  }
0x29a: {  	[tilespmem:s29+$0x0] =	vst v20  }
0x29b: {  	v17 =	vadd.s32 v17, v23;
	v7 =	vld.idx.msk [tilespmem:v7+s13+$0x0], $0xffff  }
0x29c: {  	v17 =	vor.u32 v25, v17  }
0x29d: {  	v13 =	vld.idx.msk [tilespmem:v13+s13+$0x0], $0xffff;
	_ =	sdelay $0x2  }
0x29e: {  	v19 =	vadd.s32 v19, v23;
	vm0 =	vgt.f32 v7, v4  }
0x29f: {  	v4 =	vld.idx.msk [tilespmem:v17+s13+$0x0], $0xffff;
	v7 =	vor.u32 v25, v19;
	v17 =	vsel vm0, $0x3F800000, v0  }
0x2a0: {  	vm8 =	vgt.f32 v13, v1;
	v1 =	vsub.f32 $1.000000000e+00, v17  }
0x2a1: {  	v19 =	vsel vm8, $0x3F800000, v0  }
0x2a2: {  	vm9 =	vgt.f32 v13, v2;
	v2 =	vmul.f32 v19, v1  }
0x2a3: {  	v13 =	vnsel vm9, $0x0, v17  }
0x2a4: {  	v7 =	vld.idx.msk [tilespmem:v7+s13+$0x0], $0xffff;
	vm10 =	vgt.f32 v4, v3;
	vm1 =	vgt.f32 v4, v8;
	v2 =	vadd.f32 v2, v13  }
0x2a5: {  	vm11 =	vgt.f32 v4, v9;
	vm2 =	vgt.f32 v4, v11;
	v3 =	vsel vm10, $0x3F800000, v0  }
0x2a6: {  	v4 =	vsel vm1, $0x3F800000, v0;
	v8 =	vsel vm2, $0x3F800000, v0;
	v9 =	vsub.f32 $1.000000000e+00, v2  }
0x2a7: {  	v11 =	vsel vm11, $0x3F800000, v0;
	v4 =	vmul.f32 v2, v4;
	v8 =	vmul.f32 v2, v8  }
0x2a8: {  	v3 =	vmul.f32 v9, v3;
	v11 =	vmul.f32 v9, v11  }
0x2a9: {  	vm12 =	vgt.f32 v7, v5  }
0x2aa: {  	vm13 =	vgt.f32 v7, v10;
	v3 =	vadd.f32 v3, v4;
	v4 =	vadd.f32 v11, v8  }
0x2ab: {  	vm14 =	vgt.f32 v7, v6;
	vm3 =	vgt.f32 v7, v12;
	vm4 =	vgt.f32 v7, v14  }
0x2ac: {  	vm5 =	vgt.f32 v7, v15;
	v4 =	vmul.f32 v4, v17;
	v3 =	vmul.f32 v3, v1  }
0x2ad: {  	vm15 =	vgt.f32 v7, v16;
	vm6 =	vgt.f32 v7, v18;
	v5 =	vsel vm12, $0x3F800000, v0  }
0x2ae: {  	v6 =	vsel vm13, $0x3F800000, v0;
	v7 =	vsel vm14, $0x3F800000, v0;
	v3 =	vadd.f32 v3, v4  }
0x2af: {  	v10 =	vsel vm6, $0x3F800000, v0;
	v8 =	vsel vm5, $0x3F800000, v0;
	v4 =	vsel vm3, $0x3F800000, v0  }
0x2b0: {  	v6 =	vmul.f32 v3, v6;
	v11 =	vsub.f32 $1.000000000e+00, v3;
	v4 =	vmul.f32 v3, v4  }
0x2b1: {  	v12 =	vsel vm4, $0x3F800000, v0;
	v8 =	vmul.f32 v3, v8;
	v10 =	vmul.f32 v3, v10  }
0x2b2: {  	v13 =	vsel vm15, $0x3F800000, v0;
	v5 =	vmul.f32 v11, v5;
	v7 =	vmul.f32 v11, v7  }
0x2b3: {  	v12 =	vmul.f32 v11, v12;
	v11 =	vmul.f32 v11, v13  }
0x2b4: {  	v5 =	vadd.f32 v5, v6;
	v4 =	vadd.f32 v7, v4  }
0x2b5: {  	v6 =	vadd.f32 v12, v8;
	v7 =	vadd.f32 v11, v10  }
0x2b6: {  	v4 =	vmul.f32 v4, v2;
	v5 =	vmul.f32 v5, v9  }
0x2b7: {  	v7 =	vmul.f32 v7, v2;
	v6 =	vmul.f32 v6, v9  }
0x2b8: {  	v8 =	vmul.f32 $8.000000000e+00, v17  }
0x2b9: {  	v2 =	vmul.f32 $4.000000000e+00, v2;
	v4 =	vadd.f32 v5, v4;
	v5 =	vadd.f32 v6, v7  }
0x2ba: {  	v3 =	vadd.f32 v3, v3  }
0x2bb: {  	v2 =	vadd.f32 v2, v8;
	v5 =	vmul.f32 v5, v17;
	v1 =	vmul.f32 v4, v1;
	_ =	sdelay $0x1  }
0x2bc: {  	v2 =	vadd.f32 v3, v2;
	v1 =	vadd.f32 v1, v5;
	_ =	sdelay $0x1  }
0x2bd: {  	p0 =	seq.s32 s28, $0x3;
	v1 =	vadd.f32 v1, v2  }
0x2be: {  	s30 =	sshll.u32 @!p0 s28, $0xC;
	s29 =	sadd.s32 $0x80, s29  }
0x2bf: {  	s31 =	simm.s32 @!p0 $0x500;
	[tilespmem:s29+$0x0] =	vst v1;
	s29 =	sadd.s32 @!p0 s30, s8;
	s30 =	simm.s32 @!p0 $0x0  }
0x2c0: {  	[tilespmem:s31], [sflag:$0x1] =	stream.linear.gather @!p0 [hbm4b:s29+s30], $0x4000, $0x38;
	[tilespmem:$0xC500] =	vst v63  }
0x2c1: {  	_ =	swait.ge [sflag:s16], $0x4000  }
0x2c2: {  	[sflag:s16] =	ssyncset.done $0x0  }
0x2c3: {  	[sflag:s16] =	ssyncadd.s32 $0xFFFFC000  }
0x2c4: {  	v1 =	vld [tilespmem:$0x0];
	_ =	sdelay $0x1  }
0x2c5: {  	v2 =	vld [tilespmem:$0x40];
	_ =	sdelay $0x2  }
0x2c6: {  	s29 =	simm.s32 $0x0;
	v3 =	vshll.u32 v1, $0x3  }
0x2c7: {  	v4 =	vmov s29;
	v1 =	vand.u32 $0x7F, v1;
	v3 =	vand.u32 $0xFFFFFC00, v3  }
0x2c8: {  	v5 =	vld [tilespmem:$0x80];
	v7 =	vor.u32 v1, v3;
	v1 =	vand.u32 $0x7F, v2;
	v3 =	vshll.u32 v4, $0xA  }
0x2c9: {  	v2 =	vshll.u32 v2, $0x3;
	v6 =	vand.u32 $0x2000, v3;
	v3 =	vshll.u32 v4, $0x7  }
0x2ca: {  	v2 =	vand.u32 $0xFFFFFC00, v2;
	v10 =	vand.u32 $0x380, v3;
	v3 =	vadd.s32 v7, v6  }
0x2cb: {  	v13 =	vor.u32 v1, v2;
	v3 =	vor.u32 v10, v3  }
0x2cc: {  	v1 =	vadd.s32 v13, v6  }
0x2cd: {  	v9 =	vld [tilespmem:$0xC0];
	v2 =	vshll.u32 v5, $0x3;
	v8 =	vor.u32 v10, v1  }
0x2ce: {  	v4 =	vld [tilespmem:$0x100];
	v5 =	vand.u32 $0x7F, v5;
	v11 =	vand.u32 $0xFFFFFC00, v2  }
0x2cf: {  	v2 =	vld [tilespmem:$0x180];
	v17 =	vor.u32 v5, v11  }
0x2d0: {  	v11 =	vadd.s32 v17, v6;
	v5 =	vld.idx.msk [tilespmem:v3+s14+$0x0], $0xffff  }
0x2d1: {  	v1 =	vld [tilespmem:$0x140];
	v12 =	vor.u32 v10, v11  }
0x2d2: {  	v11 =	vshll.u32 v9, $0x3;
	v14 =	vld.idx.msk [tilespmem:v8+s14+$0x0], $0xffff  }
0x2d3: {  	v15 =	vand.u32 $0x7F, v9;
	v9 =	vld [tilespmem:$0x240];
	v11 =	vand.u32 $0xFFFFFC00, v11  }
0x2d4: {  	v3 =	vld [tilespmem:$0x1C0];
	v19 =	vor.u32 v15, v11  }
0x2d5: {  	v8 =	vld [tilespmem:$0x200];
	v6 =	vadd.s32 v19, v6;
	vm5 =	vgt.f32 v5, v4  }
0x2d6: {  	v16 =	vor.u32 v10, v6;
	v15 =	vld.idx.msk [tilespmem:v12+s14+$0x0], $0xffff;
	v20 =	vsel vm5, $0x3F800000, v0  }
0x2d7: {  	v11 =	vld [tilespmem:$0x280];
	vm6 =	vgt.f32 v14, v1;
	v21 =	vsub.f32 $1.000000000e+00, v20  }
0x2d8: {  	v10 =	vld [tilespmem:$0x300];
	v12 =	vsel vm6, $0x3F800000, v0  }
0x2d9: {  	v6 =	vld [tilespmem:$0x340];
	vm7 =	vgt.f32 v14, v2;
	v14 =	vmul.f32 v12, v21  }
0x2da: {  	v5 =	vld [tilespmem:$0x2C0];
	v18 =	vnsel vm7, $0x0, v20  }
0x2db: {  	v22 =	vld.idx.msk [tilespmem:v16+s14+$0x0], $0xffff;
	vm8 =	vgt.f32 v15, v3;
	vm9 =	vgt.f32 v15, v8;
	v23 =	vadd.f32 v14, v18  }
0x2dc: {  	v16 =	vld [tilespmem:$0x440];
	vm10 =	vgt.f32 v15, v9;
	vm11 =	vgt.f32 v15, v11;
	v24 =	vsel vm8, $0x3F800000, v0  }
0x2dd: {  	v15 =	vld [tilespmem:$0x400];
	v25 =	vsel vm11, $0x3F800000, v0;
	v18 =	vsel vm9, $0x3F800000, v0;
	v26 =	vsub.f32 $1.000000000e+00, v23  }
0x2de: {  	v12 =	vld [tilespmem:$0x380];
	v27 =	vsel vm10, $0x3F800000, v0;
	v28 =	vmul.f32 v23, v18;
	v25 =	vmul.f32 v23, v25  }
0x2df: {  	v14 =	vld [tilespmem:$0x3C0];
	v24 =	vmul.f32 v26, v24;
	v27 =	vmul.f32 v26, v27  }
0x2e0: {  	vm12 =	vgt.f32 v22, v5;
	v18 =	vld [tilespmem:$0x480]  }
0x2e1: {  	vm13 =	vgt.f32 v22, v10;
	v24 =	vadd.f32 v24, v28;
	v25 =	vadd.f32 v27, v25  }
0x2e2: {  	vm14 =	vgt.f32 v22, v6;
	vm11 =	vgt.f32 v22, v16;
	vm10 =	vgt.f32 v22, v15  }
0x2e3: {  	v33 =	vsel vm11, $0x3F800000, v0;
	v25 =	vmul.f32 v25, v20;
	v24 =	vmul.f32 v24, v21  }
0x2e4: {  	vm15 =	vgt.f32 v22, v12;
	v29 =	vsel vm10, $0x3F800000, v0;
	vm9 =	vgt.f32 v22, v14  }
0x2e5: {  	v27 =	vsel vm12, $0x3F800000, v0;
	vm12 =	vgt.f32 v22, v18;
	v24 =	vadd.f32 v24, v25  }
0x2e6: {  	v22 =	vsel vm13, $0x3F800000, v0;
	v30 =	vsel vm12, $0x3F800000, v0;
	v25 =	vsel vm15, $0x3F800000, v0  }
0x2e7: {  	v22 =	vmul.f32 v24, v22;
	v31 =	vsub.f32 $1.000000000e+00, v24;
	v25 =	vmul.f32 v24, v25  }
0x2e8: {  	v28 =	vsel vm14, $0x3F800000, v0;
	v29 =	vmul.f32 v24, v29;
	v30 =	vmul.f32 v24, v30  }
0x2e9: {  	v32 =	vsel vm9, $0x3F800000, v0;
	v27 =	vmul.f32 v31, v27;
	v28 =	vmul.f32 v31, v28  }
0x2ea: {  	v32 =	vmul.f32 v31, v32;
	v31 =	vmul.f32 v31, v33  }
0x2eb: {  	v22 =	vadd.f32 v27, v22;
	v25 =	vadd.f32 v28, v25  }
0x2ec: {  	v27 =	vadd.f32 v32, v29;
	v28 =	vadd.f32 v31, v30  }
0x2ed: {  	v25 =	vmul.f32 v25, v23;
	v22 =	vmul.f32 v22, v26  }
0x2ee: {  	s29 =	simm.s32 $0x1;
	v28 =	vmul.f32 v28, v23;
	v26 =	vmul.f32 v27, v26  }
0x2ef: {  	v29 =	vmul.f32 $8.000000000e+00, v20;
	v27 =	vmov s29;
	v23 =	vmul.f32 $4.000000000e+00, v23  }
0x2f0: {  	v57 =	vshll.u32 v27, $0xA;
	v22 =	vadd.f32 v22, v25;
	v25 =	vadd.f32 v26, v28  }
0x2f1: {  	v27 =	vshll.u32 v27, $0x7;
	v26 =	vand.u32 $0x2000, v57;
	v23 =	vadd.f32 v23, v29  }
0x2f2: {  	v20 =	vmul.f32 v25, v20;
	v21 =	vmul.f32 v22, v21;
	v22 =	vadd.f32 v24, v24  }
0x2f3: {  	v24 =	vand.u32 $0x380, v27;
	v25 =	vadd.s32 v7, v26  }
0x2f4: {  	v25 =	vor.u32 v24, v25;
	v20 =	vadd.f32 v21, v20;
	v21 =	vadd.f32 v22, v23  }
0x2f5: {  	v22 =	vadd.s32 v13, v26  }
0x2f6: {  	v22 =	vor.u32 v24, v22;
	v20 =	vadd.f32 v20, v21;
	_ =	sdelay $0x1  }
0x2f7: {  	[tilespmem:s22+$0x0] =	vst v20  }
0x2f8: {  	v21 =	vadd.s32 v17, v26;
	v20 =	vld.idx.msk [tilespmem:v25+s14+$0x0], $0xffff  }
0x2f9: {  	v21 =	vor.u32 v24, v21  }
0x2fa: {  	v22 =	vld.idx.msk [tilespmem:v22+s14+$0x0], $0xffff;
	_ =	sdelay $0x2  }
0x2fb: {  	v23 =	vadd.s32 v19, v26;
	vm13 =	vgt.f32 v20, v4  }
0x2fc: {  	v23 =	vor.u32 v24, v23;
	v25 =	vld.idx.msk [tilespmem:v21+s14+$0x0], $0xffff;
	v20 =	vsel vm13, $0x3F800000, v0  }
0x2fd: {  	vm14 =	vgt.f32 v22, v1;
	v21 =	vsub.f32 $1.000000000e+00, v20  }
0x2fe: {  	v24 =	vsel vm14, $0x3F800000, v0  }
0x2ff: {  	vm15 =	vgt.f32 v22, v2;
	v22 =	vmul.f32 v24, v21  }
0x300: {  	v24 =	vnsel vm15, $0x0, v20  }
0x301: {  	v23 =	vld.idx.msk [tilespmem:v23+s14+$0x0], $0xffff;
	vm4 =	vgt.f32 v25, v3;
	vm5 =	vgt.f32 v25, v8;
	v24 =	vadd.f32 v22, v24  }
0x302: {  	vm6 =	vgt.f32 v25, v9;
	vm7 =	vgt.f32 v25, v11;
	v25 =	vsel vm5, $0x3F800000, v0  }
0x303: {  	v26 =	vsel vm7, $0x3F800000, v0;
	v28 =	vsel vm6, $0x3F800000, v0;
	v27 =	vsub.f32 $1.000000000e+00, v24  }
0x304: {  	v22 =	vsel vm4, $0x3F800000, v0;
	v25 =	vmul.f32 v24, v25;
	v26 =	vmul.f32 v24, v26  }
0x305: {  	v22 =	vmul.f32 v27, v22;
	v28 =	vmul.f32 v27, v28  }
0x306: {  	vm8 =	vgt.f32 v23, v5  }
0x307: {  	vm9 =	vgt.f32 v23, v10;
	v22 =	vadd.f32 v22, v25;
	v25 =	vadd.f32 v28, v26  }
0x308: {  	vm10 =	vgt.f32 v23, v6;
	vm11 =	vgt.f32 v23, v12;
	vm12 =	vgt.f32 v23, v14  }
0x309: {  	vm13 =	vgt.f32 v23, v15;
	v25 =	vmul.f32 v25, v20;
	v22 =	vmul.f32 v22, v21  }
0x30a: {  	vm14 =	vgt.f32 v23, v16;
	v29 =	vsel vm13, $0x3F800000, v0;
	v60 =	vsel vm12, $0x3F800000, v0  }
0x30b: {  	vm15 =	vgt.f32 v23, v18;
	v23 =	vsel vm9, $0x3F800000, v0;
	v22 =	vadd.f32 v22, v25  }
0x30c: {  	v58 =	vsel vm15, $0x3F800000, v0;
	v26 =	vsel vm8, $0x3F800000, v0;
	v25 =	vsel vm11, $0x3F800000, v0  }
0x30d: {  	v23 =	vmul.f32 v22, v23;
	v59 =	vsub.f32 $1.000000000e+00, v22;
	v25 =	vmul.f32 v22, v25  }
0x30e: {  	v28 =	vsel vm10, $0x3F800000, v0;
	v29 =	vmul.f32 v22, v29;
	v30 =	vmul.f32 v22, v58  }
0x30f: {  	v61 =	vsel vm14, $0x3F800000, v0;
	v26 =	vmul.f32 v59, v26;
	v28 =	vmul.f32 v59, v28  }
0x310: {  	v32 =	vmul.f32 v59, v60;
	v31 =	vmul.f32 v59, v61  }
0x311: {  	v23 =	vadd.f32 v26, v23;
	v25 =	vadd.f32 v28, v25  }
0x312: {  	v26 =	vadd.f32 v32, v29;
	v28 =	vadd.f32 v31, v30  }
0x313: {  	v25 =	vmul.f32 v25, v24;
	v23 =	vmul.f32 v23, v27  }
0x314: {  	s29 =	simm.s32 $0x2;
	v28 =	vmul.f32 v28, v24;
	v26 =	vmul.f32 v26, v27  }
0x315: {  	v62 =	vmul.f32 $8.000000000e+00, v20;
	v29 =	vmov s29;
	v24 =	vmul.f32 $4.000000000e+00, v24  }
0x316: {  	v63 =	vshll.u32 v29, $0xA;
	v25 =	vadd.f32 v23, v25;
	v27 =	vadd.f32 v26, v28  }
0x317: {  	s30 =	simm.s32 $0x3;
	s29 =	smov.u32 s22;
	v23 =	vand.u32 $0x2000, v63;
	v26 =	vshll.u32 v29, $0x7;
	v24 =	vadd.f32 v24, v62  }
.LBB2_11:
0x318: {  	p0 =	sne.s32 s30, $0xF;
	v20 =	vmul.f32 v27, v20;
	v21 =	vmul.f32 v25, v21;
	v22 =	vadd.f32 v22, v22  }
0x319: {  	v25 =	vand.u32 $0x380, v26;
	v26 =	vadd.s32 v7, v23  }
0x31a: {  	v26 =	vor.u32 v25, v26;
	v20 =	vadd.f32 v21, v20;
	v21 =	vadd.f32 v22, v24  }
0x31b: {  	v22 =	vadd.s32 v13, v23  }
0x31c: {  	v22 =	vor.u32 v25, v22;
	v20 =	vadd.f32 v20, v21  }
0x31d: {  	s29 =	sadd.s32 $0x80, s29  }
0x31e: {  	[tilespmem:s29+$0x0] =	vst v20  }
0x31f: {  	v21 =	vadd.s32 v17, v23;
	v20 =	vld.idx.msk [tilespmem:v26+s14+$0x0], $0xffff  }
0x320: {  	v21 =	vor.u32 v25, v21  }
0x321: {  	v22 =	vld.idx.msk [tilespmem:v22+s14+$0x0], $0xffff;
	_ =	sdelay $0x2  }
0x322: {  	v23 =	vadd.s32 v19, v23  }
0x323: {  	v23 =	vor.u32 v25, v23;
	vm0 =	vgt.f32 v20, v4;
	v24 =	vld.idx.msk [tilespmem:v21+s14+$0x0], $0xffff  }
0x324: {  	v20 =	vsel vm0, $0x3F800000, v0  }
0x325: {  	vm0 =	vgt.f32 v22, v1;
	v21 =	vsub.f32 $1.000000000e+00, v20  }
0x326: {  	v25 =	vsel vm0, $0x3F800000, v0  }
0x327: {  	vm0 =	vgt.f32 v22, v2;
	v22 =	vmul.f32 v25, v21  }
0x328: {  	v25 =	vnsel vm0, $0x0, v20;
	v23 =	vld.idx.msk [tilespmem:v23+s14+$0x0], $0xffff  }
0x329: {  	vm0 =	vgt.f32 v24, v3;
	vm1 =	vgt.f32 v24, v8;
	v25 =	vadd.f32 v22, v25  }
0x32a: {  	vm2 =	vgt.f32 v24, v11;
	v22 =	vsel vm0, $0x3F800000, v0;
	vm0 =	vgt.f32 v24, v9  }
0x32b: {  	v24 =	vsel vm1, $0x3F800000, v0;
	v26 =	vsel vm2, $0x3F800000, v0;
	v27 =	vsub.f32 $1.000000000e+00, v25  }
0x32c: {  	v28 =	vsel vm0, $0x3F800000, v0;
	v24 =	vmul.f32 v25, v24;
	v26 =	vmul.f32 v25, v26  }
0x32d: {  	v22 =	vmul.f32 v27, v22;
	v28 =	vmul.f32 v27, v28  }
0x32e: {  	vm0 =	vgt.f32 v23, v5  }
0x32f: {  	vm1 =	vgt.f32 v23, v10;
	v22 =	vadd.f32 v22, v24;
	v24 =	vadd.f32 v28, v26  }
0x330: {  	vm2 =	vgt.f32 v23, v6;
	vm3 =	vgt.f32 v23, v12;
	vm4 =	vgt.f32 v23, v14  }
0x331: {  	vm5 =	vgt.f32 v23, v15;
	v24 =	vmul.f32 v24, v20;
	v22 =	vmul.f32 v22, v21  }
0x332: {  	vm6 =	vgt.f32 v23, v18;
	v26 =	vsel vm0, $0x3F800000, v0;
	vm0 =	vgt.f32 v23, v16  }
0x333: {  	v23 =	vsel vm1, $0x3F800000, v0;
	v28 =	vsel vm2, $0x3F800000, v0;
	v22 =	vadd.f32 v22, v24  }
0x334: {  	v29 =	vsel vm5, $0x3F800000, v0;
	v30 =	vsel vm6, $0x3F800000, v0;
	v24 =	vsel vm3, $0x3F800000, v0  }
0x335: {  	v23 =	vmul.f32 v22, v23;
	v31 =	vsub.f32 $1.000000000e+00, v22;
	v24 =	vmul.f32 v22, v24  }
0x336: {  	v32 =	vsel vm4, $0x3F800000, v0;
	v29 =	vmul.f32 v22, v29;
	v30 =	vmul.f32 v22, v30  }
0x337: {  	v33 =	vsel vm0, $0x3F800000, v0;
	v26 =	vmul.f32 v31, v26;
	v28 =	vmul.f32 v31, v28  }
0x338: {  	v32 =	vmul.f32 v31, v32;
	v31 =	vmul.f32 v31, v33  }
0x339: {  	v23 =	vadd.f32 v26, v23;
	v24 =	vadd.f32 v28, v24  }
0x33a: {  	v26 =	vadd.f32 v32, v29;
	v28 =	vadd.f32 v31, v30  }
.Ltmp4:
0x33b: {  	v24 =	vmul.f32 v24, v25;
	v23 =	vmul.f32 v23, v27;
	(pc) =	sbr.rel @p0 .LBB2_11-.Ltmp4, $4  }
0x33c: {  	v28 =	vmul.f32 v28, v25;
	v26 =	vmul.f32 v26, v27  }
0x33d: {  	v29 =	vmov s30;
	v30 =	vmul.f32 $8.000000000e+00, v20;
	v31 =	vmul.f32 $4.000000000e+00, v25  }
0x33e: {  	v32 =	vshll.u32 v29, $0xA;
	v25 =	vadd.f32 v23, v24;
	v27 =	vadd.f32 v26, v28  }
0x33f: {  	s30 =	sadd.s32 $0x1, s30;
	v23 =	vand.u32 $0x2000, v32;
	v26 =	vshll.u32 v29, $0x7;
	v24 =	vadd.f32 v31, v30  }
0x340: {  	v20 =	vmul.f32 v27, v20;
	v21 =	vmul.f32 v25, v21;
	v22 =	vadd.f32 v22, v22  }
0x341: {  	v25 =	vand.u32 $0x380, v26;
	v7 =	vadd.s32 v7, v23  }
0x342: {  	v7 =	vor.u32 v25, v7;
	v20 =	vadd.f32 v21, v20;
	v21 =	vadd.f32 v22, v24  }
0x343: {  	v13 =	vadd.s32 v13, v23  }
0x344: {  	v13 =	vor.u32 v25, v13;
	v20 =	vadd.f32 v20, v21  }
0x345: {  	s29 =	sadd.s32 $0x80, s29  }
0x346: {  	[tilespmem:s29+$0x0] =	vst v20  }
0x347: {  	v17 =	vadd.s32 v17, v23;
	v7 =	vld.idx.msk [tilespmem:v7+s14+$0x0], $0xffff  }
0x348: {  	v17 =	vor.u32 v25, v17  }
0x349: {  	v13 =	vld.idx.msk [tilespmem:v13+s14+$0x0], $0xffff;
	_ =	sdelay $0x2  }
0x34a: {  	v19 =	vadd.s32 v19, v23;
	vm0 =	vgt.f32 v7, v4  }
0x34b: {  	v4 =	vld.idx.msk [tilespmem:v17+s14+$0x0], $0xffff;
	v7 =	vor.u32 v25, v19;
	v17 =	vsel vm0, $0x3F800000, v0  }
0x34c: {  	vm8 =	vgt.f32 v13, v1;
	v1 =	vsub.f32 $1.000000000e+00, v17  }
0x34d: {  	v19 =	vsel vm8, $0x3F800000, v0  }
0x34e: {  	vm9 =	vgt.f32 v13, v2;
	v2 =	vmul.f32 v19, v1  }
0x34f: {  	v13 =	vnsel vm9, $0x0, v17  }
0x350: {  	v7 =	vld.idx.msk [tilespmem:v7+s14+$0x0], $0xffff;
	vm10 =	vgt.f32 v4, v3;
	vm1 =	vgt.f32 v4, v8;
	v2 =	vadd.f32 v2, v13  }
0x351: {  	vm11 =	vgt.f32 v4, v9;
	vm2 =	vgt.f32 v4, v11;
	v3 =	vsel vm10, $0x3F800000, v0  }
0x352: {  	v4 =	vsel vm1, $0x3F800000, v0;
	v8 =	vsel vm2, $0x3F800000, v0;
	v9 =	vsub.f32 $1.000000000e+00, v2  }
0x353: {  	v11 =	vsel vm11, $0x3F800000, v0;
	v4 =	vmul.f32 v2, v4;
	v8 =	vmul.f32 v2, v8  }
0x354: {  	v3 =	vmul.f32 v9, v3;
	v11 =	vmul.f32 v9, v11  }
0x355: {  	vm12 =	vgt.f32 v7, v5  }
0x356: {  	vm13 =	vgt.f32 v7, v10;
	v3 =	vadd.f32 v3, v4;
	v4 =	vadd.f32 v11, v8  }
0x357: {  	vm14 =	vgt.f32 v7, v6;
	vm3 =	vgt.f32 v7, v12;
	vm4 =	vgt.f32 v7, v14  }
0x358: {  	vm5 =	vgt.f32 v7, v15;
	v4 =	vmul.f32 v4, v17;
	v3 =	vmul.f32 v3, v1  }
0x359: {  	vm15 =	vgt.f32 v7, v16;
	vm6 =	vgt.f32 v7, v18;
	v5 =	vsel vm12, $0x3F800000, v0  }
0x35a: {  	v6 =	vsel vm13, $0x3F800000, v0;
	v7 =	vsel vm14, $0x3F800000, v0;
	v3 =	vadd.f32 v3, v4  }
0x35b: {  	v10 =	vsel vm6, $0x3F800000, v0;
	v8 =	vsel vm5, $0x3F800000, v0;
	v4 =	vsel vm3, $0x3F800000, v0  }
0x35c: {  	v6 =	vmul.f32 v3, v6;
	v11 =	vsub.f32 $1.000000000e+00, v3;
	v4 =	vmul.f32 v3, v4  }
0x35d: {  	v12 =	vsel vm4, $0x3F800000, v0;
	v8 =	vmul.f32 v3, v8;
	v10 =	vmul.f32 v3, v10  }
0x35e: {  	v13 =	vsel vm15, $0x3F800000, v0;
	v5 =	vmul.f32 v11, v5;
	v7 =	vmul.f32 v11, v7  }
0x35f: {  	v12 =	vmul.f32 v11, v12;
	v11 =	vmul.f32 v11, v13  }
0x360: {  	v5 =	vadd.f32 v5, v6;
	v4 =	vadd.f32 v7, v4  }
0x361: {  	v6 =	vadd.f32 v12, v8;
	v7 =	vadd.f32 v11, v10  }
0x362: {  	v4 =	vmul.f32 v4, v2;
	v5 =	vmul.f32 v5, v9  }
0x363: {  	v7 =	vmul.f32 v7, v2;
	v6 =	vmul.f32 v6, v9  }
0x364: {  	v8 =	vmul.f32 $8.000000000e+00, v17  }
0x365: {  	v2 =	vmul.f32 $4.000000000e+00, v2;
	v4 =	vadd.f32 v5, v4;
	v5 =	vadd.f32 v6, v7  }
0x366: {  	v3 =	vadd.f32 v3, v3  }
0x367: {  	v2 =	vadd.f32 v2, v8;
	v5 =	vmul.f32 v5, v17;
	v1 =	vmul.f32 v4, v1;
	_ =	sdelay $0x1  }
0x368: {  	v2 =	vadd.f32 v3, v2;
	v1 =	vadd.f32 v1, v5;
	_ =	sdelay $0x1  }
0x369: {  	v1 =	vadd.f32 v1, v2  }
0x36a: {  	s29 =	sadd.s32 $0x80, s29  }
0x36b: {  	[tilespmem:s29+$0x0] =	vst v1  }
0x36c: {  	v1 =	vld [tilespmem:$0x10];
	_ =	sdelay $0x1  }
0x36d: {  	v2 =	vld [tilespmem:$0x50];
	_ =	sdelay $0x2  }
0x36e: {  	s29 =	simm.s32 $0x0;
	v3 =	vshll.u32 v1, $0x3  }
0x36f: {  	v4 =	vmov s29;
	v1 =	vand.u32 $0x7F, v1;
	v3 =	vand.u32 $0xFFFFFC00, v3  }
0x370: {  	v5 =	vld [tilespmem:$0x90];
	v7 =	vor.u32 v1, v3;
	v1 =	vand.u32 $0x7F, v2;
	v3 =	vshll.u32 v4, $0xA  }
0x371: {  	v2 =	vshll.u32 v2, $0x3;
	v6 =	vand.u32 $0x2000, v3;
	v3 =	vshll.u32 v4, $0x7  }
0x372: {  	v2 =	vand.u32 $0xFFFFFC00, v2;
	v10 =	vand.u32 $0x380, v3;
	v3 =	vadd.s32 v7, v6  }
0x373: {  	v13 =	vor.u32 v1, v2;
	v3 =	vor.u32 v10, v3  }
0x374: {  	v1 =	vadd.s32 v13, v6  }
0x375: {  	v9 =	vld [tilespmem:$0xD0];
	v2 =	vshll.u32 v5, $0x3;
	v8 =	vor.u32 v10, v1  }
0x376: {  	v4 =	vld [tilespmem:$0x110];
	v5 =	vand.u32 $0x7F, v5;
	v11 =	vand.u32 $0xFFFFFC00, v2  }
0x377: {  	v2 =	vld [tilespmem:$0x190];
	v17 =	vor.u32 v5, v11  }
0x378: {  	v11 =	vadd.s32 v17, v6;
	v5 =	vld.idx.msk [tilespmem:v3+s14+$0x0], $0xffff  }
0x379: {  	v1 =	vld [tilespmem:$0x150];
	v12 =	vor.u32 v10, v11  }
0x37a: {  	v11 =	vshll.u32 v9, $0x3;
	v14 =	vld.idx.msk [tilespmem:v8+s14+$0x0], $0xffff  }
0x37b: {  	v15 =	vand.u32 $0x7F, v9;
	v9 =	vld [tilespmem:$0x250];
	v11 =	vand.u32 $0xFFFFFC00, v11  }
0x37c: {  	v3 =	vld [tilespmem:$0x1D0];
	v19 =	vor.u32 v15, v11  }
0x37d: {  	v8 =	vld [tilespmem:$0x210];
	v6 =	vadd.s32 v19, v6;
	vm5 =	vgt.f32 v5, v4  }
0x37e: {  	v16 =	vor.u32 v10, v6;
	v15 =	vld.idx.msk [tilespmem:v12+s14+$0x0], $0xffff;
	v20 =	vsel vm5, $0x3F800000, v0  }
0x37f: {  	v11 =	vld [tilespmem:$0x290];
	vm6 =	vgt.f32 v14, v1;
	v21 =	vsub.f32 $1.000000000e+00, v20  }
0x380: {  	v10 =	vld [tilespmem:$0x310];
	v12 =	vsel vm6, $0x3F800000, v0  }
0x381: {  	v6 =	vld [tilespmem:$0x350];
	vm7 =	vgt.f32 v14, v2;
	v14 =	vmul.f32 v12, v21  }
0x382: {  	v5 =	vld [tilespmem:$0x2D0];
	v18 =	vnsel vm7, $0x0, v20  }
0x383: {  	v22 =	vld.idx.msk [tilespmem:v16+s14+$0x0], $0xffff;
	vm8 =	vgt.f32 v15, v3;
	vm9 =	vgt.f32 v15, v8;
	v23 =	vadd.f32 v14, v18  }
0x384: {  	v16 =	vld [tilespmem:$0x450];
	vm10 =	vgt.f32 v15, v9;
	vm11 =	vgt.f32 v15, v11;
	v24 =	vsel vm8, $0x3F800000, v0  }
0x385: {  	v15 =	vld [tilespmem:$0x410];
	v25 =	vsel vm11, $0x3F800000, v0;
	v18 =	vsel vm9, $0x3F800000, v0;
	v26 =	vsub.f32 $1.000000000e+00, v23  }
0x386: {  	v12 =	vld [tilespmem:$0x390];
	v27 =	vsel vm10, $0x3F800000, v0;
	v28 =	vmul.f32 v23, v18;
	v25 =	vmul.f32 v23, v25  }
0x387: {  	v14 =	vld [tilespmem:$0x3D0];
	v24 =	vmul.f32 v26, v24;
	v27 =	vmul.f32 v26, v27  }
0x388: {  	vm12 =	vgt.f32 v22, v5;
	v18 =	vld [tilespmem:$0x490]  }
0x389: {  	vm13 =	vgt.f32 v22, v10;
	v24 =	vadd.f32 v24, v28;
	v25 =	vadd.f32 v27, v25  }
0x38a: {  	vm14 =	vgt.f32 v22, v6;
	vm11 =	vgt.f32 v22, v16;
	vm10 =	vgt.f32 v22, v15  }
0x38b: {  	v33 =	vsel vm11, $0x3F800000, v0;
	v25 =	vmul.f32 v25, v20;
	v24 =	vmul.f32 v24, v21  }
0x38c: {  	vm15 =	vgt.f32 v22, v12;
	v29 =	vsel vm10, $0x3F800000, v0;
	vm9 =	vgt.f32 v22, v14  }
0x38d: {  	v27 =	vsel vm12, $0x3F800000, v0;
	vm12 =	vgt.f32 v22, v18;
	v24 =	vadd.f32 v24, v25  }
0x38e: {  	v22 =	vsel vm13, $0x3F800000, v0;
	v30 =	vsel vm12, $0x3F800000, v0;
	v25 =	vsel vm15, $0x3F800000, v0  }
0x38f: {  	v22 =	vmul.f32 v24, v22;
	v31 =	vsub.f32 $1.000000000e+00, v24;
	v25 =	vmul.f32 v24, v25  }
0x390: {  	v28 =	vsel vm14, $0x3F800000, v0;
	v29 =	vmul.f32 v24, v29;
	v30 =	vmul.f32 v24, v30  }
0x391: {  	v32 =	vsel vm9, $0x3F800000, v0;
	v27 =	vmul.f32 v31, v27;
	v28 =	vmul.f32 v31, v28  }
0x392: {  	v32 =	vmul.f32 v31, v32;
	v31 =	vmul.f32 v31, v33  }
0x393: {  	v22 =	vadd.f32 v27, v22;
	v25 =	vadd.f32 v28, v25  }
0x394: {  	v27 =	vadd.f32 v32, v29;
	v28 =	vadd.f32 v31, v30  }
0x395: {  	v25 =	vmul.f32 v25, v23;
	v22 =	vmul.f32 v22, v26  }
0x396: {  	s29 =	simm.s32 $0x1;
	v28 =	vmul.f32 v28, v23;
	v26 =	vmul.f32 v27, v26  }
0x397: {  	v29 =	vmul.f32 $8.000000000e+00, v20;
	v27 =	vmov s29;
	v23 =	vmul.f32 $4.000000000e+00, v23  }
0x398: {  	v57 =	vshll.u32 v27, $0xA;
	v22 =	vadd.f32 v22, v25;
	v25 =	vadd.f32 v26, v28  }
0x399: {  	v27 =	vshll.u32 v27, $0x7;
	v26 =	vand.u32 $0x2000, v57;
	v23 =	vadd.f32 v23, v29  }
0x39a: {  	v20 =	vmul.f32 v25, v20;
	v21 =	vmul.f32 v22, v21;
	v22 =	vadd.f32 v24, v24  }
0x39b: {  	v24 =	vand.u32 $0x380, v27;
	v25 =	vadd.s32 v7, v26  }
0x39c: {  	v25 =	vor.u32 v24, v25;
	v20 =	vadd.f32 v21, v20;
	v21 =	vadd.f32 v22, v23  }
0x39d: {  	v22 =	vadd.s32 v13, v26  }
0x39e: {  	v22 =	vor.u32 v24, v22;
	v20 =	vadd.f32 v20, v21;
	_ =	sdelay $0x1  }
0x39f: {  	[tilespmem:s23+$0x0] =	vst v20  }
0x3a0: {  	v21 =	vadd.s32 v17, v26;
	v20 =	vld.idx.msk [tilespmem:v25+s14+$0x0], $0xffff  }
0x3a1: {  	v21 =	vor.u32 v24, v21  }
0x3a2: {  	v22 =	vld.idx.msk [tilespmem:v22+s14+$0x0], $0xffff;
	_ =	sdelay $0x2  }
0x3a3: {  	v23 =	vadd.s32 v19, v26;
	vm13 =	vgt.f32 v20, v4  }
0x3a4: {  	v23 =	vor.u32 v24, v23;
	v25 =	vld.idx.msk [tilespmem:v21+s14+$0x0], $0xffff;
	v20 =	vsel vm13, $0x3F800000, v0  }
0x3a5: {  	vm14 =	vgt.f32 v22, v1;
	v21 =	vsub.f32 $1.000000000e+00, v20  }
0x3a6: {  	v24 =	vsel vm14, $0x3F800000, v0  }
0x3a7: {  	vm15 =	vgt.f32 v22, v2;
	v22 =	vmul.f32 v24, v21  }
0x3a8: {  	v24 =	vnsel vm15, $0x0, v20  }
0x3a9: {  	v23 =	vld.idx.msk [tilespmem:v23+s14+$0x0], $0xffff;
	vm4 =	vgt.f32 v25, v3;
	vm5 =	vgt.f32 v25, v8;
	v24 =	vadd.f32 v22, v24  }
0x3aa: {  	vm6 =	vgt.f32 v25, v9;
	vm7 =	vgt.f32 v25, v11;
	v25 =	vsel vm5, $0x3F800000, v0  }
0x3ab: {  	v26 =	vsel vm7, $0x3F800000, v0;
	v28 =	vsel vm6, $0x3F800000, v0;
	v27 =	vsub.f32 $1.000000000e+00, v24  }
0x3ac: {  	v22 =	vsel vm4, $0x3F800000, v0;
	v25 =	vmul.f32 v24, v25;
	v26 =	vmul.f32 v24, v26  }
0x3ad: {  	v22 =	vmul.f32 v27, v22;
	v28 =	vmul.f32 v27, v28  }
0x3ae: {  	vm8 =	vgt.f32 v23, v5  }
0x3af: {  	vm9 =	vgt.f32 v23, v10;
	v22 =	vadd.f32 v22, v25;
	v25 =	vadd.f32 v28, v26  }
0x3b0: {  	vm10 =	vgt.f32 v23, v6;
	vm11 =	vgt.f32 v23, v12;
	vm12 =	vgt.f32 v23, v14  }
0x3b1: {  	vm13 =	vgt.f32 v23, v15;
	v25 =	vmul.f32 v25, v20;
	v22 =	vmul.f32 v22, v21  }
0x3b2: {  	vm14 =	vgt.f32 v23, v16;
	v29 =	vsel vm13, $0x3F800000, v0;
	v60 =	vsel vm12, $0x3F800000, v0  }
0x3b3: {  	vm15 =	vgt.f32 v23, v18;
	v23 =	vsel vm9, $0x3F800000, v0;
	v22 =	vadd.f32 v22, v25  }
0x3b4: {  	v58 =	vsel vm15, $0x3F800000, v0;
	v26 =	vsel vm8, $0x3F800000, v0;
	v25 =	vsel vm11, $0x3F800000, v0  }
0x3b5: {  	v23 =	vmul.f32 v22, v23;
	v59 =	vsub.f32 $1.000000000e+00, v22;
	v25 =	vmul.f32 v22, v25  }
0x3b6: {  	v28 =	vsel vm10, $0x3F800000, v0;
	v29 =	vmul.f32 v22, v29;
	v30 =	vmul.f32 v22, v58  }
0x3b7: {  	v61 =	vsel vm14, $0x3F800000, v0;
	v26 =	vmul.f32 v59, v26;
	v28 =	vmul.f32 v59, v28  }
0x3b8: {  	v32 =	vmul.f32 v59, v60;
	v31 =	vmul.f32 v59, v61  }
0x3b9: {  	v23 =	vadd.f32 v26, v23;
	v25 =	vadd.f32 v28, v25  }
0x3ba: {  	v26 =	vadd.f32 v32, v29;
	v28 =	vadd.f32 v31, v30  }
0x3bb: {  	v25 =	vmul.f32 v25, v24;
	v23 =	vmul.f32 v23, v27  }
0x3bc: {  	s29 =	simm.s32 $0x2;
	v28 =	vmul.f32 v28, v24;
	v26 =	vmul.f32 v26, v27  }
0x3bd: {  	v62 =	vmul.f32 $8.000000000e+00, v20;
	v29 =	vmov s29;
	v24 =	vmul.f32 $4.000000000e+00, v24  }
0x3be: {  	v63 =	vshll.u32 v29, $0xA;
	v25 =	vadd.f32 v23, v25;
	v27 =	vadd.f32 v26, v28  }
0x3bf: {  	s30 =	simm.s32 $0x3;
	s29 =	smov.u32 s23;
	v23 =	vand.u32 $0x2000, v63;
	v26 =	vshll.u32 v29, $0x7;
	v24 =	vadd.f32 v24, v62  }
.LBB2_13:
0x3c0: {  	p0 =	sne.s32 s30, $0xF;
	v20 =	vmul.f32 v27, v20;
	v21 =	vmul.f32 v25, v21;
	v22 =	vadd.f32 v22, v22  }
0x3c1: {  	v25 =	vand.u32 $0x380, v26;
	v26 =	vadd.s32 v7, v23  }
0x3c2: {  	v26 =	vor.u32 v25, v26;
	v20 =	vadd.f32 v21, v20;
	v21 =	vadd.f32 v22, v24  }
0x3c3: {  	v22 =	vadd.s32 v13, v23  }
0x3c4: {  	v22 =	vor.u32 v25, v22;
	v20 =	vadd.f32 v20, v21  }
0x3c5: {  	s29 =	sadd.s32 $0x80, s29  }
0x3c6: {  	[tilespmem:s29+$0x0] =	vst v20  }
0x3c7: {  	v21 =	vadd.s32 v17, v23;
	v20 =	vld.idx.msk [tilespmem:v26+s14+$0x0], $0xffff  }
0x3c8: {  	v21 =	vor.u32 v25, v21  }
0x3c9: {  	v22 =	vld.idx.msk [tilespmem:v22+s14+$0x0], $0xffff;
	_ =	sdelay $0x2  }
0x3ca: {  	v23 =	vadd.s32 v19, v23  }
0x3cb: {  	v23 =	vor.u32 v25, v23;
	vm0 =	vgt.f32 v20, v4;
	v24 =	vld.idx.msk [tilespmem:v21+s14+$0x0], $0xffff  }
0x3cc: {  	v20 =	vsel vm0, $0x3F800000, v0  }
0x3cd: {  	vm0 =	vgt.f32 v22, v1;
	v21 =	vsub.f32 $1.000000000e+00, v20  }
0x3ce: {  	v25 =	vsel vm0, $0x3F800000, v0  }
0x3cf: {  	vm0 =	vgt.f32 v22, v2;
	v22 =	vmul.f32 v25, v21  }
0x3d0: {  	v25 =	vnsel vm0, $0x0, v20;
	v23 =	vld.idx.msk [tilespmem:v23+s14+$0x0], $0xffff  }
0x3d1: {  	vm0 =	vgt.f32 v24, v3;
	vm1 =	vgt.f32 v24, v8;
	v25 =	vadd.f32 v22, v25  }
0x3d2: {  	vm2 =	vgt.f32 v24, v11;
	v22 =	vsel vm0, $0x3F800000, v0;
	vm0 =	vgt.f32 v24, v9  }
0x3d3: {  	v24 =	vsel vm1, $0x3F800000, v0;
	v26 =	vsel vm2, $0x3F800000, v0;
	v27 =	vsub.f32 $1.000000000e+00, v25  }
0x3d4: {  	v28 =	vsel vm0, $0x3F800000, v0;
	v24 =	vmul.f32 v25, v24;
	v26 =	vmul.f32 v25, v26  }
0x3d5: {  	v22 =	vmul.f32 v27, v22;
	v28 =	vmul.f32 v27, v28  }
0x3d6: {  	vm0 =	vgt.f32 v23, v5  }
0x3d7: {  	vm1 =	vgt.f32 v23, v10;
	v22 =	vadd.f32 v22, v24;
	v24 =	vadd.f32 v28, v26  }
0x3d8: {  	vm2 =	vgt.f32 v23, v6;
	vm3 =	vgt.f32 v23, v12;
	vm4 =	vgt.f32 v23, v14  }
0x3d9: {  	vm5 =	vgt.f32 v23, v15;
	v24 =	vmul.f32 v24, v20;
	v22 =	vmul.f32 v22, v21  }
0x3da: {  	vm6 =	vgt.f32 v23, v18;
	v26 =	vsel vm0, $0x3F800000, v0;
	vm0 =	vgt.f32 v23, v16  }
0x3db: {  	v23 =	vsel vm1, $0x3F800000, v0;
	v28 =	vsel vm2, $0x3F800000, v0;
	v22 =	vadd.f32 v22, v24  }
0x3dc: {  	v29 =	vsel vm5, $0x3F800000, v0;
	v30 =	vsel vm6, $0x3F800000, v0;
	v24 =	vsel vm3, $0x3F800000, v0  }
0x3dd: {  	v23 =	vmul.f32 v22, v23;
	v31 =	vsub.f32 $1.000000000e+00, v22;
	v24 =	vmul.f32 v22, v24  }
0x3de: {  	v32 =	vsel vm4, $0x3F800000, v0;
	v29 =	vmul.f32 v22, v29;
	v30 =	vmul.f32 v22, v30  }
0x3df: {  	v33 =	vsel vm0, $0x3F800000, v0;
	v26 =	vmul.f32 v31, v26;
	v28 =	vmul.f32 v31, v28  }
0x3e0: {  	v32 =	vmul.f32 v31, v32;
	v31 =	vmul.f32 v31, v33  }
0x3e1: {  	v23 =	vadd.f32 v26, v23;
	v24 =	vadd.f32 v28, v24  }
0x3e2: {  	v26 =	vadd.f32 v32, v29;
	v28 =	vadd.f32 v31, v30  }
.Ltmp5:
0x3e3: {  	v24 =	vmul.f32 v24, v25;
	v23 =	vmul.f32 v23, v27;
	(pc) =	sbr.rel @p0 .LBB2_13-.Ltmp5, $4  }
0x3e4: {  	v28 =	vmul.f32 v28, v25;
	v26 =	vmul.f32 v26, v27  }
0x3e5: {  	v29 =	vmov s30;
	v30 =	vmul.f32 $8.000000000e+00, v20;
	v31 =	vmul.f32 $4.000000000e+00, v25  }
0x3e6: {  	v32 =	vshll.u32 v29, $0xA;
	v25 =	vadd.f32 v23, v24;
	v27 =	vadd.f32 v26, v28  }
0x3e7: {  	s30 =	sadd.s32 $0x1, s30;
	v23 =	vand.u32 $0x2000, v32;
	v26 =	vshll.u32 v29, $0x7;
	v24 =	vadd.f32 v31, v30  }
0x3e8: {  	v20 =	vmul.f32 v27, v20;
	v21 =	vmul.f32 v25, v21;
	v22 =	vadd.f32 v22, v22  }
0x3e9: {  	v25 =	vand.u32 $0x380, v26;
	v7 =	vadd.s32 v7, v23  }
0x3ea: {  	v7 =	vor.u32 v25, v7;
	v20 =	vadd.f32 v21, v20;
	v21 =	vadd.f32 v22, v24  }
0x3eb: {  	v13 =	vadd.s32 v13, v23  }
0x3ec: {  	v13 =	vor.u32 v25, v13;
	v20 =	vadd.f32 v20, v21  }
0x3ed: {  	s29 =	sadd.s32 $0x80, s29  }
0x3ee: {  	[tilespmem:s29+$0x0] =	vst v20  }
0x3ef: {  	v17 =	vadd.s32 v17, v23;
	v7 =	vld.idx.msk [tilespmem:v7+s14+$0x0], $0xffff  }
0x3f0: {  	v17 =	vor.u32 v25, v17  }
0x3f1: {  	v13 =	vld.idx.msk [tilespmem:v13+s14+$0x0], $0xffff;
	_ =	sdelay $0x2  }
0x3f2: {  	v19 =	vadd.s32 v19, v23;
	vm0 =	vgt.f32 v7, v4  }
0x3f3: {  	v4 =	vld.idx.msk [tilespmem:v17+s14+$0x0], $0xffff;
	v7 =	vor.u32 v25, v19;
	v17 =	vsel vm0, $0x3F800000, v0  }
0x3f4: {  	vm8 =	vgt.f32 v13, v1;
	v1 =	vsub.f32 $1.000000000e+00, v17  }
0x3f5: {  	v19 =	vsel vm8, $0x3F800000, v0  }
0x3f6: {  	vm9 =	vgt.f32 v13, v2;
	v2 =	vmul.f32 v19, v1  }
0x3f7: {  	v13 =	vnsel vm9, $0x0, v17  }
0x3f8: {  	v7 =	vld.idx.msk [tilespmem:v7+s14+$0x0], $0xffff;
	vm10 =	vgt.f32 v4, v3;
	vm1 =	vgt.f32 v4, v8;
	v2 =	vadd.f32 v2, v13  }
0x3f9: {  	vm11 =	vgt.f32 v4, v9;
	vm2 =	vgt.f32 v4, v11;
	v3 =	vsel vm10, $0x3F800000, v0  }
0x3fa: {  	v4 =	vsel vm1, $0x3F800000, v0;
	v8 =	vsel vm2, $0x3F800000, v0;
	v9 =	vsub.f32 $1.000000000e+00, v2  }
0x3fb: {  	v11 =	vsel vm11, $0x3F800000, v0;
	v4 =	vmul.f32 v2, v4;
	v8 =	vmul.f32 v2, v8  }
0x3fc: {  	v3 =	vmul.f32 v9, v3;
	v11 =	vmul.f32 v9, v11  }
0x3fd: {  	vm12 =	vgt.f32 v7, v5  }
0x3fe: {  	vm13 =	vgt.f32 v7, v10;
	v3 =	vadd.f32 v3, v4;
	v4 =	vadd.f32 v11, v8  }
0x3ff: {  	vm14 =	vgt.f32 v7, v6;
	vm3 =	vgt.f32 v7, v12;
	vm4 =	vgt.f32 v7, v14  }
0x400: {  	vm5 =	vgt.f32 v7, v15;
	v4 =	vmul.f32 v4, v17;
	v3 =	vmul.f32 v3, v1  }
0x401: {  	vm15 =	vgt.f32 v7, v16;
	vm6 =	vgt.f32 v7, v18;
	v5 =	vsel vm12, $0x3F800000, v0  }
0x402: {  	v6 =	vsel vm13, $0x3F800000, v0;
	v7 =	vsel vm14, $0x3F800000, v0;
	v3 =	vadd.f32 v3, v4  }
0x403: {  	v10 =	vsel vm6, $0x3F800000, v0;
	v8 =	vsel vm5, $0x3F800000, v0;
	v4 =	vsel vm3, $0x3F800000, v0  }
0x404: {  	v6 =	vmul.f32 v3, v6;
	v11 =	vsub.f32 $1.000000000e+00, v3;
	v4 =	vmul.f32 v3, v4  }
0x405: {  	v12 =	vsel vm4, $0x3F800000, v0;
	v8 =	vmul.f32 v3, v8;
	v10 =	vmul.f32 v3, v10  }
0x406: {  	v13 =	vsel vm15, $0x3F800000, v0;
	v5 =	vmul.f32 v11, v5;
	v7 =	vmul.f32 v11, v7  }
0x407: {  	v12 =	vmul.f32 v11, v12;
	v11 =	vmul.f32 v11, v13  }
0x408: {  	v5 =	vadd.f32 v5, v6;
	v4 =	vadd.f32 v7, v4  }
0x409: {  	v6 =	vadd.f32 v12, v8;
	v7 =	vadd.f32 v11, v10  }
0x40a: {  	v4 =	vmul.f32 v4, v2;
	v5 =	vmul.f32 v5, v9  }
0x40b: {  	v7 =	vmul.f32 v7, v2;
	v6 =	vmul.f32 v6, v9  }
0x40c: {  	v8 =	vmul.f32 $8.000000000e+00, v17  }
0x40d: {  	v2 =	vmul.f32 $4.000000000e+00, v2;
	v4 =	vadd.f32 v5, v4;
	v5 =	vadd.f32 v6, v7  }
0x40e: {  	v3 =	vadd.f32 v3, v3  }
0x40f: {  	v2 =	vadd.f32 v2, v8;
	v5 =	vmul.f32 v5, v17;
	v1 =	vmul.f32 v4, v1;
	_ =	sdelay $0x1  }
0x410: {  	v2 =	vadd.f32 v3, v2;
	v1 =	vadd.f32 v1, v5;
	_ =	sdelay $0x1  }
0x411: {  	v1 =	vadd.f32 v1, v2  }
0x412: {  	s29 =	sadd.s32 $0x80, s29  }
0x413: {  	[tilespmem:s29+$0x0] =	vst v1  }
0x414: {  	v1 =	vld [tilespmem:$0x20];
	_ =	sdelay $0x1  }
0x415: {  	v2 =	vld [tilespmem:$0x60];
	_ =	sdelay $0x2  }
0x416: {  	s29 =	simm.s32 $0x0;
	v3 =	vshll.u32 v1, $0x3  }
0x417: {  	v4 =	vmov s29;
	v1 =	vand.u32 $0x7F, v1;
	v3 =	vand.u32 $0xFFFFFC00, v3  }
0x418: {  	v5 =	vld [tilespmem:$0xA0];
	v7 =	vor.u32 v1, v3;
	v1 =	vand.u32 $0x7F, v2;
	v3 =	vshll.u32 v4, $0xA  }
0x419: {  	v2 =	vshll.u32 v2, $0x3;
	v6 =	vand.u32 $0x2000, v3;
	v3 =	vshll.u32 v4, $0x7  }
0x41a: {  	v2 =	vand.u32 $0xFFFFFC00, v2;
	v10 =	vand.u32 $0x380, v3;
	v3 =	vadd.s32 v7, v6  }
0x41b: {  	v13 =	vor.u32 v1, v2;
	v3 =	vor.u32 v10, v3  }
0x41c: {  	v1 =	vadd.s32 v13, v6  }
0x41d: {  	v9 =	vld [tilespmem:$0xE0];
	v2 =	vshll.u32 v5, $0x3;
	v8 =	vor.u32 v10, v1  }
0x41e: {  	v4 =	vld [tilespmem:$0x120];
	v5 =	vand.u32 $0x7F, v5;
	v11 =	vand.u32 $0xFFFFFC00, v2  }
0x41f: {  	v2 =	vld [tilespmem:$0x1A0];
	v17 =	vor.u32 v5, v11  }
0x420: {  	v11 =	vadd.s32 v17, v6;
	v5 =	vld.idx.msk [tilespmem:v3+s14+$0x0], $0xffff  }
0x421: {  	v1 =	vld [tilespmem:$0x160];
	v12 =	vor.u32 v10, v11  }
0x422: {  	v11 =	vshll.u32 v9, $0x3;
	v14 =	vld.idx.msk [tilespmem:v8+s14+$0x0], $0xffff  }
0x423: {  	v15 =	vand.u32 $0x7F, v9;
	v9 =	vld [tilespmem:$0x260];
	v11 =	vand.u32 $0xFFFFFC00, v11  }
0x424: {  	v3 =	vld [tilespmem:$0x1E0];
	v19 =	vor.u32 v15, v11  }
0x425: {  	v8 =	vld [tilespmem:$0x220];
	v6 =	vadd.s32 v19, v6;
	vm5 =	vgt.f32 v5, v4  }
0x426: {  	v16 =	vor.u32 v10, v6;
	v15 =	vld.idx.msk [tilespmem:v12+s14+$0x0], $0xffff;
	v20 =	vsel vm5, $0x3F800000, v0  }
0x427: {  	v11 =	vld [tilespmem:$0x2A0];
	vm6 =	vgt.f32 v14, v1;
	v21 =	vsub.f32 $1.000000000e+00, v20  }
0x428: {  	v10 =	vld [tilespmem:$0x320];
	v12 =	vsel vm6, $0x3F800000, v0  }
0x429: {  	v6 =	vld [tilespmem:$0x360];
	vm7 =	vgt.f32 v14, v2;
	v14 =	vmul.f32 v12, v21  }
0x42a: {  	v5 =	vld [tilespmem:$0x2E0];
	v18 =	vnsel vm7, $0x0, v20  }
0x42b: {  	v22 =	vld.idx.msk [tilespmem:v16+s14+$0x0], $0xffff;
	vm8 =	vgt.f32 v15, v3;
	vm9 =	vgt.f32 v15, v8;
	v23 =	vadd.f32 v14, v18  }
0x42c: {  	v16 =	vld [tilespmem:$0x460];
	vm10 =	vgt.f32 v15, v9;
	vm11 =	vgt.f32 v15, v11;
	v24 =	vsel vm8, $0x3F800000, v0  }
0x42d: {  	v15 =	vld [tilespmem:$0x420];
	v25 =	vsel vm11, $0x3F800000, v0;
	v18 =	vsel vm9, $0x3F800000, v0;
	v26 =	vsub.f32 $1.000000000e+00, v23  }
0x42e: {  	v12 =	vld [tilespmem:$0x3A0];
	v27 =	vsel vm10, $0x3F800000, v0;
	v28 =	vmul.f32 v23, v18;
	v25 =	vmul.f32 v23, v25  }
0x42f: {  	v14 =	vld [tilespmem:$0x3E0];
	v24 =	vmul.f32 v26, v24;
	v27 =	vmul.f32 v26, v27  }
0x430: {  	vm12 =	vgt.f32 v22, v5;
	v18 =	vld [tilespmem:$0x4A0]  }
0x431: {  	vm13 =	vgt.f32 v22, v10;
	v24 =	vadd.f32 v24, v28;
	v25 =	vadd.f32 v27, v25  }
0x432: {  	vm14 =	vgt.f32 v22, v6;
	vm11 =	vgt.f32 v22, v16;
	vm10 =	vgt.f32 v22, v15  }
0x433: {  	v33 =	vsel vm11, $0x3F800000, v0;
	v25 =	vmul.f32 v25, v20;
	v24 =	vmul.f32 v24, v21  }
0x434: {  	vm15 =	vgt.f32 v22, v12;
	v29 =	vsel vm10, $0x3F800000, v0;
	vm9 =	vgt.f32 v22, v14  }
0x435: {  	v27 =	vsel vm12, $0x3F800000, v0;
	vm12 =	vgt.f32 v22, v18;
	v24 =	vadd.f32 v24, v25  }
0x436: {  	v22 =	vsel vm13, $0x3F800000, v0;
	v30 =	vsel vm12, $0x3F800000, v0;
	v25 =	vsel vm15, $0x3F800000, v0  }
0x437: {  	v22 =	vmul.f32 v24, v22;
	v31 =	vsub.f32 $1.000000000e+00, v24;
	v25 =	vmul.f32 v24, v25  }
0x438: {  	v28 =	vsel vm14, $0x3F800000, v0;
	v29 =	vmul.f32 v24, v29;
	v30 =	vmul.f32 v24, v30  }
0x439: {  	v32 =	vsel vm9, $0x3F800000, v0;
	v27 =	vmul.f32 v31, v27;
	v28 =	vmul.f32 v31, v28  }
0x43a: {  	v32 =	vmul.f32 v31, v32;
	v31 =	vmul.f32 v31, v33  }
0x43b: {  	v22 =	vadd.f32 v27, v22;
	v25 =	vadd.f32 v28, v25  }
0x43c: {  	v27 =	vadd.f32 v32, v29;
	v28 =	vadd.f32 v31, v30  }
0x43d: {  	v25 =	vmul.f32 v25, v23;
	v22 =	vmul.f32 v22, v26  }
0x43e: {  	s29 =	simm.s32 $0x1;
	v28 =	vmul.f32 v28, v23;
	v26 =	vmul.f32 v27, v26  }
0x43f: {  	v29 =	vmul.f32 $8.000000000e+00, v20;
	v27 =	vmov s29;
	v23 =	vmul.f32 $4.000000000e+00, v23  }
0x440: {  	v57 =	vshll.u32 v27, $0xA;
	v22 =	vadd.f32 v22, v25;
	v25 =	vadd.f32 v26, v28  }
0x441: {  	v27 =	vshll.u32 v27, $0x7;
	v26 =	vand.u32 $0x2000, v57;
	v23 =	vadd.f32 v23, v29  }
0x442: {  	v20 =	vmul.f32 v25, v20;
	v21 =	vmul.f32 v22, v21;
	v22 =	vadd.f32 v24, v24  }
0x443: {  	v24 =	vand.u32 $0x380, v27;
	v25 =	vadd.s32 v7, v26  }
0x444: {  	v25 =	vor.u32 v24, v25;
	v20 =	vadd.f32 v21, v20;
	v21 =	vadd.f32 v22, v23  }
0x445: {  	v22 =	vadd.s32 v13, v26  }
0x446: {  	v22 =	vor.u32 v24, v22;
	v20 =	vadd.f32 v20, v21;
	_ =	sdelay $0x1  }
0x447: {  	[tilespmem:s24+$0x0] =	vst v20  }
0x448: {  	v21 =	vadd.s32 v17, v26;
	v20 =	vld.idx.msk [tilespmem:v25+s14+$0x0], $0xffff  }
0x449: {  	v21 =	vor.u32 v24, v21  }
0x44a: {  	v22 =	vld.idx.msk [tilespmem:v22+s14+$0x0], $0xffff;
	_ =	sdelay $0x2  }
0x44b: {  	v23 =	vadd.s32 v19, v26;
	vm13 =	vgt.f32 v20, v4  }
0x44c: {  	v23 =	vor.u32 v24, v23;
	v25 =	vld.idx.msk [tilespmem:v21+s14+$0x0], $0xffff;
	v20 =	vsel vm13, $0x3F800000, v0  }
0x44d: {  	vm14 =	vgt.f32 v22, v1;
	v21 =	vsub.f32 $1.000000000e+00, v20  }
0x44e: {  	v24 =	vsel vm14, $0x3F800000, v0  }
0x44f: {  	vm15 =	vgt.f32 v22, v2;
	v22 =	vmul.f32 v24, v21  }
0x450: {  	v24 =	vnsel vm15, $0x0, v20  }
0x451: {  	v23 =	vld.idx.msk [tilespmem:v23+s14+$0x0], $0xffff;
	vm4 =	vgt.f32 v25, v3;
	vm5 =	vgt.f32 v25, v8;
	v24 =	vadd.f32 v22, v24  }
0x452: {  	vm6 =	vgt.f32 v25, v9;
	vm7 =	vgt.f32 v25, v11;
	v25 =	vsel vm5, $0x3F800000, v0  }
0x453: {  	v26 =	vsel vm7, $0x3F800000, v0;
	v28 =	vsel vm6, $0x3F800000, v0;
	v27 =	vsub.f32 $1.000000000e+00, v24  }
0x454: {  	v22 =	vsel vm4, $0x3F800000, v0;
	v25 =	vmul.f32 v24, v25;
	v26 =	vmul.f32 v24, v26  }
0x455: {  	v22 =	vmul.f32 v27, v22;
	v28 =	vmul.f32 v27, v28  }
0x456: {  	vm8 =	vgt.f32 v23, v5  }
0x457: {  	vm9 =	vgt.f32 v23, v10;
	v22 =	vadd.f32 v22, v25;
	v25 =	vadd.f32 v28, v26  }
0x458: {  	vm10 =	vgt.f32 v23, v6;
	vm11 =	vgt.f32 v23, v12;
	vm12 =	vgt.f32 v23, v14  }
0x459: {  	vm13 =	vgt.f32 v23, v15;
	v25 =	vmul.f32 v25, v20;
	v22 =	vmul.f32 v22, v21  }
0x45a: {  	vm14 =	vgt.f32 v23, v16;
	v29 =	vsel vm13, $0x3F800000, v0;
	v60 =	vsel vm12, $0x3F800000, v0  }
0x45b: {  	vm15 =	vgt.f32 v23, v18;
	v23 =	vsel vm9, $0x3F800000, v0;
	v22 =	vadd.f32 v22, v25  }
0x45c: {  	v58 =	vsel vm15, $0x3F800000, v0;
	v26 =	vsel vm8, $0x3F800000, v0;
	v25 =	vsel vm11, $0x3F800000, v0  }
0x45d: {  	v23 =	vmul.f32 v22, v23;
	v59 =	vsub.f32 $1.000000000e+00, v22;
	v25 =	vmul.f32 v22, v25  }
0x45e: {  	v28 =	vsel vm10, $0x3F800000, v0;
	v29 =	vmul.f32 v22, v29;
	v30 =	vmul.f32 v22, v58  }
0x45f: {  	v61 =	vsel vm14, $0x3F800000, v0;
	v26 =	vmul.f32 v59, v26;
	v28 =	vmul.f32 v59, v28  }
0x460: {  	v32 =	vmul.f32 v59, v60;
	v31 =	vmul.f32 v59, v61  }
0x461: {  	v23 =	vadd.f32 v26, v23;
	v25 =	vadd.f32 v28, v25  }
0x462: {  	v26 =	vadd.f32 v32, v29;
	v28 =	vadd.f32 v31, v30  }
0x463: {  	v25 =	vmul.f32 v25, v24;
	v23 =	vmul.f32 v23, v27  }
0x464: {  	s29 =	simm.s32 $0x2;
	v28 =	vmul.f32 v28, v24;
	v26 =	vmul.f32 v26, v27  }
0x465: {  	v62 =	vmul.f32 $8.000000000e+00, v20;
	v29 =	vmov s29;
	v24 =	vmul.f32 $4.000000000e+00, v24  }
0x466: {  	v63 =	vshll.u32 v29, $0xA;
	v25 =	vadd.f32 v23, v25;
	v27 =	vadd.f32 v26, v28  }
0x467: {  	s30 =	simm.s32 $0x3;
	s29 =	smov.u32 s24;
	v23 =	vand.u32 $0x2000, v63;
	v26 =	vshll.u32 v29, $0x7;
	v24 =	vadd.f32 v24, v62  }
.LBB2_15:
0x468: {  	p0 =	sne.s32 s30, $0xF;
	v20 =	vmul.f32 v27, v20;
	v21 =	vmul.f32 v25, v21;
	v22 =	vadd.f32 v22, v22  }
0x469: {  	v25 =	vand.u32 $0x380, v26;
	v26 =	vadd.s32 v7, v23  }
0x46a: {  	v26 =	vor.u32 v25, v26;
	v20 =	vadd.f32 v21, v20;
	v21 =	vadd.f32 v22, v24  }
0x46b: {  	v22 =	vadd.s32 v13, v23  }
0x46c: {  	v22 =	vor.u32 v25, v22;
	v20 =	vadd.f32 v20, v21  }
0x46d: {  	s29 =	sadd.s32 $0x80, s29  }
0x46e: {  	[tilespmem:s29+$0x0] =	vst v20  }
0x46f: {  	v21 =	vadd.s32 v17, v23;
	v20 =	vld.idx.msk [tilespmem:v26+s14+$0x0], $0xffff  }
0x470: {  	v21 =	vor.u32 v25, v21  }
0x471: {  	v22 =	vld.idx.msk [tilespmem:v22+s14+$0x0], $0xffff;
	_ =	sdelay $0x2  }
0x472: {  	v23 =	vadd.s32 v19, v23  }
0x473: {  	v23 =	vor.u32 v25, v23;
	vm0 =	vgt.f32 v20, v4;
	v24 =	vld.idx.msk [tilespmem:v21+s14+$0x0], $0xffff  }
0x474: {  	v20 =	vsel vm0, $0x3F800000, v0  }
0x475: {  	vm0 =	vgt.f32 v22, v1;
	v21 =	vsub.f32 $1.000000000e+00, v20  }
0x476: {  	v25 =	vsel vm0, $0x3F800000, v0  }
0x477: {  	vm0 =	vgt.f32 v22, v2;
	v22 =	vmul.f32 v25, v21  }
0x478: {  	v25 =	vnsel vm0, $0x0, v20;
	v23 =	vld.idx.msk [tilespmem:v23+s14+$0x0], $0xffff  }
0x479: {  	vm0 =	vgt.f32 v24, v3;
	vm1 =	vgt.f32 v24, v8;
	v25 =	vadd.f32 v22, v25  }
0x47a: {  	vm2 =	vgt.f32 v24, v11;
	v22 =	vsel vm0, $0x3F800000, v0;
	vm0 =	vgt.f32 v24, v9  }
0x47b: {  	v24 =	vsel vm1, $0x3F800000, v0;
	v26 =	vsel vm2, $0x3F800000, v0;
	v27 =	vsub.f32 $1.000000000e+00, v25  }
0x47c: {  	v28 =	vsel vm0, $0x3F800000, v0;
	v24 =	vmul.f32 v25, v24;
	v26 =	vmul.f32 v25, v26  }
0x47d: {  	v22 =	vmul.f32 v27, v22;
	v28 =	vmul.f32 v27, v28  }
0x47e: {  	vm0 =	vgt.f32 v23, v5  }
0x47f: {  	vm1 =	vgt.f32 v23, v10;
	v22 =	vadd.f32 v22, v24;
	v24 =	vadd.f32 v28, v26  }
0x480: {  	vm2 =	vgt.f32 v23, v6;
	vm3 =	vgt.f32 v23, v12;
	vm4 =	vgt.f32 v23, v14  }
0x481: {  	vm5 =	vgt.f32 v23, v15;
	v24 =	vmul.f32 v24, v20;
	v22 =	vmul.f32 v22, v21  }
0x482: {  	vm6 =	vgt.f32 v23, v18;
	v26 =	vsel vm0, $0x3F800000, v0;
	vm0 =	vgt.f32 v23, v16  }
0x483: {  	v23 =	vsel vm1, $0x3F800000, v0;
	v28 =	vsel vm2, $0x3F800000, v0;
	v22 =	vadd.f32 v22, v24  }
0x484: {  	v29 =	vsel vm5, $0x3F800000, v0;
	v30 =	vsel vm6, $0x3F800000, v0;
	v24 =	vsel vm3, $0x3F800000, v0  }
0x485: {  	v23 =	vmul.f32 v22, v23;
	v31 =	vsub.f32 $1.000000000e+00, v22;
	v24 =	vmul.f32 v22, v24  }
0x486: {  	v32 =	vsel vm4, $0x3F800000, v0;
	v29 =	vmul.f32 v22, v29;
	v30 =	vmul.f32 v22, v30  }
0x487: {  	v33 =	vsel vm0, $0x3F800000, v0;
	v26 =	vmul.f32 v31, v26;
	v28 =	vmul.f32 v31, v28  }
0x488: {  	v32 =	vmul.f32 v31, v32;
	v31 =	vmul.f32 v31, v33  }
0x489: {  	v23 =	vadd.f32 v26, v23;
	v24 =	vadd.f32 v28, v24  }
0x48a: {  	v26 =	vadd.f32 v32, v29;
	v28 =	vadd.f32 v31, v30  }
.Ltmp6:
0x48b: {  	v24 =	vmul.f32 v24, v25;
	v23 =	vmul.f32 v23, v27;
	(pc) =	sbr.rel @p0 .LBB2_15-.Ltmp6, $4  }
0x48c: {  	v28 =	vmul.f32 v28, v25;
	v26 =	vmul.f32 v26, v27  }
0x48d: {  	v29 =	vmov s30;
	v30 =	vmul.f32 $8.000000000e+00, v20;
	v31 =	vmul.f32 $4.000000000e+00, v25  }
0x48e: {  	v32 =	vshll.u32 v29, $0xA;
	v25 =	vadd.f32 v23, v24;
	v27 =	vadd.f32 v26, v28  }
0x48f: {  	s30 =	sadd.s32 $0x1, s30;
	v23 =	vand.u32 $0x2000, v32;
	v26 =	vshll.u32 v29, $0x7;
	v24 =	vadd.f32 v31, v30  }
0x490: {  	v20 =	vmul.f32 v27, v20;
	v21 =	vmul.f32 v25, v21;
	v22 =	vadd.f32 v22, v22  }
0x491: {  	v25 =	vand.u32 $0x380, v26;
	v7 =	vadd.s32 v7, v23  }
0x492: {  	v7 =	vor.u32 v25, v7;
	v20 =	vadd.f32 v21, v20;
	v21 =	vadd.f32 v22, v24  }
0x493: {  	v13 =	vadd.s32 v13, v23  }
0x494: {  	v13 =	vor.u32 v25, v13;
	v20 =	vadd.f32 v20, v21  }
0x495: {  	s29 =	sadd.s32 $0x80, s29  }
0x496: {  	[tilespmem:s29+$0x0] =	vst v20  }
0x497: {  	v17 =	vadd.s32 v17, v23;
	v7 =	vld.idx.msk [tilespmem:v7+s14+$0x0], $0xffff  }
0x498: {  	v17 =	vor.u32 v25, v17  }
0x499: {  	v13 =	vld.idx.msk [tilespmem:v13+s14+$0x0], $0xffff;
	_ =	sdelay $0x2  }
0x49a: {  	v19 =	vadd.s32 v19, v23;
	vm0 =	vgt.f32 v7, v4  }
0x49b: {  	v4 =	vld.idx.msk [tilespmem:v17+s14+$0x0], $0xffff;
	v7 =	vor.u32 v25, v19;
	v17 =	vsel vm0, $0x3F800000, v0  }
0x49c: {  	vm8 =	vgt.f32 v13, v1;
	v1 =	vsub.f32 $1.000000000e+00, v17  }
0x49d: {  	v19 =	vsel vm8, $0x3F800000, v0  }
0x49e: {  	vm9 =	vgt.f32 v13, v2;
	v2 =	vmul.f32 v19, v1  }
0x49f: {  	v13 =	vnsel vm9, $0x0, v17  }
0x4a0: {  	v7 =	vld.idx.msk [tilespmem:v7+s14+$0x0], $0xffff;
	vm10 =	vgt.f32 v4, v3;
	vm1 =	vgt.f32 v4, v8;
	v2 =	vadd.f32 v2, v13  }
0x4a1: {  	vm11 =	vgt.f32 v4, v9;
	vm2 =	vgt.f32 v4, v11;
	v3 =	vsel vm10, $0x3F800000, v0  }
0x4a2: {  	v4 =	vsel vm1, $0x3F800000, v0;
	v8 =	vsel vm2, $0x3F800000, v0;
	v9 =	vsub.f32 $1.000000000e+00, v2  }
0x4a3: {  	v11 =	vsel vm11, $0x3F800000, v0;
	v4 =	vmul.f32 v2, v4;
	v8 =	vmul.f32 v2, v8  }
0x4a4: {  	v3 =	vmul.f32 v9, v3;
	v11 =	vmul.f32 v9, v11  }
0x4a5: {  	vm12 =	vgt.f32 v7, v5  }
0x4a6: {  	vm13 =	vgt.f32 v7, v10;
	v3 =	vadd.f32 v3, v4;
	v4 =	vadd.f32 v11, v8  }
0x4a7: {  	vm14 =	vgt.f32 v7, v6;
	vm3 =	vgt.f32 v7, v12;
	vm4 =	vgt.f32 v7, v14  }
0x4a8: {  	vm5 =	vgt.f32 v7, v15;
	v4 =	vmul.f32 v4, v17;
	v3 =	vmul.f32 v3, v1  }
0x4a9: {  	vm15 =	vgt.f32 v7, v16;
	vm6 =	vgt.f32 v7, v18;
	v5 =	vsel vm12, $0x3F800000, v0  }
0x4aa: {  	v6 =	vsel vm13, $0x3F800000, v0;
	v7 =	vsel vm14, $0x3F800000, v0;
	v3 =	vadd.f32 v3, v4  }
0x4ab: {  	v10 =	vsel vm6, $0x3F800000, v0;
	v8 =	vsel vm5, $0x3F800000, v0;
	v4 =	vsel vm3, $0x3F800000, v0  }
0x4ac: {  	v6 =	vmul.f32 v3, v6;
	v11 =	vsub.f32 $1.000000000e+00, v3;
	v4 =	vmul.f32 v3, v4  }
0x4ad: {  	v12 =	vsel vm4, $0x3F800000, v0;
	v8 =	vmul.f32 v3, v8;
	v10 =	vmul.f32 v3, v10  }
0x4ae: {  	v13 =	vsel vm15, $0x3F800000, v0;
	v5 =	vmul.f32 v11, v5;
	v7 =	vmul.f32 v11, v7  }
0x4af: {  	v12 =	vmul.f32 v11, v12;
	v11 =	vmul.f32 v11, v13  }
0x4b0: {  	v5 =	vadd.f32 v5, v6;
	v4 =	vadd.f32 v7, v4  }
0x4b1: {  	v6 =	vadd.f32 v12, v8;
	v7 =	vadd.f32 v11, v10  }
0x4b2: {  	v4 =	vmul.f32 v4, v2;
	v5 =	vmul.f32 v5, v9  }
0x4b3: {  	v7 =	vmul.f32 v7, v2;
	v6 =	vmul.f32 v6, v9  }
0x4b4: {  	v8 =	vmul.f32 $8.000000000e+00, v17  }
0x4b5: {  	v2 =	vmul.f32 $4.000000000e+00, v2;
	v4 =	vadd.f32 v5, v4;
	v5 =	vadd.f32 v6, v7  }
0x4b6: {  	v3 =	vadd.f32 v3, v3  }
0x4b7: {  	v2 =	vadd.f32 v2, v8;
	v5 =	vmul.f32 v5, v17;
	v1 =	vmul.f32 v4, v1;
	_ =	sdelay $0x1  }
0x4b8: {  	v2 =	vadd.f32 v3, v2;
	v1 =	vadd.f32 v1, v5;
	_ =	sdelay $0x1  }
0x4b9: {  	v1 =	vadd.f32 v1, v2  }
0x4ba: {  	s29 =	sadd.s32 $0x80, s29  }
0x4bb: {  	[tilespmem:s29+$0x0] =	vst v1  }
0x4bc: {  	v1 =	vld [tilespmem:$0x30];
	_ =	sdelay $0x1  }
0x4bd: {  	v2 =	vld [tilespmem:$0x70];
	_ =	sdelay $0x2  }
0x4be: {  	s29 =	simm.s32 $0x0;
	v3 =	vshll.u32 v1, $0x3  }
0x4bf: {  	v4 =	vmov s29;
	v1 =	vand.u32 $0x7F, v1;
	v3 =	vand.u32 $0xFFFFFC00, v3  }
0x4c0: {  	v5 =	vld [tilespmem:$0xB0];
	v7 =	vor.u32 v1, v3;
	v1 =	vand.u32 $0x7F, v2;
	v3 =	vshll.u32 v4, $0xA  }
0x4c1: {  	v2 =	vshll.u32 v2, $0x3;
	v6 =	vand.u32 $0x2000, v3;
	v3 =	vshll.u32 v4, $0x7  }
0x4c2: {  	v2 =	vand.u32 $0xFFFFFC00, v2;
	v10 =	vand.u32 $0x380, v3;
	v3 =	vadd.s32 v7, v6  }
0x4c3: {  	v13 =	vor.u32 v1, v2;
	v3 =	vor.u32 v10, v3  }
0x4c4: {  	v1 =	vadd.s32 v13, v6  }
0x4c5: {  	v9 =	vld [tilespmem:$0xF0];
	v2 =	vshll.u32 v5, $0x3;
	v8 =	vor.u32 v10, v1  }
0x4c6: {  	v4 =	vld [tilespmem:$0x130];
	v5 =	vand.u32 $0x7F, v5;
	v11 =	vand.u32 $0xFFFFFC00, v2  }
0x4c7: {  	v2 =	vld [tilespmem:$0x1B0];
	v17 =	vor.u32 v5, v11  }
0x4c8: {  	v11 =	vadd.s32 v17, v6;
	v5 =	vld.idx.msk [tilespmem:v3+s14+$0x0], $0xffff  }
0x4c9: {  	v1 =	vld [tilespmem:$0x170];
	v12 =	vor.u32 v10, v11  }
0x4ca: {  	v11 =	vshll.u32 v9, $0x3;
	v14 =	vld.idx.msk [tilespmem:v8+s14+$0x0], $0xffff  }
0x4cb: {  	v15 =	vand.u32 $0x7F, v9;
	v9 =	vld [tilespmem:$0x270];
	v11 =	vand.u32 $0xFFFFFC00, v11  }
0x4cc: {  	v3 =	vld [tilespmem:$0x1F0];
	v19 =	vor.u32 v15, v11  }
0x4cd: {  	v8 =	vld [tilespmem:$0x230];
	v6 =	vadd.s32 v19, v6;
	vm5 =	vgt.f32 v5, v4  }
0x4ce: {  	v16 =	vor.u32 v10, v6;
	v15 =	vld.idx.msk [tilespmem:v12+s14+$0x0], $0xffff;
	v20 =	vsel vm5, $0x3F800000, v0  }
0x4cf: {  	v11 =	vld [tilespmem:$0x2B0];
	vm6 =	vgt.f32 v14, v1;
	v21 =	vsub.f32 $1.000000000e+00, v20  }
0x4d0: {  	v10 =	vld [tilespmem:$0x330];
	v12 =	vsel vm6, $0x3F800000, v0  }
0x4d1: {  	v6 =	vld [tilespmem:$0x370];
	vm7 =	vgt.f32 v14, v2;
	v14 =	vmul.f32 v12, v21  }
0x4d2: {  	v5 =	vld [tilespmem:$0x2F0];
	v18 =	vnsel vm7, $0x0, v20  }
0x4d3: {  	v22 =	vld.idx.msk [tilespmem:v16+s14+$0x0], $0xffff;
	vm8 =	vgt.f32 v15, v3;
	vm9 =	vgt.f32 v15, v8;
	v23 =	vadd.f32 v14, v18  }
0x4d4: {  	v16 =	vld [tilespmem:$0x470];
	vm10 =	vgt.f32 v15, v9;
	vm11 =	vgt.f32 v15, v11;
	v24 =	vsel vm8, $0x3F800000, v0  }
0x4d5: {  	v15 =	vld [tilespmem:$0x430];
	v25 =	vsel vm11, $0x3F800000, v0;
	v18 =	vsel vm9, $0x3F800000, v0;
	v26 =	vsub.f32 $1.000000000e+00, v23  }
0x4d6: {  	v12 =	vld [tilespmem:$0x3B0];
	v27 =	vsel vm10, $0x3F800000, v0;
	v28 =	vmul.f32 v23, v18;
	v25 =	vmul.f32 v23, v25  }
0x4d7: {  	v14 =	vld [tilespmem:$0x3F0];
	v24 =	vmul.f32 v26, v24;
	v27 =	vmul.f32 v26, v27  }
0x4d8: {  	vm12 =	vgt.f32 v22, v5;
	v18 =	vld [tilespmem:$0x4B0]  }
0x4d9: {  	vm13 =	vgt.f32 v22, v10;
	v24 =	vadd.f32 v24, v28;
	v25 =	vadd.f32 v27, v25  }
0x4da: {  	vm14 =	vgt.f32 v22, v6;
	vm11 =	vgt.f32 v22, v16;
	vm10 =	vgt.f32 v22, v15  }
0x4db: {  	v33 =	vsel vm11, $0x3F800000, v0;
	v25 =	vmul.f32 v25, v20;
	v24 =	vmul.f32 v24, v21  }
0x4dc: {  	vm15 =	vgt.f32 v22, v12;
	v29 =	vsel vm10, $0x3F800000, v0;
	vm9 =	vgt.f32 v22, v14  }
0x4dd: {  	v27 =	vsel vm12, $0x3F800000, v0;
	vm12 =	vgt.f32 v22, v18;
	v24 =	vadd.f32 v24, v25  }
0x4de: {  	v22 =	vsel vm13, $0x3F800000, v0;
	v30 =	vsel vm12, $0x3F800000, v0;
	v25 =	vsel vm15, $0x3F800000, v0  }
0x4df: {  	v22 =	vmul.f32 v24, v22;
	v31 =	vsub.f32 $1.000000000e+00, v24;
	v25 =	vmul.f32 v24, v25  }
0x4e0: {  	v28 =	vsel vm14, $0x3F800000, v0;
	v29 =	vmul.f32 v24, v29;
	v30 =	vmul.f32 v24, v30  }
0x4e1: {  	v32 =	vsel vm9, $0x3F800000, v0;
	v27 =	vmul.f32 v31, v27;
	v28 =	vmul.f32 v31, v28  }
0x4e2: {  	v32 =	vmul.f32 v31, v32;
	v31 =	vmul.f32 v31, v33  }
0x4e3: {  	v22 =	vadd.f32 v27, v22;
	v25 =	vadd.f32 v28, v25  }
0x4e4: {  	v27 =	vadd.f32 v32, v29;
	v28 =	vadd.f32 v31, v30  }
0x4e5: {  	v25 =	vmul.f32 v25, v23;
	v22 =	vmul.f32 v22, v26  }
0x4e6: {  	s29 =	simm.s32 $0x1;
	v28 =	vmul.f32 v28, v23;
	v26 =	vmul.f32 v27, v26  }
0x4e7: {  	v29 =	vmul.f32 $8.000000000e+00, v20;
	v27 =	vmov s29;
	v23 =	vmul.f32 $4.000000000e+00, v23  }
0x4e8: {  	v57 =	vshll.u32 v27, $0xA;
	v22 =	vadd.f32 v22, v25;
	v25 =	vadd.f32 v26, v28  }
0x4e9: {  	v27 =	vshll.u32 v27, $0x7;
	v26 =	vand.u32 $0x2000, v57;
	v23 =	vadd.f32 v23, v29  }
0x4ea: {  	v20 =	vmul.f32 v25, v20;
	v21 =	vmul.f32 v22, v21;
	v22 =	vadd.f32 v24, v24  }
0x4eb: {  	v24 =	vand.u32 $0x380, v27;
	v25 =	vadd.s32 v7, v26  }
0x4ec: {  	v25 =	vor.u32 v24, v25;
	v20 =	vadd.f32 v21, v20;
	v21 =	vadd.f32 v22, v23  }
0x4ed: {  	v22 =	vadd.s32 v13, v26  }
0x4ee: {  	v22 =	vor.u32 v24, v22;
	v20 =	vadd.f32 v20, v21;
	_ =	sdelay $0x1  }
0x4ef: {  	[tilespmem:s25+$0x0] =	vst v20  }
0x4f0: {  	v21 =	vadd.s32 v17, v26;
	v20 =	vld.idx.msk [tilespmem:v25+s14+$0x0], $0xffff  }
0x4f1: {  	v21 =	vor.u32 v24, v21  }
0x4f2: {  	v22 =	vld.idx.msk [tilespmem:v22+s14+$0x0], $0xffff;
	_ =	sdelay $0x2  }
0x4f3: {  	v23 =	vadd.s32 v19, v26;
	vm13 =	vgt.f32 v20, v4  }
0x4f4: {  	v23 =	vor.u32 v24, v23;
	v25 =	vld.idx.msk [tilespmem:v21+s14+$0x0], $0xffff;
	v20 =	vsel vm13, $0x3F800000, v0  }
0x4f5: {  	vm14 =	vgt.f32 v22, v1;
	v21 =	vsub.f32 $1.000000000e+00, v20  }
0x4f6: {  	v24 =	vsel vm14, $0x3F800000, v0  }
0x4f7: {  	vm15 =	vgt.f32 v22, v2;
	v22 =	vmul.f32 v24, v21  }
0x4f8: {  	v24 =	vnsel vm15, $0x0, v20  }
0x4f9: {  	v23 =	vld.idx.msk [tilespmem:v23+s14+$0x0], $0xffff;
	vm4 =	vgt.f32 v25, v3;
	vm5 =	vgt.f32 v25, v8;
	v24 =	vadd.f32 v22, v24  }
0x4fa: {  	vm6 =	vgt.f32 v25, v9;
	vm7 =	vgt.f32 v25, v11;
	v25 =	vsel vm5, $0x3F800000, v0  }
0x4fb: {  	v26 =	vsel vm7, $0x3F800000, v0;
	v28 =	vsel vm6, $0x3F800000, v0;
	v27 =	vsub.f32 $1.000000000e+00, v24  }
0x4fc: {  	v22 =	vsel vm4, $0x3F800000, v0;
	v25 =	vmul.f32 v24, v25;
	v26 =	vmul.f32 v24, v26  }
0x4fd: {  	v22 =	vmul.f32 v27, v22;
	v28 =	vmul.f32 v27, v28  }
0x4fe: {  	vm8 =	vgt.f32 v23, v5  }
0x4ff: {  	vm9 =	vgt.f32 v23, v10;
	v22 =	vadd.f32 v22, v25;
	v25 =	vadd.f32 v28, v26  }
0x500: {  	vm10 =	vgt.f32 v23, v6;
	vm11 =	vgt.f32 v23, v12;
	vm12 =	vgt.f32 v23, v14  }
0x501: {  	vm13 =	vgt.f32 v23, v15;
	v25 =	vmul.f32 v25, v20;
	v22 =	vmul.f32 v22, v21  }
0x502: {  	vm14 =	vgt.f32 v23, v16;
	v29 =	vsel vm13, $0x3F800000, v0;
	v60 =	vsel vm12, $0x3F800000, v0  }
0x503: {  	vm15 =	vgt.f32 v23, v18;
	v23 =	vsel vm9, $0x3F800000, v0;
	v22 =	vadd.f32 v22, v25  }
0x504: {  	v58 =	vsel vm15, $0x3F800000, v0;
	v26 =	vsel vm8, $0x3F800000, v0;
	v25 =	vsel vm11, $0x3F800000, v0  }
0x505: {  	v23 =	vmul.f32 v22, v23;
	v59 =	vsub.f32 $1.000000000e+00, v22;
	v25 =	vmul.f32 v22, v25  }
0x506: {  	v28 =	vsel vm10, $0x3F800000, v0;
	v29 =	vmul.f32 v22, v29;
	v30 =	vmul.f32 v22, v58  }
0x507: {  	v61 =	vsel vm14, $0x3F800000, v0;
	v26 =	vmul.f32 v59, v26;
	v28 =	vmul.f32 v59, v28  }
0x508: {  	v32 =	vmul.f32 v59, v60;
	v31 =	vmul.f32 v59, v61  }
0x509: {  	v23 =	vadd.f32 v26, v23;
	v25 =	vadd.f32 v28, v25  }
0x50a: {  	v26 =	vadd.f32 v32, v29;
	v28 =	vadd.f32 v31, v30  }
0x50b: {  	v25 =	vmul.f32 v25, v24;
	v23 =	vmul.f32 v23, v27  }
0x50c: {  	s29 =	simm.s32 $0x2;
	v28 =	vmul.f32 v28, v24;
	v26 =	vmul.f32 v26, v27  }
0x50d: {  	v62 =	vmul.f32 $8.000000000e+00, v20;
	v29 =	vmov s29;
	v24 =	vmul.f32 $4.000000000e+00, v24  }
0x50e: {  	v63 =	vshll.u32 v29, $0xA;
	v25 =	vadd.f32 v23, v25;
	v27 =	vadd.f32 v26, v28  }
0x50f: {  	s30 =	simm.s32 $0x3;
	s29 =	smov.u32 s25;
	v23 =	vand.u32 $0x2000, v63;
	v26 =	vshll.u32 v29, $0x7;
	v24 =	vadd.f32 v24, v62  }
.LBB2_17:
0x510: {  	p0 =	sne.s32 s30, $0xF;
	v20 =	vmul.f32 v27, v20;
	v21 =	vmul.f32 v25, v21;
	v22 =	vadd.f32 v22, v22  }
0x511: {  	v25 =	vand.u32 $0x380, v26;
	v26 =	vadd.s32 v7, v23  }
0x512: {  	v26 =	vor.u32 v25, v26;
	v20 =	vadd.f32 v21, v20;
	v21 =	vadd.f32 v22, v24  }
0x513: {  	v22 =	vadd.s32 v13, v23  }
0x514: {  	v22 =	vor.u32 v25, v22;
	v20 =	vadd.f32 v20, v21  }
0x515: {  	s29 =	sadd.s32 $0x80, s29  }
0x516: {  	[tilespmem:s29+$0x0] =	vst v20  }
0x517: {  	v21 =	vadd.s32 v17, v23;
	v20 =	vld.idx.msk [tilespmem:v26+s14+$0x0], $0xffff  }
0x518: {  	v21 =	vor.u32 v25, v21  }
0x519: {  	v22 =	vld.idx.msk [tilespmem:v22+s14+$0x0], $0xffff;
	_ =	sdelay $0x2  }
0x51a: {  	v23 =	vadd.s32 v19, v23  }
0x51b: {  	v23 =	vor.u32 v25, v23;
	vm0 =	vgt.f32 v20, v4;
	v24 =	vld.idx.msk [tilespmem:v21+s14+$0x0], $0xffff  }
0x51c: {  	v20 =	vsel vm0, $0x3F800000, v0  }
0x51d: {  	vm0 =	vgt.f32 v22, v1;
	v21 =	vsub.f32 $1.000000000e+00, v20  }
0x51e: {  	v25 =	vsel vm0, $0x3F800000, v0  }
0x51f: {  	vm0 =	vgt.f32 v22, v2;
	v22 =	vmul.f32 v25, v21  }
0x520: {  	v25 =	vnsel vm0, $0x0, v20;
	v23 =	vld.idx.msk [tilespmem:v23+s14+$0x0], $0xffff  }
0x521: {  	vm0 =	vgt.f32 v24, v3;
	vm1 =	vgt.f32 v24, v8;
	v25 =	vadd.f32 v22, v25  }
0x522: {  	vm2 =	vgt.f32 v24, v11;
	v22 =	vsel vm0, $0x3F800000, v0;
	vm0 =	vgt.f32 v24, v9  }
0x523: {  	v24 =	vsel vm1, $0x3F800000, v0;
	v26 =	vsel vm2, $0x3F800000, v0;
	v27 =	vsub.f32 $1.000000000e+00, v25  }
0x524: {  	v28 =	vsel vm0, $0x3F800000, v0;
	v24 =	vmul.f32 v25, v24;
	v26 =	vmul.f32 v25, v26  }
0x525: {  	v22 =	vmul.f32 v27, v22;
	v28 =	vmul.f32 v27, v28  }
0x526: {  	vm0 =	vgt.f32 v23, v5  }
0x527: {  	vm1 =	vgt.f32 v23, v10;
	v22 =	vadd.f32 v22, v24;
	v24 =	vadd.f32 v28, v26  }
0x528: {  	vm2 =	vgt.f32 v23, v6;
	vm3 =	vgt.f32 v23, v12;
	vm4 =	vgt.f32 v23, v14  }
0x529: {  	vm5 =	vgt.f32 v23, v15;
	v24 =	vmul.f32 v24, v20;
	v22 =	vmul.f32 v22, v21  }
0x52a: {  	vm6 =	vgt.f32 v23, v18;
	v26 =	vsel vm0, $0x3F800000, v0;
	vm0 =	vgt.f32 v23, v16  }
0x52b: {  	v23 =	vsel vm1, $0x3F800000, v0;
	v28 =	vsel vm2, $0x3F800000, v0;
	v22 =	vadd.f32 v22, v24  }
0x52c: {  	v29 =	vsel vm5, $0x3F800000, v0;
	v30 =	vsel vm6, $0x3F800000, v0;
	v24 =	vsel vm3, $0x3F800000, v0  }
0x52d: {  	v23 =	vmul.f32 v22, v23;
	v31 =	vsub.f32 $1.000000000e+00, v22;
	v24 =	vmul.f32 v22, v24  }
0x52e: {  	v32 =	vsel vm4, $0x3F800000, v0;
	v29 =	vmul.f32 v22, v29;
	v30 =	vmul.f32 v22, v30  }
0x52f: {  	v33 =	vsel vm0, $0x3F800000, v0;
	v26 =	vmul.f32 v31, v26;
	v28 =	vmul.f32 v31, v28  }
0x530: {  	v32 =	vmul.f32 v31, v32;
	v31 =	vmul.f32 v31, v33  }
0x531: {  	v23 =	vadd.f32 v26, v23;
	v24 =	vadd.f32 v28, v24  }
0x532: {  	v26 =	vadd.f32 v32, v29;
	v28 =	vadd.f32 v31, v30  }
.Ltmp7:
0x533: {  	v24 =	vmul.f32 v24, v25;
	v23 =	vmul.f32 v23, v27;
	(pc) =	sbr.rel @p0 .LBB2_17-.Ltmp7, $4  }
0x534: {  	v28 =	vmul.f32 v28, v25;
	v26 =	vmul.f32 v26, v27  }
0x535: {  	v29 =	vmov s30;
	v30 =	vmul.f32 $8.000000000e+00, v20;
	v31 =	vmul.f32 $4.000000000e+00, v25  }
0x536: {  	v32 =	vshll.u32 v29, $0xA;
	v25 =	vadd.f32 v23, v24;
	v27 =	vadd.f32 v26, v28  }
0x537: {  	s30 =	sadd.s32 $0x1, s30;
	v23 =	vand.u32 $0x2000, v32;
	v26 =	vshll.u32 v29, $0x7;
	v24 =	vadd.f32 v31, v30  }
0x538: {  	v20 =	vmul.f32 v27, v20;
	v21 =	vmul.f32 v25, v21;
	v22 =	vadd.f32 v22, v22  }
0x539: {  	v41 =	vand.u32 $0x380, v26;
	v7 =	vadd.s32 v7, v23  }
0x53a: {  	v7 =	vor.u32 v41, v7;
	v20 =	vadd.f32 v21, v20;
	v42 =	vadd.f32 v22, v24  }
0x53b: {  	v13 =	vadd.s32 v13, v23  }
0x53c: {  	v13 =	vor.u32 v41, v13;
	v20 =	vadd.f32 v20, v42  }
0x53d: {  	s29 =	sadd.s32 $0x80, s29  }
0x53e: {  	[tilespmem:s29+$0x0] =	vst v20  }
0x53f: {  	v17 =	vadd.s32 v17, v23;
	v7 =	vld.idx.msk [tilespmem:v7+s14+$0x0], $0xffff  }
0x540: {  	v17 =	vor.u32 v41, v17  }
0x541: {  	v13 =	vld.idx.msk [tilespmem:v13+s14+$0x0], $0xffff;
	_ =	sdelay $0x2  }
0x542: {  	v19 =	vadd.s32 v19, v23;
	vm0 =	vgt.f32 v7, v4  }
0x543: {  	v44 =	vor.u32 v41, v19;
	v43 =	vld.idx.msk [tilespmem:v17+s14+$0x0], $0xffff;
	v45 =	vsel vm0, $0x3F800000, v0  }
0x544: {  	vm8 =	vgt.f32 v13, v1;
	v1 =	vsub.f32 $1.000000000e+00, v45  }
0x545: {  	v46 =	vsel vm8, $0x3F800000, v0  }
0x546: {  	vm9 =	vgt.f32 v13, v2;
	v2 =	vmul.f32 v46, v1  }
0x547: {  	v13 =	vnsel vm9, $0x0, v45  }
0x548: {  	v7 =	vld.idx.msk [tilespmem:v44+s14+$0x0], $0xffff;
	vm10 =	vgt.f32 v43, v3;
	vm1 =	vgt.f32 v43, v8;
	v2 =	vadd.f32 v2, v13  }
0x549: {  	vm11 =	vgt.f32 v43, v9;
	vm2 =	vgt.f32 v43, v11;
	v3 =	vsel vm10, $0x3F800000, v0  }
0x54a: {  	v47 =	vsel vm1, $0x3F800000, v0;
	v48 =	vsel vm2, $0x3F800000, v0;
	v49 =	vsub.f32 $1.000000000e+00, v2  }
0x54b: {  	v50 =	vsel vm11, $0x3F800000, v0;
	v4 =	vmul.f32 v2, v47;
	v8 =	vmul.f32 v2, v48  }
0x54c: {  	v3 =	vmul.f32 v49, v3;
	v11 =	vmul.f32 v49, v50  }
0x54d: {  	vm12 =	vgt.f32 v7, v5  }
0x54e: {  	vm13 =	vgt.f32 v7, v10;
	v3 =	vadd.f32 v3, v4;
	v51 =	vadd.f32 v11, v8  }
0x54f: {  	vm14 =	vgt.f32 v7, v6;
	vm3 =	vgt.f32 v7, v12;
	vm4 =	vgt.f32 v7, v14  }
0x550: {  	vm5 =	vgt.f32 v7, v15;
	v4 =	vmul.f32 v51, v45;
	v3 =	vmul.f32 v3, v1  }
0x551: {  	vm15 =	vgt.f32 v7, v16;
	vm6 =	vgt.f32 v7, v18;
	v5 =	vsel vm12, $0x3F800000, v0  }
0x552: {  	v52 =	vsel vm13, $0x3F800000, v0;
	v53 =	vsel vm14, $0x3F800000, v0;
	v3 =	vadd.f32 v3, v4  }
0x553: {  	v54 =	vsel vm3, $0x3F800000, v0;
	v55 =	vsel vm5, $0x3F800000, v0;
	v56 =	vsel vm6, $0x3F800000, v0  }
0x554: {  	v6 =	vmul.f32 v3, v52;
	v57 =	vsub.f32 $1.000000000e+00, v3;
	v4 =	vmul.f32 v3, v54  }
0x555: {  	v58 =	vsel vm4, $0x3F800000, v0;
	v8 =	vmul.f32 v3, v55;
	v10 =	vmul.f32 v3, v56  }
0x556: {  	v59 =	vsel vm15, $0x3F800000, v0;
	v5 =	vmul.f32 v57, v5;
	v7 =	vmul.f32 v57, v53  }
0x557: {  	v12 =	vmul.f32 v57, v58;
	v11 =	vmul.f32 v57, v59  }
0x558: {  	v5 =	vadd.f32 v5, v6;
	v4 =	vadd.f32 v7, v4  }
0x559: {  	v60 =	vadd.f32 v12, v8;
	v61 =	vadd.f32 v11, v10  }
0x55a: {  	v4 =	vmul.f32 v4, v2;
	v5 =	vmul.f32 v5, v49  }
0x55b: {  	v7 =	vmul.f32 v61, v2;
	v6 =	vmul.f32 v60, v49  }
0x55c: {  	v62 =	vmul.f32 $8.000000000e+00, v45  }
0x55d: {  	v2 =	vmul.f32 $4.000000000e+00, v2;
	v4 =	vadd.f32 v5, v4;
	v63 =	vadd.f32 v6, v7  }
0x55e: {  	v3 =	vadd.f32 v3, v3  }
0x55f: {  	s28 =	sadd.s32 $0x1, s28;
	v2 =	vadd.f32 v2, v62;
	v5 =	vmul.f32 v63, v45;
	v1 =	vmul.f32 v4, v1  }
0x560: {  	p0 =	sne.s32 s28, $0x4  }
.Ltmp8:
0x561: {  	v2 =	vadd.f32 v3, v2;
	v1 =	vadd.f32 v1, v5;
	(pc) =	sbr.rel @p0 .LBB2_2-.Ltmp8, $4  }
0x562: {  	_ = 	snop  }
0x563: {  	s26 =	sadd.s32 $0x1000, s26;
	s19 =	sadd.s32 $0x1000, s19;
	s20 =	sadd.s32 $0x1000, s20;
	v1 =	vadd.f32 v1, v2  }
0x564: {  	s21 =	sadd.s32 $0x1000, s21;
	s22 =	sadd.s32 $0x1000, s22;
	s29 =	sadd.s32 $0x80, s29  }
0x565: {  	s23 =	sadd.s32 $0x1000, s23;
	s24 =	sadd.s32 $0x1000, s24;
	s25 =	sadd.s32 $0x1000, s25;
	[tilespmem:s29+$0x0] =	vst v1  }
0x566: {  	s18 =	sadd.s32 $0x1, s18  }
0x567: {  	p0 =	sne.s32 s18, s10  }
.Ltmp9:
0x568: {  	_ = 	snop;
	(pc) =	sbr.rel @p0 .LBB2_1-.Ltmp9, $4  }
0x569: {  	[hbm4b:s9+s4] =	stream.linear.scatter [tilespmem:s17], [sflag:$0x3], $0x4000, $0x38;
	[tilespmem:$0xC500] =	vst v63  }
0x56a: {  	_ =	swait.ge [sflag:s11], $0x4000  }
0x56b: {  	[sflag:s11] =	ssyncset.done $0x0  }
0x56c: {  	[sflag:s11] =	ssyncadd.s32 $0xFFFFC000  }
0x56d: {  	_ =	sfence.sel $0x180000  }
0x56e: {  	[bflag:$0x0] =	sbarrier.arrive $0xFFFF  }
0x56f: {  	p0 =	sne.s32 s3, $0x0;
	_ =	strace $0x90000047  }
0x570: {  	s0 =	sadd.s32 @!p0 $0x100000, s0;
	[bflag:$0x2] =	sbarrier.arrive $0xFFFF  }
0x571: {  	[sflag:s0] =	ssyncadd.tile.s32 @!p0 $0x1;
	_ =	shalt  }
.Lfunc_end2:
_tile_overlayer_lowered:
.L_overlay_start_2:
0x572: {  	(tag) =	ssettag $0x2  }
0x573: {  	s0 =	rddreg [dreg:$0x0];
	s2 =	stileid.u32  }
0x574: {  	s1 =	rddreg [dreg:$0x1];
	p0 =	sne.s32 s2, $0x0  }
0x575: {  	s3 =	rddreg [dreg:$0x2];
	[bflag:$0x3] =	sbarrier.arrive $0xFFFF;
	s2 =	simm.s32 @!p0 $0x1C03  }
0x576: {  	[timem:s3], [sflag:s2] =	dma.local @!p0 [hbm:s0], s1  }
0x577: {  	s0 =	simm.s32 @!p0 $0x3  }
0x578: {  	_ =	swait.ge @!p0 [sflag:s0], s1  }
0x579: {  	s1 =	ssub.s32 @!p0 $0x0, s1;
	[sflag:s0] =	ssyncset.done @!p0 $0x0  }
0x57a: {  	[sflag:s0] =	ssyncadd.s32 @!p0 s1  }
0x57b: {  	[bflag:$0x3] =	sbarrier.arrive $0xFFFF  }
0x57c: {  	_ =	shalt  }

</sc_bundles>
